<compile_context>
chip_gen: v7x
topology: tpu7x:2x2x1
jax: 0.10.2.dev20260603
libtpu: 0.0.44.dev20260713+nightly
codegen_flags: <defaults>
</compile_context>

<pallas_src>
import functools

import jax
import jax.numpy as jnp
from jax import lax
from jax.experimental import pallas as pl
from jax.experimental.pallas import tpu as pltpu
from jax.experimental.pallas import tpu_sc as plsc

D = 64
L = 16
NC, NS = 2, 16
NW = NC * NS
B = 4096
SEQ = 200
SEQ_PAD = 208
ROWS_PER_W = B // NW
TOK_W = ROWS_PER_W * SEQ_PAD
CHUNKS = SEQ_PAD // L
RPU = 2
UNIT = RPU * SEQ_PAD
UNITS = ROWS_PER_W // RPU
RING = 4
VOCAB = 1000000
PROJ_BLK = 32768
PROJ_GRID = -(-VOCAB // PROJ_BLK)
VOCAB_PAD = PROJ_GRID * PROJ_BLK

_SLICES = [(0, 128), (128, 128), (256, 128), (384, 32)]

_mesh = plsc.VectorSubcoreMesh(
    core_axis_name="c", subcore_axis_name="s", num_cores=NC, num_subcores=NS
)


def _tc_project(tab_ref, w_ref, p_ref):
    t = tab_ref[...]
    w = w_ref[...]
    p_ref[...] = lax.dot_general(
        w, t, (((1,), (1,)), ((), ())),
        preferred_element_type=jnp.float32)


@functools.partial(
    pl.kernel,
    out_type=jax.ShapeDtypeStruct((B, 3 * L), jnp.float32),
    mesh=_mesh,
    compiler_params=pltpu.CompilerParams(use_tc_tiling_on_sc=False),
    scratch_types=[
        pltpu.VMEM((TOK_W,), jnp.int32),
        pltpu.VMEM((RING, UNIT), jnp.float32),
        pltpu.VMEM((RING, UNIT), jnp.float32),
        pltpu.VMEM((ROWS_PER_W, 3 * L), jnp.float32),
        pltpu.SemaphoreType.DMA,
        pltpu.SemaphoreType.DMA,
        pltpu.SemaphoreType.DMA,
        pltpu.SemaphoreType.DMA,
    ],
)
def _sc_pool(ids_hbm, p0_hbm, p1_hbm, parts_hbm,
             ids_v, g0_v, g1_v, parts_v, sem0, sem1, sem2, sem3):
    sems = (sem0, sem1, sem2, sem3)
    wid = lax.axis_index("s") * NC + lax.axis_index("c")
    base = wid * ROWS_PER_W

    pltpu.sync_copy(ids_hbm.at[pl.ds(wid * TOK_W, TOK_W)], ids_v)

    def start_unit(u, buf):
        off = u * UNIT
        sem = sems[buf]
        for s, n in _SLICES:
            idx = ids_v.at[pl.ds(off + s, n)]
            pltpu.async_copy(p0_hbm.at[idx], g0_v.at[buf, pl.ds(s, n)], sem)
            pltpu.async_copy(p1_hbm.at[idx], g1_v.at[buf, pl.ds(s, n)], sem)

    def wait_unit(buf):
        sem = sems[buf]
        pltpu.make_async_copy(
            p0_hbm.at[pl.ds(0, UNIT)], g0_v.at[buf], sem).wait()
        pltpu.make_async_copy(
            p1_hbm.at[pl.ds(0, UNIT)], g1_v.at[buf], sem).wait()

    for u in range(RING - 1):
        start_unit(u, u)

    def do_unit(u, buf):
        @pl.when(u + RING - 1 < UNITS)
        def _():
            start_unit(u + RING - 1, (buf + RING - 1) % RING)

        wait_unit(buf)

        for r in range(RPU):
            row = u * RPU + r
            z = jnp.zeros((L,), jnp.float32)
            a0e, a0o, a1e, a1o, cnt = z, z, z, z, z
            for c in range(CHUNKS):
                lane = r * SEQ_PAD + c * L
                if c & 1:
                    a0o = a0o + g0_v[buf, pl.ds(lane, L)]
                    a1o = a1o + g1_v[buf, pl.ds(lane, L)]
                else:
                    a0e = a0e + g0_v[buf, pl.ds(lane, L)]
                    a1e = a1e + g1_v[buf, pl.ds(lane, L)]
                ids16 = ids_v[pl.ds(u * UNIT + lane, L)]
                cnt = cnt + jnp.where(ids16 != 0, 1.0, 0.0)
            parts_v[row, pl.ds(0, L)] = a0e + a0o
            parts_v[row, pl.ds(L, L)] = a1e + a1o
            parts_v[row, pl.ds(2 * L, L)] = cnt

    @pl.loop(0, UNITS, step=RING)
    def _(u0):
        for k in range(RING):
            do_unit(u0 + k, k)

    pltpu.sync_copy(parts_v, parts_hbm.at[pl.ds(base, ROWS_PER_W)])


def _tc_head(parts_ref, b_ref, out_ref):
    p = parts_ref[...]
    c0 = jnp.sum(p[:, 0:L], axis=1, keepdims=True)
    c1 = jnp.sum(p[:, L:2 * L], axis=1, keepdims=True)
    cnt = jnp.sum(p[:, 2 * L:3 * L], axis=1, keepdims=True)
    se = jnp.concatenate([c0, c1], axis=1) / (cnt + 1e-8)
    out_ref[...] = se + b_ref[...]


def kernel(input_ids, table, W, b):
    ids = input_ids.astype(jnp.int32)
    ids_flat = jnp.pad(ids, ((0, 0), (0, SEQ_PAD - SEQ))).reshape(-1)
    p01 = pl.pallas_call(
        _tc_project,
        grid=(PROJ_GRID,),
        in_specs=[
            pl.BlockSpec((PROJ_BLK, D), lambda i: (i, 0)),
            pl.BlockSpec((2, D), lambda i: (0, 0)),
        ],
        out_specs=pl.BlockSpec((2, PROJ_BLK), lambda i: (0, i)),
        out_shape=jax.ShapeDtypeStruct((2, VOCAB_PAD), jnp.float32),
    )(table, W)
    parts = _sc_pool(ids_flat, p01[0], p01[1])
    logits = pl.pallas_call(
        _tc_head,
        out_shape=jax.ShapeDtypeStruct((B, W.shape[0]), jnp.float32),
    )(parts, b.reshape(1, -1))
    return logits

# --- scband reference (transcript-rebuilt; emitter-appended) ---
"""Pipeline reference for scband-embedding-classifier-5420248727900 (READ-ONLY COPY).

The authoritative reference and input builder live on the scoring server;
editing this copy changes nothing except your own understanding.
"""

import jax, jax.numpy as jnp
import numpy as np
import math

VOCAB = 1000000
EMBED_DIM = 64
NUM_CLASSES = 2
BATCH = 4096
SEQ_LEN = 200


def setup_inputs(seed: int = 0) -> dict:
    key = jax.random.key(seed)
    k1, k2, k3 = jax.random.split(key, 3)
    input_ids = jax.random.randint(k1, (BATCH, SEQ_LEN), 0, VOCAB, dtype=jnp.int64 if jax.config.jax_enable_x64 else jnp.int32)
    # Embedding table (padding_idx=0 row zeroed, matching nn.Embedding(padding_idx=0))
    table = jax.random.normal(k2, (VOCAB, EMBED_DIM), dtype=jnp.float32)
    table = table.at[0].set(0.0)
    # Linear classifier params (torch nn.Linear init scale)
    bound = 1.0 / math.sqrt(EMBED_DIM)
    W = jax.random.uniform(k3, (NUM_CLASSES, EMBED_DIM), dtype=jnp.float32, minval=-bound, maxval=bound)
    b = jnp.zeros((NUM_CLASSES,), dtype=jnp.float32)
    return {"input_ids": input_ids, "table": table, "W": W, "b": b}


def reference(input_ids, table, W, b):
    # embeds = self.embeddings(input_ids)
    embeds = jnp.take(table, input_ids, axis=0)  # [B, L, D]
    # mask = (input_ids != 0).float().unsqueeze(-1)
    mask = (input_ids != 0).astype(jnp.float32)[..., None]  # [B, L, 1]
    masked_embeds = embeds * mask
    # seq_lens = mask.sum(dim=1)
    seq_lens = mask.sum(axis=1)  # [B, 1]
    sentence_embed = masked_embeds.sum(axis=1) / (seq_lens + 1e-08)  # [B, D]
    # logits = self.classifier(sentence_embed)
    logits = sentence_embed @ W.T + b  # [B, C]
    return logits

if __name__ == "__main__":
    import jax
    _d = setup_inputs()
    print(jax.jit(kernel)(*tuple(_d.values())))

</pallas_src>

<mosaic_0001>
#map = affine_map<(d0, d1) -> (0)>
#map1 = affine_map<(d0, d1) -> (0, 0)>
module attributes {stable_mosaic.version = 14 : i64} {
  func.func @_sc_pool(%arg0: i32, %arg1: i32, %arg2: memref<851968xi32, #tpu.memory_space<hbm>>, %arg3: memref<1015808xf32, #tpu.memory_space<hbm>>, %arg4: memref<1015808xf32, #tpu.memory_space<hbm>>, %arg5: memref<4096x48xf32, #tpu.memory_space<hbm>>, %arg6: memref<26624xi32, #tpu.memory_space<vmem>>, %arg7: memref<4x416xf32, #tpu.memory_space<vmem>>, %arg8: memref<4x416xf32, #tpu.memory_space<vmem>>, %arg9: memref<128x48xf32, #tpu.memory_space<vmem>>, %arg10: memref<!tpu.dma_semaphore, #tpu.memory_space<semaphore_mem>>, %arg11: memref<!tpu.dma_semaphore, #tpu.memory_space<semaphore_mem>>, %arg12: memref<!tpu.dma_semaphore, #tpu.memory_space<semaphore_mem>>, %arg13: memref<!tpu.dma_semaphore, #tpu.memory_space<semaphore_mem>>) attributes {dimension_semantics = [#tpu.dimension_semantics<core_parallel>, #tpu.dimension_semantics<subcore_parallel>], iteration_bounds = array<i64: 2, 16>, scalar_prefetch = 0 : i64, scratch_operands = 8 : i64, tpu.core_type = #tpu.core_type<sc_vector_subcore>, window_params = [{transform_indices = #map}, {transform_indices = #map}, {transform_indices = #map}, {transform_indices = #map1}]} {
    %mul3A = arith.constant 2 : i32
    %mul3A_0 = arith.muli %arg1, %mul3A : i32
    %add3A = arith.addi %mul3A_0, %arg0 : i32
    %mul3A_1 = arith.constant 128 : i32
    %mul3A_2 = arith.muli %add3A, %mul3A_1 : i32
    %mul3A_3 = arith.constant 26624 : i32
    %mul3A_4 = arith.muli %add3A, %mul3A_3 : i32
    "tpu.region"() ({
      %run_scoped3A = tpu.sem_alloc : memref<!tpu.dma_semaphore, #tpu.memory_space<semaphore_mem>>
      %dma_start3A_200 = tpu.memref_slice %arg2[%mul3A_4] : memref<851968xi32, #tpu.memory_space<hbm>> -> memref<26624xi32, #tpu.memory_space<hbm>>
      %dma_start3A_201 = tpu.memref_slice %arg2[%mul3A_4] : memref<851968xi32, #tpu.memory_space<hbm>> -> memref<26624xi32, #tpu.memory_space<hbm>>
      tpu.enqueue_dma source(%dma_start3A_201 : memref<26624xi32, #tpu.memory_space<hbm>>) target(%arg6 : memref<26624xi32, #tpu.memory_space<vmem>>) target_semaphore(%run_scoped3A : memref<!tpu.dma_semaphore, #tpu.memory_space<semaphore_mem>>)
      %dma_wait3A = tpu.memref_slice %arg2[%mul3A_4] : memref<851968xi32, #tpu.memory_space<hbm>> -> memref<26624xi32, #tpu.memory_space<hbm>>
      %dma_wait3A_202 = tpu.memref_slice %arg2[%mul3A_4] : memref<851968xi32, #tpu.memory_space<hbm>> -> memref<26624xi32, #tpu.memory_space<hbm>>
      tpu.wait_dma2 semaphore(%run_scoped3A : memref<!tpu.dma_semaphore, #tpu.memory_space<semaphore_mem>>) src(%dma_wait3A_202 : memref<26624xi32, #tpu.memory_space<hbm>>) dst(%arg6 : memref<26624xi32, #tpu.memory_space<vmem>>)
      tpu.yield
    }) : () -> ()
    %dma_start3A = arith.constant 0 : i32
    %dma_start3A_5 = arith.constant 0 : i32
    %dma_start3A_6 = tpu.memref_slice %arg7[%dma_start3A, %dma_start3A_5] : memref<4x416xf32, #tpu.memory_space<vmem>> -> memref<1x128xf32, #tpu.memory_space<vmem>>
    %dma_start3A_7 = tpu.memref_squeeze %dma_start3A_6 : memref<1x128xf32, #tpu.memory_space<vmem>> -> memref<128xf32, #tpu.memory_space<vmem>>
    %dma_start3A_8 = arith.constant 0 : i32
    %dma_start3A_9 = tpu.memref_slice %arg6[%dma_start3A_8] : memref<26624xi32, #tpu.memory_space<vmem>> -> memref<128xi32, #tpu.memory_space<vmem>>
    %dma_start3A_10 = arith.constant 0 : i32
    %dma_start3A_11 = tpu.memref_slice %arg3[%dma_start3A_10] : memref<1015808xf32, #tpu.memory_space<hbm>> -> memref<1015808xf32, #tpu.memory_space<hbm>>
    tpu.enqueue_indirect_dma source(%dma_start3A_11 : memref<1015808xf32, #tpu.memory_space<hbm>>) target(%dma_start3A_7 : memref<128xf32, #tpu.memory_space<vmem>>) offsets(%dma_start3A_9 : memref<128xi32, #tpu.memory_space<vmem>>) semaphore(%arg10 : memref<!tpu.dma_semaphore, #tpu.memory_space<semaphore_mem>>)
    %dma_start3A_12 = arith.constant 0 : i32
    %dma_start3A_13 = arith.constant 0 : i32
    %dma_start3A_14 = tpu.memref_slice %arg8[%dma_start3A_12, %dma_start3A_13] : memref<4x416xf32, #tpu.memory_space<vmem>> -> memref<1x128xf32, #tpu.memory_space<vmem>>
    %dma_start3A_15 = tpu.memref_squeeze %dma_start3A_14 : memref<1x128xf32, #tpu.memory_space<vmem>> -> memref<128xf32, #tpu.memory_space<vmem>>
    %dma_start3A_16 = arith.constant 0 : i32
    %dma_start3A_17 = tpu.memref_slice %arg6[%dma_start3A_16] : memref<26624xi32, #tpu.memory_space<vmem>> -> memref<128xi32, #tpu.memory_space<vmem>>
    %dma_start3A_18 = arith.constant 0 : i32
    %dma_start3A_19 = tpu.memref_slice %arg4[%dma_start3A_18] : memref<1015808xf32, #tpu.memory_space<hbm>> -> memref<1015808xf32, #tpu.memory_space<hbm>>
    tpu.enqueue_indirect_dma source(%dma_start3A_19 : memref<1015808xf32, #tpu.memory_space<hbm>>) target(%dma_start3A_15 : memref<128xf32, #tpu.memory_space<vmem>>) offsets(%dma_start3A_17 : memref<128xi32, #tpu.memory_space<vmem>>) semaphore(%arg10 : memref<!tpu.dma_semaphore, #tpu.memory_space<semaphore_mem>>)
    %dma_start3A_20 = arith.constant 0 : i32
    %dma_start3A_21 = arith.constant 128 : i32
    %dma_start3A_22 = tpu.memref_slice %arg7[%dma_start3A_20, %dma_start3A_21] : memref<4x416xf32, #tpu.memory_space<vmem>> -> memref<1x128xf32, #tpu.memory_space<vmem>>
    %dma_start3A_23 = tpu.memref_squeeze %dma_start3A_22 : memref<1x128xf32, #tpu.memory_space<vmem>> -> memref<128xf32, #tpu.memory_space<vmem>>
    %dma_start3A_24 = arith.constant 128 : i32
    %dma_start3A_25 = tpu.memref_slice %arg6[%dma_start3A_24] : memref<26624xi32, #tpu.memory_space<vmem>> -> memref<128xi32, #tpu.memory_space<vmem>>
    %dma_start3A_26 = arith.constant 0 : i32
    %dma_start3A_27 = tpu.memref_slice %arg3[%dma_start3A_26] : memref<1015808xf32, #tpu.memory_space<hbm>> -> memref<1015808xf32, #tpu.memory_space<hbm>>
    tpu.enqueue_indirect_dma source(%dma_start3A_27 : memref<1015808xf32, #tpu.memory_space<hbm>>) target(%dma_start3A_23 : memref<128xf32, #tpu.memory_space<vmem>>) offsets(%dma_start3A_25 : memref<128xi32, #tpu.memory_space<vmem>>) semaphore(%arg10 : memref<!tpu.dma_semaphore, #tpu.memory_space<semaphore_mem>>)
    %dma_start3A_28 = arith.constant 0 : i32
    %dma_start3A_29 = arith.constant 128 : i32
    %dma_start3A_30 = tpu.memref_slice %arg8[%dma_start3A_28, %dma_start3A_29] : memref<4x416xf32, #tpu.memory_space<vmem>> -> memref<1x128xf32, #tpu.memory_space<vmem>>
    %dma_start3A_31 = tpu.memref_squeeze %dma_start3A_30 : memref<1x128xf32, #tpu.memory_space<vmem>> -> memref<128xf32, #tpu.memory_space<vmem>>
    %dma_start3A_32 = arith.constant 128 : i32
    %dma_start3A_33 = tpu.memref_slice %arg6[%dma_start3A_32] : memref<26624xi32, #tpu.memory_space<vmem>> -> memref<128xi32, #tpu.memory_space<vmem>>
    %dma_start3A_34 = arith.constant 0 : i32
    %dma_start3A_35 = tpu.memref_slice %arg4[%dma_start3A_34] : memref<1015808xf32, #tpu.memory_space<hbm>> -> memref<1015808xf32, #tpu.memory_space<hbm>>
    tpu.enqueue_indirect_dma source(%dma_start3A_35 : memref<1015808xf32, #tpu.memory_space<hbm>>) target(%dma_start3A_31 : memref<128xf32, #tpu.memory_space<vmem>>) offsets(%dma_start3A_33 : memref<128xi32, #tpu.memory_space<vmem>>) semaphore(%arg10 : memref<!tpu.dma_semaphore, #tpu.memory_space<semaphore_mem>>)
    %dma_start3A_36 = arith.constant 0 : i32
    %dma_start3A_37 = arith.constant 256 : i32
    %dma_start3A_38 = tpu.memref_slice %arg7[%dma_start3A_36, %dma_start3A_37] : memref<4x416xf32, #tpu.memory_space<vmem>> -> memref<1x128xf32, #tpu.memory_space<vmem>>
    %dma_start3A_39 = tpu.memref_squeeze %dma_start3A_38 : memref<1x128xf32, #tpu.memory_space<vmem>> -> memref<128xf32, #tpu.memory_space<vmem>>
    %dma_start3A_40 = arith.constant 256 : i32
    %dma_start3A_41 = tpu.memref_slice %arg6[%dma_start3A_40] : memref<26624xi32, #tpu.memory_space<vmem>> -> memref<128xi32, #tpu.memory_space<vmem>>
    %dma_start3A_42 = arith.constant 0 : i32
    %dma_start3A_43 = tpu.memref_slice %arg3[%dma_start3A_42] : memref<1015808xf32, #tpu.memory_space<hbm>> -> memref<1015808xf32, #tpu.memory_space<hbm>>
    tpu.enqueue_indirect_dma source(%dma_start3A_43 : memref<1015808xf32, #tpu.memory_space<hbm>>) target(%dma_start3A_39 : memref<128xf32, #tpu.memory_space<vmem>>) offsets(%dma_start3A_41 : memref<128xi32, #tpu.memory_space<vmem>>) semaphore(%arg10 : memref<!tpu.dma_semaphore, #tpu.memory_space<semaphore_mem>>)
    %dma_start3A_44 = arith.constant 0 : i32
    %dma_start3A_45 = arith.constant 256 : i32
    %dma_start3A_46 = tpu.memref_slice %arg8[%dma_start3A_44, %dma_start3A_45] : memref<4x416xf32, #tpu.memory_space<vmem>> -> memref<1x128xf32, #tpu.memory_space<vmem>>
    %dma_start3A_47 = tpu.memref_squeeze %dma_start3A_46 : memref<1x128xf32, #tpu.memory_space<vmem>> -> memref<128xf32, #tpu.memory_space<vmem>>
    %dma_start3A_48 = arith.constant 256 : i32
    %dma_start3A_49 = tpu.memref_slice %arg6[%dma_start3A_48] : memref<26624xi32, #tpu.memory_space<vmem>> -> memref<128xi32, #tpu.memory_space<vmem>>
    %dma_start3A_50 = arith.constant 0 : i32
    %dma_start3A_51 = tpu.memref_slice %arg4[%dma_start3A_50] : memref<1015808xf32, #tpu.memory_space<hbm>> -> memref<1015808xf32, #tpu.memory_space<hbm>>
    tpu.enqueue_indirect_dma source(%dma_start3A_51 : memref<1015808xf32, #tpu.memory_space<hbm>>) target(%dma_start3A_47 : memref<128xf32, #tpu.memory_space<vmem>>) offsets(%dma_start3A_49 : memref<128xi32, #tpu.memory_space<vmem>>) semaphore(%arg10 : memref<!tpu.dma_semaphore, #tpu.memory_space<semaphore_mem>>)
    %dma_start3A_52 = arith.constant 0 : i32
    %dma_start3A_53 = arith.constant 384 : i32
    %dma_start3A_54 = tpu.memref_slice %arg7[%dma_start3A_52, %dma_start3A_53] : memref<4x416xf32, #tpu.memory_space<vmem>> -> memref<1x32xf32, #tpu.memory_space<vmem>>
    %dma_start3A_55 = tpu.memref_squeeze %dma_start3A_54 : memref<1x32xf32, #tpu.memory_space<vmem>> -> memref<32xf32, #tpu.memory_space<vmem>>
    %dma_start3A_56 = arith.constant 384 : i32
    %dma_start3A_57 = tpu.memref_slice %arg6[%dma_start3A_56] : memref<26624xi32, #tpu.memory_space<vmem>> -> memref<32xi32, #tpu.memory_space<vmem>>
    %dma_start3A_58 = arith.constant 0 : i32
    %dma_start3A_59 = tpu.memref_slice %arg3[%dma_start3A_58] : memref<1015808xf32, #tpu.memory_space<hbm>> -> memref<1015808xf32, #tpu.memory_space<hbm>>
    tpu.enqueue_indirect_dma source(%dma_start3A_59 : memref<1015808xf32, #tpu.memory_space<hbm>>) target(%dma_start3A_55 : memref<32xf32, #tpu.memory_space<vmem>>) offsets(%dma_start3A_57 : memref<32xi32, #tpu.memory_space<vmem>>) semaphore(%arg10 : memref<!tpu.dma_semaphore, #tpu.memory_space<semaphore_mem>>)
    %dma_start3A_60 = arith.constant 0 : i32
    %dma_start3A_61 = arith.constant 384 : i32
    %dma_start3A_62 = tpu.memref_slice %arg8[%dma_start3A_60, %dma_start3A_61] : memref<4x416xf32, #tpu.memory_space<vmem>> -> memref<1x32xf32, #tpu.memory_space<vmem>>
    %dma_start3A_63 = tpu.memref_squeeze %dma_start3A_62 : memref<1x32xf32, #tpu.memory_space<vmem>> -> memref<32xf32, #tpu.memory_space<vmem>>
    %dma_start3A_64 = arith.constant 384 : i32
    %dma_start3A_65 = tpu.memref_slice %arg6[%dma_start3A_64] : memref<26624xi32, #tpu.memory_space<vmem>> -> memref<32xi32, #tpu.memory_space<vmem>>
    %dma_start3A_66 = arith.constant 0 : i32
    %dma_start3A_67 = tpu.memref_slice %arg4[%dma_start3A_66] : memref<1015808xf32, #tpu.memory_space<hbm>> -> memref<1015808xf32, #tpu.memory_space<hbm>>
    tpu.enqueue_indirect_dma source(%dma_start3A_67 : memref<1015808xf32, #tpu.memory_space<hbm>>) target(%dma_start3A_63 : memref<32xf32, #tpu.memory_space<vmem>>) offsets(%dma_start3A_65 : memref<32xi32, #tpu.memory_space<vmem>>) semaphore(%arg10 : memref<!tpu.dma_semaphore, #tpu.memory_space<semaphore_mem>>)
    %dma_start3A_68 = arith.constant 1 : i32
    %dma_start3A_69 = arith.constant 0 : i32
    %dma_start3A_70 = tpu.memref_slice %arg7[%dma_start3A_68, %dma_start3A_69] : memref<4x416xf32, #tpu.memory_space<vmem>> -> memref<1x128xf32, #tpu.memory_space<vmem>>
    %dma_start3A_71 = tpu.memref_squeeze %dma_start3A_70 : memref<1x128xf32, #tpu.memory_space<vmem>> -> memref<128xf32, #tpu.memory_space<vmem>>
    %dma_start3A_72 = arith.constant 416 : i32
    %dma_start3A_73 = tpu.memref_slice %arg6[%dma_start3A_72] : memref<26624xi32, #tpu.memory_space<vmem>> -> memref<128xi32, #tpu.memory_space<vmem>>
    %dma_start3A_74 = arith.constant 0 : i32
    %dma_start3A_75 = tpu.memref_slice %arg3[%dma_start3A_74] : memref<1015808xf32, #tpu.memory_space<hbm>> -> memref<1015808xf32, #tpu.memory_space<hbm>>
    tpu.enqueue_indirect_dma source(%dma_start3A_75 : memref<1015808xf32, #tpu.memory_space<hbm>>) target(%dma_start3A_71 : memref<128xf32, #tpu.memory_space<vmem>>) offsets(%dma_start3A_73 : memref<128xi32, #tpu.memory_space<vmem>>) semaphore(%arg11 : memref<!tpu.dma_semaphore, #tpu.memory_space<semaphore_mem>>)
    %dma_start3A_76 = arith.constant 1 : i32
    %dma_start3A_77 = arith.constant 0 : i32
    %dma_start3A_78 = tpu.memref_slice %arg8[%dma_start3A_76, %dma_start3A_77] : memref<4x416xf32, #tpu.memory_space<vmem>> -> memref<1x128xf32, #tpu.memory_space<vmem>>
    %dma_start3A_79 = tpu.memref_squeeze %dma_start3A_78 : memref<1x128xf32, #tpu.memory_space<vmem>> -> memref<128xf32, #tpu.memory_space<vmem>>
    %dma_start3A_80 = arith.constant 416 : i32
    %dma_start3A_81 = tpu.memref_slice %arg6[%dma_start3A_80] : memref<26624xi32, #tpu.memory_space<vmem>> -> memref<128xi32, #tpu.memory_space<vmem>>
    %dma_start3A_82 = arith.constant 0 : i32
    %dma_start3A_83 = tpu.memref_slice %arg4[%dma_start3A_82] : memref<1015808xf32, #tpu.memory_space<hbm>> -> memref<1015808xf32, #tpu.memory_space<hbm>>
    tpu.enqueue_indirect_dma source(%dma_start3A_83 : memref<1015808xf32, #tpu.memory_space<hbm>>) target(%dma_start3A_79 : memref<128xf32, #tpu.memory_space<vmem>>) offsets(%dma_start3A_81 : memref<128xi32, #tpu.memory_space<vmem>>) semaphore(%arg11 : memref<!tpu.dma_semaphore, #tpu.memory_space<semaphore_mem>>)
    %dma_start3A_84 = arith.constant 1 : i32
    %dma_start3A_85 = arith.constant 128 : i32
    %dma_start3A_86 = tpu.memref_slice %arg7[%dma_start3A_84, %dma_start3A_85] : memref<4x416xf32, #tpu.memory_space<vmem>> -> memref<1x128xf32, #tpu.memory_space<vmem>>
    %dma_start3A_87 = tpu.memref_squeeze %dma_start3A_86 : memref<1x128xf32, #tpu.memory_space<vmem>> -> memref<128xf32, #tpu.memory_space<vmem>>
    %dma_start3A_88 = arith.constant 544 : i32
    %dma_start3A_89 = tpu.memref_slice %arg6[%dma_start3A_88] : memref<26624xi32, #tpu.memory_space<vmem>> -> memref<128xi32, #tpu.memory_space<vmem>>
    %dma_start3A_90 = arith.constant 0 : i32
    %dma_start3A_91 = tpu.memref_slice %arg3[%dma_start3A_90] : memref<1015808xf32, #tpu.memory_space<hbm>> -> memref<1015808xf32, #tpu.memory_space<hbm>>
    tpu.enqueue_indirect_dma source(%dma_start3A_91 : memref<1015808xf32, #tpu.memory_space<hbm>>) target(%dma_start3A_87 : memref<128xf32, #tpu.memory_space<vmem>>) offsets(%dma_start3A_89 : memref<128xi32, #tpu.memory_space<vmem>>) semaphore(%arg11 : memref<!tpu.dma_semaphore, #tpu.memory_space<semaphore_mem>>)
    %dma_start3A_92 = arith.constant 1 : i32
    %dma_start3A_93 = arith.constant 128 : i32
    %dma_start3A_94 = tpu.memref_slice %arg8[%dma_start3A_92, %dma_start3A_93] : memref<4x416xf32, #tpu.memory_space<vmem>> -> memref<1x128xf32, #tpu.memory_space<vmem>>
    %dma_start3A_95 = tpu.memref_squeeze %dma_start3A_94 : memref<1x128xf32, #tpu.memory_space<vmem>> -> memref<128xf32, #tpu.memory_space<vmem>>
    %dma_start3A_96 = arith.constant 544 : i32
    %dma_start3A_97 = tpu.memref_slice %arg6[%dma_start3A_96] : memref<26624xi32, #tpu.memory_space<vmem>> -> memref<128xi32, #tpu.memory_space<vmem>>
    %dma_start3A_98 = arith.constant 0 : i32
    %dma_start3A_99 = tpu.memref_slice %arg4[%dma_start3A_98] : memref<1015808xf32, #tpu.memory_space<hbm>> -> memref<1015808xf32, #tpu.memory_space<hbm>>
    tpu.enqueue_indirect_dma source(%dma_start3A_99 : memref<1015808xf32, #tpu.memory_space<hbm>>) target(%dma_start3A_95 : memref<128xf32, #tpu.memory_space<vmem>>) offsets(%dma_start3A_97 : memref<128xi32, #tpu.memory_space<vmem>>) semaphore(%arg11 : memref<!tpu.dma_semaphore, #tpu.memory_space<semaphore_mem>>)
    %dma_start3A_100 = arith.constant 1 : i32
    %dma_start3A_101 = arith.constant 256 : i32
    %dma_start3A_102 = tpu.memref_slice %arg7[%dma_start3A_100, %dma_start3A_101] : memref<4x416xf32, #tpu.memory_space<vmem>> -> memref<1x128xf32, #tpu.memory_space<vmem>>
    %dma_start3A_103 = tpu.memref_squeeze %dma_start3A_102 : memref<1x128xf32, #tpu.memory_space<vmem>> -> memref<128xf32, #tpu.memory_space<vmem>>
    %dma_start3A_104 = arith.constant 672 : i32
    %dma_start3A_105 = tpu.memref_slice %arg6[%dma_start3A_104] : memref<26624xi32, #tpu.memory_space<vmem>> -> memref<128xi32, #tpu.memory_space<vmem>>
    %dma_start3A_106 = arith.constant 0 : i32
    %dma_start3A_107 = tpu.memref_slice %arg3[%dma_start3A_106] : memref<1015808xf32, #tpu.memory_space<hbm>> -> memref<1015808xf32, #tpu.memory_space<hbm>>
    tpu.enqueue_indirect_dma source(%dma_start3A_107 : memref<1015808xf32, #tpu.memory_space<hbm>>) target(%dma_start3A_103 : memref<128xf32, #tpu.memory_space<vmem>>) offsets(%dma_start3A_105 : memref<128xi32, #tpu.memory_space<vmem>>) semaphore(%arg11 : memref<!tpu.dma_semaphore, #tpu.memory_space<semaphore_mem>>)
    %dma_start3A_108 = arith.constant 1 : i32
    %dma_start3A_109 = arith.constant 256 : i32
    %dma_start3A_110 = tpu.memref_slice %arg8[%dma_start3A_108, %dma_start3A_109] : memref<4x416xf32, #tpu.memory_space<vmem>> -> memref<1x128xf32, #tpu.memory_space<vmem>>
    %dma_start3A_111 = tpu.memref_squeeze %dma_start3A_110 : memref<1x128xf32, #tpu.memory_space<vmem>> -> memref<128xf32, #tpu.memory_space<vmem>>
    %dma_start3A_112 = arith.constant 672 : i32
    %dma_start3A_113 = tpu.memref_slice %arg6[%dma_start3A_112] : memref<26624xi32, #tpu.memory_space<vmem>> -> memref<128xi32, #tpu.memory_space<vmem>>
    %dma_start3A_114 = arith.constant 0 : i32
    %dma_start3A_115 = tpu.memref_slice %arg4[%dma_start3A_114] : memref<1015808xf32, #tpu.memory_space<hbm>> -> memref<1015808xf32, #tpu.memory_space<hbm>>
    tpu.enqueue_indirect_dma source(%dma_start3A_115 : memref<1015808xf32, #tpu.memory_space<hbm>>) target(%dma_start3A_111 : memref<128xf32, #tpu.memory_space<vmem>>) offsets(%dma_start3A_113 : memref<128xi32, #tpu.memory_space<vmem>>) semaphore(%arg11 : memref<!tpu.dma_semaphore, #tpu.memory_space<semaphore_mem>>)
    %dma_start3A_116 = arith.constant 1 : i32
    %dma_start3A_117 = arith.constant 384 : i32
    %dma_start3A_118 = tpu.memref_slice %arg7[%dma_start3A_116, %dma_start3A_117] : memref<4x416xf32, #tpu.memory_space<vmem>> -> memref<1x32xf32, #tpu.memory_space<vmem>>
    %dma_start3A_119 = tpu.memref_squeeze %dma_start3A_118 : memref<1x32xf32, #tpu.memory_space<vmem>> -> memref<32xf32, #tpu.memory_space<vmem>>
    %dma_start3A_120 = arith.constant 800 : i32
    %dma_start3A_121 = tpu.memref_slice %arg6[%dma_start3A_120] : memref<26624xi32, #tpu.memory_space<vmem>> -> memref<32xi32, #tpu.memory_space<vmem>>
    %dma_start3A_122 = arith.constant 0 : i32
    %dma_start3A_123 = tpu.memref_slice %arg3[%dma_start3A_122] : memref<1015808xf32, #tpu.memory_space<hbm>> -> memref<1015808xf32, #tpu.memory_space<hbm>>
    tpu.enqueue_indirect_dma source(%dma_start3A_123 : memref<1015808xf32, #tpu.memory_space<hbm>>) target(%dma_start3A_119 : memref<32xf32, #tpu.memory_space<vmem>>) offsets(%dma_start3A_121 : memref<32xi32, #tpu.memory_space<vmem>>) semaphore(%arg11 : memref<!tpu.dma_semaphore, #tpu.memory_space<semaphore_mem>>)
    %dma_start3A_124 = arith.constant 1 : i32
    %dma_start3A_125 = arith.constant 384 : i32
    %dma_start3A_126 = tpu.memref_slice %arg8[%dma_start3A_124, %dma_start3A_125] : memref<4x416xf32, #tpu.memory_space<vmem>> -> memref<1x32xf32, #tpu.memory_space<vmem>>
    %dma_start3A_127 = tpu.memref_squeeze %dma_start3A_126 : memref<1x32xf32, #tpu.memory_space<vmem>> -> memref<32xf32, #tpu.memory_space<vmem>>
    %dma_start3A_128 = arith.constant 800 : i32
    %dma_start3A_129 = tpu.memref_slice %arg6[%dma_start3A_128] : memref<26624xi32, #tpu.memory_space<vmem>> -> memref<32xi32, #tpu.memory_space<vmem>>
    %dma_start3A_130 = arith.constant 0 : i32
    %dma_start3A_131 = tpu.memref_slice %arg4[%dma_start3A_130] : memref<1015808xf32, #tpu.memory_space<hbm>> -> memref<1015808xf32, #tpu.memory_space<hbm>>
    tpu.enqueue_indirect_dma source(%dma_start3A_131 : memref<1015808xf32, #tpu.memory_space<hbm>>) target(%dma_start3A_127 : memref<32xf32, #tpu.memory_space<vmem>>) offsets(%dma_start3A_129 : memref<32xi32, #tpu.memory_space<vmem>>) semaphore(%arg11 : memref<!tpu.dma_semaphore, #tpu.memory_space<semaphore_mem>>)
    %dma_start3A_132 = arith.constant 2 : i32
    %dma_start3A_133 = arith.constant 0 : i32
    %dma_start3A_134 = tpu.memref_slice %arg7[%dma_start3A_132, %dma_start3A_133] : memref<4x416xf32, #tpu.memory_space<vmem>> -> memref<1x128xf32, #tpu.memory_space<vmem>>
    %dma_start3A_135 = tpu.memref_squeeze %dma_start3A_134 : memref<1x128xf32, #tpu.memory_space<vmem>> -> memref<128xf32, #tpu.memory_space<vmem>>
    %dma_start3A_136 = arith.constant 832 : i32
    %dma_start3A_137 = tpu.memref_slice %arg6[%dma_start3A_136] : memref<26624xi32, #tpu.memory_space<vmem>> -> memref<128xi32, #tpu.memory_space<vmem>>
    %dma_start3A_138 = arith.constant 0 : i32
    %dma_start3A_139 = tpu.memref_slice %arg3[%dma_start3A_138] : memref<1015808xf32, #tpu.memory_space<hbm>> -> memref<1015808xf32, #tpu.memory_space<hbm>>
    tpu.enqueue_indirect_dma source(%dma_start3A_139 : memref<1015808xf32, #tpu.memory_space<hbm>>) target(%dma_start3A_135 : memref<128xf32, #tpu.memory_space<vmem>>) offsets(%dma_start3A_137 : memref<128xi32, #tpu.memory_space<vmem>>) semaphore(%arg12 : memref<!tpu.dma_semaphore, #tpu.memory_space<semaphore_mem>>)
    %dma_start3A_140 = arith.constant 2 : i32
    %dma_start3A_141 = arith.constant 0 : i32
    %dma_start3A_142 = tpu.memref_slice %arg8[%dma_start3A_140, %dma_start3A_141] : memref<4x416xf32, #tpu.memory_space<vmem>> -> memref<1x128xf32, #tpu.memory_space<vmem>>
    %dma_start3A_143 = tpu.memref_squeeze %dma_start3A_142 : memref<1x128xf32, #tpu.memory_space<vmem>> -> memref<128xf32, #tpu.memory_space<vmem>>
    %dma_start3A_144 = arith.constant 832 : i32
    %dma_start3A_145 = tpu.memref_slice %arg6[%dma_start3A_144] : memref<26624xi32, #tpu.memory_space<vmem>> -> memref<128xi32, #tpu.memory_space<vmem>>
    %dma_start3A_146 = arith.constant 0 : i32
    %dma_start3A_147 = tpu.memref_slice %arg4[%dma_start3A_146] : memref<1015808xf32, #tpu.memory_space<hbm>> -> memref<1015808xf32, #tpu.memory_space<hbm>>
    tpu.enqueue_indirect_dma source(%dma_start3A_147 : memref<1015808xf32, #tpu.memory_space<hbm>>) target(%dma_start3A_143 : memref<128xf32, #tpu.memory_space<vmem>>) offsets(%dma_start3A_145 : memref<128xi32, #tpu.memory_space<vmem>>) semaphore(%arg12 : memref<!tpu.dma_semaphore, #tpu.memory_space<semaphore_mem>>)
    %dma_start3A_148 = arith.constant 2 : i32
    %dma_start3A_149 = arith.constant 128 : i32
    %dma_start3A_150 = tpu.memref_slice %arg7[%dma_start3A_148, %dma_start3A_149] : memref<4x416xf32, #tpu.memory_space<vmem>> -> memref<1x128xf32, #tpu.memory_space<vmem>>
    %dma_start3A_151 = tpu.memref_squeeze %dma_start3A_150 : memref<1x128xf32, #tpu.memory_space<vmem>> -> memref<128xf32, #tpu.memory_space<vmem>>
    %dma_start3A_152 = arith.constant 960 : i32
    %dma_start3A_153 = tpu.memref_slice %arg6[%dma_start3A_152] : memref<26624xi32, #tpu.memory_space<vmem>> -> memref<128xi32, #tpu.memory_space<vmem>>
    %dma_start3A_154 = arith.constant 0 : i32
    %dma_start3A_155 = tpu.memref_slice %arg3[%dma_start3A_154] : memref<1015808xf32, #tpu.memory_space<hbm>> -> memref<1015808xf32, #tpu.memory_space<hbm>>
    tpu.enqueue_indirect_dma source(%dma_start3A_155 : memref<1015808xf32, #tpu.memory_space<hbm>>) target(%dma_start3A_151 : memref<128xf32, #tpu.memory_space<vmem>>) offsets(%dma_start3A_153 : memref<128xi32, #tpu.memory_space<vmem>>) semaphore(%arg12 : memref<!tpu.dma_semaphore, #tpu.memory_space<semaphore_mem>>)
    %dma_start3A_156 = arith.constant 2 : i32
    %dma_start3A_157 = arith.constant 128 : i32
    %dma_start3A_158 = tpu.memref_slice %arg8[%dma_start3A_156, %dma_start3A_157] : memref<4x416xf32, #tpu.memory_space<vmem>> -> memref<1x128xf32, #tpu.memory_space<vmem>>
    %dma_start3A_159 = tpu.memref_squeeze %dma_start3A_158 : memref<1x128xf32, #tpu.memory_space<vmem>> -> memref<128xf32, #tpu.memory_space<vmem>>
    %dma_start3A_160 = arith.constant 960 : i32
    %dma_start3A_161 = tpu.memref_slice %arg6[%dma_start3A_160] : memref<26624xi32, #tpu.memory_space<vmem>> -> memref<128xi32, #tpu.memory_space<vmem>>
    %dma_start3A_162 = arith.constant 0 : i32
    %dma_start3A_163 = tpu.memref_slice %arg4[%dma_start3A_162] : memref<1015808xf32, #tpu.memory_space<hbm>> -> memref<1015808xf32, #tpu.memory_space<hbm>>
    tpu.enqueue_indirect_dma source(%dma_start3A_163 : memref<1015808xf32, #tpu.memory_space<hbm>>) target(%dma_start3A_159 : memref<128xf32, #tpu.memory_space<vmem>>) offsets(%dma_start3A_161 : memref<128xi32, #tpu.memory_space<vmem>>) semaphore(%arg12 : memref<!tpu.dma_semaphore, #tpu.memory_space<semaphore_mem>>)
    %dma_start3A_164 = arith.constant 2 : i32
    %dma_start3A_165 = arith.constant 256 : i32
    %dma_start3A_166 = tpu.memref_slice %arg7[%dma_start3A_164, %dma_start3A_165] : memref<4x416xf32, #tpu.memory_space<vmem>> -> memref<1x128xf32, #tpu.memory_space<vmem>>
    %dma_start3A_167 = tpu.memref_squeeze %dma_start3A_166 : memref<1x128xf32, #tpu.memory_space<vmem>> -> memref<128xf32, #tpu.memory_space<vmem>>
    %dma_start3A_168 = arith.constant 1088 : i32
    %dma_start3A_169 = tpu.memref_slice %arg6[%dma_start3A_168] : memref<26624xi32, #tpu.memory_space<vmem>> -> memref<128xi32, #tpu.memory_space<vmem>>
    %dma_start3A_170 = arith.constant 0 : i32
    %dma_start3A_171 = tpu.memref_slice %arg3[%dma_start3A_170] : memref<1015808xf32, #tpu.memory_space<hbm>> -> memref<1015808xf32, #tpu.memory_space<hbm>>
    tpu.enqueue_indirect_dma source(%dma_start3A_171 : memref<1015808xf32, #tpu.memory_space<hbm>>) target(%dma_start3A_167 : memref<128xf32, #tpu.memory_space<vmem>>) offsets(%dma_start3A_169 : memref<128xi32, #tpu.memory_space<vmem>>) semaphore(%arg12 : memref<!tpu.dma_semaphore, #tpu.memory_space<semaphore_mem>>)
    %dma_start3A_172 = arith.constant 2 : i32
    %dma_start3A_173 = arith.constant 256 : i32
    %dma_start3A_174 = tpu.memref_slice %arg8[%dma_start3A_172, %dma_start3A_173] : memref<4x416xf32, #tpu.memory_space<vmem>> -> memref<1x128xf32, #tpu.memory_space<vmem>>
    %dma_start3A_175 = tpu.memref_squeeze %dma_start3A_174 : memref<1x128xf32, #tpu.memory_space<vmem>> -> memref<128xf32, #tpu.memory_space<vmem>>
    %dma_start3A_176 = arith.constant 1088 : i32
    %dma_start3A_177 = tpu.memref_slice %arg6[%dma_start3A_176] : memref<26624xi32, #tpu.memory_space<vmem>> -> memref<128xi32, #tpu.memory_space<vmem>>
    %dma_start3A_178 = arith.constant 0 : i32
    %dma_start3A_179 = tpu.memref_slice %arg4[%dma_start3A_178] : memref<1015808xf32, #tpu.memory_space<hbm>> -> memref<1015808xf32, #tpu.memory_space<hbm>>
    tpu.enqueue_indirect_dma source(%dma_start3A_179 : memref<1015808xf32, #tpu.memory_space<hbm>>) target(%dma_start3A_175 : memref<128xf32, #tpu.memory_space<vmem>>) offsets(%dma_start3A_177 : memref<128xi32, #tpu.memory_space<vmem>>) semaphore(%arg12 : memref<!tpu.dma_semaphore, #tpu.memory_space<semaphore_mem>>)
    %dma_start3A_180 = arith.constant 2 : i32
    %dma_start3A_181 = arith.constant 384 : i32
    %dma_start3A_182 = tpu.memref_slice %arg7[%dma_start3A_180, %dma_start3A_181] : memref<4x416xf32, #tpu.memory_space<vmem>> -> memref<1x32xf32, #tpu.memory_space<vmem>>
    %dma_start3A_183 = tpu.memref_squeeze %dma_start3A_182 : memref<1x32xf32, #tpu.memory_space<vmem>> -> memref<32xf32, #tpu.memory_space<vmem>>
    %dma_start3A_184 = arith.constant 1216 : i32
    %dma_start3A_185 = tpu.memref_slice %arg6[%dma_start3A_184] : memref<26624xi32, #tpu.memory_space<vmem>> -> memref<32xi32, #tpu.memory_space<vmem>>
    %dma_start3A_186 = arith.constant 0 : i32
    %dma_start3A_187 = tpu.memref_slice %arg3[%dma_start3A_186] : memref<1015808xf32, #tpu.memory_space<hbm>> -> memref<1015808xf32, #tpu.memory_space<hbm>>
    tpu.enqueue_indirect_dma source(%dma_start3A_187 : memref<1015808xf32, #tpu.memory_space<hbm>>) target(%dma_start3A_183 : memref<32xf32, #tpu.memory_space<vmem>>) offsets(%dma_start3A_185 : memref<32xi32, #tpu.memory_space<vmem>>) semaphore(%arg12 : memref<!tpu.dma_semaphore, #tpu.memory_space<semaphore_mem>>)
    %dma_start3A_188 = arith.constant 2 : i32
    %dma_start3A_189 = arith.constant 384 : i32
    %dma_start3A_190 = tpu.memref_slice %arg8[%dma_start3A_188, %dma_start3A_189] : memref<4x416xf32, #tpu.memory_space<vmem>> -> memref<1x32xf32, #tpu.memory_space<vmem>>
    %dma_start3A_191 = tpu.memref_squeeze %dma_start3A_190 : memref<1x32xf32, #tpu.memory_space<vmem>> -> memref<32xf32, #tpu.memory_space<vmem>>
    %dma_start3A_192 = arith.constant 1216 : i32
    %dma_start3A_193 = tpu.memref_slice %arg6[%dma_start3A_192] : memref<26624xi32, #tpu.memory_space<vmem>> -> memref<32xi32, #tpu.memory_space<vmem>>
    %dma_start3A_194 = arith.constant 0 : i32
    %dma_start3A_195 = tpu.memref_slice %arg4[%dma_start3A_194] : memref<1015808xf32, #tpu.memory_space<hbm>> -> memref<1015808xf32, #tpu.memory_space<hbm>>
    tpu.enqueue_indirect_dma source(%dma_start3A_195 : memref<1015808xf32, #tpu.memory_space<hbm>>) target(%dma_start3A_191 : memref<32xf32, #tpu.memory_space<vmem>>) offsets(%dma_start3A_193 : memref<32xi32, #tpu.memory_space<vmem>>) semaphore(%arg12 : memref<!tpu.dma_semaphore, #tpu.memory_space<semaphore_mem>>)
    %scan3A = arith.constant 0 : i32
    %scan3A_196 = arith.constant 16 : i32
    %scan3A_197 = arith.addi %scan3A, %scan3A_196 : i32
    %scan3A_198 = arith.constant 1 : i32
    scf.for %scan3A_200 = %scan3A to %scan3A_197 step %scan3A_198  : i32 {
      %mul3A_201 = arith.constant 4 : i32
      %mul3A_202 = arith.muli %scan3A_200, %mul3A_201 : i32
      %add3A_203 = arith.constant 0 : i32
      %add3A_204 = arith.addi %add3A_203, %mul3A_202 : i32
      %add3A_205 = arith.constant 0 : i32
      %add3A_206 = arith.addi %add3A_204, %add3A_205 : i32
      %add3A_207 = arith.constant 4 : i32
      %add3A_208 = arith.addi %add3A_206, %add3A_207 : i32
      %sub3A = arith.constant 1 : i32
      %sub3A_209 = arith.subi %add3A_208, %sub3A : i32
      %lt3A = arith.constant 64 : i32
      %lt3A_210 = arith.cmpi slt, %sub3A_209, %lt3A : i32
      %convert_element_type3A = arith.extui %lt3A_210 : i1 to i32
      %cond3A = arith.constant 0 : i32
      %cond3A_211 = arith.cmpi ne, %convert_element_type3A, %cond3A : i32
      scf.if %cond3A_211 {
        %add3A_3422 = arith.constant 4 : i32
        %add3A_3423 = arith.addi %add3A_206, %add3A_3422 : i32
        %sub3A_3424 = arith.constant 1 : i32
        %sub3A_3425 = arith.subi %add3A_3423, %sub3A_3424 : i32
        %mul3A_3426 = arith.constant 416 : i32
        %mul3A_3427 = arith.muli %sub3A_3425, %mul3A_3426 : i32
        %add3A_3428 = arith.constant 0 : i32
        %add3A_3429 = arith.addi %mul3A_3427, %add3A_3428 : i32
        %dma_start3A_3430 = arith.constant 3 : i32
        %dma_start3A_3431 = arith.constant 0 : i32
        %dma_start3A_3432 = tpu.memref_slice %arg7[%dma_start3A_3430, %dma_start3A_3431] : memref<4x416xf32, #tpu.memory_space<vmem>> -> memref<1x128xf32, #tpu.memory_space<vmem>>
        %dma_start3A_3433 = tpu.memref_squeeze %dma_start3A_3432 : memref<1x128xf32, #tpu.memory_space<vmem>> -> memref<128xf32, #tpu.memory_space<vmem>>
        %dma_start3A_3434 = tpu.memref_slice %arg6[%add3A_3429] : memref<26624xi32, #tpu.memory_space<vmem>> -> memref<128xi32, #tpu.memory_space<vmem>>
        %dma_start3A_3435 = arith.constant 0 : i32
        %dma_start3A_3436 = tpu.memref_slice %arg3[%dma_start3A_3435] : memref<1015808xf32, #tpu.memory_space<hbm>> -> memref<1015808xf32, #tpu.memory_space<hbm>>
        tpu.enqueue_indirect_dma source(%dma_start3A_3436 : memref<1015808xf32, #tpu.memory_space<hbm>>) target(%dma_start3A_3433 : memref<128xf32, #tpu.memory_space<vmem>>) offsets(%dma_start3A_3434 : memref<128xi32, #tpu.memory_space<vmem>>) semaphore(%arg13 : memref<!tpu.dma_semaphore, #tpu.memory_space<semaphore_mem>>)
        %dma_start3A_3437 = arith.constant 3 : i32
        %dma_start3A_3438 = arith.constant 0 : i32
        %dma_start3A_3439 = tpu.memref_slice %arg8[%dma_start3A_3437, %dma_start3A_3438] : memref<4x416xf32, #tpu.memory_space<vmem>> -> memref<1x128xf32, #tpu.memory_space<vmem>>
        %dma_start3A_3440 = tpu.memref_squeeze %dma_start3A_3439 : memref<1x128xf32, #tpu.memory_space<vmem>> -> memref<128xf32, #tpu.memory_space<vmem>>
        %dma_start3A_3441 = tpu.memref_slice %arg6[%add3A_3429] : memref<26624xi32, #tpu.memory_space<vmem>> -> memref<128xi32, #tpu.memory_space<vmem>>
        %dma_start3A_3442 = arith.constant 0 : i32
        %dma_start3A_3443 = tpu.memref_slice %arg4[%dma_start3A_3442] : memref<1015808xf32, #tpu.memory_space<hbm>> -> memref<1015808xf32, #tpu.memory_space<hbm>>
        tpu.enqueue_indirect_dma source(%dma_start3A_3443 : memref<1015808xf32, #tpu.memory_space<hbm>>) target(%dma_start3A_3440 : memref<128xf32, #tpu.memory_space<vmem>>) offsets(%dma_start3A_3441 : memref<128xi32, #tpu.memory_space<vmem>>) semaphore(%arg13 : memref<!tpu.dma_semaphore, #tpu.memory_space<semaphore_mem>>)
        %add3A_3444 = arith.constant 128 : i32
        %add3A_3445 = arith.addi %mul3A_3427, %add3A_3444 : i32
        %dma_start3A_3446 = arith.constant 3 : i32
        %dma_start3A_3447 = arith.constant 128 : i32
        %dma_start3A_3448 = tpu.memref_slice %arg7[%dma_start3A_3446, %dma_start3A_3447] : memref<4x416xf32, #tpu.memory_space<vmem>> -> memref<1x128xf32, #tpu.memory_space<vmem>>
        %dma_start3A_3449 = tpu.memref_squeeze %dma_start3A_3448 : memref<1x128xf32, #tpu.memory_space<vmem>> -> memref<128xf32, #tpu.memory_space<vmem>>
        %dma_start3A_3450 = tpu.memref_slice %arg6[%add3A_3445] : memref<26624xi32, #tpu.memory_space<vmem>> -> memref<128xi32, #tpu.memory_space<vmem>>
        %dma_start3A_3451 = arith.constant 0 : i32
        %dma_start3A_3452 = tpu.memref_slice %arg3[%dma_start3A_3451] : memref<1015808xf32, #tpu.memory_space<hbm>> -> memref<1015808xf32, #tpu.memory_space<hbm>>
        tpu.enqueue_indirect_dma source(%dma_start3A_3452 : memref<1015808xf32, #tpu.memory_space<hbm>>) target(%dma_start3A_3449 : memref<128xf32, #tpu.memory_space<vmem>>) offsets(%dma_start3A_3450 : memref<128xi32, #tpu.memory_space<vmem>>) semaphore(%arg13 : memref<!tpu.dma_semaphore, #tpu.memory_space<semaphore_mem>>)
        %dma_start3A_3453 = arith.constant 3 : i32
        %dma_start3A_3454 = arith.constant 128 : i32
        %dma_start3A_3455 = tpu.memref_slice %arg8[%dma_start3A_3453, %dma_start3A_3454] : memref<4x416xf32, #tpu.memory_space<vmem>> -> memref<1x128xf32, #tpu.memory_space<vmem>>
        %dma_start3A_3456 = tpu.memref_squeeze %dma_start3A_3455 : memref<1x128xf32, #tpu.memory_space<vmem>> -> memref<128xf32, #tpu.memory_space<vmem>>
        %dma_start3A_3457 = tpu.memref_slice %arg6[%add3A_3445] : memref<26624xi32, #tpu.memory_space<vmem>> -> memref<128xi32, #tpu.memory_space<vmem>>
        %dma_start3A_3458 = arith.constant 0 : i32
        %dma_start3A_3459 = tpu.memref_slice %arg4[%dma_start3A_3458] : memref<1015808xf32, #tpu.memory_space<hbm>> -> memref<1015808xf32, #tpu.memory_space<hbm>>
        tpu.enqueue_indirect_dma source(%dma_start3A_3459 : memref<1015808xf32, #tpu.memory_space<hbm>>) target(%dma_start3A_3456 : memref<128xf32, #tpu.memory_space<vmem>>) offsets(%dma_start3A_3457 : memref<128xi32, #tpu.memory_space<vmem>>) semaphore(%arg13 : memref<!tpu.dma_semaphore, #tpu.memory_space<semaphore_mem>>)
        %add3A_3460 = arith.constant 256 : i32
        %add3A_3461 = arith.addi %mul3A_3427, %add3A_3460 : i32
        %dma_start3A_3462 = arith.constant 3 : i32
        %dma_start3A_3463 = arith.constant 256 : i32
        %dma_start3A_3464 = tpu.memref_slice %arg7[%dma_start3A_3462, %dma_start3A_3463] : memref<4x416xf32, #tpu.memory_space<vmem>> -> memref<1x128xf32, #tpu.memory_space<vmem>>
        %dma_start3A_3465 = tpu.memref_squeeze %dma_start3A_3464 : memref<1x128xf32, #tpu.memory_space<vmem>> -> memref<128xf32, #tpu.memory_space<vmem>>
        %dma_start3A_3466 = tpu.memref_slice %arg6[%add3A_3461] : memref<26624xi32, #tpu.memory_space<vmem>> -> memref<128xi32, #tpu.memory_space<vmem>>
        %dma_start3A_3467 = arith.constant 0 : i32
        %dma_start3A_3468 = tpu.memref_slice %arg3[%dma_start3A_3467] : memref<1015808xf32, #tpu.memory_space<hbm>> -> memref<1015808xf32, #tpu.memory_space<hbm>>
        tpu.enqueue_indirect_dma source(%dma_start3A_3468 : memref<1015808xf32, #tpu.memory_space<hbm>>) target(%dma_start3A_3465 : memref<128xf32, #tpu.memory_space<vmem>>) offsets(%dma_start3A_3466 : memref<128xi32, #tpu.memory_space<vmem>>) semaphore(%arg13 : memref<!tpu.dma_semaphore, #tpu.memory_space<semaphore_mem>>)
        %dma_start3A_3469 = arith.constant 3 : i32
        %dma_start3A_3470 = arith.constant 256 : i32
        %dma_start3A_3471 = tpu.memref_slice %arg8[%dma_start3A_3469, %dma_start3A_3470] : memref<4x416xf32, #tpu.memory_space<vmem>> -> memref<1x128xf32, #tpu.memory_space<vmem>>
        %dma_start3A_3472 = tpu.memref_squeeze %dma_start3A_3471 : memref<1x128xf32, #tpu.memory_space<vmem>> -> memref<128xf32, #tpu.memory_space<vmem>>
        %dma_start3A_3473 = tpu.memref_slice %arg6[%add3A_3461] : memref<26624xi32, #tpu.memory_space<vmem>> -> memref<128xi32, #tpu.memory_space<vmem>>
        %dma_start3A_3474 = arith.constant 0 : i32
        %dma_start3A_3475 = tpu.memref_slice %arg4[%dma_start3A_3474] : memref<1015808xf32, #tpu.memory_space<hbm>> -> memref<1015808xf32, #tpu.memory_space<hbm>>
        tpu.enqueue_indirect_dma source(%dma_start3A_3475 : memref<1015808xf32, #tpu.memory_space<hbm>>) target(%dma_start3A_3472 : memref<128xf32, #tpu.memory_space<vmem>>) offsets(%dma_start3A_3473 : memref<128xi32, #tpu.memory_space<vmem>>) semaphore(%arg13 : memref<!tpu.dma_semaphore, #tpu.memory_space<semaphore_mem>>)
        %add3A_3476 = arith.constant 384 : i32
        %add3A_3477 = arith.addi %mul3A_3427, %add3A_3476 : i32
        %dma_start3A_3478 = arith.constant 3 : i32
        %dma_start3A_3479 = arith.constant 384 : i32
        %dma_start3A_3480 = tpu.memref_slice %arg7[%dma_start3A_3478, %dma_start3A_3479] : memref<4x416xf32, #tpu.memory_space<vmem>> -> memref<1x32xf32, #tpu.memory_space<vmem>>
        %dma_start3A_3481 = tpu.memref_squeeze %dma_start3A_3480 : memref<1x32xf32, #tpu.memory_space<vmem>> -> memref<32xf32, #tpu.memory_space<vmem>>
        %dma_start3A_3482 = tpu.memref_slice %arg6[%add3A_3477] : memref<26624xi32, #tpu.memory_space<vmem>> -> memref<32xi32, #tpu.memory_space<vmem>>
        %dma_start3A_3483 = arith.constant 0 : i32
        %dma_start3A_3484 = tpu.memref_slice %arg3[%dma_start3A_3483] : memref<1015808xf32, #tpu.memory_space<hbm>> -> memref<1015808xf32, #tpu.memory_space<hbm>>
        tpu.enqueue_indirect_dma source(%dma_start3A_3484 : memref<1015808xf32, #tpu.memory_space<hbm>>) target(%dma_start3A_3481 : memref<32xf32, #tpu.memory_space<vmem>>) offsets(%dma_start3A_3482 : memref<32xi32, #tpu.memory_space<vmem>>) semaphore(%arg13 : memref<!tpu.dma_semaphore, #tpu.memory_space<semaphore_mem>>)
        %dma_start3A_3485 = arith.constant 3 : i32
        %dma_start3A_3486 = arith.constant 384 : i32
        %dma_start3A_3487 = tpu.memref_slice %arg8[%dma_start3A_3485, %dma_start3A_3486] : memref<4x416xf32, #tpu.memory_space<vmem>> -> memref<1x32xf32, #tpu.memory_space<vmem>>
        %dma_start3A_3488 = tpu.memref_squeeze %dma_start3A_3487 : memref<1x32xf32, #tpu.memory_space<vmem>> -> memref<32xf32, #tpu.memory_space<vmem>>
        %dma_start3A_3489 = tpu.memref_slice %arg6[%add3A_3477] : memref<26624xi32, #tpu.memory_space<vmem>> -> memref<32xi32, #tpu.memory_space<vmem>>
        %dma_start3A_3490 = arith.constant 0 : i32
        %dma_start3A_3491 = tpu.memref_slice %arg4[%dma_start3A_3490] : memref<1015808xf32, #tpu.memory_space<hbm>> -> memref<1015808xf32, #tpu.memory_space<hbm>>
        tpu.enqueue_indirect_dma source(%dma_start3A_3491 : memref<1015808xf32, #tpu.memory_space<hbm>>) target(%dma_start3A_3488 : memref<32xf32, #tpu.memory_space<vmem>>) offsets(%dma_start3A_3489 : memref<32xi32, #tpu.memory_space<vmem>>) semaphore(%arg13 : memref<!tpu.dma_semaphore, #tpu.memory_space<semaphore_mem>>)
      } else {
      }
      %dma_wait3A = arith.constant 0 : i32
      %dma_wait3A_212 = arith.constant 0 : i32
      %dma_wait3A_213 = tpu.memref_slice %arg7[%dma_wait3A, %dma_wait3A_212] : memref<4x416xf32, #tpu.memory_space<vmem>> -> memref<1x416xf32, #tpu.memory_space<vmem>>
      %dma_wait3A_214 = tpu.memref_squeeze %dma_wait3A_213 : memref<1x416xf32, #tpu.memory_space<vmem>> -> memref<416xf32, #tpu.memory_space<vmem>>
      %dma_wait3A_215 = arith.constant 0 : i32
      %dma_wait3A_216 = tpu.memref_slice %arg3[%dma_wait3A_215] : memref<1015808xf32, #tpu.memory_space<hbm>> -> memref<416xf32, #tpu.memory_space<hbm>>
      %dma_wait3A_217 = arith.constant 0 : i32
      %dma_wait3A_218 = tpu.memref_slice %arg7[%dma_wait3A, %dma_wait3A_217] : memref<4x416xf32, #tpu.memory_space<vmem>> -> memref<1x416xf32, #tpu.memory_space<vmem>>
      %dma_wait3A_219 = tpu.memref_squeeze %dma_wait3A_218 : memref<1x416xf32, #tpu.memory_space<vmem>> -> memref<416xf32, #tpu.memory_space<vmem>>
      %dma_wait3A_220 = arith.constant 0 : i32
      %dma_wait3A_221 = tpu.memref_slice %arg3[%dma_wait3A_220] : memref<1015808xf32, #tpu.memory_space<hbm>> -> memref<416xf32, #tpu.memory_space<hbm>>
      tpu.wait_dma2 semaphore(%arg10 : memref<!tpu.dma_semaphore, #tpu.memory_space<semaphore_mem>>) src(%dma_wait3A_221 : memref<416xf32, #tpu.memory_space<hbm>>) dst(%dma_wait3A_219 : memref<416xf32, #tpu.memory_space<vmem>>)
      %dma_wait3A_222 = arith.constant 0 : i32
      %dma_wait3A_223 = arith.constant 0 : i32
      %dma_wait3A_224 = tpu.memref_slice %arg8[%dma_wait3A_222, %dma_wait3A_223] : memref<4x416xf32, #tpu.memory_space<vmem>> -> memref<1x416xf32, #tpu.memory_space<vmem>>
      %dma_wait3A_225 = tpu.memref_squeeze %dma_wait3A_224 : memref<1x416xf32, #tpu.memory_space<vmem>> -> memref<416xf32, #tpu.memory_space<vmem>>
      %dma_wait3A_226 = arith.constant 0 : i32
      %dma_wait3A_227 = tpu.memref_slice %arg4[%dma_wait3A_226] : memref<1015808xf32, #tpu.memory_space<hbm>> -> memref<416xf32, #tpu.memory_space<hbm>>
      %dma_wait3A_228 = arith.constant 0 : i32
      %dma_wait3A_229 = tpu.memref_slice %arg8[%dma_wait3A_222, %dma_wait3A_228] : memref<4x416xf32, #tpu.memory_space<vmem>> -> memref<1x416xf32, #tpu.memory_space<vmem>>
      %dma_wait3A_230 = tpu.memref_squeeze %dma_wait3A_229 : memref<1x416xf32, #tpu.memory_space<vmem>> -> memref<416xf32, #tpu.memory_space<vmem>>
      %dma_wait3A_231 = arith.constant 0 : i32
      %dma_wait3A_232 = tpu.memref_slice %arg4[%dma_wait3A_231] : memref<1015808xf32, #tpu.memory_space<hbm>> -> memref<416xf32, #tpu.memory_space<hbm>>
      tpu.wait_dma2 semaphore(%arg10 : memref<!tpu.dma_semaphore, #tpu.memory_space<semaphore_mem>>) src(%dma_wait3A_232 : memref<416xf32, #tpu.memory_space<hbm>>) dst(%dma_wait3A_230 : memref<416xf32, #tpu.memory_space<vmem>>)
      %mul3A_233 = arith.constant 2 : i32
      %mul3A_234 = arith.muli %add3A_206, %mul3A_233 : i32
      %add3A_235 = arith.constant 0 : i32
      %add3A_236 = arith.addi %mul3A_234, %add3A_235 : i32
      %broadcast_in_dim3A = arith.constant 0.000000e+00 : f32
      %broadcast_in_dim3A_237 = vector.broadcast %broadcast_in_dim3A : f32 to vector<16xf32>
      %get3A = arith.constant 0 : i32
      %get3A_238 = arith.index_cast %get3A : i32 to index
      %get3A_239 = arith.constant 0 : index
      %get3A_240 = tpu.vector_load %arg7[%get3A_238, %get3A_239] {strides = array<i32>} : memref<4x416xf32, #tpu.memory_space<vmem>>, vector<1x16xf32>,
      %get3A_241 = vector.shape_cast %get3A_240 : vector<1x16xf32> to vector<16xf32>
      %add3A_242 = arith.addf %broadcast_in_dim3A_237, %get3A_241 : vector<16xf32>
      %get3A_243 = arith.constant 0 : i32
      %get3A_244 = arith.index_cast %get3A_243 : i32 to index
      %get3A_245 = arith.constant 0 : index
      %get3A_246 = tpu.vector_load %arg8[%get3A_244, %get3A_245] {strides = array<i32>} : memref<4x416xf32, #tpu.memory_space<vmem>>, vector<1x16xf32>,
      %get3A_247 = vector.shape_cast %get3A_246 : vector<1x16xf32> to vector<16xf32>
      %add3A_248 = arith.addf %broadcast_in_dim3A_237, %get3A_247 : vector<16xf32>
      %mul3A_249 = arith.constant 416 : i32
      %mul3A_250 = arith.muli %add3A_206, %mul3A_249 : i32
      %add3A_251 = arith.constant 0 : i32
      %add3A_252 = arith.addi %mul3A_250, %add3A_251 : i32
      %get3A_253 = arith.index_cast %add3A_252 : i32 to index
      %get3A_254 = tpu.vector_load %arg6[%get3A_253] {strides = array<i32>} : memref<26624xi32, #tpu.memory_space<vmem>>, vector<16xi32>,
      %get3A_255 = vector.shape_cast %get3A_254 : vector<16xi32> to vector<16xi32>
      %ne3A = arith.constant 0 : i32
      %ne3A_256 = vector.broadcast %ne3A : i32 to vector<16xi32>
      %ne3A_257 = arith.cmpi ne, %get3A_255, %ne3A_256 : vector<16xi32>
      %jit3A = arith.constant 1.000000e+00 : f32
      %jit3A_258 = arith.constant 0.000000e+00 : f32
      %broadcast_in_dim3A_259 = vector.broadcast %jit3A : f32 to vector<16xf32>
      %broadcast_in_dim3A_260 = vector.broadcast %jit3A_258 : f32 to vector<16xf32>
      %select_n3A = arith.select %ne3A_257, %broadcast_in_dim3A_259, %broadcast_in_dim3A_260 : vector<16xi1>, vector<16xf32>
      %add3A_261 = arith.addf %broadcast_in_dim3A_237, %select_n3A : vector<16xf32>
      %get3A_262 = arith.constant 0 : i32
      %get3A_263 = arith.index_cast %get3A_262 : i32 to index
      %get3A_264 = arith.constant 16 : index
      %get3A_265 = tpu.vector_load %arg7[%get3A_263, %get3A_264] {strides = array<i32>} : memref<4x416xf32, #tpu.memory_space<vmem>>, vector<1x16xf32>,
      %get3A_266 = vector.shape_cast %get3A_265 : vector<1x16xf32> to vector<16xf32>
      %add3A_267 = arith.addf %broadcast_in_dim3A_237, %get3A_266 : vector<16xf32>
      %get3A_268 = arith.constant 0 : i32
      %get3A_269 = arith.index_cast %get3A_268 : i32 to index
      %get3A_270 = arith.constant 16 : index
      %get3A_271 = tpu.vector_load %arg8[%get3A_269, %get3A_270] {strides = array<i32>} : memref<4x416xf32, #tpu.memory_space<vmem>>, vector<1x16xf32>,
      %get3A_272 = vector.shape_cast %get3A_271 : vector<1x16xf32> to vector<16xf32>
      %add3A_273 = arith.addf %broadcast_in_dim3A_237, %get3A_272 : vector<16xf32>
      %mul3A_274 = arith.constant 416 : i32
      %mul3A_275 = arith.muli %add3A_206, %mul3A_274 : i32
      %add3A_276 = arith.constant 16 : i32
      %add3A_277 = arith.addi %mul3A_275, %add3A_276 : i32
      %get3A_278 = arith.index_cast %add3A_277 : i32 to index
      %get3A_279 = tpu.vector_load %arg6[%get3A_278] {strides = array<i32>} : memref<26624xi32, #tpu.memory_space<vmem>>, vector<16xi32>,
      %get3A_280 = vector.shape_cast %get3A_279 : vector<16xi32> to vector<16xi32>
      %ne3A_281 = arith.constant 0 : i32
      %ne3A_282 = vector.broadcast %ne3A_281 : i32 to vector<16xi32>
      %ne3A_283 = arith.cmpi ne, %get3A_280, %ne3A_282 : vector<16xi32>
      %jit3A_284 = arith.constant 1.000000e+00 : f32
      %jit3A_285 = arith.constant 0.000000e+00 : f32
      %broadcast_in_dim3A_286 = vector.broadcast %jit3A_284 : f32 to vector<16xf32>
      %broadcast_in_dim3A_287 = vector.broadcast %jit3A_285 : f32 to vector<16xf32>
      %select_n3A_288 = arith.select %ne3A_283, %broadcast_in_dim3A_286, %broadcast_in_dim3A_287 : vector<16xi1>, vector<16xf32>
      %add3A_289 = arith.addf %add3A_261, %select_n3A_288 : vector<16xf32>
      %get3A_290 = arith.constant 0 : i32
      %get3A_291 = arith.index_cast %get3A_290 : i32 to index
      %get3A_292 = arith.constant 32 : index
      %get3A_293 = tpu.vector_load %arg7[%get3A_291, %get3A_292] {strides = array<i32>} : memref<4x416xf32, #tpu.memory_space<vmem>>, vector<1x16xf32>,
      %get3A_294 = vector.shape_cast %get3A_293 : vector<1x16xf32> to vector<16xf32>
      %add3A_295 = arith.addf %add3A_242, %get3A_294 : vector<16xf32>
      %get3A_296 = arith.constant 0 : i32
      %get3A_297 = arith.index_cast %get3A_296 : i32 to index
      %get3A_298 = arith.constant 32 : index
      %get3A_299 = tpu.vector_load %arg8[%get3A_297, %get3A_298] {strides = array<i32>} : memref<4x416xf32, #tpu.memory_space<vmem>>, vector<1x16xf32>,
      %get3A_300 = vector.shape_cast %get3A_299 : vector<1x16xf32> to vector<16xf32>
      %add3A_301 = arith.addf %add3A_248, %get3A_300 : vector<16xf32>
      %mul3A_302 = arith.constant 416 : i32
      %mul3A_303 = arith.muli %add3A_206, %mul3A_302 : i32
      %add3A_304 = arith.constant 32 : i32
      %add3A_305 = arith.addi %mul3A_303, %add3A_304 : i32
      %get3A_306 = arith.index_cast %add3A_305 : i32 to index
      %get3A_307 = tpu.vector_load %arg6[%get3A_306] {strides = array<i32>} : memref<26624xi32, #tpu.memory_space<vmem>>, vector<16xi32>,
      %get3A_308 = vector.shape_cast %get3A_307 : vector<16xi32> to vector<16xi32>
      %ne3A_309 = arith.constant 0 : i32
      %ne3A_310 = vector.broadcast %ne3A_309 : i32 to vector<16xi32>
      %ne3A_311 = arith.cmpi ne, %get3A_308, %ne3A_310 : vector<16xi32>
      %jit3A_312 = arith.constant 1.000000e+00 : f32
      %jit3A_313 = arith.constant 0.000000e+00 : f32
      %broadcast_in_dim3A_314 = vector.broadcast %jit3A_312 : f32 to vector<16xf32>
      %broadcast_in_dim3A_315 = vector.broadcast %jit3A_313 : f32 to vector<16xf32>
      %select_n3A_316 = arith.select %ne3A_311, %broadcast_in_dim3A_314, %broadcast_in_dim3A_315 : vector<16xi1>, vector<16xf32>
      %add3A_317 = arith.addf %add3A_289, %select_n3A_316 : vector<16xf32>
      %get3A_318 = arith.constant 0 : i32
      %get3A_319 = arith.index_cast %get3A_318 : i32 to index
      %get3A_320 = arith.constant 48 : index
      %get3A_321 = tpu.vector_load %arg7[%get3A_319, %get3A_320] {strides = array<i32>} : memref<4x416xf32, #tpu.memory_space<vmem>>, vector<1x16xf32>,
      %get3A_322 = vector.shape_cast %get3A_321 : vector<1x16xf32> to vector<16xf32>
      %add3A_323 = arith.addf %add3A_267, %get3A_322 : vector<16xf32>
      %get3A_324 = arith.constant 0 : i32
      %get3A_325 = arith.index_cast %get3A_324 : i32 to index
      %get3A_326 = arith.constant 48 : index
      %get3A_327 = tpu.vector_load %arg8[%get3A_325, %get3A_326] {strides = array<i32>} : memref<4x416xf32, #tpu.memory_space<vmem>>, vector<1x16xf32>,
      %get3A_328 = vector.shape_cast %get3A_327 : vector<1x16xf32> to vector<16xf32>
      %add3A_329 = arith.addf %add3A_273, %get3A_328 : vector<16xf32>
      %mul3A_330 = arith.constant 416 : i32
      %mul3A_331 = arith.muli %add3A_206, %mul3A_330 : i32
      %add3A_332 = arith.constant 48 : i32
      %add3A_333 = arith.addi %mul3A_331, %add3A_332 : i32
      %get3A_334 = arith.index_cast %add3A_333 : i32 to index
      %get3A_335 = tpu.vector_load %arg6[%get3A_334] {strides = array<i32>} : memref<26624xi32, #tpu.memory_space<vmem>>, vector<16xi32>,
      %get3A_336 = vector.shape_cast %get3A_335 : vector<16xi32> to vector<16xi32>
      %ne3A_337 = arith.constant 0 : i32
      %ne3A_338 = vector.broadcast %ne3A_337 : i32 to vector<16xi32>
      %ne3A_339 = arith.cmpi ne, %get3A_336, %ne3A_338 : vector<16xi32>
      %jit3A_340 = arith.constant 1.000000e+00 : f32
      %jit3A_341 = arith.constant 0.000000e+00 : f32
      %broadcast_in_dim3A_342 = vector.broadcast %jit3A_340 : f32 to vector<16xf32>
      %broadcast_in_dim3A_343 = vector.broadcast %jit3A_341 : f32 to vector<16xf32>
      %select_n3A_344 = arith.select %ne3A_339, %broadcast_in_dim3A_342, %broadcast_in_dim3A_343 : vector<16xi1>, vector<16xf32>
      %add3A_345 = arith.addf %add3A_317, %select_n3A_344 : vector<16xf32>
      %get3A_346 = arith.constant 0 : i32
      %get3A_347 = arith.index_cast %get3A_346 : i32 to index
      %get3A_348 = arith.constant 64 : index
      %get3A_349 = tpu.vector_load %arg7[%get3A_347, %get3A_348] {strides = array<i32>} : memref<4x416xf32, #tpu.memory_space<vmem>>, vector<1x16xf32>,
      %get3A_350 = vector.shape_cast %get3A_349 : vector<1x16xf32> to vector<16xf32>
      %add3A_351 = arith.addf %add3A_295, %get3A_350 : vector<16xf32>
      %get3A_352 = arith.constant 0 : i32
      %get3A_353 = arith.index_cast %get3A_352 : i32 to index
      %get3A_354 = arith.constant 64 : index
      %get3A_355 = tpu.vector_load %arg8[%get3A_353, %get3A_354] {strides = array<i32>} : memref<4x416xf32, #tpu.memory_space<vmem>>, vector<1x16xf32>,
      %get3A_356 = vector.shape_cast %get3A_355 : vector<1x16xf32> to vector<16xf32>
      %add3A_357 = arith.addf %add3A_301, %get3A_356 : vector<16xf32>
      %mul3A_358 = arith.constant 416 : i32
      %mul3A_359 = arith.muli %add3A_206, %mul3A_358 : i32
      %add3A_360 = arith.constant 64 : i32
      %add3A_361 = arith.addi %mul3A_359, %add3A_360 : i32
      %get3A_362 = arith.index_cast %add3A_361 : i32 to index
      %get3A_363 = tpu.vector_load %arg6[%get3A_362] {strides = array<i32>} : memref<26624xi32, #tpu.memory_space<vmem>>, vector<16xi32>,
      %get3A_364 = vector.shape_cast %get3A_363 : vector<16xi32> to vector<16xi32>
      %ne3A_365 = arith.constant 0 : i32
      %ne3A_366 = vector.broadcast %ne3A_365 : i32 to vector<16xi32>
      %ne3A_367 = arith.cmpi ne, %get3A_364, %ne3A_366 : vector<16xi32>
      %jit3A_368 = arith.constant 1.000000e+00 : f32
      %jit3A_369 = arith.constant 0.000000e+00 : f32
      %broadcast_in_dim3A_370 = vector.broadcast %jit3A_368 : f32 to vector<16xf32>
      %broadcast_in_dim3A_371 = vector.broadcast %jit3A_369 : f32 to vector<16xf32>
      %select_n3A_372 = arith.select %ne3A_367, %broadcast_in_dim3A_370, %broadcast_in_dim3A_371 : vector<16xi1>, vector<16xf32>
      %add3A_373 = arith.addf %add3A_345, %select_n3A_372 : vector<16xf32>
      %get3A_374 = arith.constant 0 : i32
      %get3A_375 = arith.index_cast %get3A_374 : i32 to index
      %get3A_376 = arith.constant 80 : index
      %get3A_377 = tpu.vector_load %arg7[%get3A_375, %get3A_376] {strides = array<i32>} : memref<4x416xf32, #tpu.memory_space<vmem>>, vector<1x16xf32>,
      %get3A_378 = vector.shape_cast %get3A_377 : vector<1x16xf32> to vector<16xf32>
      %add3A_379 = arith.addf %add3A_323, %get3A_378 : vector<16xf32>
      %get3A_380 = arith.constant 0 : i32
      %get3A_381 = arith.index_cast %get3A_380 : i32 to index
      %get3A_382 = arith.constant 80 : index
      %get3A_383 = tpu.vector_load %arg8[%get3A_381, %get3A_382] {strides = array<i32>} : memref<4x416xf32, #tpu.memory_space<vmem>>, vector<1x16xf32>,
      %get3A_384 = vector.shape_cast %get3A_383 : vector<1x16xf32> to vector<16xf32>
      %add3A_385 = arith.addf %add3A_329, %get3A_384 : vector<16xf32>
      %mul3A_386 = arith.constant 416 : i32
      %mul3A_387 = arith.muli %add3A_206, %mul3A_386 : i32
      %add3A_388 = arith.constant 80 : i32
      %add3A_389 = arith.addi %mul3A_387, %add3A_388 : i32
      %get3A_390 = arith.index_cast %add3A_389 : i32 to index
      %get3A_391 = tpu.vector_load %arg6[%get3A_390] {strides = array<i32>} : memref<26624xi32, #tpu.memory_space<vmem>>, vector<16xi32>,
      %get3A_392 = vector.shape_cast %get3A_391 : vector<16xi32> to vector<16xi32>
      %ne3A_393 = arith.constant 0 : i32
      %ne3A_394 = vector.broadcast %ne3A_393 : i32 to vector<16xi32>
      %ne3A_395 = arith.cmpi ne, %get3A_392, %ne3A_394 : vector<16xi32>
      %jit3A_396 = arith.constant 1.000000e+00 : f32
      %jit3A_397 = arith.constant 0.000000e+00 : f32
      %broadcast_in_dim3A_398 = vector.broadcast %jit3A_396 : f32 to vector<16xf32>
      %broadcast_in_dim3A_399 = vector.broadcast %jit3A_397 : f32 to vector<16xf32>
      %select_n3A_400 = arith.select %ne3A_395, %broadcast_in_dim3A_398, %broadcast_in_dim3A_399 : vector<16xi1>, vector<16xf32>
      %add3A_401 = arith.addf %add3A_373, %select_n3A_400 : vector<16xf32>
      %get3A_402 = arith.constant 0 : i32
      %get3A_403 = arith.index_cast %get3A_402 : i32 to index
      %get3A_404 = arith.constant 96 : index
      %get3A_405 = tpu.vector_load %arg7[%get3A_403, %get3A_404] {strides = array<i32>} : memref<4x416xf32, #tpu.memory_space<vmem>>, vector<1x16xf32>,
      %get3A_406 = vector.shape_cast %get3A_405 : vector<1x16xf32> to vector<16xf32>
      %add3A_407 = arith.addf %add3A_351, %get3A_406 : vector<16xf32>
      %get3A_408 = arith.constant 0 : i32
      %get3A_409 = arith.index_cast %get3A_408 : i32 to index
      %get3A_410 = arith.constant 96 : index
      %get3A_411 = tpu.vector_load %arg8[%get3A_409, %get3A_410] {strides = array<i32>} : memref<4x416xf32, #tpu.memory_space<vmem>>, vector<1x16xf32>,
      %get3A_412 = vector.shape_cast %get3A_411 : vector<1x16xf32> to vector<16xf32>
      %add3A_413 = arith.addf %add3A_357, %get3A_412 : vector<16xf32>
      %mul3A_414 = arith.constant 416 : i32
      %mul3A_415 = arith.muli %add3A_206, %mul3A_414 : i32
      %add3A_416 = arith.constant 96 : i32
      %add3A_417 = arith.addi %mul3A_415, %add3A_416 : i32
      %get3A_418 = arith.index_cast %add3A_417 : i32 to index
      %get3A_419 = tpu.vector_load %arg6[%get3A_418] {strides = array<i32>} : memref<26624xi32, #tpu.memory_space<vmem>>, vector<16xi32>,
      %get3A_420 = vector.shape_cast %get3A_419 : vector<16xi32> to vector<16xi32>
      %ne3A_421 = arith.constant 0 : i32
      %ne3A_422 = vector.broadcast %ne3A_421 : i32 to vector<16xi32>
      %ne3A_423 = arith.cmpi ne, %get3A_420, %ne3A_422 : vector<16xi32>
      %jit3A_424 = arith.constant 1.000000e+00 : f32
      %jit3A_425 = arith.constant 0.000000e+00 : f32
      %broadcast_in_dim3A_426 = vector.broadcast %jit3A_424 : f32 to vector<16xf32>
      %broadcast_in_dim3A_427 = vector.broadcast %jit3A_425 : f32 to vector<16xf32>
      %select_n3A_428 = arith.select %ne3A_423, %broadcast_in_dim3A_426, %broadcast_in_dim3A_427 : vector<16xi1>, vector<16xf32>
      %add3A_429 = arith.addf %add3A_401, %select_n3A_428 : vector<16xf32>
      %get3A_430 = arith.constant 0 : i32
      %get3A_431 = arith.index_cast %get3A_430 : i32 to index
      %get3A_432 = arith.constant 112 : index
      %get3A_433 = tpu.vector_load %arg7[%get3A_431, %get3A_432] {strides = array<i32>} : memref<4x416xf32, #tpu.memory_space<vmem>>, vector<1x16xf32>,
      %get3A_434 = vector.shape_cast %get3A_433 : vector<1x16xf32> to vector<16xf32>
      %add3A_435 = arith.addf %add3A_379, %get3A_434 : vector<16xf32>
      %get3A_436 = arith.constant 0 : i32
      %get3A_437 = arith.index_cast %get3A_436 : i32 to index
      %get3A_438 = arith.constant 112 : index
      %get3A_439 = tpu.vector_load %arg8[%get3A_437, %get3A_438] {strides = array<i32>} : memref<4x416xf32, #tpu.memory_space<vmem>>, vector<1x16xf32>,
      %get3A_440 = vector.shape_cast %get3A_439 : vector<1x16xf32> to vector<16xf32>
      %add3A_441 = arith.addf %add3A_385, %get3A_440 : vector<16xf32>
      %mul3A_442 = arith.constant 416 : i32
      %mul3A_443 = arith.muli %add3A_206, %mul3A_442 : i32
      %add3A_444 = arith.constant 112 : i32
      %add3A_445 = arith.addi %mul3A_443, %add3A_444 : i32
      %get3A_446 = arith.index_cast %add3A_445 : i32 to index
      %get3A_447 = tpu.vector_load %arg6[%get3A_446] {strides = array<i32>} : memref<26624xi32, #tpu.memory_space<vmem>>, vector<16xi32>,
      %get3A_448 = vector.shape_cast %get3A_447 : vector<16xi32> to vector<16xi32>
      %ne3A_449 = arith.constant 0 : i32
      %ne3A_450 = vector.broadcast %ne3A_449 : i32 to vector<16xi32>
      %ne3A_451 = arith.cmpi ne, %get3A_448, %ne3A_450 : vector<16xi32>
      %jit3A_452 = arith.constant 1.000000e+00 : f32
      %jit3A_453 = arith.constant 0.000000e+00 : f32
      %broadcast_in_dim3A_454 = vector.broadcast %jit3A_452 : f32 to vector<16xf32>
      %broadcast_in_dim3A_455 = vector.broadcast %jit3A_453 : f32 to vector<16xf32>
      %select_n3A_456 = arith.select %ne3A_451, %broadcast_in_dim3A_454, %broadcast_in_dim3A_455 : vector<16xi1>, vector<16xf32>
      %add3A_457 = arith.addf %add3A_429, %select_n3A_456 : vector<16xf32>
      %get3A_458 = arith.constant 0 : i32
      %get3A_459 = arith.index_cast %get3A_458 : i32 to index
      %get3A_460 = arith.constant 128 : index
      %get3A_461 = tpu.vector_load %arg7[%get3A_459, %get3A_460] {strides = array<i32>} : memref<4x416xf32, #tpu.memory_space<vmem>>, vector<1x16xf32>,
      %get3A_462 = vector.shape_cast %get3A_461 : vector<1x16xf32> to vector<16xf32>
      %add3A_463 = arith.addf %add3A_407, %get3A_462 : vector<16xf32>
      %get3A_464 = arith.constant 0 : i32
      %get3A_465 = arith.index_cast %get3A_464 : i32 to index
      %get3A_466 = arith.constant 128 : index
      %get3A_467 = tpu.vector_load %arg8[%get3A_465, %get3A_466] {strides = array<i32>} : memref<4x416xf32, #tpu.memory_space<vmem>>, vector<1x16xf32>,
      %get3A_468 = vector.shape_cast %get3A_467 : vector<1x16xf32> to vector<16xf32>
      %add3A_469 = arith.addf %add3A_413, %get3A_468 : vector<16xf32>
      %mul3A_470 = arith.constant 416 : i32
      %mul3A_471 = arith.muli %add3A_206, %mul3A_470 : i32
      %add3A_472 = arith.constant 128 : i32
      %add3A_473 = arith.addi %mul3A_471, %add3A_472 : i32
      %get3A_474 = arith.index_cast %add3A_473 : i32 to index
      %get3A_475 = tpu.vector_load %arg6[%get3A_474] {strides = array<i32>} : memref<26624xi32, #tpu.memory_space<vmem>>, vector<16xi32>,
      %get3A_476 = vector.shape_cast %get3A_475 : vector<16xi32> to vector<16xi32>
      %ne3A_477 = arith.constant 0 : i32
      %ne3A_478 = vector.broadcast %ne3A_477 : i32 to vector<16xi32>
      %ne3A_479 = arith.cmpi ne, %get3A_476, %ne3A_478 : vector<16xi32>
      %jit3A_480 = arith.constant 1.000000e+00 : f32
      %jit3A_481 = arith.constant 0.000000e+00 : f32
      %broadcast_in_dim3A_482 = vector.broadcast %jit3A_480 : f32 to vector<16xf32>
      %broadcast_in_dim3A_483 = vector.broadcast %jit3A_481 : f32 to vector<16xf32>
      %select_n3A_484 = arith.select %ne3A_479, %broadcast_in_dim3A_482, %broadcast_in_dim3A_483 : vector<16xi1>, vector<16xf32>
      %add3A_485 = arith.addf %add3A_457, %select_n3A_484 : vector<16xf32>
      %get3A_486 = arith.constant 0 : i32
      %get3A_487 = arith.index_cast %get3A_486 : i32 to index
      %get3A_488 = arith.constant 144 : index
      %get3A_489 = tpu.vector_load %arg7[%get3A_487, %get3A_488] {strides = array<i32>} : memref<4x416xf32, #tpu.memory_space<vmem>>, vector<1x16xf32>,
      %get3A_490 = vector.shape_cast %get3A_489 : vector<1x16xf32> to vector<16xf32>
      %add3A_491 = arith.addf %add3A_435, %get3A_490 : vector<16xf32>
      %get3A_492 = arith.constant 0 : i32
      %get3A_493 = arith.index_cast %get3A_492 : i32 to index
      %get3A_494 = arith.constant 144 : index
      %get3A_495 = tpu.vector_load %arg8[%get3A_493, %get3A_494] {strides = array<i32>} : memref<4x416xf32, #tpu.memory_space<vmem>>, vector<1x16xf32>,
      %get3A_496 = vector.shape_cast %get3A_495 : vector<1x16xf32> to vector<16xf32>
      %add3A_497 = arith.addf %add3A_441, %get3A_496 : vector<16xf32>
      %mul3A_498 = arith.constant 416 : i32
      %mul3A_499 = arith.muli %add3A_206, %mul3A_498 : i32
      %add3A_500 = arith.constant 144 : i32
      %add3A_501 = arith.addi %mul3A_499, %add3A_500 : i32
      %get3A_502 = arith.index_cast %add3A_501 : i32 to index
      %get3A_503 = tpu.vector_load %arg6[%get3A_502] {strides = array<i32>} : memref<26624xi32, #tpu.memory_space<vmem>>, vector<16xi32>,
      %get3A_504 = vector.shape_cast %get3A_503 : vector<16xi32> to vector<16xi32>
      %ne3A_505 = arith.constant 0 : i32
      %ne3A_506 = vector.broadcast %ne3A_505 : i32 to vector<16xi32>
      %ne3A_507 = arith.cmpi ne, %get3A_504, %ne3A_506 : vector<16xi32>
      %jit3A_508 = arith.constant 1.000000e+00 : f32
      %jit3A_509 = arith.constant 0.000000e+00 : f32
      %broadcast_in_dim3A_510 = vector.broadcast %jit3A_508 : f32 to vector<16xf32>
      %broadcast_in_dim3A_511 = vector.broadcast %jit3A_509 : f32 to vector<16xf32>
      %select_n3A_512 = arith.select %ne3A_507, %broadcast_in_dim3A_510, %broadcast_in_dim3A_511 : vector<16xi1>, vector<16xf32>
      %add3A_513 = arith.addf %add3A_485, %select_n3A_512 : vector<16xf32>
      %get3A_514 = arith.constant 0 : i32
      %get3A_515 = arith.index_cast %get3A_514 : i32 to index
      %get3A_516 = arith.constant 160 : index
      %get3A_517 = tpu.vector_load %arg7[%get3A_515, %get3A_516] {strides = array<i32>} : memref<4x416xf32, #tpu.memory_space<vmem>>, vector<1x16xf32>,
      %get3A_518 = vector.shape_cast %get3A_517 : vector<1x16xf32> to vector<16xf32>
      %add3A_519 = arith.addf %add3A_463, %get3A_518 : vector<16xf32>
      %get3A_520 = arith.constant 0 : i32
      %get3A_521 = arith.index_cast %get3A_520 : i32 to index
      %get3A_522 = arith.constant 160 : index
      %get3A_523 = tpu.vector_load %arg8[%get3A_521, %get3A_522] {strides = array<i32>} : memref<4x416xf32, #tpu.memory_space<vmem>>, vector<1x16xf32>,
      %get3A_524 = vector.shape_cast %get3A_523 : vector<1x16xf32> to vector<16xf32>
      %add3A_525 = arith.addf %add3A_469, %get3A_524 : vector<16xf32>
      %mul3A_526 = arith.constant 416 : i32
      %mul3A_527 = arith.muli %add3A_206, %mul3A_526 : i32
      %add3A_528 = arith.constant 160 : i32
      %add3A_529 = arith.addi %mul3A_527, %add3A_528 : i32
      %get3A_530 = arith.index_cast %add3A_529 : i32 to index
      %get3A_531 = tpu.vector_load %arg6[%get3A_530] {strides = array<i32>} : memref<26624xi32, #tpu.memory_space<vmem>>, vector<16xi32>,
      %get3A_532 = vector.shape_cast %get3A_531 : vector<16xi32> to vector<16xi32>
      %ne3A_533 = arith.constant 0 : i32
      %ne3A_534 = vector.broadcast %ne3A_533 : i32 to vector<16xi32>
      %ne3A_535 = arith.cmpi ne, %get3A_532, %ne3A_534 : vector<16xi32>
      %jit3A_536 = arith.constant 1.000000e+00 : f32
      %jit3A_537 = arith.constant 0.000000e+00 : f32
      %broadcast_in_dim3A_538 = vector.broadcast %jit3A_536 : f32 to vector<16xf32>
      %broadcast_in_dim3A_539 = vector.broadcast %jit3A_537 : f32 to vector<16xf32>
      %select_n3A_540 = arith.select %ne3A_535, %broadcast_in_dim3A_538, %broadcast_in_dim3A_539 : vector<16xi1>, vector<16xf32>
      %add3A_541 = arith.addf %add3A_513, %select_n3A_540 : vector<16xf32>
      %get3A_542 = arith.constant 0 : i32
      %get3A_543 = arith.index_cast %get3A_542 : i32 to index
      %get3A_544 = arith.constant 176 : index
      %get3A_545 = tpu.vector_load %arg7[%get3A_543, %get3A_544] {strides = array<i32>} : memref<4x416xf32, #tpu.memory_space<vmem>>, vector<1x16xf32>,
      %get3A_546 = vector.shape_cast %get3A_545 : vector<1x16xf32> to vector<16xf32>
      %add3A_547 = arith.addf %add3A_491, %get3A_546 : vector<16xf32>
      %get3A_548 = arith.constant 0 : i32
      %get3A_549 = arith.index_cast %get3A_548 : i32 to index
      %get3A_550 = arith.constant 176 : index
      %get3A_551 = tpu.vector_load %arg8[%get3A_549, %get3A_550] {strides = array<i32>} : memref<4x416xf32, #tpu.memory_space<vmem>>, vector<1x16xf32>,
      %get3A_552 = vector.shape_cast %get3A_551 : vector<1x16xf32> to vector<16xf32>
      %add3A_553 = arith.addf %add3A_497, %get3A_552 : vector<16xf32>
      %mul3A_554 = arith.constant 416 : i32
      %mul3A_555 = arith.muli %add3A_206, %mul3A_554 : i32
      %add3A_556 = arith.constant 176 : i32
      %add3A_557 = arith.addi %mul3A_555, %add3A_556 : i32
      %get3A_558 = arith.index_cast %add3A_557 : i32 to index
      %get3A_559 = tpu.vector_load %arg6[%get3A_558] {strides = array<i32>} : memref<26624xi32, #tpu.memory_space<vmem>>, vector<16xi32>,
      %get3A_560 = vector.shape_cast %get3A_559 : vector<16xi32> to vector<16xi32>
      %ne3A_561 = arith.constant 0 : i32
      %ne3A_562 = vector.broadcast %ne3A_561 : i32 to vector<16xi32>
      %ne3A_563 = arith.cmpi ne, %get3A_560, %ne3A_562 : vector<16xi32>
      %jit3A_564 = arith.constant 1.000000e+00 : f32
      %jit3A_565 = arith.constant 0.000000e+00 : f32
      %broadcast_in_dim3A_566 = vector.broadcast %jit3A_564 : f32 to vector<16xf32>
      %broadcast_in_dim3A_567 = vector.broadcast %jit3A_565 : f32 to vector<16xf32>
      %select_n3A_568 = arith.select %ne3A_563, %broadcast_in_dim3A_566, %broadcast_in_dim3A_567 : vector<16xi1>, vector<16xf32>
      %add3A_569 = arith.addf %add3A_541, %select_n3A_568 : vector<16xf32>
      %get3A_570 = arith.constant 0 : i32
      %get3A_571 = arith.index_cast %get3A_570 : i32 to index
      %get3A_572 = arith.constant 192 : index
      %get3A_573 = tpu.vector_load %arg7[%get3A_571, %get3A_572] {strides = array<i32>} : memref<4x416xf32, #tpu.memory_space<vmem>>, vector<1x16xf32>,
      %get3A_574 = vector.shape_cast %get3A_573 : vector<1x16xf32> to vector<16xf32>
      %add3A_575 = arith.addf %add3A_519, %get3A_574 : vector<16xf32>
      %get3A_576 = arith.constant 0 : i32
      %get3A_577 = arith.index_cast %get3A_576 : i32 to index
      %get3A_578 = arith.constant 192 : index
      %get3A_579 = tpu.vector_load %arg8[%get3A_577, %get3A_578] {strides = array<i32>} : memref<4x416xf32, #tpu.memory_space<vmem>>, vector<1x16xf32>,
      %get3A_580 = vector.shape_cast %get3A_579 : vector<1x16xf32> to vector<16xf32>
      %add3A_581 = arith.addf %add3A_525, %get3A_580 : vector<16xf32>
      %mul3A_582 = arith.constant 416 : i32
      %mul3A_583 = arith.muli %add3A_206, %mul3A_582 : i32
      %add3A_584 = arith.constant 192 : i32
      %add3A_585 = arith.addi %mul3A_583, %add3A_584 : i32
      %get3A_586 = arith.index_cast %add3A_585 : i32 to index
      %get3A_587 = tpu.vector_load %arg6[%get3A_586] {strides = array<i32>} : memref<26624xi32, #tpu.memory_space<vmem>>, vector<16xi32>,
      %get3A_588 = vector.shape_cast %get3A_587 : vector<16xi32> to vector<16xi32>
      %ne3A_589 = arith.constant 0 : i32
      %ne3A_590 = vector.broadcast %ne3A_589 : i32 to vector<16xi32>
      %ne3A_591 = arith.cmpi ne, %get3A_588, %ne3A_590 : vector<16xi32>
      %jit3A_592 = arith.constant 1.000000e+00 : f32
      %jit3A_593 = arith.constant 0.000000e+00 : f32
      %broadcast_in_dim3A_594 = vector.broadcast %jit3A_592 : f32 to vector<16xf32>
      %broadcast_in_dim3A_595 = vector.broadcast %jit3A_593 : f32 to vector<16xf32>
      %select_n3A_596 = arith.select %ne3A_591, %broadcast_in_dim3A_594, %broadcast_in_dim3A_595 : vector<16xi1>, vector<16xf32>
      %add3A_597 = arith.addf %add3A_569, %select_n3A_596 : vector<16xf32>
      %add3A_598 = arith.addf %add3A_575, %add3A_547 : vector<16xf32>
      %swap3A = arith.index_cast %add3A_236 : i32 to index
      %swap3A_599 = arith.constant 0 : index
      %swap3A_600 = tpu.vector_load %arg9[%swap3A, %swap3A_599] {strides = array<i32>} : memref<128x48xf32, #tpu.memory_space<vmem>>, vector<1x16xf32>,
      %swap3A_601 = vector.shape_cast %swap3A_600 : vector<1x16xf32> to vector<16xf32>
      %swap3A_602 = vector.shape_cast %add3A_598 : vector<16xf32> to vector<1x16xf32>
      tpu.vector_store %arg9[%swap3A, %swap3A_599], %swap3A_602 {strides = array<i32>} : memref<128x48xf32, #tpu.memory_space<vmem>>, vector<1x16xf32>,
      %add3A_603 = arith.addf %add3A_581, %add3A_553 : vector<16xf32>
      %swap3A_604 = arith.index_cast %add3A_236 : i32 to index
      %swap3A_605 = arith.constant 16 : index
      %swap3A_606 = tpu.vector_load %arg9[%swap3A_604, %swap3A_605] {strides = array<i32>} : memref<128x48xf32, #tpu.memory_space<vmem>>, vector<1x16xf32>,
      %swap3A_607 = vector.shape_cast %swap3A_606 : vector<1x16xf32> to vector<16xf32>
      %swap3A_608 = vector.shape_cast %add3A_603 : vector<16xf32> to vector<1x16xf32>
      tpu.vector_store %arg9[%swap3A_604, %swap3A_605], %swap3A_608 {strides = array<i32>} : memref<128x48xf32, #tpu.memory_space<vmem>>, vector<1x16xf32>,
      %swap3A_609 = arith.index_cast %add3A_236 : i32 to index
      %swap3A_610 = arith.constant 32 : index
      %swap3A_611 = tpu.vector_load %arg9[%swap3A_609, %swap3A_610] {strides = array<i32>} : memref<128x48xf32, #tpu.memory_space<vmem>>, vector<1x16xf32>,
      %swap3A_612 = vector.shape_cast %swap3A_611 : vector<1x16xf32> to vector<16xf32>
      %swap3A_613 = vector.shape_cast %add3A_597 : vector<16xf32> to vector<1x16xf32>
      tpu.vector_store %arg9[%swap3A_609, %swap3A_610], %swap3A_613 {strides = array<i32>} : memref<128x48xf32, #tpu.memory_space<vmem>>, vector<1x16xf32>,
      %mul3A_614 = arith.constant 2 : i32
      %mul3A_615 = arith.muli %add3A_206, %mul3A_614 : i32
      %add3A_616 = arith.constant 1 : i32
      %add3A_617 = arith.addi %mul3A_615, %add3A_616 : i32
      %broadcast_in_dim3A_618 = arith.constant 0.000000e+00 : f32
      %broadcast_in_dim3A_619 = vector.broadcast %broadcast_in_dim3A_618 : f32 to vector<16xf32>
      %get3A_620 = arith.constant 0 : i32
      %get3A_621 = arith.index_cast %get3A_620 : i32 to index
      %get3A_622 = arith.constant 208 : index
      %get3A_623 = tpu.vector_load %arg7[%get3A_621, %get3A_622] {strides = array<i32>} : memref<4x416xf32, #tpu.memory_space<vmem>>, vector<1x16xf32>,
      %get3A_624 = vector.shape_cast %get3A_623 : vector<1x16xf32> to vector<16xf32>
      %add3A_625 = arith.addf %broadcast_in_dim3A_619, %get3A_624 : vector<16xf32>
      %get3A_626 = arith.constant 0 : i32
      %get3A_627 = arith.index_cast %get3A_626 : i32 to index
      %get3A_628 = arith.constant 208 : index
      %get3A_629 = tpu.vector_load %arg8[%get3A_627, %get3A_628] {strides = array<i32>} : memref<4x416xf32, #tpu.memory_space<vmem>>, vector<1x16xf32>,
      %get3A_630 = vector.shape_cast %get3A_629 : vector<1x16xf32> to vector<16xf32>
      %add3A_631 = arith.addf %broadcast_in_dim3A_619, %get3A_630 : vector<16xf32>
      %mul3A_632 = arith.constant 416 : i32
      %mul3A_633 = arith.muli %add3A_206, %mul3A_632 : i32
      %add3A_634 = arith.constant 208 : i32
      %add3A_635 = arith.addi %mul3A_633, %add3A_634 : i32
      %get3A_636 = arith.index_cast %add3A_635 : i32 to index
      %get3A_637 = tpu.vector_load %arg6[%get3A_636] {strides = array<i32>} : memref<26624xi32, #tpu.memory_space<vmem>>, vector<16xi32>,
      %get3A_638 = vector.shape_cast %get3A_637 : vector<16xi32> to vector<16xi32>
      %ne3A_639 = arith.constant 0 : i32
      %ne3A_640 = vector.broadcast %ne3A_639 : i32 to vector<16xi32>
      %ne3A_641 = arith.cmpi ne, %get3A_638, %ne3A_640 : vector<16xi32>
      %jit3A_642 = arith.constant 1.000000e+00 : f32
      %jit3A_643 = arith.constant 0.000000e+00 : f32
      %broadcast_in_dim3A_644 = vector.broadcast %jit3A_642 : f32 to vector<16xf32>
      %broadcast_in_dim3A_645 = vector.broadcast %jit3A_643 : f32 to vector<16xf32>
      %select_n3A_646 = arith.select %ne3A_641, %broadcast_in_dim3A_644, %broadcast_in_dim3A_645 : vector<16xi1>, vector<16xf32>
      %add3A_647 = arith.addf %broadcast_in_dim3A_619, %select_n3A_646 : vector<16xf32>
      %get3A_648 = arith.constant 0 : i32
      %get3A_649 = arith.index_cast %get3A_648 : i32 to index
      %get3A_650 = arith.constant 224 : index
      %get3A_651 = tpu.vector_load %arg7[%get3A_649, %get3A_650] {strides = array<i32>} : memref<4x416xf32, #tpu.memory_space<vmem>>, vector<1x16xf32>,
      %get3A_652 = vector.shape_cast %get3A_651 : vector<1x16xf32> to vector<16xf32>
      %add3A_653 = arith.addf %broadcast_in_dim3A_619, %get3A_652 : vector<16xf32>
      %get3A_654 = arith.constant 0 : i32
      %get3A_655 = arith.index_cast %get3A_654 : i32 to index
      %get3A_656 = arith.constant 224 : index
      %get3A_657 = tpu.vector_load %arg8[%get3A_655, %get3A_656] {strides = array<i32>} : memref<4x416xf32, #tpu.memory_space<vmem>>, vector<1x16xf32>,
      %get3A_658 = vector.shape_cast %get3A_657 : vector<1x16xf32> to vector<16xf32>
      %add3A_659 = arith.addf %broadcast_in_dim3A_619, %get3A_658 : vector<16xf32>
      %mul3A_660 = arith.constant 416 : i32
      %mul3A_661 = arith.muli %add3A_206, %mul3A_660 : i32
      %add3A_662 = arith.constant 224 : i32
      %add3A_663 = arith.addi %mul3A_661, %add3A_662 : i32
      %get3A_664 = arith.index_cast %add3A_663 : i32 to index
      %get3A_665 = tpu.vector_load %arg6[%get3A_664] {strides = array<i32>} : memref<26624xi32, #tpu.memory_space<vmem>>, vector<16xi32>,
      %get3A_666 = vector.shape_cast %get3A_665 : vector<16xi32> to vector<16xi32>
      %ne3A_667 = arith.constant 0 : i32
      %ne3A_668 = vector.broadcast %ne3A_667 : i32 to vector<16xi32>
      %ne3A_669 = arith.cmpi ne, %get3A_666, %ne3A_668 : vector<16xi32>
      %jit3A_670 = arith.constant 1.000000e+00 : f32
      %jit3A_671 = arith.constant 0.000000e+00 : f32
      %broadcast_in_dim3A_672 = vector.broadcast %jit3A_670 : f32 to vector<16xf32>
      %broadcast_in_dim3A_673 = vector.broadcast %jit3A_671 : f32 to vector<16xf32>
      %select_n3A_674 = arith.select %ne3A_669, %broadcast_in_dim3A_672, %broadcast_in_dim3A_673 : vector<16xi1>, vector<16xf32>
      %add3A_675 = arith.addf %add3A_647, %select_n3A_674 : vector<16xf32>
      %get3A_676 = arith.constant 0 : i32
      %get3A_677 = arith.index_cast %get3A_676 : i32 to index
      %get3A_678 = arith.constant 240 : index
      %get3A_679 = tpu.vector_load %arg7[%get3A_677, %get3A_678] {strides = array<i32>} : memref<4x416xf32, #tpu.memory_space<vmem>>, vector<1x16xf32>,
      %get3A_680 = vector.shape_cast %get3A_679 : vector<1x16xf32> to vector<16xf32>
      %add3A_681 = arith.addf %add3A_625, %get3A_680 : vector<16xf32>
      %get3A_682 = arith.constant 0 : i32
      %get3A_683 = arith.index_cast %get3A_682 : i32 to index
      %get3A_684 = arith.constant 240 : index
      %get3A_685 = tpu.vector_load %arg8[%get3A_683, %get3A_684] {strides = array<i32>} : memref<4x416xf32, #tpu.memory_space<vmem>>, vector<1x16xf32>,
      %get3A_686 = vector.shape_cast %get3A_685 : vector<1x16xf32> to vector<16xf32>
      %add3A_687 = arith.addf %add3A_631, %get3A_686 : vector<16xf32>
      %mul3A_688 = arith.constant 416 : i32
      %mul3A_689 = arith.muli %add3A_206, %mul3A_688 : i32
      %add3A_690 = arith.constant 240 : i32
      %add3A_691 = arith.addi %mul3A_689, %add3A_690 : i32
      %get3A_692 = arith.index_cast %add3A_691 : i32 to index
      %get3A_693 = tpu.vector_load %arg6[%get3A_692] {strides = array<i32>} : memref<26624xi32, #tpu.memory_space<vmem>>, vector<16xi32>,
      %get3A_694 = vector.shape_cast %get3A_693 : vector<16xi32> to vector<16xi32>
      %ne3A_695 = arith.constant 0 : i32
      %ne3A_696 = vector.broadcast %ne3A_695 : i32 to vector<16xi32>
      %ne3A_697 = arith.cmpi ne, %get3A_694, %ne3A_696 : vector<16xi32>
      %jit3A_698 = arith.constant 1.000000e+00 : f32
      %jit3A_699 = arith.constant 0.000000e+00 : f32
      %broadcast_in_dim3A_700 = vector.broadcast %jit3A_698 : f32 to vector<16xf32>
      %broadcast_in_dim3A_701 = vector.broadcast %jit3A_699 : f32 to vector<16xf32>
      %select_n3A_702 = arith.select %ne3A_697, %broadcast_in_dim3A_700, %broadcast_in_dim3A_701 : vector<16xi1>, vector<16xf32>
      %add3A_703 = arith.addf %add3A_675, %select_n3A_702 : vector<16xf32>
      %get3A_704 = arith.constant 0 : i32
      %get3A_705 = arith.index_cast %get3A_704 : i32 to index
      %get3A_706 = arith.constant 256 : index
      %get3A_707 = tpu.vector_load %arg7[%get3A_705, %get3A_706] {strides = array<i32>} : memref<4x416xf32, #tpu.memory_space<vmem>>, vector<1x16xf32>,
      %get3A_708 = vector.shape_cast %get3A_707 : vector<1x16xf32> to vector<16xf32>
      %add3A_709 = arith.addf %add3A_653, %get3A_708 : vector<16xf32>
      %get3A_710 = arith.constant 0 : i32
      %get3A_711 = arith.index_cast %get3A_710 : i32 to index
      %get3A_712 = arith.constant 256 : index
      %get3A_713 = tpu.vector_load %arg8[%get3A_711, %get3A_712] {strides = array<i32>} : memref<4x416xf32, #tpu.memory_space<vmem>>, vector<1x16xf32>,
      %get3A_714 = vector.shape_cast %get3A_713 : vector<1x16xf32> to vector<16xf32>
      %add3A_715 = arith.addf %add3A_659, %get3A_714 : vector<16xf32>
      %mul3A_716 = arith.constant 416 : i32
      %mul3A_717 = arith.muli %add3A_206, %mul3A_716 : i32
      %add3A_718 = arith.constant 256 : i32
      %add3A_719 = arith.addi %mul3A_717, %add3A_718 : i32
      %get3A_720 = arith.index_cast %add3A_719 : i32 to index
      %get3A_721 = tpu.vector_load %arg6[%get3A_720] {strides = array<i32>} : memref<26624xi32, #tpu.memory_space<vmem>>, vector<16xi32>,
      %get3A_722 = vector.shape_cast %get3A_721 : vector<16xi32> to vector<16xi32>
      %ne3A_723 = arith.constant 0 : i32
      %ne3A_724 = vector.broadcast %ne3A_723 : i32 to vector<16xi32>
      %ne3A_725 = arith.cmpi ne, %get3A_722, %ne3A_724 : vector<16xi32>
      %jit3A_726 = arith.constant 1.000000e+00 : f32
      %jit3A_727 = arith.constant 0.000000e+00 : f32
      %broadcast_in_dim3A_728 = vector.broadcast %jit3A_726 : f32 to vector<16xf32>
      %broadcast_in_dim3A_729 = vector.broadcast %jit3A_727 : f32 to vector<16xf32>
      %select_n3A_730 = arith.select %ne3A_725, %broadcast_in_dim3A_728, %broadcast_in_dim3A_729 : vector<16xi1>, vector<16xf32>
      %add3A_731 = arith.addf %add3A_703, %select_n3A_730 : vector<16xf32>
      %get3A_732 = arith.constant 0 : i32
      %get3A_733 = arith.index_cast %get3A_732 : i32 to index
      %get3A_734 = arith.constant 272 : index
      %get3A_735 = tpu.vector_load %arg7[%get3A_733, %get3A_734] {strides = array<i32>} : memref<4x416xf32, #tpu.memory_space<vmem>>, vector<1x16xf32>,
      %get3A_736 = vector.shape_cast %get3A_735 : vector<1x16xf32> to vector<16xf32>
      %add3A_737 = arith.addf %add3A_681, %get3A_736 : vector<16xf32>
      %get3A_738 = arith.constant 0 : i32
      %get3A_739 = arith.index_cast %get3A_738 : i32 to index
      %get3A_740 = arith.constant 272 : index
      %get3A_741 = tpu.vector_load %arg8[%get3A_739, %get3A_740] {strides = array<i32>} : memref<4x416xf32, #tpu.memory_space<vmem>>, vector<1x16xf32>,
      %get3A_742 = vector.shape_cast %get3A_741 : vector<1x16xf32> to vector<16xf32>
      %add3A_743 = arith.addf %add3A_687, %get3A_742 : vector<16xf32>
      %mul3A_744 = arith.constant 416 : i32
      %mul3A_745 = arith.muli %add3A_206, %mul3A_744 : i32
      %add3A_746 = arith.constant 272 : i32
      %add3A_747 = arith.addi %mul3A_745, %add3A_746 : i32
      %get3A_748 = arith.index_cast %add3A_747 : i32 to index
      %get3A_749 = tpu.vector_load %arg6[%get3A_748] {strides = array<i32>} : memref<26624xi32, #tpu.memory_space<vmem>>, vector<16xi32>,
      %get3A_750 = vector.shape_cast %get3A_749 : vector<16xi32> to vector<16xi32>
      %ne3A_751 = arith.constant 0 : i32
      %ne3A_752 = vector.broadcast %ne3A_751 : i32 to vector<16xi32>
      %ne3A_753 = arith.cmpi ne, %get3A_750, %ne3A_752 : vector<16xi32>
      %jit3A_754 = arith.constant 1.000000e+00 : f32
      %jit3A_755 = arith.constant 0.000000e+00 : f32
      %broadcast_in_dim3A_756 = vector.broadcast %jit3A_754 : f32 to vector<16xf32>
      %broadcast_in_dim3A_757 = vector.broadcast %jit3A_755 : f32 to vector<16xf32>
      %select_n3A_758 = arith.select %ne3A_753, %broadcast_in_dim3A_756, %broadcast_in_dim3A_757 : vector<16xi1>, vector<16xf32>
      %add3A_759 = arith.addf %add3A_731, %select_n3A_758 : vector<16xf32>
      %get3A_760 = arith.constant 0 : i32
      %get3A_761 = arith.index_cast %get3A_760 : i32 to index
      %get3A_762 = arith.constant 288 : index
      %get3A_763 = tpu.vector_load %arg7[%get3A_761, %get3A_762] {strides = array<i32>} : memref<4x416xf32, #tpu.memory_space<vmem>>, vector<1x16xf32>,
      %get3A_764 = vector.shape_cast %get3A_763 : vector<1x16xf32> to vector<16xf32>
      %add3A_765 = arith.addf %add3A_709, %get3A_764 : vector<16xf32>
      %get3A_766 = arith.constant 0 : i32
      %get3A_767 = arith.index_cast %get3A_766 : i32 to index
      %get3A_768 = arith.constant 288 : index
      %get3A_769 = tpu.vector_load %arg8[%get3A_767, %get3A_768] {strides = array<i32>} : memref<4x416xf32, #tpu.memory_space<vmem>>, vector<1x16xf32>,
      %get3A_770 = vector.shape_cast %get3A_769 : vector<1x16xf32> to vector<16xf32>
      %add3A_771 = arith.addf %add3A_715, %get3A_770 : vector<16xf32>
      %mul3A_772 = arith.constant 416 : i32
      %mul3A_773 = arith.muli %add3A_206, %mul3A_772 : i32
      %add3A_774 = arith.constant 288 : i32
      %add3A_775 = arith.addi %mul3A_773, %add3A_774 : i32
      %get3A_776 = arith.index_cast %add3A_775 : i32 to index
      %get3A_777 = tpu.vector_load %arg6[%get3A_776] {strides = array<i32>} : memref<26624xi32, #tpu.memory_space<vmem>>, vector<16xi32>,
      %get3A_778 = vector.shape_cast %get3A_777 : vector<16xi32> to vector<16xi32>
      %ne3A_779 = arith.constant 0 : i32
      %ne3A_780 = vector.broadcast %ne3A_779 : i32 to vector<16xi32>
      %ne3A_781 = arith.cmpi ne, %get3A_778, %ne3A_780 : vector<16xi32>
      %jit3A_782 = arith.constant 1.000000e+00 : f32
      %jit3A_783 = arith.constant 0.000000e+00 : f32
      %broadcast_in_dim3A_784 = vector.broadcast %jit3A_782 : f32 to vector<16xf32>
      %broadcast_in_dim3A_785 = vector.broadcast %jit3A_783 : f32 to vector<16xf32>
      %select_n3A_786 = arith.select %ne3A_781, %broadcast_in_dim3A_784, %broadcast_in_dim3A_785 : vector<16xi1>, vector<16xf32>
      %add3A_787 = arith.addf %add3A_759, %select_n3A_786 : vector<16xf32>
      %get3A_788 = arith.constant 0 : i32
      %get3A_789 = arith.index_cast %get3A_788 : i32 to index
      %get3A_790 = arith.constant 304 : index
      %get3A_791 = tpu.vector_load %arg7[%get3A_789, %get3A_790] {strides = array<i32>} : memref<4x416xf32, #tpu.memory_space<vmem>>, vector<1x16xf32>,
      %get3A_792 = vector.shape_cast %get3A_791 : vector<1x16xf32> to vector<16xf32>
      %add3A_793 = arith.addf %add3A_737, %get3A_792 : vector<16xf32>
      %get3A_794 = arith.constant 0 : i32
      %get3A_795 = arith.index_cast %get3A_794 : i32 to index
      %get3A_796 = arith.constant 304 : index
      %get3A_797 = tpu.vector_load %arg8[%get3A_795, %get3A_796] {strides = array<i32>} : memref<4x416xf32, #tpu.memory_space<vmem>>, vector<1x16xf32>,
      %get3A_798 = vector.shape_cast %get3A_797 : vector<1x16xf32> to vector<16xf32>
      %add3A_799 = arith.addf %add3A_743, %get3A_798 : vector<16xf32>
      %mul3A_800 = arith.constant 416 : i32
      %mul3A_801 = arith.muli %add3A_206, %mul3A_800 : i32
      %add3A_802 = arith.constant 304 : i32
      %add3A_803 = arith.addi %mul3A_801, %add3A_802 : i32
      %get3A_804 = arith.index_cast %add3A_803 : i32 to index
      %get3A_805 = tpu.vector_load %arg6[%get3A_804] {strides = array<i32>} : memref<26624xi32, #tpu.memory_space<vmem>>, vector<16xi32>,
      %get3A_806 = vector.shape_cast %get3A_805 : vector<16xi32> to vector<16xi32>
      %ne3A_807 = arith.constant 0 : i32
      %ne3A_808 = vector.broadcast %ne3A_807 : i32 to vector<16xi32>
      %ne3A_809 = arith.cmpi ne, %get3A_806, %ne3A_808 : vector<16xi32>
      %jit3A_810 = arith.constant 1.000000e+00 : f32
      %jit3A_811 = arith.constant 0.000000e+00 : f32
      %broadcast_in_dim3A_812 = vector.broadcast %jit3A_810 : f32 to vector<16xf32>
      %broadcast_in_dim3A_813 = vector.broadcast %jit3A_811 : f32 to vector<16xf32>
      %select_n3A_814 = arith.select %ne3A_809, %broadcast_in_dim3A_812, %broadcast_in_dim3A_813 : vector<16xi1>, vector<16xf32>
      %add3A_815 = arith.addf %add3A_787, %select_n3A_814 : vector<16xf32>
      %get3A_816 = arith.constant 0 : i32
      %get3A_817 = arith.index_cast %get3A_816 : i32 to index
      %get3A_818 = arith.constant 320 : index
      %get3A_819 = tpu.vector_load %arg7[%get3A_817, %get3A_818] {strides = array<i32>} : memref<4x416xf32, #tpu.memory_space<vmem>>, vector<1x16xf32>,
      %get3A_820 = vector.shape_cast %get3A_819 : vector<1x16xf32> to vector<16xf32>
      %add3A_821 = arith.addf %add3A_765, %get3A_820 : vector<16xf32>
      %get3A_822 = arith.constant 0 : i32
      %get3A_823 = arith.index_cast %get3A_822 : i32 to index
      %get3A_824 = arith.constant 320 : index
      %get3A_825 = tpu.vector_load %arg8[%get3A_823, %get3A_824] {strides = array<i32>} : memref<4x416xf32, #tpu.memory_space<vmem>>, vector<1x16xf32>,
      %get3A_826 = vector.shape_cast %get3A_825 : vector<1x16xf32> to vector<16xf32>
      %add3A_827 = arith.addf %add3A_771, %get3A_826 : vector<16xf32>
      %mul3A_828 = arith.constant 416 : i32
      %mul3A_829 = arith.muli %add3A_206, %mul3A_828 : i32
      %add3A_830 = arith.constant 320 : i32
      %add3A_831 = arith.addi %mul3A_829, %add3A_830 : i32
      %get3A_832 = arith.index_cast %add3A_831 : i32 to index
      %get3A_833 = tpu.vector_load %arg6[%get3A_832] {strides = array<i32>} : memref<26624xi32, #tpu.memory_space<vmem>>, vector<16xi32>,
      %get3A_834 = vector.shape_cast %get3A_833 : vector<16xi32> to vector<16xi32>
      %ne3A_835 = arith.constant 0 : i32
      %ne3A_836 = vector.broadcast %ne3A_835 : i32 to vector<16xi32>
      %ne3A_837 = arith.cmpi ne, %get3A_834, %ne3A_836 : vector<16xi32>
      %jit3A_838 = arith.constant 1.000000e+00 : f32
      %jit3A_839 = arith.constant 0.000000e+00 : f32
      %broadcast_in_dim3A_840 = vector.broadcast %jit3A_838 : f32 to vector<16xf32>
      %broadcast_in_dim3A_841 = vector.broadcast %jit3A_839 : f32 to vector<16xf32>
      %select_n3A_842 = arith.select %ne3A_837, %broadcast_in_dim3A_840, %broadcast_in_dim3A_841 : vector<16xi1>, vector<16xf32>
      %add3A_843 = arith.addf %add3A_815, %select_n3A_842 : vector<16xf32>
      %get3A_844 = arith.constant 0 : i32
      %get3A_845 = arith.index_cast %get3A_844 : i32 to index
      %get3A_846 = arith.constant 336 : index
      %get3A_847 = tpu.vector_load %arg7[%get3A_845, %get3A_846] {strides = array<i32>} : memref<4x416xf32, #tpu.memory_space<vmem>>, vector<1x16xf32>,
      %get3A_848 = vector.shape_cast %get3A_847 : vector<1x16xf32> to vector<16xf32>
      %add3A_849 = arith.addf %add3A_793, %get3A_848 : vector<16xf32>
      %get3A_850 = arith.constant 0 : i32
      %get3A_851 = arith.index_cast %get3A_850 : i32 to index
      %get3A_852 = arith.constant 336 : index
      %get3A_853 = tpu.vector_load %arg8[%get3A_851, %get3A_852] {strides = array<i32>} : memref<4x416xf32, #tpu.memory_space<vmem>>, vector<1x16xf32>,
      %get3A_854 = vector.shape_cast %get3A_853 : vector<1x16xf32> to vector<16xf32>
      %add3A_855 = arith.addf %add3A_799, %get3A_854 : vector<16xf32>
      %mul3A_856 = arith.constant 416 : i32
      %mul3A_857 = arith.muli %add3A_206, %mul3A_856 : i32
      %add3A_858 = arith.constant 336 : i32
      %add3A_859 = arith.addi %mul3A_857, %add3A_858 : i32
      %get3A_860 = arith.index_cast %add3A_859 : i32 to index
      %get3A_861 = tpu.vector_load %arg6[%get3A_860] {strides = array<i32>} : memref<26624xi32, #tpu.memory_space<vmem>>, vector<16xi32>,
      %get3A_862 = vector.shape_cast %get3A_861 : vector<16xi32> to vector<16xi32>
      %ne3A_863 = arith.constant 0 : i32
      %ne3A_864 = vector.broadcast %ne3A_863 : i32 to vector<16xi32>
      %ne3A_865 = arith.cmpi ne, %get3A_862, %ne3A_864 : vector<16xi32>
      %jit3A_866 = arith.constant 1.000000e+00 : f32
      %jit3A_867 = arith.constant 0.000000e+00 : f32
      %broadcast_in_dim3A_868 = vector.broadcast %jit3A_866 : f32 to vector<16xf32>
      %broadcast_in_dim3A_869 = vector.broadcast %jit3A_867 : f32 to vector<16xf32>
      %select_n3A_870 = arith.select %ne3A_865, %broadcast_in_dim3A_868, %broadcast_in_dim3A_869 : vector<16xi1>, vector<16xf32>
      %add3A_871 = arith.addf %add3A_843, %select_n3A_870 : vector<16xf32>
      %get3A_872 = arith.constant 0 : i32
      %get3A_873 = arith.index_cast %get3A_872 : i32 to index
      %get3A_874 = arith.constant 352 : index
      %get3A_875 = tpu.vector_load %arg7[%get3A_873, %get3A_874] {strides = array<i32>} : memref<4x416xf32, #tpu.memory_space<vmem>>, vector<1x16xf32>,
      %get3A_876 = vector.shape_cast %get3A_875 : vector<1x16xf32> to vector<16xf32>
      %add3A_877 = arith.addf %add3A_821, %get3A_876 : vector<16xf32>
      %get3A_878 = arith.constant 0 : i32
      %get3A_879 = arith.index_cast %get3A_878 : i32 to index
      %get3A_880 = arith.constant 352 : index
      %get3A_881 = tpu.vector_load %arg8[%get3A_879, %get3A_880] {strides = array<i32>} : memref<4x416xf32, #tpu.memory_space<vmem>>, vector<1x16xf32>,
      %get3A_882 = vector.shape_cast %get3A_881 : vector<1x16xf32> to vector<16xf32>
      %add3A_883 = arith.addf %add3A_827, %get3A_882 : vector<16xf32>
      %mul3A_884 = arith.constant 416 : i32
      %mul3A_885 = arith.muli %add3A_206, %mul3A_884 : i32
      %add3A_886 = arith.constant 352 : i32
      %add3A_887 = arith.addi %mul3A_885, %add3A_886 : i32
      %get3A_888 = arith.index_cast %add3A_887 : i32 to index
      %get3A_889 = tpu.vector_load %arg6[%get3A_888] {strides = array<i32>} : memref<26624xi32, #tpu.memory_space<vmem>>, vector<16xi32>,
      %get3A_890 = vector.shape_cast %get3A_889 : vector<16xi32> to vector<16xi32>
      %ne3A_891 = arith.constant 0 : i32
      %ne3A_892 = vector.broadcast %ne3A_891 : i32 to vector<16xi32>
      %ne3A_893 = arith.cmpi ne, %get3A_890, %ne3A_892 : vector<16xi32>
      %jit3A_894 = arith.constant 1.000000e+00 : f32
      %jit3A_895 = arith.constant 0.000000e+00 : f32
      %broadcast_in_dim3A_896 = vector.broadcast %jit3A_894 : f32 to vector<16xf32>
      %broadcast_in_dim3A_897 = vector.broadcast %jit3A_895 : f32 to vector<16xf32>
      %select_n3A_898 = arith.select %ne3A_893, %broadcast_in_dim3A_896, %broadcast_in_dim3A_897 : vector<16xi1>, vector<16xf32>
      %add3A_899 = arith.addf %add3A_871, %select_n3A_898 : vector<16xf32>
      %get3A_900 = arith.constant 0 : i32
      %get3A_901 = arith.index_cast %get3A_900 : i32 to index
      %get3A_902 = arith.constant 368 : index
      %get3A_903 = tpu.vector_load %arg7[%get3A_901, %get3A_902] {strides = array<i32>} : memref<4x416xf32, #tpu.memory_space<vmem>>, vector<1x16xf32>,
      %get3A_904 = vector.shape_cast %get3A_903 : vector<1x16xf32> to vector<16xf32>
      %add3A_905 = arith.addf %add3A_849, %get3A_904 : vector<16xf32>
      %get3A_906 = arith.constant 0 : i32
      %get3A_907 = arith.index_cast %get3A_906 : i32 to index
      %get3A_908 = arith.constant 368 : index
      %get3A_909 = tpu.vector_load %arg8[%get3A_907, %get3A_908] {strides = array<i32>} : memref<4x416xf32, #tpu.memory_space<vmem>>, vector<1x16xf32>,
      %get3A_910 = vector.shape_cast %get3A_909 : vector<1x16xf32> to vector<16xf32>
      %add3A_911 = arith.addf %add3A_855, %get3A_910 : vector<16xf32>
      %mul3A_912 = arith.constant 416 : i32
      %mul3A_913 = arith.muli %add3A_206, %mul3A_912 : i32
      %add3A_914 = arith.constant 368 : i32
      %add3A_915 = arith.addi %mul3A_913, %add3A_914 : i32
      %get3A_916 = arith.index_cast %add3A_915 : i32 to index
      %get3A_917 = tpu.vector_load %arg6[%get3A_916] {strides = array<i32>} : memref<26624xi32, #tpu.memory_space<vmem>>, vector<16xi32>,
      %get3A_918 = vector.shape_cast %get3A_917 : vector<16xi32> to vector<16xi32>
      %ne3A_919 = arith.constant 0 : i32
      %ne3A_920 = vector.broadcast %ne3A_919 : i32 to vector<16xi32>
      %ne3A_921 = arith.cmpi ne, %get3A_918, %ne3A_920 : vector<16xi32>
      %jit3A_922 = arith.constant 1.000000e+00 : f32
      %jit3A_923 = arith.constant 0.000000e+00 : f32
      %broadcast_in_dim3A_924 = vector.broadcast %jit3A_922 : f32 to vector<16xf32>
      %broadcast_in_dim3A_925 = vector.broadcast %jit3A_923 : f32 to vector<16xf32>
      %select_n3A_926 = arith.select %ne3A_921, %broadcast_in_dim3A_924, %broadcast_in_dim3A_925 : vector<16xi1>, vector<16xf32>
      %add3A_927 = arith.addf %add3A_899, %select_n3A_926 : vector<16xf32>
      %get3A_928 = arith.constant 0 : i32
      %get3A_929 = arith.index_cast %get3A_928 : i32 to index
      %get3A_930 = arith.constant 384 : index
      %get3A_931 = tpu.vector_load %arg7[%get3A_929, %get3A_930] {strides = array<i32>} : memref<4x416xf32, #tpu.memory_space<vmem>>, vector<1x16xf32>,
      %get3A_932 = vector.shape_cast %get3A_931 : vector<1x16xf32> to vector<16xf32>
      %add3A_933 = arith.addf %add3A_877, %get3A_932 : vector<16xf32>
      %get3A_934 = arith.constant 0 : i32
      %get3A_935 = arith.index_cast %get3A_934 : i32 to index
      %get3A_936 = arith.constant 384 : index
      %get3A_937 = tpu.vector_load %arg8[%get3A_935, %get3A_936] {strides = array<i32>} : memref<4x416xf32, #tpu.memory_space<vmem>>, vector<1x16xf32>,
      %get3A_938 = vector.shape_cast %get3A_937 : vector<1x16xf32> to vector<16xf32>
      %add3A_939 = arith.addf %add3A_883, %get3A_938 : vector<16xf32>
      %mul3A_940 = arith.constant 416 : i32
      %mul3A_941 = arith.muli %add3A_206, %mul3A_940 : i32
      %add3A_942 = arith.constant 384 : i32
      %add3A_943 = arith.addi %mul3A_941, %add3A_942 : i32
      %get3A_944 = arith.index_cast %add3A_943 : i32 to index
      %get3A_945 = tpu.vector_load %arg6[%get3A_944] {strides = array<i32>} : memref<26624xi32, #tpu.memory_space<vmem>>, vector<16xi32>,
      %get3A_946 = vector.shape_cast %get3A_945 : vector<16xi32> to vector<16xi32>
      %ne3A_947 = arith.constant 0 : i32
      %ne3A_948 = vector.broadcast %ne3A_947 : i32 to vector<16xi32>
      %ne3A_949 = arith.cmpi ne, %get3A_946, %ne3A_948 : vector<16xi32>
      %jit3A_950 = arith.constant 1.000000e+00 : f32
      %jit3A_951 = arith.constant 0.000000e+00 : f32
      %broadcast_in_dim3A_952 = vector.broadcast %jit3A_950 : f32 to vector<16xf32>
      %broadcast_in_dim3A_953 = vector.broadcast %jit3A_951 : f32 to vector<16xf32>
      %select_n3A_954 = arith.select %ne3A_949, %broadcast_in_dim3A_952, %broadcast_in_dim3A_953 : vector<16xi1>, vector<16xf32>
      %add3A_955 = arith.addf %add3A_927, %select_n3A_954 : vector<16xf32>
      %get3A_956 = arith.constant 0 : i32
      %get3A_957 = arith.index_cast %get3A_956 : i32 to index
      %get3A_958 = arith.constant 400 : index
      %get3A_959 = tpu.vector_load %arg7[%get3A_957, %get3A_958] {strides = array<i32>} : memref<4x416xf32, #tpu.memory_space<vmem>>, vector<1x16xf32>,
      %get3A_960 = vector.shape_cast %get3A_959 : vector<1x16xf32> to vector<16xf32>
      %add3A_961 = arith.addf %add3A_905, %get3A_960 : vector<16xf32>
      %get3A_962 = arith.constant 0 : i32
      %get3A_963 = arith.index_cast %get3A_962 : i32 to index
      %get3A_964 = arith.constant 400 : index
      %get3A_965 = tpu.vector_load %arg8[%get3A_963, %get3A_964] {strides = array<i32>} : memref<4x416xf32, #tpu.memory_space<vmem>>, vector<1x16xf32>,
      %get3A_966 = vector.shape_cast %get3A_965 : vector<1x16xf32> to vector<16xf32>
      %add3A_967 = arith.addf %add3A_911, %get3A_966 : vector<16xf32>
      %mul3A_968 = arith.constant 416 : i32
      %mul3A_969 = arith.muli %add3A_206, %mul3A_968 : i32
      %add3A_970 = arith.constant 400 : i32
      %add3A_971 = arith.addi %mul3A_969, %add3A_970 : i32
      %get3A_972 = arith.index_cast %add3A_971 : i32 to index
      %get3A_973 = tpu.vector_load %arg6[%get3A_972] {strides = array<i32>} : memref<26624xi32, #tpu.memory_space<vmem>>, vector<16xi32>,
      %get3A_974 = vector.shape_cast %get3A_973 : vector<16xi32> to vector<16xi32>
      %ne3A_975 = arith.constant 0 : i32
      %ne3A_976 = vector.broadcast %ne3A_975 : i32 to vector<16xi32>
      %ne3A_977 = arith.cmpi ne, %get3A_974, %ne3A_976 : vector<16xi32>
      %jit3A_978 = arith.constant 1.000000e+00 : f32
      %jit3A_979 = arith.constant 0.000000e+00 : f32
      %broadcast_in_dim3A_980 = vector.broadcast %jit3A_978 : f32 to vector<16xf32>
      %broadcast_in_dim3A_981 = vector.broadcast %jit3A_979 : f32 to vector<16xf32>
      %select_n3A_982 = arith.select %ne3A_977, %broadcast_in_dim3A_980, %broadcast_in_dim3A_981 : vector<16xi1>, vector<16xf32>
      %add3A_983 = arith.addf %add3A_955, %select_n3A_982 : vector<16xf32>
      %add3A_984 = arith.addf %add3A_961, %add3A_933 : vector<16xf32>
      %swap3A_985 = arith.index_cast %add3A_617 : i32 to index
      %swap3A_986 = arith.constant 0 : index
      %swap3A_987 = tpu.vector_load %arg9[%swap3A_985, %swap3A_986] {strides = array<i32>} : memref<128x48xf32, #tpu.memory_space<vmem>>, vector<1x16xf32>,
      %swap3A_988 = vector.shape_cast %swap3A_987 : vector<1x16xf32> to vector<16xf32>
      %swap3A_989 = vector.shape_cast %add3A_984 : vector<16xf32> to vector<1x16xf32>
      tpu.vector_store %arg9[%swap3A_985, %swap3A_986], %swap3A_989 {strides = array<i32>} : memref<128x48xf32, #tpu.memory_space<vmem>>, vector<1x16xf32>,
      %add3A_990 = arith.addf %add3A_967, %add3A_939 : vector<16xf32>
      %swap3A_991 = arith.index_cast %add3A_617 : i32 to index
      %swap3A_992 = arith.constant 16 : index
      %swap3A_993 = tpu.vector_load %arg9[%swap3A_991, %swap3A_992] {strides = array<i32>} : memref<128x48xf32, #tpu.memory_space<vmem>>, vector<1x16xf32>,
      %swap3A_994 = vector.shape_cast %swap3A_993 : vector<1x16xf32> to vector<16xf32>
      %swap3A_995 = vector.shape_cast %add3A_990 : vector<16xf32> to vector<1x16xf32>
      tpu.vector_store %arg9[%swap3A_991, %swap3A_992], %swap3A_995 {strides = array<i32>} : memref<128x48xf32, #tpu.memory_space<vmem>>, vector<1x16xf32>,
      %swap3A_996 = arith.index_cast %add3A_617 : i32 to index
      %swap3A_997 = arith.constant 32 : index
      %swap3A_998 = tpu.vector_load %arg9[%swap3A_996, %swap3A_997] {strides = array<i32>} : memref<128x48xf32, #tpu.memory_space<vmem>>, vector<1x16xf32>,
      %swap3A_999 = vector.shape_cast %swap3A_998 : vector<1x16xf32> to vector<16xf32>
      %swap3A_1000 = vector.shape_cast %add3A_983 : vector<16xf32> to vector<1x16xf32>
      tpu.vector_store %arg9[%swap3A_996, %swap3A_997], %swap3A_1000 {strides = array<i32>} : memref<128x48xf32, #tpu.memory_space<vmem>>, vector<1x16xf32>,
      %add3A_1001 = arith.constant 1 : i32
      %add3A_1002 = arith.addi %add3A_204, %add3A_1001 : i32
      %add3A_1003 = arith.constant 4 : i32
      %add3A_1004 = arith.addi %add3A_1002, %add3A_1003 : i32
      %sub3A_1005 = arith.constant 1 : i32
      %sub3A_1006 = arith.subi %add3A_1004, %sub3A_1005 : i32
      %lt3A_1007 = arith.constant 64 : i32
      %lt3A_1008 = arith.cmpi slt, %sub3A_1006, %lt3A_1007 : i32
      %convert_element_type3A_1009 = arith.extui %lt3A_1008 : i1 to i32
      %cond3A_1010 = arith.constant 0 : i32
      %cond3A_1011 = arith.cmpi ne, %convert_element_type3A_1009, %cond3A_1010 : i32
      scf.if %cond3A_1011 {
        %add3A_3422 = arith.constant 4 : i32
        %add3A_3423 = arith.addi %add3A_1002, %add3A_3422 : i32
        %sub3A_3424 = arith.constant 1 : i32
        %sub3A_3425 = arith.subi %add3A_3423, %sub3A_3424 : i32
        %mul3A_3426 = arith.constant 416 : i32
        %mul3A_3427 = arith.muli %sub3A_3425, %mul3A_3426 : i32
        %add3A_3428 = arith.constant 0 : i32
        %add3A_3429 = arith.addi %mul3A_3427, %add3A_3428 : i32
        %dma_start3A_3430 = arith.constant 0 : i32
        %dma_start3A_3431 = arith.constant 0 : i32
        %dma_start3A_3432 = tpu.memref_slice %arg7[%dma_start3A_3430, %dma_start3A_3431] : memref<4x416xf32, #tpu.memory_space<vmem>> -> memref<1x128xf32, #tpu.memory_space<vmem>>
        %dma_start3A_3433 = tpu.memref_squeeze %dma_start3A_3432 : memref<1x128xf32, #tpu.memory_space<vmem>> -> memref<128xf32, #tpu.memory_space<vmem>>
        %dma_start3A_3434 = tpu.memref_slice %arg6[%add3A_3429] : memref<26624xi32, #tpu.memory_space<vmem>> -> memref<128xi32, #tpu.memory_space<vmem>>
        %dma_start3A_3435 = arith.constant 0 : i32
        %dma_start3A_3436 = tpu.memref_slice %arg3[%dma_start3A_3435] : memref<1015808xf32, #tpu.memory_space<hbm>> -> memref<1015808xf32, #tpu.memory_space<hbm>>
        tpu.enqueue_indirect_dma source(%dma_start3A_3436 : memref<1015808xf32, #tpu.memory_space<hbm>>) target(%dma_start3A_3433 : memref<128xf32, #tpu.memory_space<vmem>>) offsets(%dma_start3A_3434 : memref<128xi32, #tpu.memory_space<vmem>>) semaphore(%arg10 : memref<!tpu.dma_semaphore, #tpu.memory_space<semaphore_mem>>)
        %dma_start3A_3437 = arith.constant 0 : i32
        %dma_start3A_3438 = arith.constant 0 : i32
        %dma_start3A_3439 = tpu.memref_slice %arg8[%dma_start3A_3437, %dma_start3A_3438] : memref<4x416xf32, #tpu.memory_space<vmem>> -> memref<1x128xf32, #tpu.memory_space<vmem>>
        %dma_start3A_3440 = tpu.memref_squeeze %dma_start3A_3439 : memref<1x128xf32, #tpu.memory_space<vmem>> -> memref<128xf32, #tpu.memory_space<vmem>>
        %dma_start3A_3441 = tpu.memref_slice %arg6[%add3A_3429] : memref<26624xi32, #tpu.memory_space<vmem>> -> memref<128xi32, #tpu.memory_space<vmem>>
        %dma_start3A_3442 = arith.constant 0 : i32
        %dma_start3A_3443 = tpu.memref_slice %arg4[%dma_start3A_3442] : memref<1015808xf32, #tpu.memory_space<hbm>> -> memref<1015808xf32, #tpu.memory_space<hbm>>
        tpu.enqueue_indirect_dma source(%dma_start3A_3443 : memref<1015808xf32, #tpu.memory_space<hbm>>) target(%dma_start3A_3440 : memref<128xf32, #tpu.memory_space<vmem>>) offsets(%dma_start3A_3441 : memref<128xi32, #tpu.memory_space<vmem>>) semaphore(%arg10 : memref<!tpu.dma_semaphore, #tpu.memory_space<semaphore_mem>>)
        %add3A_3444 = arith.constant 128 : i32
        %add3A_3445 = arith.addi %mul3A_3427, %add3A_3444 : i32
        %dma_start3A_3446 = arith.constant 0 : i32
        %dma_start3A_3447 = arith.constant 128 : i32
        %dma_start3A_3448 = tpu.memref_slice %arg7[%dma_start3A_3446, %dma_start3A_3447] : memref<4x416xf32, #tpu.memory_space<vmem>> -> memref<1x128xf32, #tpu.memory_space<vmem>>
        %dma_start3A_3449 = tpu.memref_squeeze %dma_start3A_3448 : memref<1x128xf32, #tpu.memory_space<vmem>> -> memref<128xf32, #tpu.memory_space<vmem>>
        %dma_start3A_3450 = tpu.memref_slice %arg6[%add3A_3445] : memref<26624xi32, #tpu.memory_space<vmem>> -> memref<128xi32, #tpu.memory_space<vmem>>
        %dma_start3A_3451 = arith.constant 0 : i32
        %dma_start3A_3452 = tpu.memref_slice %arg3[%dma_start3A_3451] : memref<1015808xf32, #tpu.memory_space<hbm>> -> memref<1015808xf32, #tpu.memory_space<hbm>>
        tpu.enqueue_indirect_dma source(%dma_start3A_3452 : memref<1015808xf32, #tpu.memory_space<hbm>>) target(%dma_start3A_3449 : memref<128xf32, #tpu.memory_space<vmem>>) offsets(%dma_start3A_3450 : memref<128xi32, #tpu.memory_space<vmem>>) semaphore(%arg10 : memref<!tpu.dma_semaphore, #tpu.memory_space<semaphore_mem>>)
        %dma_start3A_3453 = arith.constant 0 : i32
        %dma_start3A_3454 = arith.constant 128 : i32
        %dma_start3A_3455 = tpu.memref_slice %arg8[%dma_start3A_3453, %dma_start3A_3454] : memref<4x416xf32, #tpu.memory_space<vmem>> -> memref<1x128xf32, #tpu.memory_space<vmem>>
        %dma_start3A_3456 = tpu.memref_squeeze %dma_start3A_3455 : memref<1x128xf32, #tpu.memory_space<vmem>> -> memref<128xf32, #tpu.memory_space<vmem>>
        %dma_start3A_3457 = tpu.memref_slice %arg6[%add3A_3445] : memref<26624xi32, #tpu.memory_space<vmem>> -> memref<128xi32, #tpu.memory_space<vmem>>
        %dma_start3A_3458 = arith.constant 0 : i32
        %dma_start3A_3459 = tpu.memref_slice %arg4[%dma_start3A_3458] : memref<1015808xf32, #tpu.memory_space<hbm>> -> memref<1015808xf32, #tpu.memory_space<hbm>>
        tpu.enqueue_indirect_dma source(%dma_start3A_3459 : memref<1015808xf32, #tpu.memory_space<hbm>>) target(%dma_start3A_3456 : memref<128xf32, #tpu.memory_space<vmem>>) offsets(%dma_start3A_3457 : memref<128xi32, #tpu.memory_space<vmem>>) semaphore(%arg10 : memref<!tpu.dma_semaphore, #tpu.memory_space<semaphore_mem>>)
        %add3A_3460 = arith.constant 256 : i32
        %add3A_3461 = arith.addi %mul3A_3427, %add3A_3460 : i32
        %dma_start3A_3462 = arith.constant 0 : i32
        %dma_start3A_3463 = arith.constant 256 : i32
        %dma_start3A_3464 = tpu.memref_slice %arg7[%dma_start3A_3462, %dma_start3A_3463] : memref<4x416xf32, #tpu.memory_space<vmem>> -> memref<1x128xf32, #tpu.memory_space<vmem>>
        %dma_start3A_3465 = tpu.memref_squeeze %dma_start3A_3464 : memref<1x128xf32, #tpu.memory_space<vmem>> -> memref<128xf32, #tpu.memory_space<vmem>>
        %dma_start3A_3466 = tpu.memref_slice %arg6[%add3A_3461] : memref<26624xi32, #tpu.memory_space<vmem>> -> memref<128xi32, #tpu.memory_space<vmem>>
        %dma_start3A_3467 = arith.constant 0 : i32
        %dma_start3A_3468 = tpu.memref_slice %arg3[%dma_start3A_3467] : memref<1015808xf32, #tpu.memory_space<hbm>> -> memref<1015808xf32, #tpu.memory_space<hbm>>
        tpu.enqueue_indirect_dma source(%dma_start3A_3468 : memref<1015808xf32, #tpu.memory_space<hbm>>) target(%dma_start3A_3465 : memref<128xf32, #tpu.memory_space<vmem>>) offsets(%dma_start3A_3466 : memref<128xi32, #tpu.memory_space<vmem>>) semaphore(%arg10 : memref<!tpu.dma_semaphore, #tpu.memory_space<semaphore_mem>>)
        %dma_start3A_3469 = arith.constant 0 : i32
        %dma_start3A_3470 = arith.constant 256 : i32
        %dma_start3A_3471 = tpu.memref_slice %arg8[%dma_start3A_3469, %dma_start3A_3470] : memref<4x416xf32, #tpu.memory_space<vmem>> -> memref<1x128xf32, #tpu.memory_space<vmem>>
        %dma_start3A_3472 = tpu.memref_squeeze %dma_start3A_3471 : memref<1x128xf32, #tpu.memory_space<vmem>> -> memref<128xf32, #tpu.memory_space<vmem>>
        %dma_start3A_3473 = tpu.memref_slice %arg6[%add3A_3461] : memref<26624xi32, #tpu.memory_space<vmem>> -> memref<128xi32, #tpu.memory_space<vmem>>
        %dma_start3A_3474 = arith.constant 0 : i32
        %dma_start3A_3475 = tpu.memref_slice %arg4[%dma_start3A_3474] : memref<1015808xf32, #tpu.memory_space<hbm>> -> memref<1015808xf32, #tpu.memory_space<hbm>>
        tpu.enqueue_indirect_dma source(%dma_start3A_3475 : memref<1015808xf32, #tpu.memory_space<hbm>>) target(%dma_start3A_3472 : memref<128xf32, #tpu.memory_space<vmem>>) offsets(%dma_start3A_3473 : memref<128xi32, #tpu.memory_space<vmem>>) semaphore(%arg10 : memref<!tpu.dma_semaphore, #tpu.memory_space<semaphore_mem>>)
        %add3A_3476 = arith.constant 384 : i32
        %add3A_3477 = arith.addi %mul3A_3427, %add3A_3476 : i32
        %dma_start3A_3478 = arith.constant 0 : i32
        %dma_start3A_3479 = arith.constant 384 : i32
        %dma_start3A_3480 = tpu.memref_slice %arg7[%dma_start3A_3478, %dma_start3A_3479] : memref<4x416xf32, #tpu.memory_space<vmem>> -> memref<1x32xf32, #tpu.memory_space<vmem>>
        %dma_start3A_3481 = tpu.memref_squeeze %dma_start3A_3480 : memref<1x32xf32, #tpu.memory_space<vmem>> -> memref<32xf32, #tpu.memory_space<vmem>>
        %dma_start3A_3482 = tpu.memref_slice %arg6[%add3A_3477] : memref<26624xi32, #tpu.memory_space<vmem>> -> memref<32xi32, #tpu.memory_space<vmem>>
        %dma_start3A_3483 = arith.constant 0 : i32
        %dma_start3A_3484 = tpu.memref_slice %arg3[%dma_start3A_3483] : memref<1015808xf32, #tpu.memory_space<hbm>> -> memref<1015808xf32, #tpu.memory_space<hbm>>
        tpu.enqueue_indirect_dma source(%dma_start3A_3484 : memref<1015808xf32, #tpu.memory_space<hbm>>) target(%dma_start3A_3481 : memref<32xf32, #tpu.memory_space<vmem>>) offsets(%dma_start3A_3482 : memref<32xi32, #tpu.memory_space<vmem>>) semaphore(%arg10 : memref<!tpu.dma_semaphore, #tpu.memory_space<semaphore_mem>>)
        %dma_start3A_3485 = arith.constant 0 : i32
        %dma_start3A_3486 = arith.constant 384 : i32
        %dma_start3A_3487 = tpu.memref_slice %arg8[%dma_start3A_3485, %dma_start3A_3486] : memref<4x416xf32, #tpu.memory_space<vmem>> -> memref<1x32xf32, #tpu.memory_space<vmem>>
        %dma_start3A_3488 = tpu.memref_squeeze %dma_start3A_3487 : memref<1x32xf32, #tpu.memory_space<vmem>> -> memref<32xf32, #tpu.memory_space<vmem>>
        %dma_start3A_3489 = tpu.memref_slice %arg6[%add3A_3477] : memref<26624xi32, #tpu.memory_space<vmem>> -> memref<32xi32, #tpu.memory_space<vmem>>
        %dma_start3A_3490 = arith.constant 0 : i32
        %dma_start3A_3491 = tpu.memref_slice %arg4[%dma_start3A_3490] : memref<1015808xf32, #tpu.memory_space<hbm>> -> memref<1015808xf32, #tpu.memory_space<hbm>>
        tpu.enqueue_indirect_dma source(%dma_start3A_3491 : memref<1015808xf32, #tpu.memory_space<hbm>>) target(%dma_start3A_3488 : memref<32xf32, #tpu.memory_space<vmem>>) offsets(%dma_start3A_3489 : memref<32xi32, #tpu.memory_space<vmem>>) semaphore(%arg10 : memref<!tpu.dma_semaphore, #tpu.memory_space<semaphore_mem>>)
      } else {
      }
      %dma_wait3A_1012 = arith.constant 1 : i32
      %dma_wait3A_1013 = arith.constant 0 : i32
      %dma_wait3A_1014 = tpu.memref_slice %arg7[%dma_wait3A_1012, %dma_wait3A_1013] : memref<4x416xf32, #tpu.memory_space<vmem>> -> memref<1x416xf32, #tpu.memory_space<vmem>>
      %dma_wait3A_1015 = tpu.memref_squeeze %dma_wait3A_1014 : memref<1x416xf32, #tpu.memory_space<vmem>> -> memref<416xf32, #tpu.memory_space<vmem>>
      %dma_wait3A_1016 = arith.constant 0 : i32
      %dma_wait3A_1017 = tpu.memref_slice %arg3[%dma_wait3A_1016] : memref<1015808xf32, #tpu.memory_space<hbm>> -> memref<416xf32, #tpu.memory_space<hbm>>
      %dma_wait3A_1018 = arith.constant 0 : i32
      %dma_wait3A_1019 = tpu.memref_slice %arg7[%dma_wait3A_1012, %dma_wait3A_1018] : memref<4x416xf32, #tpu.memory_space<vmem>> -> memref<1x416xf32, #tpu.memory_space<vmem>>
      %dma_wait3A_1020 = tpu.memref_squeeze %dma_wait3A_1019 : memref<1x416xf32, #tpu.memory_space<vmem>> -> memref<416xf32, #tpu.memory_space<vmem>>
      %dma_wait3A_1021 = arith.constant 0 : i32
      %dma_wait3A_1022 = tpu.memref_slice %arg3[%dma_wait3A_1021] : memref<1015808xf32, #tpu.memory_space<hbm>> -> memref<416xf32, #tpu.memory_space<hbm>>
      tpu.wait_dma2 semaphore(%arg11 : memref<!tpu.dma_semaphore, #tpu.memory_space<semaphore_mem>>) src(%dma_wait3A_1022 : memref<416xf32, #tpu.memory_space<hbm>>) dst(%dma_wait3A_1020 : memref<416xf32, #tpu.memory_space<vmem>>)
      %dma_wait3A_1023 = arith.constant 1 : i32
      %dma_wait3A_1024 = arith.constant 0 : i32
      %dma_wait3A_1025 = tpu.memref_slice %arg8[%dma_wait3A_1023, %dma_wait3A_1024] : memref<4x416xf32, #tpu.memory_space<vmem>> -> memref<1x416xf32, #tpu.memory_space<vmem>>
      %dma_wait3A_1026 = tpu.memref_squeeze %dma_wait3A_1025 : memref<1x416xf32, #tpu.memory_space<vmem>> -> memref<416xf32, #tpu.memory_space<vmem>>
      %dma_wait3A_1027 = arith.constant 0 : i32
      %dma_wait3A_1028 = tpu.memref_slice %arg4[%dma_wait3A_1027] : memref<1015808xf32, #tpu.memory_space<hbm>> -> memref<416xf32, #tpu.memory_space<hbm>>
      %dma_wait3A_1029 = arith.constant 0 : i32
      %dma_wait3A_1030 = tpu.memref_slice %arg8[%dma_wait3A_1023, %dma_wait3A_1029] : memref<4x416xf32, #tpu.memory_space<vmem>> -> memref<1x416xf32, #tpu.memory_space<vmem>>
      %dma_wait3A_1031 = tpu.memref_squeeze %dma_wait3A_1030 : memref<1x416xf32, #tpu.memory_space<vmem>> -> memref<416xf32, #tpu.memory_space<vmem>>
      %dma_wait3A_1032 = arith.constant 0 : i32
      %dma_wait3A_1033 = tpu.memref_slice %arg4[%dma_wait3A_1032] : memref<1015808xf32, #tpu.memory_space<hbm>> -> memref<416xf32, #tpu.memory_space<hbm>>
      tpu.wait_dma2 semaphore(%arg11 : memref<!tpu.dma_semaphore, #tpu.memory_space<semaphore_mem>>) src(%dma_wait3A_1033 : memref<416xf32, #tpu.memory_space<hbm>>) dst(%dma_wait3A_1031 : memref<416xf32, #tpu.memory_space<vmem>>)
      %mul3A_1034 = arith.constant 2 : i32
      %mul3A_1035 = arith.muli %add3A_1002, %mul3A_1034 : i32
      %add3A_1036 = arith.constant 0 : i32
      %add3A_1037 = arith.addi %mul3A_1035, %add3A_1036 : i32
      %broadcast_in_dim3A_1038 = arith.constant 0.000000e+00 : f32
      %broadcast_in_dim3A_1039 = vector.broadcast %broadcast_in_dim3A_1038 : f32 to vector<16xf32>
      %get3A_1040 = arith.constant 1 : i32
      %get3A_1041 = arith.index_cast %get3A_1040 : i32 to index
      %get3A_1042 = arith.constant 0 : index
      %get3A_1043 = tpu.vector_load %arg7[%get3A_1041, %get3A_1042] {strides = array<i32>} : memref<4x416xf32, #tpu.memory_space<vmem>>, vector<1x16xf32>,
      %get3A_1044 = vector.shape_cast %get3A_1043 : vector<1x16xf32> to vector<16xf32>
      %add3A_1045 = arith.addf %broadcast_in_dim3A_1039, %get3A_1044 : vector<16xf32>
      %get3A_1046 = arith.constant 1 : i32
      %get3A_1047 = arith.index_cast %get3A_1046 : i32 to index
      %get3A_1048 = arith.constant 0 : index
      %get3A_1049 = tpu.vector_load %arg8[%get3A_1047, %get3A_1048] {strides = array<i32>} : memref<4x416xf32, #tpu.memory_space<vmem>>, vector<1x16xf32>,
      %get3A_1050 = vector.shape_cast %get3A_1049 : vector<1x16xf32> to vector<16xf32>
      %add3A_1051 = arith.addf %broadcast_in_dim3A_1039, %get3A_1050 : vector<16xf32>
      %mul3A_1052 = arith.constant 416 : i32
      %mul3A_1053 = arith.muli %add3A_1002, %mul3A_1052 : i32
      %add3A_1054 = arith.constant 0 : i32
      %add3A_1055 = arith.addi %mul3A_1053, %add3A_1054 : i32
      %get3A_1056 = arith.index_cast %add3A_1055 : i32 to index
      %get3A_1057 = tpu.vector_load %arg6[%get3A_1056] {strides = array<i32>} : memref<26624xi32, #tpu.memory_space<vmem>>, vector<16xi32>,
      %get3A_1058 = vector.shape_cast %get3A_1057 : vector<16xi32> to vector<16xi32>
      %ne3A_1059 = arith.constant 0 : i32
      %ne3A_1060 = vector.broadcast %ne3A_1059 : i32 to vector<16xi32>
      %ne3A_1061 = arith.cmpi ne, %get3A_1058, %ne3A_1060 : vector<16xi32>
      %jit3A_1062 = arith.constant 1.000000e+00 : f32
      %jit3A_1063 = arith.constant 0.000000e+00 : f32
      %broadcast_in_dim3A_1064 = vector.broadcast %jit3A_1062 : f32 to vector<16xf32>
      %broadcast_in_dim3A_1065 = vector.broadcast %jit3A_1063 : f32 to vector<16xf32>
      %select_n3A_1066 = arith.select %ne3A_1061, %broadcast_in_dim3A_1064, %broadcast_in_dim3A_1065 : vector<16xi1>, vector<16xf32>
      %add3A_1067 = arith.addf %broadcast_in_dim3A_1039, %select_n3A_1066 : vector<16xf32>
      %get3A_1068 = arith.constant 1 : i32
      %get3A_1069 = arith.index_cast %get3A_1068 : i32 to index
      %get3A_1070 = arith.constant 16 : index
      %get3A_1071 = tpu.vector_load %arg7[%get3A_1069, %get3A_1070] {strides = array<i32>} : memref<4x416xf32, #tpu.memory_space<vmem>>, vector<1x16xf32>,
      %get3A_1072 = vector.shape_cast %get3A_1071 : vector<1x16xf32> to vector<16xf32>
      %add3A_1073 = arith.addf %broadcast_in_dim3A_1039, %get3A_1072 : vector<16xf32>
      %get3A_1074 = arith.constant 1 : i32
      %get3A_1075 = arith.index_cast %get3A_1074 : i32 to index
      %get3A_1076 = arith.constant 16 : index
      %get3A_1077 = tpu.vector_load %arg8[%get3A_1075, %get3A_1076] {strides = array<i32>} : memref<4x416xf32, #tpu.memory_space<vmem>>, vector<1x16xf32>,
      %get3A_1078 = vector.shape_cast %get3A_1077 : vector<1x16xf32> to vector<16xf32>
      %add3A_1079 = arith.addf %broadcast_in_dim3A_1039, %get3A_1078 : vector<16xf32>
      %mul3A_1080 = arith.constant 416 : i32
      %mul3A_1081 = arith.muli %add3A_1002, %mul3A_1080 : i32
      %add3A_1082 = arith.constant 16 : i32
      %add3A_1083 = arith.addi %mul3A_1081, %add3A_1082 : i32
      %get3A_1084 = arith.index_cast %add3A_1083 : i32 to index
      %get3A_1085 = tpu.vector_load %arg6[%get3A_1084] {strides = array<i32>} : memref<26624xi32, #tpu.memory_space<vmem>>, vector<16xi32>,
      %get3A_1086 = vector.shape_cast %get3A_1085 : vector<16xi32> to vector<16xi32>
      %ne3A_1087 = arith.constant 0 : i32
      %ne3A_1088 = vector.broadcast %ne3A_1087 : i32 to vector<16xi32>
      %ne3A_1089 = arith.cmpi ne, %get3A_1086, %ne3A_1088 : vector<16xi32>
      %jit3A_1090 = arith.constant 1.000000e+00 : f32
      %jit3A_1091 = arith.constant 0.000000e+00 : f32
      %broadcast_in_dim3A_1092 = vector.broadcast %jit3A_1090 : f32 to vector<16xf32>
      %broadcast_in_dim3A_1093 = vector.broadcast %jit3A_1091 : f32 to vector<16xf32>
      %select_n3A_1094 = arith.select %ne3A_1089, %broadcast_in_dim3A_1092, %broadcast_in_dim3A_1093 : vector<16xi1>, vector<16xf32>
      %add3A_1095 = arith.addf %add3A_1067, %select_n3A_1094 : vector<16xf32>
      %get3A_1096 = arith.constant 1 : i32
      %get3A_1097 = arith.index_cast %get3A_1096 : i32 to index
      %get3A_1098 = arith.constant 32 : index
      %get3A_1099 = tpu.vector_load %arg7[%get3A_1097, %get3A_1098] {strides = array<i32>} : memref<4x416xf32, #tpu.memory_space<vmem>>, vector<1x16xf32>,
      %get3A_1100 = vector.shape_cast %get3A_1099 : vector<1x16xf32> to vector<16xf32>
      %add3A_1101 = arith.addf %add3A_1045, %get3A_1100 : vector<16xf32>
      %get3A_1102 = arith.constant 1 : i32
      %get3A_1103 = arith.index_cast %get3A_1102 : i32 to index
      %get3A_1104 = arith.constant 32 : index
      %get3A_1105 = tpu.vector_load %arg8[%get3A_1103, %get3A_1104] {strides = array<i32>} : memref<4x416xf32, #tpu.memory_space<vmem>>, vector<1x16xf32>,
      %get3A_1106 = vector.shape_cast %get3A_1105 : vector<1x16xf32> to vector<16xf32>
      %add3A_1107 = arith.addf %add3A_1051, %get3A_1106 : vector<16xf32>
      %mul3A_1108 = arith.constant 416 : i32
      %mul3A_1109 = arith.muli %add3A_1002, %mul3A_1108 : i32
      %add3A_1110 = arith.constant 32 : i32
      %add3A_1111 = arith.addi %mul3A_1109, %add3A_1110 : i32
      %get3A_1112 = arith.index_cast %add3A_1111 : i32 to index
      %get3A_1113 = tpu.vector_load %arg6[%get3A_1112] {strides = array<i32>} : memref<26624xi32, #tpu.memory_space<vmem>>, vector<16xi32>,
      %get3A_1114 = vector.shape_cast %get3A_1113 : vector<16xi32> to vector<16xi32>
      %ne3A_1115 = arith.constant 0 : i32
      %ne3A_1116 = vector.broadcast %ne3A_1115 : i32 to vector<16xi32>
      %ne3A_1117 = arith.cmpi ne, %get3A_1114, %ne3A_1116 : vector<16xi32>
      %jit3A_1118 = arith.constant 1.000000e+00 : f32
      %jit3A_1119 = arith.constant 0.000000e+00 : f32
      %broadcast_in_dim3A_1120 = vector.broadcast %jit3A_1118 : f32 to vector<16xf32>
      %broadcast_in_dim3A_1121 = vector.broadcast %jit3A_1119 : f32 to vector<16xf32>
      %select_n3A_1122 = arith.select %ne3A_1117, %broadcast_in_dim3A_1120, %broadcast_in_dim3A_1121 : vector<16xi1>, vector<16xf32>
      %add3A_1123 = arith.addf %add3A_1095, %select_n3A_1122 : vector<16xf32>
      %get3A_1124 = arith.constant 1 : i32
      %get3A_1125 = arith.index_cast %get3A_1124 : i32 to index
      %get3A_1126 = arith.constant 48 : index
      %get3A_1127 = tpu.vector_load %arg7[%get3A_1125, %get3A_1126] {strides = array<i32>} : memref<4x416xf32, #tpu.memory_space<vmem>>, vector<1x16xf32>,
      %get3A_1128 = vector.shape_cast %get3A_1127 : vector<1x16xf32> to vector<16xf32>
      %add3A_1129 = arith.addf %add3A_1073, %get3A_1128 : vector<16xf32>
      %get3A_1130 = arith.constant 1 : i32
      %get3A_1131 = arith.index_cast %get3A_1130 : i32 to index
      %get3A_1132 = arith.constant 48 : index
      %get3A_1133 = tpu.vector_load %arg8[%get3A_1131, %get3A_1132] {strides = array<i32>} : memref<4x416xf32, #tpu.memory_space<vmem>>, vector<1x16xf32>,
      %get3A_1134 = vector.shape_cast %get3A_1133 : vector<1x16xf32> to vector<16xf32>
      %add3A_1135 = arith.addf %add3A_1079, %get3A_1134 : vector<16xf32>
      %mul3A_1136 = arith.constant 416 : i32
      %mul3A_1137 = arith.muli %add3A_1002, %mul3A_1136 : i32
      %add3A_1138 = arith.constant 48 : i32
      %add3A_1139 = arith.addi %mul3A_1137, %add3A_1138 : i32
      %get3A_1140 = arith.index_cast %add3A_1139 : i32 to index
      %get3A_1141 = tpu.vector_load %arg6[%get3A_1140] {strides = array<i32>} : memref<26624xi32, #tpu.memory_space<vmem>>, vector<16xi32>,
      %get3A_1142 = vector.shape_cast %get3A_1141 : vector<16xi32> to vector<16xi32>
      %ne3A_1143 = arith.constant 0 : i32
      %ne3A_1144 = vector.broadcast %ne3A_1143 : i32 to vector<16xi32>
      %ne3A_1145 = arith.cmpi ne, %get3A_1142, %ne3A_1144 : vector<16xi32>
      %jit3A_1146 = arith.constant 1.000000e+00 : f32
      %jit3A_1147 = arith.constant 0.000000e+00 : f32
      %broadcast_in_dim3A_1148 = vector.broadcast %jit3A_1146 : f32 to vector<16xf32>
      %broadcast_in_dim3A_1149 = vector.broadcast %jit3A_1147 : f32 to vector<16xf32>
      %select_n3A_1150 = arith.select %ne3A_1145, %broadcast_in_dim3A_1148, %broadcast_in_dim3A_1149 : vector<16xi1>, vector<16xf32>
      %add3A_1151 = arith.addf %add3A_1123, %select_n3A_1150 : vector<16xf32>
      %get3A_1152 = arith.constant 1 : i32
      %get3A_1153 = arith.index_cast %get3A_1152 : i32 to index
      %get3A_1154 = arith.constant 64 : index
      %get3A_1155 = tpu.vector_load %arg7[%get3A_1153, %get3A_1154] {strides = array<i32>} : memref<4x416xf32, #tpu.memory_space<vmem>>, vector<1x16xf32>,
      %get3A_1156 = vector.shape_cast %get3A_1155 : vector<1x16xf32> to vector<16xf32>
      %add3A_1157 = arith.addf %add3A_1101, %get3A_1156 : vector<16xf32>
      %get3A_1158 = arith.constant 1 : i32
      %get3A_1159 = arith.index_cast %get3A_1158 : i32 to index
      %get3A_1160 = arith.constant 64 : index
      %get3A_1161 = tpu.vector_load %arg8[%get3A_1159, %get3A_1160] {strides = array<i32>} : memref<4x416xf32, #tpu.memory_space<vmem>>, vector<1x16xf32>,
      %get3A_1162 = vector.shape_cast %get3A_1161 : vector<1x16xf32> to vector<16xf32>
      %add3A_1163 = arith.addf %add3A_1107, %get3A_1162 : vector<16xf32>
      %mul3A_1164 = arith.constant 416 : i32
      %mul3A_1165 = arith.muli %add3A_1002, %mul3A_1164 : i32
      %add3A_1166 = arith.constant 64 : i32
      %add3A_1167 = arith.addi %mul3A_1165, %add3A_1166 : i32
      %get3A_1168 = arith.index_cast %add3A_1167 : i32 to index
      %get3A_1169 = tpu.vector_load %arg6[%get3A_1168] {strides = array<i32>} : memref<26624xi32, #tpu.memory_space<vmem>>, vector<16xi32>,
      %get3A_1170 = vector.shape_cast %get3A_1169 : vector<16xi32> to vector<16xi32>
      %ne3A_1171 = arith.constant 0 : i32
      %ne3A_1172 = vector.broadcast %ne3A_1171 : i32 to vector<16xi32>
      %ne3A_1173 = arith.cmpi ne, %get3A_1170, %ne3A_1172 : vector<16xi32>
      %jit3A_1174 = arith.constant 1.000000e+00 : f32
      %jit3A_1175 = arith.constant 0.000000e+00 : f32
      %broadcast_in_dim3A_1176 = vector.broadcast %jit3A_1174 : f32 to vector<16xf32>
      %broadcast_in_dim3A_1177 = vector.broadcast %jit3A_1175 : f32 to vector<16xf32>
      %select_n3A_1178 = arith.select %ne3A_1173, %broadcast_in_dim3A_1176, %broadcast_in_dim3A_1177 : vector<16xi1>, vector<16xf32>
      %add3A_1179 = arith.addf %add3A_1151, %select_n3A_1178 : vector<16xf32>
      %get3A_1180 = arith.constant 1 : i32
      %get3A_1181 = arith.index_cast %get3A_1180 : i32 to index
      %get3A_1182 = arith.constant 80 : index
      %get3A_1183 = tpu.vector_load %arg7[%get3A_1181, %get3A_1182] {strides = array<i32>} : memref<4x416xf32, #tpu.memory_space<vmem>>, vector<1x16xf32>,
      %get3A_1184 = vector.shape_cast %get3A_1183 : vector<1x16xf32> to vector<16xf32>
      %add3A_1185 = arith.addf %add3A_1129, %get3A_1184 : vector<16xf32>
      %get3A_1186 = arith.constant 1 : i32
      %get3A_1187 = arith.index_cast %get3A_1186 : i32 to index
      %get3A_1188 = arith.constant 80 : index
      %get3A_1189 = tpu.vector_load %arg8[%get3A_1187, %get3A_1188] {strides = array<i32>} : memref<4x416xf32, #tpu.memory_space<vmem>>, vector<1x16xf32>,
      %get3A_1190 = vector.shape_cast %get3A_1189 : vector<1x16xf32> to vector<16xf32>
      %add3A_1191 = arith.addf %add3A_1135, %get3A_1190 : vector<16xf32>
      %mul3A_1192 = arith.constant 416 : i32
      %mul3A_1193 = arith.muli %add3A_1002, %mul3A_1192 : i32
      %add3A_1194 = arith.constant 80 : i32
      %add3A_1195 = arith.addi %mul3A_1193, %add3A_1194 : i32
      %get3A_1196 = arith.index_cast %add3A_1195 : i32 to index
      %get3A_1197 = tpu.vector_load %arg6[%get3A_1196] {strides = array<i32>} : memref<26624xi32, #tpu.memory_space<vmem>>, vector<16xi32>,
      %get3A_1198 = vector.shape_cast %get3A_1197 : vector<16xi32> to vector<16xi32>
      %ne3A_1199 = arith.constant 0 : i32
      %ne3A_1200 = vector.broadcast %ne3A_1199 : i32 to vector<16xi32>
      %ne3A_1201 = arith.cmpi ne, %get3A_1198, %ne3A_1200 : vector<16xi32>
      %jit3A_1202 = arith.constant 1.000000e+00 : f32
      %jit3A_1203 = arith.constant 0.000000e+00 : f32
      %broadcast_in_dim3A_1204 = vector.broadcast %jit3A_1202 : f32 to vector<16xf32>
      %broadcast_in_dim3A_1205 = vector.broadcast %jit3A_1203 : f32 to vector<16xf32>
      %select_n3A_1206 = arith.select %ne3A_1201, %broadcast_in_dim3A_1204, %broadcast_in_dim3A_1205 : vector<16xi1>, vector<16xf32>
      %add3A_1207 = arith.addf %add3A_1179, %select_n3A_1206 : vector<16xf32>
      %get3A_1208 = arith.constant 1 : i32
      %get3A_1209 = arith.index_cast %get3A_1208 : i32 to index
      %get3A_1210 = arith.constant 96 : index
      %get3A_1211 = tpu.vector_load %arg7[%get3A_1209, %get3A_1210] {strides = array<i32>} : memref<4x416xf32, #tpu.memory_space<vmem>>, vector<1x16xf32>,
      %get3A_1212 = vector.shape_cast %get3A_1211 : vector<1x16xf32> to vector<16xf32>
      %add3A_1213 = arith.addf %add3A_1157, %get3A_1212 : vector<16xf32>
      %get3A_1214 = arith.constant 1 : i32
      %get3A_1215 = arith.index_cast %get3A_1214 : i32 to index
      %get3A_1216 = arith.constant 96 : index
      %get3A_1217 = tpu.vector_load %arg8[%get3A_1215, %get3A_1216] {strides = array<i32>} : memref<4x416xf32, #tpu.memory_space<vmem>>, vector<1x16xf32>,
      %get3A_1218 = vector.shape_cast %get3A_1217 : vector<1x16xf32> to vector<16xf32>
      %add3A_1219 = arith.addf %add3A_1163, %get3A_1218 : vector<16xf32>
      %mul3A_1220 = arith.constant 416 : i32
      %mul3A_1221 = arith.muli %add3A_1002, %mul3A_1220 : i32
      %add3A_1222 = arith.constant 96 : i32
      %add3A_1223 = arith.addi %mul3A_1221, %add3A_1222 : i32
      %get3A_1224 = arith.index_cast %add3A_1223 : i32 to index
      %get3A_1225 = tpu.vector_load %arg6[%get3A_1224] {strides = array<i32>} : memref<26624xi32, #tpu.memory_space<vmem>>, vector<16xi32>,
      %get3A_1226 = vector.shape_cast %get3A_1225 : vector<16xi32> to vector<16xi32>
      %ne3A_1227 = arith.constant 0 : i32
      %ne3A_1228 = vector.broadcast %ne3A_1227 : i32 to vector<16xi32>
      %ne3A_1229 = arith.cmpi ne, %get3A_1226, %ne3A_1228 : vector<16xi32>
      %jit3A_1230 = arith.constant 1.000000e+00 : f32
      %jit3A_1231 = arith.constant 0.000000e+00 : f32
      %broadcast_in_dim3A_1232 = vector.broadcast %jit3A_1230 : f32 to vector<16xf32>
      %broadcast_in_dim3A_1233 = vector.broadcast %jit3A_1231 : f32 to vector<16xf32>
      %select_n3A_1234 = arith.select %ne3A_1229, %broadcast_in_dim3A_1232, %broadcast_in_dim3A_1233 : vector<16xi1>, vector<16xf32>
      %add3A_1235 = arith.addf %add3A_1207, %select_n3A_1234 : vector<16xf32>
      %get3A_1236 = arith.constant 1 : i32
      %get3A_1237 = arith.index_cast %get3A_1236 : i32 to index
      %get3A_1238 = arith.constant 112 : index
      %get3A_1239 = tpu.vector_load %arg7[%get3A_1237, %get3A_1238] {strides = array<i32>} : memref<4x416xf32, #tpu.memory_space<vmem>>, vector<1x16xf32>,
      %get3A_1240 = vector.shape_cast %get3A_1239 : vector<1x16xf32> to vector<16xf32>
      %add3A_1241 = arith.addf %add3A_1185, %get3A_1240 : vector<16xf32>
      %get3A_1242 = arith.constant 1 : i32
      %get3A_1243 = arith.index_cast %get3A_1242 : i32 to index
      %get3A_1244 = arith.constant 112 : index
      %get3A_1245 = tpu.vector_load %arg8[%get3A_1243, %get3A_1244] {strides = array<i32>} : memref<4x416xf32, #tpu.memory_space<vmem>>, vector<1x16xf32>,
      %get3A_1246 = vector.shape_cast %get3A_1245 : vector<1x16xf32> to vector<16xf32>
      %add3A_1247 = arith.addf %add3A_1191, %get3A_1246 : vector<16xf32>
      %mul3A_1248 = arith.constant 416 : i32
      %mul3A_1249 = arith.muli %add3A_1002, %mul3A_1248 : i32
      %add3A_1250 = arith.constant 112 : i32
      %add3A_1251 = arith.addi %mul3A_1249, %add3A_1250 : i32
      %get3A_1252 = arith.index_cast %add3A_1251 : i32 to index
      %get3A_1253 = tpu.vector_load %arg6[%get3A_1252] {strides = array<i32>} : memref<26624xi32, #tpu.memory_space<vmem>>, vector<16xi32>,
      %get3A_1254 = vector.shape_cast %get3A_1253 : vector<16xi32> to vector<16xi32>
      %ne3A_1255 = arith.constant 0 : i32
      %ne3A_1256 = vector.broadcast %ne3A_1255 : i32 to vector<16xi32>
      %ne3A_1257 = arith.cmpi ne, %get3A_1254, %ne3A_1256 : vector<16xi32>
      %jit3A_1258 = arith.constant 1.000000e+00 : f32
      %jit3A_1259 = arith.constant 0.000000e+00 : f32
      %broadcast_in_dim3A_1260 = vector.broadcast %jit3A_1258 : f32 to vector<16xf32>
      %broadcast_in_dim3A_1261 = vector.broadcast %jit3A_1259 : f32 to vector<16xf32>
      %select_n3A_1262 = arith.select %ne3A_1257, %broadcast_in_dim3A_1260, %broadcast_in_dim3A_1261 : vector<16xi1>, vector<16xf32>
      %add3A_1263 = arith.addf %add3A_1235, %select_n3A_1262 : vector<16xf32>
      %get3A_1264 = arith.constant 1 : i32
      %get3A_1265 = arith.index_cast %get3A_1264 : i32 to index
      %get3A_1266 = arith.constant 128 : index
      %get3A_1267 = tpu.vector_load %arg7[%get3A_1265, %get3A_1266] {strides = array<i32>} : memref<4x416xf32, #tpu.memory_space<vmem>>, vector<1x16xf32>,
      %get3A_1268 = vector.shape_cast %get3A_1267 : vector<1x16xf32> to vector<16xf32>
      %add3A_1269 = arith.addf %add3A_1213, %get3A_1268 : vector<16xf32>
      %get3A_1270 = arith.constant 1 : i32
      %get3A_1271 = arith.index_cast %get3A_1270 : i32 to index
      %get3A_1272 = arith.constant 128 : index
      %get3A_1273 = tpu.vector_load %arg8[%get3A_1271, %get3A_1272] {strides = array<i32>} : memref<4x416xf32, #tpu.memory_space<vmem>>, vector<1x16xf32>,
      %get3A_1274 = vector.shape_cast %get3A_1273 : vector<1x16xf32> to vector<16xf32>
      %add3A_1275 = arith.addf %add3A_1219, %get3A_1274 : vector<16xf32>
      %mul3A_1276 = arith.constant 416 : i32
      %mul3A_1277 = arith.muli %add3A_1002, %mul3A_1276 : i32
      %add3A_1278 = arith.constant 128 : i32
      %add3A_1279 = arith.addi %mul3A_1277, %add3A_1278 : i32
      %get3A_1280 = arith.index_cast %add3A_1279 : i32 to index
      %get3A_1281 = tpu.vector_load %arg6[%get3A_1280] {strides = array<i32>} : memref<26624xi32, #tpu.memory_space<vmem>>, vector<16xi32>,
      %get3A_1282 = vector.shape_cast %get3A_1281 : vector<16xi32> to vector<16xi32>
      %ne3A_1283 = arith.constant 0 : i32
      %ne3A_1284 = vector.broadcast %ne3A_1283 : i32 to vector<16xi32>
      %ne3A_1285 = arith.cmpi ne, %get3A_1282, %ne3A_1284 : vector<16xi32>
      %jit3A_1286 = arith.constant 1.000000e+00 : f32
      %jit3A_1287 = arith.constant 0.000000e+00 : f32
      %broadcast_in_dim3A_1288 = vector.broadcast %jit3A_1286 : f32 to vector<16xf32>
      %broadcast_in_dim3A_1289 = vector.broadcast %jit3A_1287 : f32 to vector<16xf32>
      %select_n3A_1290 = arith.select %ne3A_1285, %broadcast_in_dim3A_1288, %broadcast_in_dim3A_1289 : vector<16xi1>, vector<16xf32>
      %add3A_1291 = arith.addf %add3A_1263, %select_n3A_1290 : vector<16xf32>
      %get3A_1292 = arith.constant 1 : i32
      %get3A_1293 = arith.index_cast %get3A_1292 : i32 to index
      %get3A_1294 = arith.constant 144 : index
      %get3A_1295 = tpu.vector_load %arg7[%get3A_1293, %get3A_1294] {strides = array<i32>} : memref<4x416xf32, #tpu.memory_space<vmem>>, vector<1x16xf32>,
      %get3A_1296 = vector.shape_cast %get3A_1295 : vector<1x16xf32> to vector<16xf32>
      %add3A_1297 = arith.addf %add3A_1241, %get3A_1296 : vector<16xf32>
      %get3A_1298 = arith.constant 1 : i32
      %get3A_1299 = arith.index_cast %get3A_1298 : i32 to index
      %get3A_1300 = arith.constant 144 : index
      %get3A_1301 = tpu.vector_load %arg8[%get3A_1299, %get3A_1300] {strides = array<i32>} : memref<4x416xf32, #tpu.memory_space<vmem>>, vector<1x16xf32>,
      %get3A_1302 = vector.shape_cast %get3A_1301 : vector<1x16xf32> to vector<16xf32>
      %add3A_1303 = arith.addf %add3A_1247, %get3A_1302 : vector<16xf32>
      %mul3A_1304 = arith.constant 416 : i32
      %mul3A_1305 = arith.muli %add3A_1002, %mul3A_1304 : i32
      %add3A_1306 = arith.constant 144 : i32
      %add3A_1307 = arith.addi %mul3A_1305, %add3A_1306 : i32
      %get3A_1308 = arith.index_cast %add3A_1307 : i32 to index
      %get3A_1309 = tpu.vector_load %arg6[%get3A_1308] {strides = array<i32>} : memref<26624xi32, #tpu.memory_space<vmem>>, vector<16xi32>,
      %get3A_1310 = vector.shape_cast %get3A_1309 : vector<16xi32> to vector<16xi32>
      %ne3A_1311 = arith.constant 0 : i32
      %ne3A_1312 = vector.broadcast %ne3A_1311 : i32 to vector<16xi32>
      %ne3A_1313 = arith.cmpi ne, %get3A_1310, %ne3A_1312 : vector<16xi32>
      %jit3A_1314 = arith.constant 1.000000e+00 : f32
      %jit3A_1315 = arith.constant 0.000000e+00 : f32
      %broadcast_in_dim3A_1316 = vector.broadcast %jit3A_1314 : f32 to vector<16xf32>
      %broadcast_in_dim3A_1317 = vector.broadcast %jit3A_1315 : f32 to vector<16xf32>
      %select_n3A_1318 = arith.select %ne3A_1313, %broadcast_in_dim3A_1316, %broadcast_in_dim3A_1317 : vector<16xi1>, vector<16xf32>
      %add3A_1319 = arith.addf %add3A_1291, %select_n3A_1318 : vector<16xf32>
      %get3A_1320 = arith.constant 1 : i32
      %get3A_1321 = arith.index_cast %get3A_1320 : i32 to index
      %get3A_1322 = arith.constant 160 : index
      %get3A_1323 = tpu.vector_load %arg7[%get3A_1321, %get3A_1322] {strides = array<i32>} : memref<4x416xf32, #tpu.memory_space<vmem>>, vector<1x16xf32>,
      %get3A_1324 = vector.shape_cast %get3A_1323 : vector<1x16xf32> to vector<16xf32>
      %add3A_1325 = arith.addf %add3A_1269, %get3A_1324 : vector<16xf32>
      %get3A_1326 = arith.constant 1 : i32
      %get3A_1327 = arith.index_cast %get3A_1326 : i32 to index
      %get3A_1328 = arith.constant 160 : index
      %get3A_1329 = tpu.vector_load %arg8[%get3A_1327, %get3A_1328] {strides = array<i32>} : memref<4x416xf32, #tpu.memory_space<vmem>>, vector<1x16xf32>,
      %get3A_1330 = vector.shape_cast %get3A_1329 : vector<1x16xf32> to vector<16xf32>
      %add3A_1331 = arith.addf %add3A_1275, %get3A_1330 : vector<16xf32>
      %mul3A_1332 = arith.constant 416 : i32
      %mul3A_1333 = arith.muli %add3A_1002, %mul3A_1332 : i32
      %add3A_1334 = arith.constant 160 : i32
      %add3A_1335 = arith.addi %mul3A_1333, %add3A_1334 : i32
      %get3A_1336 = arith.index_cast %add3A_1335 : i32 to index
      %get3A_1337 = tpu.vector_load %arg6[%get3A_1336] {strides = array<i32>} : memref<26624xi32, #tpu.memory_space<vmem>>, vector<16xi32>,
      %get3A_1338 = vector.shape_cast %get3A_1337 : vector<16xi32> to vector<16xi32>
      %ne3A_1339 = arith.constant 0 : i32
      %ne3A_1340 = vector.broadcast %ne3A_1339 : i32 to vector<16xi32>
      %ne3A_1341 = arith.cmpi ne, %get3A_1338, %ne3A_1340 : vector<16xi32>
      %jit3A_1342 = arith.constant 1.000000e+00 : f32
      %jit3A_1343 = arith.constant 0.000000e+00 : f32
      %broadcast_in_dim3A_1344 = vector.broadcast %jit3A_1342 : f32 to vector<16xf32>
      %broadcast_in_dim3A_1345 = vector.broadcast %jit3A_1343 : f32 to vector<16xf32>
      %select_n3A_1346 = arith.select %ne3A_1341, %broadcast_in_dim3A_1344, %broadcast_in_dim3A_1345 : vector<16xi1>, vector<16xf32>
      %add3A_1347 = arith.addf %add3A_1319, %select_n3A_1346 : vector<16xf32>
      %get3A_1348 = arith.constant 1 : i32
      %get3A_1349 = arith.index_cast %get3A_1348 : i32 to index
      %get3A_1350 = arith.constant 176 : index
      %get3A_1351 = tpu.vector_load %arg7[%get3A_1349, %get3A_1350] {strides = array<i32>} : memref<4x416xf32, #tpu.memory_space<vmem>>, vector<1x16xf32>,
      %get3A_1352 = vector.shape_cast %get3A_1351 : vector<1x16xf32> to vector<16xf32>
      %add3A_1353 = arith.addf %add3A_1297, %get3A_1352 : vector<16xf32>
      %get3A_1354 = arith.constant 1 : i32
      %get3A_1355 = arith.index_cast %get3A_1354 : i32 to index
      %get3A_1356 = arith.constant 176 : index
      %get3A_1357 = tpu.vector_load %arg8[%get3A_1355, %get3A_1356] {strides = array<i32>} : memref<4x416xf32, #tpu.memory_space<vmem>>, vector<1x16xf32>,
      %get3A_1358 = vector.shape_cast %get3A_1357 : vector<1x16xf32> to vector<16xf32>
      %add3A_1359 = arith.addf %add3A_1303, %get3A_1358 : vector<16xf32>
      %mul3A_1360 = arith.constant 416 : i32
      %mul3A_1361 = arith.muli %add3A_1002, %mul3A_1360 : i32
      %add3A_1362 = arith.constant 176 : i32
      %add3A_1363 = arith.addi %mul3A_1361, %add3A_1362 : i32
      %get3A_1364 = arith.index_cast %add3A_1363 : i32 to index
      %get3A_1365 = tpu.vector_load %arg6[%get3A_1364] {strides = array<i32>} : memref<26624xi32, #tpu.memory_space<vmem>>, vector<16xi32>,
      %get3A_1366 = vector.shape_cast %get3A_1365 : vector<16xi32> to vector<16xi32>
      %ne3A_1367 = arith.constant 0 : i32
      %ne3A_1368 = vector.broadcast %ne3A_1367 : i32 to vector<16xi32>
      %ne3A_1369 = arith.cmpi ne, %get3A_1366, %ne3A_1368 : vector<16xi32>
      %jit3A_1370 = arith.constant 1.000000e+00 : f32
      %jit3A_1371 = arith.constant 0.000000e+00 : f32
      %broadcast_in_dim3A_1372 = vector.broadcast %jit3A_1370 : f32 to vector<16xf32>
      %broadcast_in_dim3A_1373 = vector.broadcast %jit3A_1371 : f32 to vector<16xf32>
      %select_n3A_1374 = arith.select %ne3A_1369, %broadcast_in_dim3A_1372, %broadcast_in_dim3A_1373 : vector<16xi1>, vector<16xf32>
      %add3A_1375 = arith.addf %add3A_1347, %select_n3A_1374 : vector<16xf32>
      %get3A_1376 = arith.constant 1 : i32
      %get3A_1377 = arith.index_cast %get3A_1376 : i32 to index
      %get3A_1378 = arith.constant 192 : index
      %get3A_1379 = tpu.vector_load %arg7[%get3A_1377, %get3A_1378] {strides = array<i32>} : memref<4x416xf32, #tpu.memory_space<vmem>>, vector<1x16xf32>,
      %get3A_1380 = vector.shape_cast %get3A_1379 : vector<1x16xf32> to vector<16xf32>
      %add3A_1381 = arith.addf %add3A_1325, %get3A_1380 : vector<16xf32>
      %get3A_1382 = arith.constant 1 : i32
      %get3A_1383 = arith.index_cast %get3A_1382 : i32 to index
      %get3A_1384 = arith.constant 192 : index
      %get3A_1385 = tpu.vector_load %arg8[%get3A_1383, %get3A_1384] {strides = array<i32>} : memref<4x416xf32, #tpu.memory_space<vmem>>, vector<1x16xf32>,
      %get3A_1386 = vector.shape_cast %get3A_1385 : vector<1x16xf32> to vector<16xf32>
      %add3A_1387 = arith.addf %add3A_1331, %get3A_1386 : vector<16xf32>
      %mul3A_1388 = arith.constant 416 : i32
      %mul3A_1389 = arith.muli %add3A_1002, %mul3A_1388 : i32
      %add3A_1390 = arith.constant 192 : i32
      %add3A_1391 = arith.addi %mul3A_1389, %add3A_1390 : i32
      %get3A_1392 = arith.index_cast %add3A_1391 : i32 to index
      %get3A_1393 = tpu.vector_load %arg6[%get3A_1392] {strides = array<i32>} : memref<26624xi32, #tpu.memory_space<vmem>>, vector<16xi32>,
      %get3A_1394 = vector.shape_cast %get3A_1393 : vector<16xi32> to vector<16xi32>
      %ne3A_1395 = arith.constant 0 : i32
      %ne3A_1396 = vector.broadcast %ne3A_1395 : i32 to vector<16xi32>
      %ne3A_1397 = arith.cmpi ne, %get3A_1394, %ne3A_1396 : vector<16xi32>
      %jit3A_1398 = arith.constant 1.000000e+00 : f32
      %jit3A_1399 = arith.constant 0.000000e+00 : f32
      %broadcast_in_dim3A_1400 = vector.broadcast %jit3A_1398 : f32 to vector<16xf32>
      %broadcast_in_dim3A_1401 = vector.broadcast %jit3A_1399 : f32 to vector<16xf32>
      %select_n3A_1402 = arith.select %ne3A_1397, %broadcast_in_dim3A_1400, %broadcast_in_dim3A_1401 : vector<16xi1>, vector<16xf32>
      %add3A_1403 = arith.addf %add3A_1375, %select_n3A_1402 : vector<16xf32>
      %add3A_1404 = arith.addf %add3A_1381, %add3A_1353 : vector<16xf32>
      %swap3A_1405 = arith.index_cast %add3A_1037 : i32 to index
      %swap3A_1406 = arith.constant 0 : index
      %swap3A_1407 = tpu.vector_load %arg9[%swap3A_1405, %swap3A_1406] {strides = array<i32>} : memref<128x48xf32, #tpu.memory_space<vmem>>, vector<1x16xf32>,
      %swap3A_1408 = vector.shape_cast %swap3A_1407 : vector<1x16xf32> to vector<16xf32>
      %swap3A_1409 = vector.shape_cast %add3A_1404 : vector<16xf32> to vector<1x16xf32>
      tpu.vector_store %arg9[%swap3A_1405, %swap3A_1406], %swap3A_1409 {strides = array<i32>} : memref<128x48xf32, #tpu.memory_space<vmem>>, vector<1x16xf32>,
      %add3A_1410 = arith.addf %add3A_1387, %add3A_1359 : vector<16xf32>
      %swap3A_1411 = arith.index_cast %add3A_1037 : i32 to index
      %swap3A_1412 = arith.constant 16 : index
      %swap3A_1413 = tpu.vector_load %arg9[%swap3A_1411, %swap3A_1412] {strides = array<i32>} : memref<128x48xf32, #tpu.memory_space<vmem>>, vector<1x16xf32>,
      %swap3A_1414 = vector.shape_cast %swap3A_1413 : vector<1x16xf32> to vector<16xf32>
      %swap3A_1415 = vector.shape_cast %add3A_1410 : vector<16xf32> to vector<1x16xf32>
      tpu.vector_store %arg9[%swap3A_1411, %swap3A_1412], %swap3A_1415 {strides = array<i32>} : memref<128x48xf32, #tpu.memory_space<vmem>>, vector<1x16xf32>,
      %swap3A_1416 = arith.index_cast %add3A_1037 : i32 to index
      %swap3A_1417 = arith.constant 32 : index
      %swap3A_1418 = tpu.vector_load %arg9[%swap3A_1416, %swap3A_1417] {strides = array<i32>} : memref<128x48xf32, #tpu.memory_space<vmem>>, vector<1x16xf32>,
      %swap3A_1419 = vector.shape_cast %swap3A_1418 : vector<1x16xf32> to vector<16xf32>
      %swap3A_1420 = vector.shape_cast %add3A_1403 : vector<16xf32> to vector<1x16xf32>
      tpu.vector_store %arg9[%swap3A_1416, %swap3A_1417], %swap3A_1420 {strides = array<i32>} : memref<128x48xf32, #tpu.memory_space<vmem>>, vector<1x16xf32>,
      %mul3A_1421 = arith.constant 2 : i32
      %mul3A_1422 = arith.muli %add3A_1002, %mul3A_1421 : i32
      %add3A_1423 = arith.constant 1 : i32
      %add3A_1424 = arith.addi %mul3A_1422, %add3A_1423 : i32
      %broadcast_in_dim3A_1425 = arith.constant 0.000000e+00 : f32
      %broadcast_in_dim3A_1426 = vector.broadcast %broadcast_in_dim3A_1425 : f32 to vector<16xf32>
      %get3A_1427 = arith.constant 1 : i32
      %get3A_1428 = arith.index_cast %get3A_1427 : i32 to index
      %get3A_1429 = arith.constant 208 : index
      %get3A_1430 = tpu.vector_load %arg7[%get3A_1428, %get3A_1429] {strides = array<i32>} : memref<4x416xf32, #tpu.memory_space<vmem>>, vector<1x16xf32>,
      %get3A_1431 = vector.shape_cast %get3A_1430 : vector<1x16xf32> to vector<16xf32>
      %add3A_1432 = arith.addf %broadcast_in_dim3A_1426, %get3A_1431 : vector<16xf32>
      %get3A_1433 = arith.constant 1 : i32
      %get3A_1434 = arith.index_cast %get3A_1433 : i32 to index
      %get3A_1435 = arith.constant 208 : index
      %get3A_1436 = tpu.vector_load %arg8[%get3A_1434, %get3A_1435] {strides = array<i32>} : memref<4x416xf32, #tpu.memory_space<vmem>>, vector<1x16xf32>,
      %get3A_1437 = vector.shape_cast %get3A_1436 : vector<1x16xf32> to vector<16xf32>
      %add3A_1438 = arith.addf %broadcast_in_dim3A_1426, %get3A_1437 : vector<16xf32>
      %mul3A_1439 = arith.constant 416 : i32
      %mul3A_1440 = arith.muli %add3A_1002, %mul3A_1439 : i32
      %add3A_1441 = arith.constant 208 : i32
      %add3A_1442 = arith.addi %mul3A_1440, %add3A_1441 : i32
      %get3A_1443 = arith.index_cast %add3A_1442 : i32 to index
      %get3A_1444 = tpu.vector_load %arg6[%get3A_1443] {strides = array<i32>} : memref<26624xi32, #tpu.memory_space<vmem>>, vector<16xi32>,
      %get3A_1445 = vector.shape_cast %get3A_1444 : vector<16xi32> to vector<16xi32>
      %ne3A_1446 = arith.constant 0 : i32
      %ne3A_1447 = vector.broadcast %ne3A_1446 : i32 to vector<16xi32>
      %ne3A_1448 = arith.cmpi ne, %get3A_1445, %ne3A_1447 : vector<16xi32>
      %jit3A_1449 = arith.constant 1.000000e+00 : f32
      %jit3A_1450 = arith.constant 0.000000e+00 : f32
      %broadcast_in_dim3A_1451 = vector.broadcast %jit3A_1449 : f32 to vector<16xf32>
      %broadcast_in_dim3A_1452 = vector.broadcast %jit3A_1450 : f32 to vector<16xf32>
      %select_n3A_1453 = arith.select %ne3A_1448, %broadcast_in_dim3A_1451, %broadcast_in_dim3A_1452 : vector<16xi1>, vector<16xf32>
      %add3A_1454 = arith.addf %broadcast_in_dim3A_1426, %select_n3A_1453 : vector<16xf32>
      %get3A_1455 = arith.constant 1 : i32
      %get3A_1456 = arith.index_cast %get3A_1455 : i32 to index
      %get3A_1457 = arith.constant 224 : index
      %get3A_1458 = tpu.vector_load %arg7[%get3A_1456, %get3A_1457] {strides = array<i32>} : memref<4x416xf32, #tpu.memory_space<vmem>>, vector<1x16xf32>,
      %get3A_1459 = vector.shape_cast %get3A_1458 : vector<1x16xf32> to vector<16xf32>
      %add3A_1460 = arith.addf %broadcast_in_dim3A_1426, %get3A_1459 : vector<16xf32>
      %get3A_1461 = arith.constant 1 : i32
      %get3A_1462 = arith.index_cast %get3A_1461 : i32 to index
      %get3A_1463 = arith.constant 224 : index
      %get3A_1464 = tpu.vector_load %arg8[%get3A_1462, %get3A_1463] {strides = array<i32>} : memref<4x416xf32, #tpu.memory_space<vmem>>, vector<1x16xf32>,
      %get3A_1465 = vector.shape_cast %get3A_1464 : vector<1x16xf32> to vector<16xf32>
      %add3A_1466 = arith.addf %broadcast_in_dim3A_1426, %get3A_1465 : vector<16xf32>
      %mul3A_1467 = arith.constant 416 : i32
      %mul3A_1468 = arith.muli %add3A_1002, %mul3A_1467 : i32
      %add3A_1469 = arith.constant 224 : i32
      %add3A_1470 = arith.addi %mul3A_1468, %add3A_1469 : i32
      %get3A_1471 = arith.index_cast %add3A_1470 : i32 to index
      %get3A_1472 = tpu.vector_load %arg6[%get3A_1471] {strides = array<i32>} : memref<26624xi32, #tpu.memory_space<vmem>>, vector<16xi32>,
      %get3A_1473 = vector.shape_cast %get3A_1472 : vector<16xi32> to vector<16xi32>
      %ne3A_1474 = arith.constant 0 : i32
      %ne3A_1475 = vector.broadcast %ne3A_1474 : i32 to vector<16xi32>
      %ne3A_1476 = arith.cmpi ne, %get3A_1473, %ne3A_1475 : vector<16xi32>
      %jit3A_1477 = arith.constant 1.000000e+00 : f32
      %jit3A_1478 = arith.constant 0.000000e+00 : f32
      %broadcast_in_dim3A_1479 = vector.broadcast %jit3A_1477 : f32 to vector<16xf32>
      %broadcast_in_dim3A_1480 = vector.broadcast %jit3A_1478 : f32 to vector<16xf32>
      %select_n3A_1481 = arith.select %ne3A_1476, %broadcast_in_dim3A_1479, %broadcast_in_dim3A_1480 : vector<16xi1>, vector<16xf32>
      %add3A_1482 = arith.addf %add3A_1454, %select_n3A_1481 : vector<16xf32>
      %get3A_1483 = arith.constant 1 : i32
      %get3A_1484 = arith.index_cast %get3A_1483 : i32 to index
      %get3A_1485 = arith.constant 240 : index
      %get3A_1486 = tpu.vector_load %arg7[%get3A_1484, %get3A_1485] {strides = array<i32>} : memref<4x416xf32, #tpu.memory_space<vmem>>, vector<1x16xf32>,
      %get3A_1487 = vector.shape_cast %get3A_1486 : vector<1x16xf32> to vector<16xf32>
      %add3A_1488 = arith.addf %add3A_1432, %get3A_1487 : vector<16xf32>
      %get3A_1489 = arith.constant 1 : i32
      %get3A_1490 = arith.index_cast %get3A_1489 : i32 to index
      %get3A_1491 = arith.constant 240 : index
      %get3A_1492 = tpu.vector_load %arg8[%get3A_1490, %get3A_1491] {strides = array<i32>} : memref<4x416xf32, #tpu.memory_space<vmem>>, vector<1x16xf32>,
      %get3A_1493 = vector.shape_cast %get3A_1492 : vector<1x16xf32> to vector<16xf32>
      %add3A_1494 = arith.addf %add3A_1438, %get3A_1493 : vector<16xf32>
      %mul3A_1495 = arith.constant 416 : i32
      %mul3A_1496 = arith.muli %add3A_1002, %mul3A_1495 : i32
      %add3A_1497 = arith.constant 240 : i32
      %add3A_1498 = arith.addi %mul3A_1496, %add3A_1497 : i32
      %get3A_1499 = arith.index_cast %add3A_1498 : i32 to index
      %get3A_1500 = tpu.vector_load %arg6[%get3A_1499] {strides = array<i32>} : memref<26624xi32, #tpu.memory_space<vmem>>, vector<16xi32>,
      %get3A_1501 = vector.shape_cast %get3A_1500 : vector<16xi32> to vector<16xi32>
      %ne3A_1502 = arith.constant 0 : i32
      %ne3A_1503 = vector.broadcast %ne3A_1502 : i32 to vector<16xi32>
      %ne3A_1504 = arith.cmpi ne, %get3A_1501, %ne3A_1503 : vector<16xi32>
      %jit3A_1505 = arith.constant 1.000000e+00 : f32
      %jit3A_1506 = arith.constant 0.000000e+00 : f32
      %broadcast_in_dim3A_1507 = vector.broadcast %jit3A_1505 : f32 to vector<16xf32>
      %broadcast_in_dim3A_1508 = vector.broadcast %jit3A_1506 : f32 to vector<16xf32>
      %select_n3A_1509 = arith.select %ne3A_1504, %broadcast_in_dim3A_1507, %broadcast_in_dim3A_1508 : vector<16xi1>, vector<16xf32>
      %add3A_1510 = arith.addf %add3A_1482, %select_n3A_1509 : vector<16xf32>
      %get3A_1511 = arith.constant 1 : i32
      %get3A_1512 = arith.index_cast %get3A_1511 : i32 to index
      %get3A_1513 = arith.constant 256 : index
      %get3A_1514 = tpu.vector_load %arg7[%get3A_1512, %get3A_1513] {strides = array<i32>} : memref<4x416xf32, #tpu.memory_space<vmem>>, vector<1x16xf32>,
      %get3A_1515 = vector.shape_cast %get3A_1514 : vector<1x16xf32> to vector<16xf32>
      %add3A_1516 = arith.addf %add3A_1460, %get3A_1515 : vector<16xf32>
      %get3A_1517 = arith.constant 1 : i32
      %get3A_1518 = arith.index_cast %get3A_1517 : i32 to index
      %get3A_1519 = arith.constant 256 : index
      %get3A_1520 = tpu.vector_load %arg8[%get3A_1518, %get3A_1519] {strides = array<i32>} : memref<4x416xf32, #tpu.memory_space<vmem>>, vector<1x16xf32>,
      %get3A_1521 = vector.shape_cast %get3A_1520 : vector<1x16xf32> to vector<16xf32>
      %add3A_1522 = arith.addf %add3A_1466, %get3A_1521 : vector<16xf32>
      %mul3A_1523 = arith.constant 416 : i32
      %mul3A_1524 = arith.muli %add3A_1002, %mul3A_1523 : i32
      %add3A_1525 = arith.constant 256 : i32
      %add3A_1526 = arith.addi %mul3A_1524, %add3A_1525 : i32
      %get3A_1527 = arith.index_cast %add3A_1526 : i32 to index
      %get3A_1528 = tpu.vector_load %arg6[%get3A_1527] {strides = array<i32>} : memref<26624xi32, #tpu.memory_space<vmem>>, vector<16xi32>,
      %get3A_1529 = vector.shape_cast %get3A_1528 : vector<16xi32> to vector<16xi32>
      %ne3A_1530 = arith.constant 0 : i32
      %ne3A_1531 = vector.broadcast %ne3A_1530 : i32 to vector<16xi32>
      %ne3A_1532 = arith.cmpi ne, %get3A_1529, %ne3A_1531 : vector<16xi32>
      %jit3A_1533 = arith.constant 1.000000e+00 : f32
      %jit3A_1534 = arith.constant 0.000000e+00 : f32
      %broadcast_in_dim3A_1535 = vector.broadcast %jit3A_1533 : f32 to vector<16xf32>
      %broadcast_in_dim3A_1536 = vector.broadcast %jit3A_1534 : f32 to vector<16xf32>
      %select_n3A_1537 = arith.select %ne3A_1532, %broadcast_in_dim3A_1535, %broadcast_in_dim3A_1536 : vector<16xi1>, vector<16xf32>
      %add3A_1538 = arith.addf %add3A_1510, %select_n3A_1537 : vector<16xf32>
      %get3A_1539 = arith.constant 1 : i32
      %get3A_1540 = arith.index_cast %get3A_1539 : i32 to index
      %get3A_1541 = arith.constant 272 : index
      %get3A_1542 = tpu.vector_load %arg7[%get3A_1540, %get3A_1541] {strides = array<i32>} : memref<4x416xf32, #tpu.memory_space<vmem>>, vector<1x16xf32>,
      %get3A_1543 = vector.shape_cast %get3A_1542 : vector<1x16xf32> to vector<16xf32>
      %add3A_1544 = arith.addf %add3A_1488, %get3A_1543 : vector<16xf32>
      %get3A_1545 = arith.constant 1 : i32
      %get3A_1546 = arith.index_cast %get3A_1545 : i32 to index
      %get3A_1547 = arith.constant 272 : index
      %get3A_1548 = tpu.vector_load %arg8[%get3A_1546, %get3A_1547] {strides = array<i32>} : memref<4x416xf32, #tpu.memory_space<vmem>>, vector<1x16xf32>,
      %get3A_1549 = vector.shape_cast %get3A_1548 : vector<1x16xf32> to vector<16xf32>
      %add3A_1550 = arith.addf %add3A_1494, %get3A_1549 : vector<16xf32>
      %mul3A_1551 = arith.constant 416 : i32
      %mul3A_1552 = arith.muli %add3A_1002, %mul3A_1551 : i32
      %add3A_1553 = arith.constant 272 : i32
      %add3A_1554 = arith.addi %mul3A_1552, %add3A_1553 : i32
      %get3A_1555 = arith.index_cast %add3A_1554 : i32 to index
      %get3A_1556 = tpu.vector_load %arg6[%get3A_1555] {strides = array<i32>} : memref<26624xi32, #tpu.memory_space<vmem>>, vector<16xi32>,
      %get3A_1557 = vector.shape_cast %get3A_1556 : vector<16xi32> to vector<16xi32>
      %ne3A_1558 = arith.constant 0 : i32
      %ne3A_1559 = vector.broadcast %ne3A_1558 : i32 to vector<16xi32>
      %ne3A_1560 = arith.cmpi ne, %get3A_1557, %ne3A_1559 : vector<16xi32>
      %jit3A_1561 = arith.constant 1.000000e+00 : f32
      %jit3A_1562 = arith.constant 0.000000e+00 : f32
      %broadcast_in_dim3A_1563 = vector.broadcast %jit3A_1561 : f32 to vector<16xf32>
      %broadcast_in_dim3A_1564 = vector.broadcast %jit3A_1562 : f32 to vector<16xf32>
      %select_n3A_1565 = arith.select %ne3A_1560, %broadcast_in_dim3A_1563, %broadcast_in_dim3A_1564 : vector<16xi1>, vector<16xf32>
      %add3A_1566 = arith.addf %add3A_1538, %select_n3A_1565 : vector<16xf32>
      %get3A_1567 = arith.constant 1 : i32
      %get3A_1568 = arith.index_cast %get3A_1567 : i32 to index
      %get3A_1569 = arith.constant 288 : index
      %get3A_1570 = tpu.vector_load %arg7[%get3A_1568, %get3A_1569] {strides = array<i32>} : memref<4x416xf32, #tpu.memory_space<vmem>>, vector<1x16xf32>,
      %get3A_1571 = vector.shape_cast %get3A_1570 : vector<1x16xf32> to vector<16xf32>
      %add3A_1572 = arith.addf %add3A_1516, %get3A_1571 : vector<16xf32>
      %get3A_1573 = arith.constant 1 : i32
      %get3A_1574 = arith.index_cast %get3A_1573 : i32 to index
      %get3A_1575 = arith.constant 288 : index
      %get3A_1576 = tpu.vector_load %arg8[%get3A_1574, %get3A_1575] {strides = array<i32>} : memref<4x416xf32, #tpu.memory_space<vmem>>, vector<1x16xf32>,
      %get3A_1577 = vector.shape_cast %get3A_1576 : vector<1x16xf32> to vector<16xf32>
      %add3A_1578 = arith.addf %add3A_1522, %get3A_1577 : vector<16xf32>
      %mul3A_1579 = arith.constant 416 : i32
      %mul3A_1580 = arith.muli %add3A_1002, %mul3A_1579 : i32
      %add3A_1581 = arith.constant 288 : i32
      %add3A_1582 = arith.addi %mul3A_1580, %add3A_1581 : i32
      %get3A_1583 = arith.index_cast %add3A_1582 : i32 to index
      %get3A_1584 = tpu.vector_load %arg6[%get3A_1583] {strides = array<i32>} : memref<26624xi32, #tpu.memory_space<vmem>>, vector<16xi32>,
      %get3A_1585 = vector.shape_cast %get3A_1584 : vector<16xi32> to vector<16xi32>
      %ne3A_1586 = arith.constant 0 : i32
      %ne3A_1587 = vector.broadcast %ne3A_1586 : i32 to vector<16xi32>
      %ne3A_1588 = arith.cmpi ne, %get3A_1585, %ne3A_1587 : vector<16xi32>
      %jit3A_1589 = arith.constant 1.000000e+00 : f32
      %jit3A_1590 = arith.constant 0.000000e+00 : f32
      %broadcast_in_dim3A_1591 = vector.broadcast %jit3A_1589 : f32 to vector<16xf32>
      %broadcast_in_dim3A_1592 = vector.broadcast %jit3A_1590 : f32 to vector<16xf32>
      %select_n3A_1593 = arith.select %ne3A_1588, %broadcast_in_dim3A_1591, %broadcast_in_dim3A_1592 : vector<16xi1>, vector<16xf32>
      %add3A_1594 = arith.addf %add3A_1566, %select_n3A_1593 : vector<16xf32>
      %get3A_1595 = arith.constant 1 : i32
      %get3A_1596 = arith.index_cast %get3A_1595 : i32 to index
      %get3A_1597 = arith.constant 304 : index
      %get3A_1598 = tpu.vector_load %arg7[%get3A_1596, %get3A_1597] {strides = array<i32>} : memref<4x416xf32, #tpu.memory_space<vmem>>, vector<1x16xf32>,
      %get3A_1599 = vector.shape_cast %get3A_1598 : vector<1x16xf32> to vector<16xf32>
      %add3A_1600 = arith.addf %add3A_1544, %get3A_1599 : vector<16xf32>
      %get3A_1601 = arith.constant 1 : i32
      %get3A_1602 = arith.index_cast %get3A_1601 : i32 to index
      %get3A_1603 = arith.constant 304 : index
      %get3A_1604 = tpu.vector_load %arg8[%get3A_1602, %get3A_1603] {strides = array<i32>} : memref<4x416xf32, #tpu.memory_space<vmem>>, vector<1x16xf32>,
      %get3A_1605 = vector.shape_cast %get3A_1604 : vector<1x16xf32> to vector<16xf32>
      %add3A_1606 = arith.addf %add3A_1550, %get3A_1605 : vector<16xf32>
      %mul3A_1607 = arith.constant 416 : i32
      %mul3A_1608 = arith.muli %add3A_1002, %mul3A_1607 : i32
      %add3A_1609 = arith.constant 304 : i32
      %add3A_1610 = arith.addi %mul3A_1608, %add3A_1609 : i32
      %get3A_1611 = arith.index_cast %add3A_1610 : i32 to index
      %get3A_1612 = tpu.vector_load %arg6[%get3A_1611] {strides = array<i32>} : memref<26624xi32, #tpu.memory_space<vmem>>, vector<16xi32>,
      %get3A_1613 = vector.shape_cast %get3A_1612 : vector<16xi32> to vector<16xi32>
      %ne3A_1614 = arith.constant 0 : i32
      %ne3A_1615 = vector.broadcast %ne3A_1614 : i32 to vector<16xi32>
      %ne3A_1616 = arith.cmpi ne, %get3A_1613, %ne3A_1615 : vector<16xi32>
      %jit3A_1617 = arith.constant 1.000000e+00 : f32
      %jit3A_1618 = arith.constant 0.000000e+00 : f32
      %broadcast_in_dim3A_1619 = vector.broadcast %jit3A_1617 : f32 to vector<16xf32>
      %broadcast_in_dim3A_1620 = vector.broadcast %jit3A_1618 : f32 to vector<16xf32>
      %select_n3A_1621 = arith.select %ne3A_1616, %broadcast_in_dim3A_1619, %broadcast_in_dim3A_1620 : vector<16xi1>, vector<16xf32>
      %add3A_1622 = arith.addf %add3A_1594, %select_n3A_1621 : vector<16xf32>
      %get3A_1623 = arith.constant 1 : i32
      %get3A_1624 = arith.index_cast %get3A_1623 : i32 to index
      %get3A_1625 = arith.constant 320 : index
      %get3A_1626 = tpu.vector_load %arg7[%get3A_1624, %get3A_1625] {strides = array<i32>} : memref<4x416xf32, #tpu.memory_space<vmem>>, vector<1x16xf32>,
      %get3A_1627 = vector.shape_cast %get3A_1626 : vector<1x16xf32> to vector<16xf32>
      %add3A_1628 = arith.addf %add3A_1572, %get3A_1627 : vector<16xf32>
      %get3A_1629 = arith.constant 1 : i32
      %get3A_1630 = arith.index_cast %get3A_1629 : i32 to index
      %get3A_1631 = arith.constant 320 : index
      %get3A_1632 = tpu.vector_load %arg8[%get3A_1630, %get3A_1631] {strides = array<i32>} : memref<4x416xf32, #tpu.memory_space<vmem>>, vector<1x16xf32>,
      %get3A_1633 = vector.shape_cast %get3A_1632 : vector<1x16xf32> to vector<16xf32>
      %add3A_1634 = arith.addf %add3A_1578, %get3A_1633 : vector<16xf32>
      %mul3A_1635 = arith.constant 416 : i32
      %mul3A_1636 = arith.muli %add3A_1002, %mul3A_1635 : i32
      %add3A_1637 = arith.constant 320 : i32
      %add3A_1638 = arith.addi %mul3A_1636, %add3A_1637 : i32
      %get3A_1639 = arith.index_cast %add3A_1638 : i32 to index
      %get3A_1640 = tpu.vector_load %arg6[%get3A_1639] {strides = array<i32>} : memref<26624xi32, #tpu.memory_space<vmem>>, vector<16xi32>,
      %get3A_1641 = vector.shape_cast %get3A_1640 : vector<16xi32> to vector<16xi32>
      %ne3A_1642 = arith.constant 0 : i32
      %ne3A_1643 = vector.broadcast %ne3A_1642 : i32 to vector<16xi32>
      %ne3A_1644 = arith.cmpi ne, %get3A_1641, %ne3A_1643 : vector<16xi32>
      %jit3A_1645 = arith.constant 1.000000e+00 : f32
      %jit3A_1646 = arith.constant 0.000000e+00 : f32
      %broadcast_in_dim3A_1647 = vector.broadcast %jit3A_1645 : f32 to vector<16xf32>
      %broadcast_in_dim3A_1648 = vector.broadcast %jit3A_1646 : f32 to vector<16xf32>
      %select_n3A_1649 = arith.select %ne3A_1644, %broadcast_in_dim3A_1647, %broadcast_in_dim3A_1648 : vector<16xi1>, vector<16xf32>
      %add3A_1650 = arith.addf %add3A_1622, %select_n3A_1649 : vector<16xf32>
      %get3A_1651 = arith.constant 1 : i32
      %get3A_1652 = arith.index_cast %get3A_1651 : i32 to index
      %get3A_1653 = arith.constant 336 : index
      %get3A_1654 = tpu.vector_load %arg7[%get3A_1652, %get3A_1653] {strides = array<i32>} : memref<4x416xf32, #tpu.memory_space<vmem>>, vector<1x16xf32>,
      %get3A_1655 = vector.shape_cast %get3A_1654 : vector<1x16xf32> to vector<16xf32>
      %add3A_1656 = arith.addf %add3A_1600, %get3A_1655 : vector<16xf32>
      %get3A_1657 = arith.constant 1 : i32
      %get3A_1658 = arith.index_cast %get3A_1657 : i32 to index
      %get3A_1659 = arith.constant 336 : index
      %get3A_1660 = tpu.vector_load %arg8[%get3A_1658, %get3A_1659] {strides = array<i32>} : memref<4x416xf32, #tpu.memory_space<vmem>>, vector<1x16xf32>,
      %get3A_1661 = vector.shape_cast %get3A_1660 : vector<1x16xf32> to vector<16xf32>
      %add3A_1662 = arith.addf %add3A_1606, %get3A_1661 : vector<16xf32>
      %mul3A_1663 = arith.constant 416 : i32
      %mul3A_1664 = arith.muli %add3A_1002, %mul3A_1663 : i32
      %add3A_1665 = arith.constant 336 : i32
      %add3A_1666 = arith.addi %mul3A_1664, %add3A_1665 : i32
      %get3A_1667 = arith.index_cast %add3A_1666 : i32 to index
      %get3A_1668 = tpu.vector_load %arg6[%get3A_1667] {strides = array<i32>} : memref<26624xi32, #tpu.memory_space<vmem>>, vector<16xi32>,
      %get3A_1669 = vector.shape_cast %get3A_1668 : vector<16xi32> to vector<16xi32>
      %ne3A_1670 = arith.constant 0 : i32
      %ne3A_1671 = vector.broadcast %ne3A_1670 : i32 to vector<16xi32>
      %ne3A_1672 = arith.cmpi ne, %get3A_1669, %ne3A_1671 : vector<16xi32>
      %jit3A_1673 = arith.constant 1.000000e+00 : f32
      %jit3A_1674 = arith.constant 0.000000e+00 : f32
      %broadcast_in_dim3A_1675 = vector.broadcast %jit3A_1673 : f32 to vector<16xf32>
      %broadcast_in_dim3A_1676 = vector.broadcast %jit3A_1674 : f32 to vector<16xf32>
      %select_n3A_1677 = arith.select %ne3A_1672, %broadcast_in_dim3A_1675, %broadcast_in_dim3A_1676 : vector<16xi1>, vector<16xf32>
      %add3A_1678 = arith.addf %add3A_1650, %select_n3A_1677 : vector<16xf32>
      %get3A_1679 = arith.constant 1 : i32
      %get3A_1680 = arith.index_cast %get3A_1679 : i32 to index
      %get3A_1681 = arith.constant 352 : index
      %get3A_1682 = tpu.vector_load %arg7[%get3A_1680, %get3A_1681] {strides = array<i32>} : memref<4x416xf32, #tpu.memory_space<vmem>>, vector<1x16xf32>,
      %get3A_1683 = vector.shape_cast %get3A_1682 : vector<1x16xf32> to vector<16xf32>
      %add3A_1684 = arith.addf %add3A_1628, %get3A_1683 : vector<16xf32>
      %get3A_1685 = arith.constant 1 : i32
      %get3A_1686 = arith.index_cast %get3A_1685 : i32 to index
      %get3A_1687 = arith.constant 352 : index
      %get3A_1688 = tpu.vector_load %arg8[%get3A_1686, %get3A_1687] {strides = array<i32>} : memref<4x416xf32, #tpu.memory_space<vmem>>, vector<1x16xf32>,
      %get3A_1689 = vector.shape_cast %get3A_1688 : vector<1x16xf32> to vector<16xf32>
      %add3A_1690 = arith.addf %add3A_1634, %get3A_1689 : vector<16xf32>
      %mul3A_1691 = arith.constant 416 : i32
      %mul3A_1692 = arith.muli %add3A_1002, %mul3A_1691 : i32
      %add3A_1693 = arith.constant 352 : i32
      %add3A_1694 = arith.addi %mul3A_1692, %add3A_1693 : i32
      %get3A_1695 = arith.index_cast %add3A_1694 : i32 to index
      %get3A_1696 = tpu.vector_load %arg6[%get3A_1695] {strides = array<i32>} : memref<26624xi32, #tpu.memory_space<vmem>>, vector<16xi32>,
      %get3A_1697 = vector.shape_cast %get3A_1696 : vector<16xi32> to vector<16xi32>
      %ne3A_1698 = arith.constant 0 : i32
      %ne3A_1699 = vector.broadcast %ne3A_1698 : i32 to vector<16xi32>
      %ne3A_1700 = arith.cmpi ne, %get3A_1697, %ne3A_1699 : vector<16xi32>
      %jit3A_1701 = arith.constant 1.000000e+00 : f32
      %jit3A_1702 = arith.constant 0.000000e+00 : f32
      %broadcast_in_dim3A_1703 = vector.broadcast %jit3A_1701 : f32 to vector<16xf32>
      %broadcast_in_dim3A_1704 = vector.broadcast %jit3A_1702 : f32 to vector<16xf32>
      %select_n3A_1705 = arith.select %ne3A_1700, %broadcast_in_dim3A_1703, %broadcast_in_dim3A_1704 : vector<16xi1>, vector<16xf32>
      %add3A_1706 = arith.addf %add3A_1678, %select_n3A_1705 : vector<16xf32>
      %get3A_1707 = arith.constant 1 : i32
      %get3A_1708 = arith.index_cast %get3A_1707 : i32 to index
      %get3A_1709 = arith.constant 368 : index
      %get3A_1710 = tpu.vector_load %arg7[%get3A_1708, %get3A_1709] {strides = array<i32>} : memref<4x416xf32, #tpu.memory_space<vmem>>, vector<1x16xf32>,
      %get3A_1711 = vector.shape_cast %get3A_1710 : vector<1x16xf32> to vector<16xf32>
      %add3A_1712 = arith.addf %add3A_1656, %get3A_1711 : vector<16xf32>
      %get3A_1713 = arith.constant 1 : i32
      %get3A_1714 = arith.index_cast %get3A_1713 : i32 to index
      %get3A_1715 = arith.constant 368 : index
      %get3A_1716 = tpu.vector_load %arg8[%get3A_1714, %get3A_1715] {strides = array<i32>} : memref<4x416xf32, #tpu.memory_space<vmem>>, vector<1x16xf32>,
      %get3A_1717 = vector.shape_cast %get3A_1716 : vector<1x16xf32> to vector<16xf32>
      %add3A_1718 = arith.addf %add3A_1662, %get3A_1717 : vector<16xf32>
      %mul3A_1719 = arith.constant 416 : i32
      %mul3A_1720 = arith.muli %add3A_1002, %mul3A_1719 : i32
      %add3A_1721 = arith.constant 368 : i32
      %add3A_1722 = arith.addi %mul3A_1720, %add3A_1721 : i32
      %get3A_1723 = arith.index_cast %add3A_1722 : i32 to index
      %get3A_1724 = tpu.vector_load %arg6[%get3A_1723] {strides = array<i32>} : memref<26624xi32, #tpu.memory_space<vmem>>, vector<16xi32>,
      %get3A_1725 = vector.shape_cast %get3A_1724 : vector<16xi32> to vector<16xi32>
      %ne3A_1726 = arith.constant 0 : i32
      %ne3A_1727 = vector.broadcast %ne3A_1726 : i32 to vector<16xi32>
      %ne3A_1728 = arith.cmpi ne, %get3A_1725, %ne3A_1727 : vector<16xi32>
      %jit3A_1729 = arith.constant 1.000000e+00 : f32
      %jit3A_1730 = arith.constant 0.000000e+00 : f32
      %broadcast_in_dim3A_1731 = vector.broadcast %jit3A_1729 : f32 to vector<16xf32>
      %broadcast_in_dim3A_1732 = vector.broadcast %jit3A_1730 : f32 to vector<16xf32>
      %select_n3A_1733 = arith.select %ne3A_1728, %broadcast_in_dim3A_1731, %broadcast_in_dim3A_1732 : vector<16xi1>, vector<16xf32>
      %add3A_1734 = arith.addf %add3A_1706, %select_n3A_1733 : vector<16xf32>
      %get3A_1735 = arith.constant 1 : i32
      %get3A_1736 = arith.index_cast %get3A_1735 : i32 to index
      %get3A_1737 = arith.constant 384 : index
      %get3A_1738 = tpu.vector_load %arg7[%get3A_1736, %get3A_1737] {strides = array<i32>} : memref<4x416xf32, #tpu.memory_space<vmem>>, vector<1x16xf32>,
      %get3A_1739 = vector.shape_cast %get3A_1738 : vector<1x16xf32> to vector<16xf32>
      %add3A_1740 = arith.addf %add3A_1684, %get3A_1739 : vector<16xf32>
      %get3A_1741 = arith.constant 1 : i32
      %get3A_1742 = arith.index_cast %get3A_1741 : i32 to index
      %get3A_1743 = arith.constant 384 : index
      %get3A_1744 = tpu.vector_load %arg8[%get3A_1742, %get3A_1743] {strides = array<i32>} : memref<4x416xf32, #tpu.memory_space<vmem>>, vector<1x16xf32>,
      %get3A_1745 = vector.shape_cast %get3A_1744 : vector<1x16xf32> to vector<16xf32>
      %add3A_1746 = arith.addf %add3A_1690, %get3A_1745 : vector<16xf32>
      %mul3A_1747 = arith.constant 416 : i32
      %mul3A_1748 = arith.muli %add3A_1002, %mul3A_1747 : i32
      %add3A_1749 = arith.constant 384 : i32
      %add3A_1750 = arith.addi %mul3A_1748, %add3A_1749 : i32
      %get3A_1751 = arith.index_cast %add3A_1750 : i32 to index
      %get3A_1752 = tpu.vector_load %arg6[%get3A_1751] {strides = array<i32>} : memref<26624xi32, #tpu.memory_space<vmem>>, vector<16xi32>,
      %get3A_1753 = vector.shape_cast %get3A_1752 : vector<16xi32> to vector<16xi32>
      %ne3A_1754 = arith.constant 0 : i32
      %ne3A_1755 = vector.broadcast %ne3A_1754 : i32 to vector<16xi32>
      %ne3A_1756 = arith.cmpi ne, %get3A_1753, %ne3A_1755 : vector<16xi32>
      %jit3A_1757 = arith.constant 1.000000e+00 : f32
      %jit3A_1758 = arith.constant 0.000000e+00 : f32
      %broadcast_in_dim3A_1759 = vector.broadcast %jit3A_1757 : f32 to vector<16xf32>
      %broadcast_in_dim3A_1760 = vector.broadcast %jit3A_1758 : f32 to vector<16xf32>
      %select_n3A_1761 = arith.select %ne3A_1756, %broadcast_in_dim3A_1759, %broadcast_in_dim3A_1760 : vector<16xi1>, vector<16xf32>
      %add3A_1762 = arith.addf %add3A_1734, %select_n3A_1761 : vector<16xf32>
      %get3A_1763 = arith.constant 1 : i32
      %get3A_1764 = arith.index_cast %get3A_1763 : i32 to index
      %get3A_1765 = arith.constant 400 : index
      %get3A_1766 = tpu.vector_load %arg7[%get3A_1764, %get3A_1765] {strides = array<i32>} : memref<4x416xf32, #tpu.memory_space<vmem>>, vector<1x16xf32>,
      %get3A_1767 = vector.shape_cast %get3A_1766 : vector<1x16xf32> to vector<16xf32>
      %add3A_1768 = arith.addf %add3A_1712, %get3A_1767 : vector<16xf32>
      %get3A_1769 = arith.constant 1 : i32
      %get3A_1770 = arith.index_cast %get3A_1769 : i32 to index
      %get3A_1771 = arith.constant 400 : index
      %get3A_1772 = tpu.vector_load %arg8[%get3A_1770, %get3A_1771] {strides = array<i32>} : memref<4x416xf32, #tpu.memory_space<vmem>>, vector<1x16xf32>,
      %get3A_1773 = vector.shape_cast %get3A_1772 : vector<1x16xf32> to vector<16xf32>
      %add3A_1774 = arith.addf %add3A_1718, %get3A_1773 : vector<16xf32>
      %mul3A_1775 = arith.constant 416 : i32
      %mul3A_1776 = arith.muli %add3A_1002, %mul3A_1775 : i32
      %add3A_1777 = arith.constant 400 : i32
      %add3A_1778 = arith.addi %mul3A_1776, %add3A_1777 : i32
      %get3A_1779 = arith.index_cast %add3A_1778 : i32 to index
      %get3A_1780 = tpu.vector_load %arg6[%get3A_1779] {strides = array<i32>} : memref<26624xi32, #tpu.memory_space<vmem>>, vector<16xi32>,
      %get3A_1781 = vector.shape_cast %get3A_1780 : vector<16xi32> to vector<16xi32>
      %ne3A_1782 = arith.constant 0 : i32
      %ne3A_1783 = vector.broadcast %ne3A_1782 : i32 to vector<16xi32>
      %ne3A_1784 = arith.cmpi ne, %get3A_1781, %ne3A_1783 : vector<16xi32>
      %jit3A_1785 = arith.constant 1.000000e+00 : f32
      %jit3A_1786 = arith.constant 0.000000e+00 : f32
      %broadcast_in_dim3A_1787 = vector.broadcast %jit3A_1785 : f32 to vector<16xf32>
      %broadcast_in_dim3A_1788 = vector.broadcast %jit3A_1786 : f32 to vector<16xf32>
      %select_n3A_1789 = arith.select %ne3A_1784, %broadcast_in_dim3A_1787, %broadcast_in_dim3A_1788 : vector<16xi1>, vector<16xf32>
      %add3A_1790 = arith.addf %add3A_1762, %select_n3A_1789 : vector<16xf32>
      %add3A_1791 = arith.addf %add3A_1768, %add3A_1740 : vector<16xf32>
      %swap3A_1792 = arith.index_cast %add3A_1424 : i32 to index
      %swap3A_1793 = arith.constant 0 : index
      %swap3A_1794 = tpu.vector_load %arg9[%swap3A_1792, %swap3A_1793] {strides = array<i32>} : memref<128x48xf32, #tpu.memory_space<vmem>>, vector<1x16xf32>,
      %swap3A_1795 = vector.shape_cast %swap3A_1794 : vector<1x16xf32> to vector<16xf32>
      %swap3A_1796 = vector.shape_cast %add3A_1791 : vector<16xf32> to vector<1x16xf32>
      tpu.vector_store %arg9[%swap3A_1792, %swap3A_1793], %swap3A_1796 {strides = array<i32>} : memref<128x48xf32, #tpu.memory_space<vmem>>, vector<1x16xf32>,
      %add3A_1797 = arith.addf %add3A_1774, %add3A_1746 : vector<16xf32>
      %swap3A_1798 = arith.index_cast %add3A_1424 : i32 to index
      %swap3A_1799 = arith.constant 16 : index
      %swap3A_1800 = tpu.vector_load %arg9[%swap3A_1798, %swap3A_1799] {strides = array<i32>} : memref<128x48xf32, #tpu.memory_space<vmem>>, vector<1x16xf32>,
      %swap3A_1801 = vector.shape_cast %swap3A_1800 : vector<1x16xf32> to vector<16xf32>
      %swap3A_1802 = vector.shape_cast %add3A_1797 : vector<16xf32> to vector<1x16xf32>
      tpu.vector_store %arg9[%swap3A_1798, %swap3A_1799], %swap3A_1802 {strides = array<i32>} : memref<128x48xf32, #tpu.memory_space<vmem>>, vector<1x16xf32>,
      %swap3A_1803 = arith.index_cast %add3A_1424 : i32 to index
      %swap3A_1804 = arith.constant 32 : index
      %swap3A_1805 = tpu.vector_load %arg9[%swap3A_1803, %swap3A_1804] {strides = array<i32>} : memref<128x48xf32, #tpu.memory_space<vmem>>, vector<1x16xf32>,
      %swap3A_1806 = vector.shape_cast %swap3A_1805 : vector<1x16xf32> to vector<16xf32>
      %swap3A_1807 = vector.shape_cast %add3A_1790 : vector<16xf32> to vector<1x16xf32>
      tpu.vector_store %arg9[%swap3A_1803, %swap3A_1804], %swap3A_1807 {strides = array<i32>} : memref<128x48xf32, #tpu.memory_space<vmem>>, vector<1x16xf32>,
      %add3A_1808 = arith.constant 2 : i32
      %add3A_1809 = arith.addi %add3A_204, %add3A_1808 : i32
      %add3A_1810 = arith.constant 4 : i32
      %add3A_1811 = arith.addi %add3A_1809, %add3A_1810 : i32
      %sub3A_1812 = arith.constant 1 : i32
      %sub3A_1813 = arith.subi %add3A_1811, %sub3A_1812 : i32
      %lt3A_1814 = arith.constant 64 : i32
      %lt3A_1815 = arith.cmpi slt, %sub3A_1813, %lt3A_1814 : i32
      %convert_element_type3A_1816 = arith.extui %lt3A_1815 : i1 to i32
      %cond3A_1817 = arith.constant 0 : i32
      %cond3A_1818 = arith.cmpi ne, %convert_element_type3A_1816, %cond3A_1817 : i32
      scf.if %cond3A_1818 {
        %add3A_3422 = arith.constant 4 : i32
        %add3A_3423 = arith.addi %add3A_1809, %add3A_3422 : i32
        %sub3A_3424 = arith.constant 1 : i32
        %sub3A_3425 = arith.subi %add3A_3423, %sub3A_3424 : i32
        %mul3A_3426 = arith.constant 416 : i32
        %mul3A_3427 = arith.muli %sub3A_3425, %mul3A_3426 : i32
        %add3A_3428 = arith.constant 0 : i32
        %add3A_3429 = arith.addi %mul3A_3427, %add3A_3428 : i32
        %dma_start3A_3430 = arith.constant 1 : i32
        %dma_start3A_3431 = arith.constant 0 : i32
        %dma_start3A_3432 = tpu.memref_slice %arg7[%dma_start3A_3430, %dma_start3A_3431] : memref<4x416xf32, #tpu.memory_space<vmem>> -> memref<1x128xf32, #tpu.memory_space<vmem>>
        %dma_start3A_3433 = tpu.memref_squeeze %dma_start3A_3432 : memref<1x128xf32, #tpu.memory_space<vmem>> -> memref<128xf32, #tpu.memory_space<vmem>>
        %dma_start3A_3434 = tpu.memref_slice %arg6[%add3A_3429] : memref<26624xi32, #tpu.memory_space<vmem>> -> memref<128xi32, #tpu.memory_space<vmem>>
        %dma_start3A_3435 = arith.constant 0 : i32
        %dma_start3A_3436 = tpu.memref_slice %arg3[%dma_start3A_3435] : memref<1015808xf32, #tpu.memory_space<hbm>> -> memref<1015808xf32, #tpu.memory_space<hbm>>
        tpu.enqueue_indirect_dma source(%dma_start3A_3436 : memref<1015808xf32, #tpu.memory_space<hbm>>) target(%dma_start3A_3433 : memref<128xf32, #tpu.memory_space<vmem>>) offsets(%dma_start3A_3434 : memref<128xi32, #tpu.memory_space<vmem>>) semaphore(%arg11 : memref<!tpu.dma_semaphore, #tpu.memory_space<semaphore_mem>>)
        %dma_start3A_3437 = arith.constant 1 : i32
        %dma_start3A_3438 = arith.constant 0 : i32
        %dma_start3A_3439 = tpu.memref_slice %arg8[%dma_start3A_3437, %dma_start3A_3438] : memref<4x416xf32, #tpu.memory_space<vmem>> -> memref<1x128xf32, #tpu.memory_space<vmem>>
        %dma_start3A_3440 = tpu.memref_squeeze %dma_start3A_3439 : memref<1x128xf32, #tpu.memory_space<vmem>> -> memref<128xf32, #tpu.memory_space<vmem>>
        %dma_start3A_3441 = tpu.memref_slice %arg6[%add3A_3429] : memref<26624xi32, #tpu.memory_space<vmem>> -> memref<128xi32, #tpu.memory_space<vmem>>
        %dma_start3A_3442 = arith.constant 0 : i32
        %dma_start3A_3443 = tpu.memref_slice %arg4[%dma_start3A_3442] : memref<1015808xf32, #tpu.memory_space<hbm>> -> memref<1015808xf32, #tpu.memory_space<hbm>>
        tpu.enqueue_indirect_dma source(%dma_start3A_3443 : memref<1015808xf32, #tpu.memory_space<hbm>>) target(%dma_start3A_3440 : memref<128xf32, #tpu.memory_space<vmem>>) offsets(%dma_start3A_3441 : memref<128xi32, #tpu.memory_space<vmem>>) semaphore(%arg11 : memref<!tpu.dma_semaphore, #tpu.memory_space<semaphore_mem>>)
        %add3A_3444 = arith.constant 128 : i32
        %add3A_3445 = arith.addi %mul3A_3427, %add3A_3444 : i32
        %dma_start3A_3446 = arith.constant 1 : i32
        %dma_start3A_3447 = arith.constant 128 : i32
        %dma_start3A_3448 = tpu.memref_slice %arg7[%dma_start3A_3446, %dma_start3A_3447] : memref<4x416xf32, #tpu.memory_space<vmem>> -> memref<1x128xf32, #tpu.memory_space<vmem>>
        %dma_start3A_3449 = tpu.memref_squeeze %dma_start3A_3448 : memref<1x128xf32, #tpu.memory_space<vmem>> -> memref<128xf32, #tpu.memory_space<vmem>>
        %dma_start3A_3450 = tpu.memref_slice %arg6[%add3A_3445] : memref<26624xi32, #tpu.memory_space<vmem>> -> memref<128xi32, #tpu.memory_space<vmem>>
        %dma_start3A_3451 = arith.constant 0 : i32
        %dma_start3A_3452 = tpu.memref_slice %arg3[%dma_start3A_3451] : memref<1015808xf32, #tpu.memory_space<hbm>> -> memref<1015808xf32, #tpu.memory_space<hbm>>
        tpu.enqueue_indirect_dma source(%dma_start3A_3452 : memref<1015808xf32, #tpu.memory_space<hbm>>) target(%dma_start3A_3449 : memref<128xf32, #tpu.memory_space<vmem>>) offsets(%dma_start3A_3450 : memref<128xi32, #tpu.memory_space<vmem>>) semaphore(%arg11 : memref<!tpu.dma_semaphore, #tpu.memory_space<semaphore_mem>>)
        %dma_start3A_3453 = arith.constant 1 : i32
        %dma_start3A_3454 = arith.constant 128 : i32
        %dma_start3A_3455 = tpu.memref_slice %arg8[%dma_start3A_3453, %dma_start3A_3454] : memref<4x416xf32, #tpu.memory_space<vmem>> -> memref<1x128xf32, #tpu.memory_space<vmem>>
        %dma_start3A_3456 = tpu.memref_squeeze %dma_start3A_3455 : memref<1x128xf32, #tpu.memory_space<vmem>> -> memref<128xf32, #tpu.memory_space<vmem>>
        %dma_start3A_3457 = tpu.memref_slice %arg6[%add3A_3445] : memref<26624xi32, #tpu.memory_space<vmem>> -> memref<128xi32, #tpu.memory_space<vmem>>
        %dma_start3A_3458 = arith.constant 0 : i32
        %dma_start3A_3459 = tpu.memref_slice %arg4[%dma_start3A_3458] : memref<1015808xf32, #tpu.memory_space<hbm>> -> memref<1015808xf32, #tpu.memory_space<hbm>>
        tpu.enqueue_indirect_dma source(%dma_start3A_3459 : memref<1015808xf32, #tpu.memory_space<hbm>>) target(%dma_start3A_3456 : memref<128xf32, #tpu.memory_space<vmem>>) offsets(%dma_start3A_3457 : memref<128xi32, #tpu.memory_space<vmem>>) semaphore(%arg11 : memref<!tpu.dma_semaphore, #tpu.memory_space<semaphore_mem>>)
        %add3A_3460 = arith.constant 256 : i32
        %add3A_3461 = arith.addi %mul3A_3427, %add3A_3460 : i32
        %dma_start3A_3462 = arith.constant 1 : i32
        %dma_start3A_3463 = arith.constant 256 : i32
        %dma_start3A_3464 = tpu.memref_slice %arg7[%dma_start3A_3462, %dma_start3A_3463] : memref<4x416xf32, #tpu.memory_space<vmem>> -> memref<1x128xf32, #tpu.memory_space<vmem>>
        %dma_start3A_3465 = tpu.memref_squeeze %dma_start3A_3464 : memref<1x128xf32, #tpu.memory_space<vmem>> -> memref<128xf32, #tpu.memory_space<vmem>>
        %dma_start3A_3466 = tpu.memref_slice %arg6[%add3A_3461] : memref<26624xi32, #tpu.memory_space<vmem>> -> memref<128xi32, #tpu.memory_space<vmem>>
        %dma_start3A_3467 = arith.constant 0 : i32
        %dma_start3A_3468 = tpu.memref_slice %arg3[%dma_start3A_3467] : memref<1015808xf32, #tpu.memory_space<hbm>> -> memref<1015808xf32, #tpu.memory_space<hbm>>
        tpu.enqueue_indirect_dma source(%dma_start3A_3468 : memref<1015808xf32, #tpu.memory_space<hbm>>) target(%dma_start3A_3465 : memref<128xf32, #tpu.memory_space<vmem>>) offsets(%dma_start3A_3466 : memref<128xi32, #tpu.memory_space<vmem>>) semaphore(%arg11 : memref<!tpu.dma_semaphore, #tpu.memory_space<semaphore_mem>>)
        %dma_start3A_3469 = arith.constant 1 : i32
        %dma_start3A_3470 = arith.constant 256 : i32
        %dma_start3A_3471 = tpu.memref_slice %arg8[%dma_start3A_3469, %dma_start3A_3470] : memref<4x416xf32, #tpu.memory_space<vmem>> -> memref<1x128xf32, #tpu.memory_space<vmem>>
        %dma_start3A_3472 = tpu.memref_squeeze %dma_start3A_3471 : memref<1x128xf32, #tpu.memory_space<vmem>> -> memref<128xf32, #tpu.memory_space<vmem>>
        %dma_start3A_3473 = tpu.memref_slice %arg6[%add3A_3461] : memref<26624xi32, #tpu.memory_space<vmem>> -> memref<128xi32, #tpu.memory_space<vmem>>
        %dma_start3A_3474 = arith.constant 0 : i32
        %dma_start3A_3475 = tpu.memref_slice %arg4[%dma_start3A_3474] : memref<1015808xf32, #tpu.memory_space<hbm>> -> memref<1015808xf32, #tpu.memory_space<hbm>>
        tpu.enqueue_indirect_dma source(%dma_start3A_3475 : memref<1015808xf32, #tpu.memory_space<hbm>>) target(%dma_start3A_3472 : memref<128xf32, #tpu.memory_space<vmem>>) offsets(%dma_start3A_3473 : memref<128xi32, #tpu.memory_space<vmem>>) semaphore(%arg11 : memref<!tpu.dma_semaphore, #tpu.memory_space<semaphore_mem>>)
        %add3A_3476 = arith.constant 384 : i32
        %add3A_3477 = arith.addi %mul3A_3427, %add3A_3476 : i32
        %dma_start3A_3478 = arith.constant 1 : i32
        %dma_start3A_3479 = arith.constant 384 : i32
        %dma_start3A_3480 = tpu.memref_slice %arg7[%dma_start3A_3478, %dma_start3A_3479] : memref<4x416xf32, #tpu.memory_space<vmem>> -> memref<1x32xf32, #tpu.memory_space<vmem>>
        %dma_start3A_3481 = tpu.memref_squeeze %dma_start3A_3480 : memref<1x32xf32, #tpu.memory_space<vmem>> -> memref<32xf32, #tpu.memory_space<vmem>>
        %dma_start3A_3482 = tpu.memref_slice %arg6[%add3A_3477] : memref<26624xi32, #tpu.memory_space<vmem>> -> memref<32xi32, #tpu.memory_space<vmem>>
        %dma_start3A_3483 = arith.constant 0 : i32
        %dma_start3A_3484 = tpu.memref_slice %arg3[%dma_start3A_3483] : memref<1015808xf32, #tpu.memory_space<hbm>> -> memref<1015808xf32, #tpu.memory_space<hbm>>
        tpu.enqueue_indirect_dma source(%dma_start3A_3484 : memref<1015808xf32, #tpu.memory_space<hbm>>) target(%dma_start3A_3481 : memref<32xf32, #tpu.memory_space<vmem>>) offsets(%dma_start3A_3482 : memref<32xi32, #tpu.memory_space<vmem>>) semaphore(%arg11 : memref<!tpu.dma_semaphore, #tpu.memory_space<semaphore_mem>>)
        %dma_start3A_3485 = arith.constant 1 : i32
        %dma_start3A_3486 = arith.constant 384 : i32
        %dma_start3A_3487 = tpu.memref_slice %arg8[%dma_start3A_3485, %dma_start3A_3486] : memref<4x416xf32, #tpu.memory_space<vmem>> -> memref<1x32xf32, #tpu.memory_space<vmem>>
        %dma_start3A_3488 = tpu.memref_squeeze %dma_start3A_3487 : memref<1x32xf32, #tpu.memory_space<vmem>> -> memref<32xf32, #tpu.memory_space<vmem>>
        %dma_start3A_3489 = tpu.memref_slice %arg6[%add3A_3477] : memref<26624xi32, #tpu.memory_space<vmem>> -> memref<32xi32, #tpu.memory_space<vmem>>
        %dma_start3A_3490 = arith.constant 0 : i32
        %dma_start3A_3491 = tpu.memref_slice %arg4[%dma_start3A_3490] : memref<1015808xf32, #tpu.memory_space<hbm>> -> memref<1015808xf32, #tpu.memory_space<hbm>>
        tpu.enqueue_indirect_dma source(%dma_start3A_3491 : memref<1015808xf32, #tpu.memory_space<hbm>>) target(%dma_start3A_3488 : memref<32xf32, #tpu.memory_space<vmem>>) offsets(%dma_start3A_3489 : memref<32xi32, #tpu.memory_space<vmem>>) semaphore(%arg11 : memref<!tpu.dma_semaphore, #tpu.memory_space<semaphore_mem>>)
      } else {
      }
      %dma_wait3A_1819 = arith.constant 2 : i32
      %dma_wait3A_1820 = arith.constant 0 : i32
      %dma_wait3A_1821 = tpu.memref_slice %arg7[%dma_wait3A_1819, %dma_wait3A_1820] : memref<4x416xf32, #tpu.memory_space<vmem>> -> memref<1x416xf32, #tpu.memory_space<vmem>>
      %dma_wait3A_1822 = tpu.memref_squeeze %dma_wait3A_1821 : memref<1x416xf32, #tpu.memory_space<vmem>> -> memref<416xf32, #tpu.memory_space<vmem>>
      %dma_wait3A_1823 = arith.constant 0 : i32
      %dma_wait3A_1824 = tpu.memref_slice %arg3[%dma_wait3A_1823] : memref<1015808xf32, #tpu.memory_space<hbm>> -> memref<416xf32, #tpu.memory_space<hbm>>
      %dma_wait3A_1825 = arith.constant 0 : i32
      %dma_wait3A_1826 = tpu.memref_slice %arg7[%dma_wait3A_1819, %dma_wait3A_1825] : memref<4x416xf32, #tpu.memory_space<vmem>> -> memref<1x416xf32, #tpu.memory_space<vmem>>
      %dma_wait3A_1827 = tpu.memref_squeeze %dma_wait3A_1826 : memref<1x416xf32, #tpu.memory_space<vmem>> -> memref<416xf32, #tpu.memory_space<vmem>>
      %dma_wait3A_1828 = arith.constant 0 : i32
      %dma_wait3A_1829 = tpu.memref_slice %arg3[%dma_wait3A_1828] : memref<1015808xf32, #tpu.memory_space<hbm>> -> memref<416xf32, #tpu.memory_space<hbm>>
      tpu.wait_dma2 semaphore(%arg12 : memref<!tpu.dma_semaphore, #tpu.memory_space<semaphore_mem>>) src(%dma_wait3A_1829 : memref<416xf32, #tpu.memory_space<hbm>>) dst(%dma_wait3A_1827 : memref<416xf32, #tpu.memory_space<vmem>>)
      %dma_wait3A_1830 = arith.constant 2 : i32
      %dma_wait3A_1831 = arith.constant 0 : i32
      %dma_wait3A_1832 = tpu.memref_slice %arg8[%dma_wait3A_1830, %dma_wait3A_1831] : memref<4x416xf32, #tpu.memory_space<vmem>> -> memref<1x416xf32, #tpu.memory_space<vmem>>
      %dma_wait3A_1833 = tpu.memref_squeeze %dma_wait3A_1832 : memref<1x416xf32, #tpu.memory_space<vmem>> -> memref<416xf32, #tpu.memory_space<vmem>>
      %dma_wait3A_1834 = arith.constant 0 : i32
      %dma_wait3A_1835 = tpu.memref_slice %arg4[%dma_wait3A_1834] : memref<1015808xf32, #tpu.memory_space<hbm>> -> memref<416xf32, #tpu.memory_space<hbm>>
      %dma_wait3A_1836 = arith.constant 0 : i32
      %dma_wait3A_1837 = tpu.memref_slice %arg8[%dma_wait3A_1830, %dma_wait3A_1836] : memref<4x416xf32, #tpu.memory_space<vmem>> -> memref<1x416xf32, #tpu.memory_space<vmem>>
      %dma_wait3A_1838 = tpu.memref_squeeze %dma_wait3A_1837 : memref<1x416xf32, #tpu.memory_space<vmem>> -> memref<416xf32, #tpu.memory_space<vmem>>
      %dma_wait3A_1839 = arith.constant 0 : i32
      %dma_wait3A_1840 = tpu.memref_slice %arg4[%dma_wait3A_1839] : memref<1015808xf32, #tpu.memory_space<hbm>> -> memref<416xf32, #tpu.memory_space<hbm>>
      tpu.wait_dma2 semaphore(%arg12 : memref<!tpu.dma_semaphore, #tpu.memory_space<semaphore_mem>>) src(%dma_wait3A_1840 : memref<416xf32, #tpu.memory_space<hbm>>) dst(%dma_wait3A_1838 : memref<416xf32, #tpu.memory_space<vmem>>)
      %mul3A_1841 = arith.constant 2 : i32
      %mul3A_1842 = arith.muli %add3A_1809, %mul3A_1841 : i32
      %add3A_1843 = arith.constant 0 : i32
      %add3A_1844 = arith.addi %mul3A_1842, %add3A_1843 : i32
      %broadcast_in_dim3A_1845 = arith.constant 0.000000e+00 : f32
      %broadcast_in_dim3A_1846 = vector.broadcast %broadcast_in_dim3A_1845 : f32 to vector<16xf32>
      %get3A_1847 = arith.constant 2 : i32
      %get3A_1848 = arith.index_cast %get3A_1847 : i32 to index
      %get3A_1849 = arith.constant 0 : index
      %get3A_1850 = tpu.vector_load %arg7[%get3A_1848, %get3A_1849] {strides = array<i32>} : memref<4x416xf32, #tpu.memory_space<vmem>>, vector<1x16xf32>,
      %get3A_1851 = vector.shape_cast %get3A_1850 : vector<1x16xf32> to vector<16xf32>
      %add3A_1852 = arith.addf %broadcast_in_dim3A_1846, %get3A_1851 : vector<16xf32>
      %get3A_1853 = arith.constant 2 : i32
      %get3A_1854 = arith.index_cast %get3A_1853 : i32 to index
      %get3A_1855 = arith.constant 0 : index
      %get3A_1856 = tpu.vector_load %arg8[%get3A_1854, %get3A_1855] {strides = array<i32>} : memref<4x416xf32, #tpu.memory_space<vmem>>, vector<1x16xf32>,
      %get3A_1857 = vector.shape_cast %get3A_1856 : vector<1x16xf32> to vector<16xf32>
      %add3A_1858 = arith.addf %broadcast_in_dim3A_1846, %get3A_1857 : vector<16xf32>
      %mul3A_1859 = arith.constant 416 : i32
      %mul3A_1860 = arith.muli %add3A_1809, %mul3A_1859 : i32
      %add3A_1861 = arith.constant 0 : i32
      %add3A_1862 = arith.addi %mul3A_1860, %add3A_1861 : i32
      %get3A_1863 = arith.index_cast %add3A_1862 : i32 to index
      %get3A_1864 = tpu.vector_load %arg6[%get3A_1863] {strides = array<i32>} : memref<26624xi32, #tpu.memory_space<vmem>>, vector<16xi32>,
      %get3A_1865 = vector.shape_cast %get3A_1864 : vector<16xi32> to vector<16xi32>
      %ne3A_1866 = arith.constant 0 : i32
      %ne3A_1867 = vector.broadcast %ne3A_1866 : i32 to vector<16xi32>
      %ne3A_1868 = arith.cmpi ne, %get3A_1865, %ne3A_1867 : vector<16xi32>
      %jit3A_1869 = arith.constant 1.000000e+00 : f32
      %jit3A_1870 = arith.constant 0.000000e+00 : f32
      %broadcast_in_dim3A_1871 = vector.broadcast %jit3A_1869 : f32 to vector<16xf32>
      %broadcast_in_dim3A_1872 = vector.broadcast %jit3A_1870 : f32 to vector<16xf32>
      %select_n3A_1873 = arith.select %ne3A_1868, %broadcast_in_dim3A_1871, %broadcast_in_dim3A_1872 : vector<16xi1>, vector<16xf32>
      %add3A_1874 = arith.addf %broadcast_in_dim3A_1846, %select_n3A_1873 : vector<16xf32>
      %get3A_1875 = arith.constant 2 : i32
      %get3A_1876 = arith.index_cast %get3A_1875 : i32 to index
      %get3A_1877 = arith.constant 16 : index
      %get3A_1878 = tpu.vector_load %arg7[%get3A_1876, %get3A_1877] {strides = array<i32>} : memref<4x416xf32, #tpu.memory_space<vmem>>, vector<1x16xf32>,
      %get3A_1879 = vector.shape_cast %get3A_1878 : vector<1x16xf32> to vector<16xf32>
      %add3A_1880 = arith.addf %broadcast_in_dim3A_1846, %get3A_1879 : vector<16xf32>
      %get3A_1881 = arith.constant 2 : i32
      %get3A_1882 = arith.index_cast %get3A_1881 : i32 to index
      %get3A_1883 = arith.constant 16 : index
      %get3A_1884 = tpu.vector_load %arg8[%get3A_1882, %get3A_1883] {strides = array<i32>} : memref<4x416xf32, #tpu.memory_space<vmem>>, vector<1x16xf32>,
      %get3A_1885 = vector.shape_cast %get3A_1884 : vector<1x16xf32> to vector<16xf32>
      %add3A_1886 = arith.addf %broadcast_in_dim3A_1846, %get3A_1885 : vector<16xf32>
      %mul3A_1887 = arith.constant 416 : i32
      %mul3A_1888 = arith.muli %add3A_1809, %mul3A_1887 : i32
      %add3A_1889 = arith.constant 16 : i32
      %add3A_1890 = arith.addi %mul3A_1888, %add3A_1889 : i32
      %get3A_1891 = arith.index_cast %add3A_1890 : i32 to index
      %get3A_1892 = tpu.vector_load %arg6[%get3A_1891] {strides = array<i32>} : memref<26624xi32, #tpu.memory_space<vmem>>, vector<16xi32>,
      %get3A_1893 = vector.shape_cast %get3A_1892 : vector<16xi32> to vector<16xi32>
      %ne3A_1894 = arith.constant 0 : i32
      %ne3A_1895 = vector.broadcast %ne3A_1894 : i32 to vector<16xi32>
      %ne3A_1896 = arith.cmpi ne, %get3A_1893, %ne3A_1895 : vector<16xi32>
      %jit3A_1897 = arith.constant 1.000000e+00 : f32
      %jit3A_1898 = arith.constant 0.000000e+00 : f32
      %broadcast_in_dim3A_1899 = vector.broadcast %jit3A_1897 : f32 to vector<16xf32>
      %broadcast_in_dim3A_1900 = vector.broadcast %jit3A_1898 : f32 to vector<16xf32>
      %select_n3A_1901 = arith.select %ne3A_1896, %broadcast_in_dim3A_1899, %broadcast_in_dim3A_1900 : vector<16xi1>, vector<16xf32>
      %add3A_1902 = arith.addf %add3A_1874, %select_n3A_1901 : vector<16xf32>
      %get3A_1903 = arith.constant 2 : i32
      %get3A_1904 = arith.index_cast %get3A_1903 : i32 to index
      %get3A_1905 = arith.constant 32 : index
      %get3A_1906 = tpu.vector_load %arg7[%get3A_1904, %get3A_1905] {strides = array<i32>} : memref<4x416xf32, #tpu.memory_space<vmem>>, vector<1x16xf32>,
      %get3A_1907 = vector.shape_cast %get3A_1906 : vector<1x16xf32> to vector<16xf32>
      %add3A_1908 = arith.addf %add3A_1852, %get3A_1907 : vector<16xf32>
      %get3A_1909 = arith.constant 2 : i32
      %get3A_1910 = arith.index_cast %get3A_1909 : i32 to index
      %get3A_1911 = arith.constant 32 : index
      %get3A_1912 = tpu.vector_load %arg8[%get3A_1910, %get3A_1911] {strides = array<i32>} : memref<4x416xf32, #tpu.memory_space<vmem>>, vector<1x16xf32>,
      %get3A_1913 = vector.shape_cast %get3A_1912 : vector<1x16xf32> to vector<16xf32>
      %add3A_1914 = arith.addf %add3A_1858, %get3A_1913 : vector<16xf32>
      %mul3A_1915 = arith.constant 416 : i32
      %mul3A_1916 = arith.muli %add3A_1809, %mul3A_1915 : i32
      %add3A_1917 = arith.constant 32 : i32
      %add3A_1918 = arith.addi %mul3A_1916, %add3A_1917 : i32
      %get3A_1919 = arith.index_cast %add3A_1918 : i32 to index
      %get3A_1920 = tpu.vector_load %arg6[%get3A_1919] {strides = array<i32>} : memref<26624xi32, #tpu.memory_space<vmem>>, vector<16xi32>,
      %get3A_1921 = vector.shape_cast %get3A_1920 : vector<16xi32> to vector<16xi32>
      %ne3A_1922 = arith.constant 0 : i32
      %ne3A_1923 = vector.broadcast %ne3A_1922 : i32 to vector<16xi32>
      %ne3A_1924 = arith.cmpi ne, %get3A_1921, %ne3A_1923 : vector<16xi32>
      %jit3A_1925 = arith.constant 1.000000e+00 : f32
      %jit3A_1926 = arith.constant 0.000000e+00 : f32
      %broadcast_in_dim3A_1927 = vector.broadcast %jit3A_1925 : f32 to vector<16xf32>
      %broadcast_in_dim3A_1928 = vector.broadcast %jit3A_1926 : f32 to vector<16xf32>
      %select_n3A_1929 = arith.select %ne3A_1924, %broadcast_in_dim3A_1927, %broadcast_in_dim3A_1928 : vector<16xi1>, vector<16xf32>
      %add3A_1930 = arith.addf %add3A_1902, %select_n3A_1929 : vector<16xf32>
      %get3A_1931 = arith.constant 2 : i32
      %get3A_1932 = arith.index_cast %get3A_1931 : i32 to index
      %get3A_1933 = arith.constant 48 : index
      %get3A_1934 = tpu.vector_load %arg7[%get3A_1932, %get3A_1933] {strides = array<i32>} : memref<4x416xf32, #tpu.memory_space<vmem>>, vector<1x16xf32>,
      %get3A_1935 = vector.shape_cast %get3A_1934 : vector<1x16xf32> to vector<16xf32>
      %add3A_1936 = arith.addf %add3A_1880, %get3A_1935 : vector<16xf32>
      %get3A_1937 = arith.constant 2 : i32
      %get3A_1938 = arith.index_cast %get3A_1937 : i32 to index
      %get3A_1939 = arith.constant 48 : index
      %get3A_1940 = tpu.vector_load %arg8[%get3A_1938, %get3A_1939] {strides = array<i32>} : memref<4x416xf32, #tpu.memory_space<vmem>>, vector<1x16xf32>,
      %get3A_1941 = vector.shape_cast %get3A_1940 : vector<1x16xf32> to vector<16xf32>
      %add3A_1942 = arith.addf %add3A_1886, %get3A_1941 : vector<16xf32>
      %mul3A_1943 = arith.constant 416 : i32
      %mul3A_1944 = arith.muli %add3A_1809, %mul3A_1943 : i32
      %add3A_1945 = arith.constant 48 : i32
      %add3A_1946 = arith.addi %mul3A_1944, %add3A_1945 : i32
      %get3A_1947 = arith.index_cast %add3A_1946 : i32 to index
      %get3A_1948 = tpu.vector_load %arg6[%get3A_1947] {strides = array<i32>} : memref<26624xi32, #tpu.memory_space<vmem>>, vector<16xi32>,
      %get3A_1949 = vector.shape_cast %get3A_1948 : vector<16xi32> to vector<16xi32>
      %ne3A_1950 = arith.constant 0 : i32
      %ne3A_1951 = vector.broadcast %ne3A_1950 : i32 to vector<16xi32>
      %ne3A_1952 = arith.cmpi ne, %get3A_1949, %ne3A_1951 : vector<16xi32>
      %jit3A_1953 = arith.constant 1.000000e+00 : f32
      %jit3A_1954 = arith.constant 0.000000e+00 : f32
      %broadcast_in_dim3A_1955 = vector.broadcast %jit3A_1953 : f32 to vector<16xf32>
      %broadcast_in_dim3A_1956 = vector.broadcast %jit3A_1954 : f32 to vector<16xf32>
      %select_n3A_1957 = arith.select %ne3A_1952, %broadcast_in_dim3A_1955, %broadcast_in_dim3A_1956 : vector<16xi1>, vector<16xf32>
      %add3A_1958 = arith.addf %add3A_1930, %select_n3A_1957 : vector<16xf32>
      %get3A_1959 = arith.constant 2 : i32
      %get3A_1960 = arith.index_cast %get3A_1959 : i32 to index
      %get3A_1961 = arith.constant 64 : index
      %get3A_1962 = tpu.vector_load %arg7[%get3A_1960, %get3A_1961] {strides = array<i32>} : memref<4x416xf32, #tpu.memory_space<vmem>>, vector<1x16xf32>,
      %get3A_1963 = vector.shape_cast %get3A_1962 : vector<1x16xf32> to vector<16xf32>
      %add3A_1964 = arith.addf %add3A_1908, %get3A_1963 : vector<16xf32>
      %get3A_1965 = arith.constant 2 : i32
      %get3A_1966 = arith.index_cast %get3A_1965 : i32 to index
      %get3A_1967 = arith.constant 64 : index
      %get3A_1968 = tpu.vector_load %arg8[%get3A_1966, %get3A_1967] {strides = array<i32>} : memref<4x416xf32, #tpu.memory_space<vmem>>, vector<1x16xf32>,
      %get3A_1969 = vector.shape_cast %get3A_1968 : vector<1x16xf32> to vector<16xf32>
      %add3A_1970 = arith.addf %add3A_1914, %get3A_1969 : vector<16xf32>
      %mul3A_1971 = arith.constant 416 : i32
      %mul3A_1972 = arith.muli %add3A_1809, %mul3A_1971 : i32
      %add3A_1973 = arith.constant 64 : i32
      %add3A_1974 = arith.addi %mul3A_1972, %add3A_1973 : i32
      %get3A_1975 = arith.index_cast %add3A_1974 : i32 to index
      %get3A_1976 = tpu.vector_load %arg6[%get3A_1975] {strides = array<i32>} : memref<26624xi32, #tpu.memory_space<vmem>>, vector<16xi32>,
      %get3A_1977 = vector.shape_cast %get3A_1976 : vector<16xi32> to vector<16xi32>
      %ne3A_1978 = arith.constant 0 : i32
      %ne3A_1979 = vector.broadcast %ne3A_1978 : i32 to vector<16xi32>
      %ne3A_1980 = arith.cmpi ne, %get3A_1977, %ne3A_1979 : vector<16xi32>
      %jit3A_1981 = arith.constant 1.000000e+00 : f32
      %jit3A_1982 = arith.constant 0.000000e+00 : f32
      %broadcast_in_dim3A_1983 = vector.broadcast %jit3A_1981 : f32 to vector<16xf32>
      %broadcast_in_dim3A_1984 = vector.broadcast %jit3A_1982 : f32 to vector<16xf32>
      %select_n3A_1985 = arith.select %ne3A_1980, %broadcast_in_dim3A_1983, %broadcast_in_dim3A_1984 : vector<16xi1>, vector<16xf32>
      %add3A_1986 = arith.addf %add3A_1958, %select_n3A_1985 : vector<16xf32>
      %get3A_1987 = arith.constant 2 : i32
      %get3A_1988 = arith.index_cast %get3A_1987 : i32 to index
      %get3A_1989 = arith.constant 80 : index
      %get3A_1990 = tpu.vector_load %arg7[%get3A_1988, %get3A_1989] {strides = array<i32>} : memref<4x416xf32, #tpu.memory_space<vmem>>, vector<1x16xf32>,
      %get3A_1991 = vector.shape_cast %get3A_1990 : vector<1x16xf32> to vector<16xf32>
      %add3A_1992 = arith.addf %add3A_1936, %get3A_1991 : vector<16xf32>
      %get3A_1993 = arith.constant 2 : i32
      %get3A_1994 = arith.index_cast %get3A_1993 : i32 to index
      %get3A_1995 = arith.constant 80 : index
      %get3A_1996 = tpu.vector_load %arg8[%get3A_1994, %get3A_1995] {strides = array<i32>} : memref<4x416xf32, #tpu.memory_space<vmem>>, vector<1x16xf32>,
      %get3A_1997 = vector.shape_cast %get3A_1996 : vector<1x16xf32> to vector<16xf32>
      %add3A_1998 = arith.addf %add3A_1942, %get3A_1997 : vector<16xf32>
      %mul3A_1999 = arith.constant 416 : i32
      %mul3A_2000 = arith.muli %add3A_1809, %mul3A_1999 : i32
      %add3A_2001 = arith.constant 80 : i32
      %add3A_2002 = arith.addi %mul3A_2000, %add3A_2001 : i32
      %get3A_2003 = arith.index_cast %add3A_2002 : i32 to index
      %get3A_2004 = tpu.vector_load %arg6[%get3A_2003] {strides = array<i32>} : memref<26624xi32, #tpu.memory_space<vmem>>, vector<16xi32>,
      %get3A_2005 = vector.shape_cast %get3A_2004 : vector<16xi32> to vector<16xi32>
      %ne3A_2006 = arith.constant 0 : i32
      %ne3A_2007 = vector.broadcast %ne3A_2006 : i32 to vector<16xi32>
      %ne3A_2008 = arith.cmpi ne, %get3A_2005, %ne3A_2007 : vector<16xi32>
      %jit3A_2009 = arith.constant 1.000000e+00 : f32
      %jit3A_2010 = arith.constant 0.000000e+00 : f32
      %broadcast_in_dim3A_2011 = vector.broadcast %jit3A_2009 : f32 to vector<16xf32>
      %broadcast_in_dim3A_2012 = vector.broadcast %jit3A_2010 : f32 to vector<16xf32>
      %select_n3A_2013 = arith.select %ne3A_2008, %broadcast_in_dim3A_2011, %broadcast_in_dim3A_2012 : vector<16xi1>, vector<16xf32>
      %add3A_2014 = arith.addf %add3A_1986, %select_n3A_2013 : vector<16xf32>
      %get3A_2015 = arith.constant 2 : i32
      %get3A_2016 = arith.index_cast %get3A_2015 : i32 to index
      %get3A_2017 = arith.constant 96 : index
      %get3A_2018 = tpu.vector_load %arg7[%get3A_2016, %get3A_2017] {strides = array<i32>} : memref<4x416xf32, #tpu.memory_space<vmem>>, vector<1x16xf32>,
      %get3A_2019 = vector.shape_cast %get3A_2018 : vector<1x16xf32> to vector<16xf32>
      %add3A_2020 = arith.addf %add3A_1964, %get3A_2019 : vector<16xf32>
      %get3A_2021 = arith.constant 2 : i32
      %get3A_2022 = arith.index_cast %get3A_2021 : i32 to index
      %get3A_2023 = arith.constant 96 : index
      %get3A_2024 = tpu.vector_load %arg8[%get3A_2022, %get3A_2023] {strides = array<i32>} : memref<4x416xf32, #tpu.memory_space<vmem>>, vector<1x16xf32>,
      %get3A_2025 = vector.shape_cast %get3A_2024 : vector<1x16xf32> to vector<16xf32>
      %add3A_2026 = arith.addf %add3A_1970, %get3A_2025 : vector<16xf32>
      %mul3A_2027 = arith.constant 416 : i32
      %mul3A_2028 = arith.muli %add3A_1809, %mul3A_2027 : i32
      %add3A_2029 = arith.constant 96 : i32
      %add3A_2030 = arith.addi %mul3A_2028, %add3A_2029 : i32
      %get3A_2031 = arith.index_cast %add3A_2030 : i32 to index
      %get3A_2032 = tpu.vector_load %arg6[%get3A_2031] {strides = array<i32>} : memref<26624xi32, #tpu.memory_space<vmem>>, vector<16xi32>,
      %get3A_2033 = vector.shape_cast %get3A_2032 : vector<16xi32> to vector<16xi32>
      %ne3A_2034 = arith.constant 0 : i32
      %ne3A_2035 = vector.broadcast %ne3A_2034 : i32 to vector<16xi32>
      %ne3A_2036 = arith.cmpi ne, %get3A_2033, %ne3A_2035 : vector<16xi32>
      %jit3A_2037 = arith.constant 1.000000e+00 : f32
      %jit3A_2038 = arith.constant 0.000000e+00 : f32
      %broadcast_in_dim3A_2039 = vector.broadcast %jit3A_2037 : f32 to vector<16xf32>
      %broadcast_in_dim3A_2040 = vector.broadcast %jit3A_2038 : f32 to vector<16xf32>
      %select_n3A_2041 = arith.select %ne3A_2036, %broadcast_in_dim3A_2039, %broadcast_in_dim3A_2040 : vector<16xi1>, vector<16xf32>
      %add3A_2042 = arith.addf %add3A_2014, %select_n3A_2041 : vector<16xf32>
      %get3A_2043 = arith.constant 2 : i32
      %get3A_2044 = arith.index_cast %get3A_2043 : i32 to index
      %get3A_2045 = arith.constant 112 : index
      %get3A_2046 = tpu.vector_load %arg7[%get3A_2044, %get3A_2045] {strides = array<i32>} : memref<4x416xf32, #tpu.memory_space<vmem>>, vector<1x16xf32>,
      %get3A_2047 = vector.shape_cast %get3A_2046 : vector<1x16xf32> to vector<16xf32>
      %add3A_2048 = arith.addf %add3A_1992, %get3A_2047 : vector<16xf32>
      %get3A_2049 = arith.constant 2 : i32
      %get3A_2050 = arith.index_cast %get3A_2049 : i32 to index
      %get3A_2051 = arith.constant 112 : index
      %get3A_2052 = tpu.vector_load %arg8[%get3A_2050, %get3A_2051] {strides = array<i32>} : memref<4x416xf32, #tpu.memory_space<vmem>>, vector<1x16xf32>,
      %get3A_2053 = vector.shape_cast %get3A_2052 : vector<1x16xf32> to vector<16xf32>
      %add3A_2054 = arith.addf %add3A_1998, %get3A_2053 : vector<16xf32>
      %mul3A_2055 = arith.constant 416 : i32
      %mul3A_2056 = arith.muli %add3A_1809, %mul3A_2055 : i32
      %add3A_2057 = arith.constant 112 : i32
      %add3A_2058 = arith.addi %mul3A_2056, %add3A_2057 : i32
      %get3A_2059 = arith.index_cast %add3A_2058 : i32 to index
      %get3A_2060 = tpu.vector_load %arg6[%get3A_2059] {strides = array<i32>} : memref<26624xi32, #tpu.memory_space<vmem>>, vector<16xi32>,
      %get3A_2061 = vector.shape_cast %get3A_2060 : vector<16xi32> to vector<16xi32>
      %ne3A_2062 = arith.constant 0 : i32
      %ne3A_2063 = vector.broadcast %ne3A_2062 : i32 to vector<16xi32>
      %ne3A_2064 = arith.cmpi ne, %get3A_2061, %ne3A_2063 : vector<16xi32>
      %jit3A_2065 = arith.constant 1.000000e+00 : f32
      %jit3A_2066 = arith.constant 0.000000e+00 : f32
      %broadcast_in_dim3A_2067 = vector.broadcast %jit3A_2065 : f32 to vector<16xf32>
      %broadcast_in_dim3A_2068 = vector.broadcast %jit3A_2066 : f32 to vector<16xf32>
      %select_n3A_2069 = arith.select %ne3A_2064, %broadcast_in_dim3A_2067, %broadcast_in_dim3A_2068 : vector<16xi1>, vector<16xf32>
      %add3A_2070 = arith.addf %add3A_2042, %select_n3A_2069 : vector<16xf32>
      %get3A_2071 = arith.constant 2 : i32
      %get3A_2072 = arith.index_cast %get3A_2071 : i32 to index
      %get3A_2073 = arith.constant 128 : index
      %get3A_2074 = tpu.vector_load %arg7[%get3A_2072, %get3A_2073] {strides = array<i32>} : memref<4x416xf32, #tpu.memory_space<vmem>>, vector<1x16xf32>,
      %get3A_2075 = vector.shape_cast %get3A_2074 : vector<1x16xf32> to vector<16xf32>
      %add3A_2076 = arith.addf %add3A_2020, %get3A_2075 : vector<16xf32>
      %get3A_2077 = arith.constant 2 : i32
      %get3A_2078 = arith.index_cast %get3A_2077 : i32 to index
      %get3A_2079 = arith.constant 128 : index
      %get3A_2080 = tpu.vector_load %arg8[%get3A_2078, %get3A_2079] {strides = array<i32>} : memref<4x416xf32, #tpu.memory_space<vmem>>, vector<1x16xf32>,
      %get3A_2081 = vector.shape_cast %get3A_2080 : vector<1x16xf32> to vector<16xf32>
      %add3A_2082 = arith.addf %add3A_2026, %get3A_2081 : vector<16xf32>
      %mul3A_2083 = arith.constant 416 : i32
      %mul3A_2084 = arith.muli %add3A_1809, %mul3A_2083 : i32
      %add3A_2085 = arith.constant 128 : i32
      %add3A_2086 = arith.addi %mul3A_2084, %add3A_2085 : i32
      %get3A_2087 = arith.index_cast %add3A_2086 : i32 to index
      %get3A_2088 = tpu.vector_load %arg6[%get3A_2087] {strides = array<i32>} : memref<26624xi32, #tpu.memory_space<vmem>>, vector<16xi32>,
      %get3A_2089 = vector.shape_cast %get3A_2088 : vector<16xi32> to vector<16xi32>
      %ne3A_2090 = arith.constant 0 : i32
      %ne3A_2091 = vector.broadcast %ne3A_2090 : i32 to vector<16xi32>
      %ne3A_2092 = arith.cmpi ne, %get3A_2089, %ne3A_2091 : vector<16xi32>
      %jit3A_2093 = arith.constant 1.000000e+00 : f32
      %jit3A_2094 = arith.constant 0.000000e+00 : f32
      %broadcast_in_dim3A_2095 = vector.broadcast %jit3A_2093 : f32 to vector<16xf32>
      %broadcast_in_dim3A_2096 = vector.broadcast %jit3A_2094 : f32 to vector<16xf32>
      %select_n3A_2097 = arith.select %ne3A_2092, %broadcast_in_dim3A_2095, %broadcast_in_dim3A_2096 : vector<16xi1>, vector<16xf32>
      %add3A_2098 = arith.addf %add3A_2070, %select_n3A_2097 : vector<16xf32>
      %get3A_2099 = arith.constant 2 : i32
      %get3A_2100 = arith.index_cast %get3A_2099 : i32 to index
      %get3A_2101 = arith.constant 144 : index
      %get3A_2102 = tpu.vector_load %arg7[%get3A_2100, %get3A_2101] {strides = array<i32>} : memref<4x416xf32, #tpu.memory_space<vmem>>, vector<1x16xf32>,
      %get3A_2103 = vector.shape_cast %get3A_2102 : vector<1x16xf32> to vector<16xf32>
      %add3A_2104 = arith.addf %add3A_2048, %get3A_2103 : vector<16xf32>
      %get3A_2105 = arith.constant 2 : i32
      %get3A_2106 = arith.index_cast %get3A_2105 : i32 to index
      %get3A_2107 = arith.constant 144 : index
      %get3A_2108 = tpu.vector_load %arg8[%get3A_2106, %get3A_2107] {strides = array<i32>} : memref<4x416xf32, #tpu.memory_space<vmem>>, vector<1x16xf32>,
      %get3A_2109 = vector.shape_cast %get3A_2108 : vector<1x16xf32> to vector<16xf32>
      %add3A_2110 = arith.addf %add3A_2054, %get3A_2109 : vector<16xf32>
      %mul3A_2111 = arith.constant 416 : i32
      %mul3A_2112 = arith.muli %add3A_1809, %mul3A_2111 : i32
      %add3A_2113 = arith.constant 144 : i32
      %add3A_2114 = arith.addi %mul3A_2112, %add3A_2113 : i32
      %get3A_2115 = arith.index_cast %add3A_2114 : i32 to index
      %get3A_2116 = tpu.vector_load %arg6[%get3A_2115] {strides = array<i32>} : memref<26624xi32, #tpu.memory_space<vmem>>, vector<16xi32>,
      %get3A_2117 = vector.shape_cast %get3A_2116 : vector<16xi32> to vector<16xi32>
      %ne3A_2118 = arith.constant 0 : i32
      %ne3A_2119 = vector.broadcast %ne3A_2118 : i32 to vector<16xi32>
      %ne3A_2120 = arith.cmpi ne, %get3A_2117, %ne3A_2119 : vector<16xi32>
      %jit3A_2121 = arith.constant 1.000000e+00 : f32
      %jit3A_2122 = arith.constant 0.000000e+00 : f32
      %broadcast_in_dim3A_2123 = vector.broadcast %jit3A_2121 : f32 to vector<16xf32>
      %broadcast_in_dim3A_2124 = vector.broadcast %jit3A_2122 : f32 to vector<16xf32>
      %select_n3A_2125 = arith.select %ne3A_2120, %broadcast_in_dim3A_2123, %broadcast_in_dim3A_2124 : vector<16xi1>, vector<16xf32>
      %add3A_2126 = arith.addf %add3A_2098, %select_n3A_2125 : vector<16xf32>
      %get3A_2127 = arith.constant 2 : i32
      %get3A_2128 = arith.index_cast %get3A_2127 : i32 to index
      %get3A_2129 = arith.constant 160 : index
      %get3A_2130 = tpu.vector_load %arg7[%get3A_2128, %get3A_2129] {strides = array<i32>} : memref<4x416xf32, #tpu.memory_space<vmem>>, vector<1x16xf32>,
      %get3A_2131 = vector.shape_cast %get3A_2130 : vector<1x16xf32> to vector<16xf32>
      %add3A_2132 = arith.addf %add3A_2076, %get3A_2131 : vector<16xf32>
      %get3A_2133 = arith.constant 2 : i32
      %get3A_2134 = arith.index_cast %get3A_2133 : i32 to index
      %get3A_2135 = arith.constant 160 : index
      %get3A_2136 = tpu.vector_load %arg8[%get3A_2134, %get3A_2135] {strides = array<i32>} : memref<4x416xf32, #tpu.memory_space<vmem>>, vector<1x16xf32>,
      %get3A_2137 = vector.shape_cast %get3A_2136 : vector<1x16xf32> to vector<16xf32>
      %add3A_2138 = arith.addf %add3A_2082, %get3A_2137 : vector<16xf32>
      %mul3A_2139 = arith.constant 416 : i32
      %mul3A_2140 = arith.muli %add3A_1809, %mul3A_2139 : i32
      %add3A_2141 = arith.constant 160 : i32
      %add3A_2142 = arith.addi %mul3A_2140, %add3A_2141 : i32
      %get3A_2143 = arith.index_cast %add3A_2142 : i32 to index
      %get3A_2144 = tpu.vector_load %arg6[%get3A_2143] {strides = array<i32>} : memref<26624xi32, #tpu.memory_space<vmem>>, vector<16xi32>,
      %get3A_2145 = vector.shape_cast %get3A_2144 : vector<16xi32> to vector<16xi32>
      %ne3A_2146 = arith.constant 0 : i32
      %ne3A_2147 = vector.broadcast %ne3A_2146 : i32 to vector<16xi32>
      %ne3A_2148 = arith.cmpi ne, %get3A_2145, %ne3A_2147 : vector<16xi32>
      %jit3A_2149 = arith.constant 1.000000e+00 : f32
      %jit3A_2150 = arith.constant 0.000000e+00 : f32
      %broadcast_in_dim3A_2151 = vector.broadcast %jit3A_2149 : f32 to vector<16xf32>
      %broadcast_in_dim3A_2152 = vector.broadcast %jit3A_2150 : f32 to vector<16xf32>
      %select_n3A_2153 = arith.select %ne3A_2148, %broadcast_in_dim3A_2151, %broadcast_in_dim3A_2152 : vector<16xi1>, vector<16xf32>
      %add3A_2154 = arith.addf %add3A_2126, %select_n3A_2153 : vector<16xf32>
      %get3A_2155 = arith.constant 2 : i32
      %get3A_2156 = arith.index_cast %get3A_2155 : i32 to index
      %get3A_2157 = arith.constant 176 : index
      %get3A_2158 = tpu.vector_load %arg7[%get3A_2156, %get3A_2157] {strides = array<i32>} : memref<4x416xf32, #tpu.memory_space<vmem>>, vector<1x16xf32>,
      %get3A_2159 = vector.shape_cast %get3A_2158 : vector<1x16xf32> to vector<16xf32>
      %add3A_2160 = arith.addf %add3A_2104, %get3A_2159 : vector<16xf32>
      %get3A_2161 = arith.constant 2 : i32
      %get3A_2162 = arith.index_cast %get3A_2161 : i32 to index
      %get3A_2163 = arith.constant 176 : index
      %get3A_2164 = tpu.vector_load %arg8[%get3A_2162, %get3A_2163] {strides = array<i32>} : memref<4x416xf32, #tpu.memory_space<vmem>>, vector<1x16xf32>,
      %get3A_2165 = vector.shape_cast %get3A_2164 : vector<1x16xf32> to vector<16xf32>
      %add3A_2166 = arith.addf %add3A_2110, %get3A_2165 : vector<16xf32>
      %mul3A_2167 = arith.constant 416 : i32
      %mul3A_2168 = arith.muli %add3A_1809, %mul3A_2167 : i32
      %add3A_2169 = arith.constant 176 : i32
      %add3A_2170 = arith.addi %mul3A_2168, %add3A_2169 : i32
      %get3A_2171 = arith.index_cast %add3A_2170 : i32 to index
      %get3A_2172 = tpu.vector_load %arg6[%get3A_2171] {strides = array<i32>} : memref<26624xi32, #tpu.memory_space<vmem>>, vector<16xi32>,
      %get3A_2173 = vector.shape_cast %get3A_2172 : vector<16xi32> to vector<16xi32>
      %ne3A_2174 = arith.constant 0 : i32
      %ne3A_2175 = vector.broadcast %ne3A_2174 : i32 to vector<16xi32>
      %ne3A_2176 = arith.cmpi ne, %get3A_2173, %ne3A_2175 : vector<16xi32>
      %jit3A_2177 = arith.constant 1.000000e+00 : f32
      %jit3A_2178 = arith.constant 0.000000e+00 : f32
      %broadcast_in_dim3A_2179 = vector.broadcast %jit3A_2177 : f32 to vector<16xf32>
      %broadcast_in_dim3A_2180 = vector.broadcast %jit3A_2178 : f32 to vector<16xf32>
      %select_n3A_2181 = arith.select %ne3A_2176, %broadcast_in_dim3A_2179, %broadcast_in_dim3A_2180 : vector<16xi1>, vector<16xf32>
      %add3A_2182 = arith.addf %add3A_2154, %select_n3A_2181 : vector<16xf32>
      %get3A_2183 = arith.constant 2 : i32
      %get3A_2184 = arith.index_cast %get3A_2183 : i32 to index
      %get3A_2185 = arith.constant 192 : index
      %get3A_2186 = tpu.vector_load %arg7[%get3A_2184, %get3A_2185] {strides = array<i32>} : memref<4x416xf32, #tpu.memory_space<vmem>>, vector<1x16xf32>,
      %get3A_2187 = vector.shape_cast %get3A_2186 : vector<1x16xf32> to vector<16xf32>
      %add3A_2188 = arith.addf %add3A_2132, %get3A_2187 : vector<16xf32>
      %get3A_2189 = arith.constant 2 : i32
      %get3A_2190 = arith.index_cast %get3A_2189 : i32 to index
      %get3A_2191 = arith.constant 192 : index
      %get3A_2192 = tpu.vector_load %arg8[%get3A_2190, %get3A_2191] {strides = array<i32>} : memref<4x416xf32, #tpu.memory_space<vmem>>, vector<1x16xf32>,
      %get3A_2193 = vector.shape_cast %get3A_2192 : vector<1x16xf32> to vector<16xf32>
      %add3A_2194 = arith.addf %add3A_2138, %get3A_2193 : vector<16xf32>
      %mul3A_2195 = arith.constant 416 : i32
      %mul3A_2196 = arith.muli %add3A_1809, %mul3A_2195 : i32
      %add3A_2197 = arith.constant 192 : i32
      %add3A_2198 = arith.addi %mul3A_2196, %add3A_2197 : i32
      %get3A_2199 = arith.index_cast %add3A_2198 : i32 to index
      %get3A_2200 = tpu.vector_load %arg6[%get3A_2199] {strides = array<i32>} : memref<26624xi32, #tpu.memory_space<vmem>>, vector<16xi32>,
      %get3A_2201 = vector.shape_cast %get3A_2200 : vector<16xi32> to vector<16xi32>
      %ne3A_2202 = arith.constant 0 : i32
      %ne3A_2203 = vector.broadcast %ne3A_2202 : i32 to vector<16xi32>
      %ne3A_2204 = arith.cmpi ne, %get3A_2201, %ne3A_2203 : vector<16xi32>
      %jit3A_2205 = arith.constant 1.000000e+00 : f32
      %jit3A_2206 = arith.constant 0.000000e+00 : f32
      %broadcast_in_dim3A_2207 = vector.broadcast %jit3A_2205 : f32 to vector<16xf32>
      %broadcast_in_dim3A_2208 = vector.broadcast %jit3A_2206 : f32 to vector<16xf32>
      %select_n3A_2209 = arith.select %ne3A_2204, %broadcast_in_dim3A_2207, %broadcast_in_dim3A_2208 : vector<16xi1>, vector<16xf32>
      %add3A_2210 = arith.addf %add3A_2182, %select_n3A_2209 : vector<16xf32>
      %add3A_2211 = arith.addf %add3A_2188, %add3A_2160 : vector<16xf32>
      %swap3A_2212 = arith.index_cast %add3A_1844 : i32 to index
      %swap3A_2213 = arith.constant 0 : index
      %swap3A_2214 = tpu.vector_load %arg9[%swap3A_2212, %swap3A_2213] {strides = array<i32>} : memref<128x48xf32, #tpu.memory_space<vmem>>, vector<1x16xf32>,
      %swap3A_2215 = vector.shape_cast %swap3A_2214 : vector<1x16xf32> to vector<16xf32>
      %swap3A_2216 = vector.shape_cast %add3A_2211 : vector<16xf32> to vector<1x16xf32>
      tpu.vector_store %arg9[%swap3A_2212, %swap3A_2213], %swap3A_2216 {strides = array<i32>} : memref<128x48xf32, #tpu.memory_space<vmem>>, vector<1x16xf32>,
      %add3A_2217 = arith.addf %add3A_2194, %add3A_2166 : vector<16xf32>
      %swap3A_2218 = arith.index_cast %add3A_1844 : i32 to index
      %swap3A_2219 = arith.constant 16 : index
      %swap3A_2220 = tpu.vector_load %arg9[%swap3A_2218, %swap3A_2219] {strides = array<i32>} : memref<128x48xf32, #tpu.memory_space<vmem>>, vector<1x16xf32>,
      %swap3A_2221 = vector.shape_cast %swap3A_2220 : vector<1x16xf32> to vector<16xf32>
      %swap3A_2222 = vector.shape_cast %add3A_2217 : vector<16xf32> to vector<1x16xf32>
      tpu.vector_store %arg9[%swap3A_2218, %swap3A_2219], %swap3A_2222 {strides = array<i32>} : memref<128x48xf32, #tpu.memory_space<vmem>>, vector<1x16xf32>,
      %swap3A_2223 = arith.index_cast %add3A_1844 : i32 to index
      %swap3A_2224 = arith.constant 32 : index
      %swap3A_2225 = tpu.vector_load %arg9[%swap3A_2223, %swap3A_2224] {strides = array<i32>} : memref<128x48xf32, #tpu.memory_space<vmem>>, vector<1x16xf32>,
      %swap3A_2226 = vector.shape_cast %swap3A_2225 : vector<1x16xf32> to vector<16xf32>
      %swap3A_2227 = vector.shape_cast %add3A_2210 : vector<16xf32> to vector<1x16xf32>
      tpu.vector_store %arg9[%swap3A_2223, %swap3A_2224], %swap3A_2227 {strides = array<i32>} : memref<128x48xf32, #tpu.memory_space<vmem>>, vector<1x16xf32>,
      %mul3A_2228 = arith.constant 2 : i32
      %mul3A_2229 = arith.muli %add3A_1809, %mul3A_2228 : i32
      %add3A_2230 = arith.constant 1 : i32
      %add3A_2231 = arith.addi %mul3A_2229, %add3A_2230 : i32
      %broadcast_in_dim3A_2232 = arith.constant 0.000000e+00 : f32
      %broadcast_in_dim3A_2233 = vector.broadcast %broadcast_in_dim3A_2232 : f32 to vector<16xf32>
      %get3A_2234 = arith.constant 2 : i32
      %get3A_2235 = arith.index_cast %get3A_2234 : i32 to index
      %get3A_2236 = arith.constant 208 : index
      %get3A_2237 = tpu.vector_load %arg7[%get3A_2235, %get3A_2236] {strides = array<i32>} : memref<4x416xf32, #tpu.memory_space<vmem>>, vector<1x16xf32>,
      %get3A_2238 = vector.shape_cast %get3A_2237 : vector<1x16xf32> to vector<16xf32>
      %add3A_2239 = arith.addf %broadcast_in_dim3A_2233, %get3A_2238 : vector<16xf32>
      %get3A_2240 = arith.constant 2 : i32
      %get3A_2241 = arith.index_cast %get3A_2240 : i32 to index
      %get3A_2242 = arith.constant 208 : index
      %get3A_2243 = tpu.vector_load %arg8[%get3A_2241, %get3A_2242] {strides = array<i32>} : memref<4x416xf32, #tpu.memory_space<vmem>>, vector<1x16xf32>,
      %get3A_2244 = vector.shape_cast %get3A_2243 : vector<1x16xf32> to vector<16xf32>
      %add3A_2245 = arith.addf %broadcast_in_dim3A_2233, %get3A_2244 : vector<16xf32>
      %mul3A_2246 = arith.constant 416 : i32
      %mul3A_2247 = arith.muli %add3A_1809, %mul3A_2246 : i32
      %add3A_2248 = arith.constant 208 : i32
      %add3A_2249 = arith.addi %mul3A_2247, %add3A_2248 : i32
      %get3A_2250 = arith.index_cast %add3A_2249 : i32 to index
      %get3A_2251 = tpu.vector_load %arg6[%get3A_2250] {strides = array<i32>} : memref<26624xi32, #tpu.memory_space<vmem>>, vector<16xi32>,
      %get3A_2252 = vector.shape_cast %get3A_2251 : vector<16xi32> to vector<16xi32>
      %ne3A_2253 = arith.constant 0 : i32
      %ne3A_2254 = vector.broadcast %ne3A_2253 : i32 to vector<16xi32>
      %ne3A_2255 = arith.cmpi ne, %get3A_2252, %ne3A_2254 : vector<16xi32>
      %jit3A_2256 = arith.constant 1.000000e+00 : f32
      %jit3A_2257 = arith.constant 0.000000e+00 : f32
      %broadcast_in_dim3A_2258 = vector.broadcast %jit3A_2256 : f32 to vector<16xf32>
      %broadcast_in_dim3A_2259 = vector.broadcast %jit3A_2257 : f32 to vector<16xf32>
      %select_n3A_2260 = arith.select %ne3A_2255, %broadcast_in_dim3A_2258, %broadcast_in_dim3A_2259 : vector<16xi1>, vector<16xf32>
      %add3A_2261 = arith.addf %broadcast_in_dim3A_2233, %select_n3A_2260 : vector<16xf32>
      %get3A_2262 = arith.constant 2 : i32
      %get3A_2263 = arith.index_cast %get3A_2262 : i32 to index
      %get3A_2264 = arith.constant 224 : index
      %get3A_2265 = tpu.vector_load %arg7[%get3A_2263, %get3A_2264] {strides = array<i32>} : memref<4x416xf32, #tpu.memory_space<vmem>>, vector<1x16xf32>,
      %get3A_2266 = vector.shape_cast %get3A_2265 : vector<1x16xf32> to vector<16xf32>
      %add3A_2267 = arith.addf %broadcast_in_dim3A_2233, %get3A_2266 : vector<16xf32>
      %get3A_2268 = arith.constant 2 : i32
      %get3A_2269 = arith.index_cast %get3A_2268 : i32 to index
      %get3A_2270 = arith.constant 224 : index
      %get3A_2271 = tpu.vector_load %arg8[%get3A_2269, %get3A_2270] {strides = array<i32>} : memref<4x416xf32, #tpu.memory_space<vmem>>, vector<1x16xf32>,
      %get3A_2272 = vector.shape_cast %get3A_2271 : vector<1x16xf32> to vector<16xf32>
      %add3A_2273 = arith.addf %broadcast_in_dim3A_2233, %get3A_2272 : vector<16xf32>
      %mul3A_2274 = arith.constant 416 : i32
      %mul3A_2275 = arith.muli %add3A_1809, %mul3A_2274 : i32
      %add3A_2276 = arith.constant 224 : i32
      %add3A_2277 = arith.addi %mul3A_2275, %add3A_2276 : i32
      %get3A_2278 = arith.index_cast %add3A_2277 : i32 to index
      %get3A_2279 = tpu.vector_load %arg6[%get3A_2278] {strides = array<i32>} : memref<26624xi32, #tpu.memory_space<vmem>>, vector<16xi32>,
      %get3A_2280 = vector.shape_cast %get3A_2279 : vector<16xi32> to vector<16xi32>
      %ne3A_2281 = arith.constant 0 : i32
      %ne3A_2282 = vector.broadcast %ne3A_2281 : i32 to vector<16xi32>
      %ne3A_2283 = arith.cmpi ne, %get3A_2280, %ne3A_2282 : vector<16xi32>
      %jit3A_2284 = arith.constant 1.000000e+00 : f32
      %jit3A_2285 = arith.constant 0.000000e+00 : f32
      %broadcast_in_dim3A_2286 = vector.broadcast %jit3A_2284 : f32 to vector<16xf32>
      %broadcast_in_dim3A_2287 = vector.broadcast %jit3A_2285 : f32 to vector<16xf32>
      %select_n3A_2288 = arith.select %ne3A_2283, %broadcast_in_dim3A_2286, %broadcast_in_dim3A_2287 : vector<16xi1>, vector<16xf32>
      %add3A_2289 = arith.addf %add3A_2261, %select_n3A_2288 : vector<16xf32>
      %get3A_2290 = arith.constant 2 : i32
      %get3A_2291 = arith.index_cast %get3A_2290 : i32 to index
      %get3A_2292 = arith.constant 240 : index
      %get3A_2293 = tpu.vector_load %arg7[%get3A_2291, %get3A_2292] {strides = array<i32>} : memref<4x416xf32, #tpu.memory_space<vmem>>, vector<1x16xf32>,
      %get3A_2294 = vector.shape_cast %get3A_2293 : vector<1x16xf32> to vector<16xf32>
      %add3A_2295 = arith.addf %add3A_2239, %get3A_2294 : vector<16xf32>
      %get3A_2296 = arith.constant 2 : i32
      %get3A_2297 = arith.index_cast %get3A_2296 : i32 to index
      %get3A_2298 = arith.constant 240 : index
      %get3A_2299 = tpu.vector_load %arg8[%get3A_2297, %get3A_2298] {strides = array<i32>} : memref<4x416xf32, #tpu.memory_space<vmem>>, vector<1x16xf32>,
      %get3A_2300 = vector.shape_cast %get3A_2299 : vector<1x16xf32> to vector<16xf32>
      %add3A_2301 = arith.addf %add3A_2245, %get3A_2300 : vector<16xf32>
      %mul3A_2302 = arith.constant 416 : i32
      %mul3A_2303 = arith.muli %add3A_1809, %mul3A_2302 : i32
      %add3A_2304 = arith.constant 240 : i32
      %add3A_2305 = arith.addi %mul3A_2303, %add3A_2304 : i32
      %get3A_2306 = arith.index_cast %add3A_2305 : i32 to index
      %get3A_2307 = tpu.vector_load %arg6[%get3A_2306] {strides = array<i32>} : memref<26624xi32, #tpu.memory_space<vmem>>, vector<16xi32>,
      %get3A_2308 = vector.shape_cast %get3A_2307 : vector<16xi32> to vector<16xi32>
      %ne3A_2309 = arith.constant 0 : i32
      %ne3A_2310 = vector.broadcast %ne3A_2309 : i32 to vector<16xi32>
      %ne3A_2311 = arith.cmpi ne, %get3A_2308, %ne3A_2310 : vector<16xi32>
      %jit3A_2312 = arith.constant 1.000000e+00 : f32
      %jit3A_2313 = arith.constant 0.000000e+00 : f32
      %broadcast_in_dim3A_2314 = vector.broadcast %jit3A_2312 : f32 to vector<16xf32>
      %broadcast_in_dim3A_2315 = vector.broadcast %jit3A_2313 : f32 to vector<16xf32>
      %select_n3A_2316 = arith.select %ne3A_2311, %broadcast_in_dim3A_2314, %broadcast_in_dim3A_2315 : vector<16xi1>, vector<16xf32>
      %add3A_2317 = arith.addf %add3A_2289, %select_n3A_2316 : vector<16xf32>
      %get3A_2318 = arith.constant 2 : i32
      %get3A_2319 = arith.index_cast %get3A_2318 : i32 to index
      %get3A_2320 = arith.constant 256 : index
      %get3A_2321 = tpu.vector_load %arg7[%get3A_2319, %get3A_2320] {strides = array<i32>} : memref<4x416xf32, #tpu.memory_space<vmem>>, vector<1x16xf32>,
      %get3A_2322 = vector.shape_cast %get3A_2321 : vector<1x16xf32> to vector<16xf32>
      %add3A_2323 = arith.addf %add3A_2267, %get3A_2322 : vector<16xf32>
      %get3A_2324 = arith.constant 2 : i32
      %get3A_2325 = arith.index_cast %get3A_2324 : i32 to index
      %get3A_2326 = arith.constant 256 : index
      %get3A_2327 = tpu.vector_load %arg8[%get3A_2325, %get3A_2326] {strides = array<i32>} : memref<4x416xf32, #tpu.memory_space<vmem>>, vector<1x16xf32>,
      %get3A_2328 = vector.shape_cast %get3A_2327 : vector<1x16xf32> to vector<16xf32>
      %add3A_2329 = arith.addf %add3A_2273, %get3A_2328 : vector<16xf32>
      %mul3A_2330 = arith.constant 416 : i32
      %mul3A_2331 = arith.muli %add3A_1809, %mul3A_2330 : i32
      %add3A_2332 = arith.constant 256 : i32
      %add3A_2333 = arith.addi %mul3A_2331, %add3A_2332 : i32
      %get3A_2334 = arith.index_cast %add3A_2333 : i32 to index
      %get3A_2335 = tpu.vector_load %arg6[%get3A_2334] {strides = array<i32>} : memref<26624xi32, #tpu.memory_space<vmem>>, vector<16xi32>,
      %get3A_2336 = vector.shape_cast %get3A_2335 : vector<16xi32> to vector<16xi32>
      %ne3A_2337 = arith.constant 0 : i32
      %ne3A_2338 = vector.broadcast %ne3A_2337 : i32 to vector<16xi32>
      %ne3A_2339 = arith.cmpi ne, %get3A_2336, %ne3A_2338 : vector<16xi32>
      %jit3A_2340 = arith.constant 1.000000e+00 : f32
      %jit3A_2341 = arith.constant 0.000000e+00 : f32
      %broadcast_in_dim3A_2342 = vector.broadcast %jit3A_2340 : f32 to vector<16xf32>
      %broadcast_in_dim3A_2343 = vector.broadcast %jit3A_2341 : f32 to vector<16xf32>
      %select_n3A_2344 = arith.select %ne3A_2339, %broadcast_in_dim3A_2342, %broadcast_in_dim3A_2343 : vector<16xi1>, vector<16xf32>
      %add3A_2345 = arith.addf %add3A_2317, %select_n3A_2344 : vector<16xf32>
      %get3A_2346 = arith.constant 2 : i32
      %get3A_2347 = arith.index_cast %get3A_2346 : i32 to index
      %get3A_2348 = arith.constant 272 : index
      %get3A_2349 = tpu.vector_load %arg7[%get3A_2347, %get3A_2348] {strides = array<i32>} : memref<4x416xf32, #tpu.memory_space<vmem>>, vector<1x16xf32>,
      %get3A_2350 = vector.shape_cast %get3A_2349 : vector<1x16xf32> to vector<16xf32>
      %add3A_2351 = arith.addf %add3A_2295, %get3A_2350 : vector<16xf32>
      %get3A_2352 = arith.constant 2 : i32
      %get3A_2353 = arith.index_cast %get3A_2352 : i32 to index
      %get3A_2354 = arith.constant 272 : index
      %get3A_2355 = tpu.vector_load %arg8[%get3A_2353, %get3A_2354] {strides = array<i32>} : memref<4x416xf32, #tpu.memory_space<vmem>>, vector<1x16xf32>,
      %get3A_2356 = vector.shape_cast %get3A_2355 : vector<1x16xf32> to vector<16xf32>
      %add3A_2357 = arith.addf %add3A_2301, %get3A_2356 : vector<16xf32>
      %mul3A_2358 = arith.constant 416 : i32
      %mul3A_2359 = arith.muli %add3A_1809, %mul3A_2358 : i32
      %add3A_2360 = arith.constant 272 : i32
      %add3A_2361 = arith.addi %mul3A_2359, %add3A_2360 : i32
      %get3A_2362 = arith.index_cast %add3A_2361 : i32 to index
      %get3A_2363 = tpu.vector_load %arg6[%get3A_2362] {strides = array<i32>} : memref<26624xi32, #tpu.memory_space<vmem>>, vector<16xi32>,
      %get3A_2364 = vector.shape_cast %get3A_2363 : vector<16xi32> to vector<16xi32>
      %ne3A_2365 = arith.constant 0 : i32
      %ne3A_2366 = vector.broadcast %ne3A_2365 : i32 to vector<16xi32>
      %ne3A_2367 = arith.cmpi ne, %get3A_2364, %ne3A_2366 : vector<16xi32>
      %jit3A_2368 = arith.constant 1.000000e+00 : f32
      %jit3A_2369 = arith.constant 0.000000e+00 : f32
      %broadcast_in_dim3A_2370 = vector.broadcast %jit3A_2368 : f32 to vector<16xf32>
      %broadcast_in_dim3A_2371 = vector.broadcast %jit3A_2369 : f32 to vector<16xf32>
      %select_n3A_2372 = arith.select %ne3A_2367, %broadcast_in_dim3A_2370, %broadcast_in_dim3A_2371 : vector<16xi1>, vector<16xf32>
      %add3A_2373 = arith.addf %add3A_2345, %select_n3A_2372 : vector<16xf32>
      %get3A_2374 = arith.constant 2 : i32
      %get3A_2375 = arith.index_cast %get3A_2374 : i32 to index
      %get3A_2376 = arith.constant 288 : index
      %get3A_2377 = tpu.vector_load %arg7[%get3A_2375, %get3A_2376] {strides = array<i32>} : memref<4x416xf32, #tpu.memory_space<vmem>>, vector<1x16xf32>,
      %get3A_2378 = vector.shape_cast %get3A_2377 : vector<1x16xf32> to vector<16xf32>
      %add3A_2379 = arith.addf %add3A_2323, %get3A_2378 : vector<16xf32>
      %get3A_2380 = arith.constant 2 : i32
      %get3A_2381 = arith.index_cast %get3A_2380 : i32 to index
      %get3A_2382 = arith.constant 288 : index
      %get3A_2383 = tpu.vector_load %arg8[%get3A_2381, %get3A_2382] {strides = array<i32>} : memref<4x416xf32, #tpu.memory_space<vmem>>, vector<1x16xf32>,
      %get3A_2384 = vector.shape_cast %get3A_2383 : vector<1x16xf32> to vector<16xf32>
      %add3A_2385 = arith.addf %add3A_2329, %get3A_2384 : vector<16xf32>
      %mul3A_2386 = arith.constant 416 : i32
      %mul3A_2387 = arith.muli %add3A_1809, %mul3A_2386 : i32
      %add3A_2388 = arith.constant 288 : i32
      %add3A_2389 = arith.addi %mul3A_2387, %add3A_2388 : i32
      %get3A_2390 = arith.index_cast %add3A_2389 : i32 to index
      %get3A_2391 = tpu.vector_load %arg6[%get3A_2390] {strides = array<i32>} : memref<26624xi32, #tpu.memory_space<vmem>>, vector<16xi32>,
      %get3A_2392 = vector.shape_cast %get3A_2391 : vector<16xi32> to vector<16xi32>
      %ne3A_2393 = arith.constant 0 : i32
      %ne3A_2394 = vector.broadcast %ne3A_2393 : i32 to vector<16xi32>
      %ne3A_2395 = arith.cmpi ne, %get3A_2392, %ne3A_2394 : vector<16xi32>
      %jit3A_2396 = arith.constant 1.000000e+00 : f32
      %jit3A_2397 = arith.constant 0.000000e+00 : f32
      %broadcast_in_dim3A_2398 = vector.broadcast %jit3A_2396 : f32 to vector<16xf32>
      %broadcast_in_dim3A_2399 = vector.broadcast %jit3A_2397 : f32 to vector<16xf32>
      %select_n3A_2400 = arith.select %ne3A_2395, %broadcast_in_dim3A_2398, %broadcast_in_dim3A_2399 : vector<16xi1>, vector<16xf32>
      %add3A_2401 = arith.addf %add3A_2373, %select_n3A_2400 : vector<16xf32>
      %get3A_2402 = arith.constant 2 : i32
      %get3A_2403 = arith.index_cast %get3A_2402 : i32 to index
      %get3A_2404 = arith.constant 304 : index
      %get3A_2405 = tpu.vector_load %arg7[%get3A_2403, %get3A_2404] {strides = array<i32>} : memref<4x416xf32, #tpu.memory_space<vmem>>, vector<1x16xf32>,
      %get3A_2406 = vector.shape_cast %get3A_2405 : vector<1x16xf32> to vector<16xf32>
      %add3A_2407 = arith.addf %add3A_2351, %get3A_2406 : vector<16xf32>
      %get3A_2408 = arith.constant 2 : i32
      %get3A_2409 = arith.index_cast %get3A_2408 : i32 to index
      %get3A_2410 = arith.constant 304 : index
      %get3A_2411 = tpu.vector_load %arg8[%get3A_2409, %get3A_2410] {strides = array<i32>} : memref<4x416xf32, #tpu.memory_space<vmem>>, vector<1x16xf32>,
      %get3A_2412 = vector.shape_cast %get3A_2411 : vector<1x16xf32> to vector<16xf32>
      %add3A_2413 = arith.addf %add3A_2357, %get3A_2412 : vector<16xf32>
      %mul3A_2414 = arith.constant 416 : i32
      %mul3A_2415 = arith.muli %add3A_1809, %mul3A_2414 : i32
      %add3A_2416 = arith.constant 304 : i32
      %add3A_2417 = arith.addi %mul3A_2415, %add3A_2416 : i32
      %get3A_2418 = arith.index_cast %add3A_2417 : i32 to index
      %get3A_2419 = tpu.vector_load %arg6[%get3A_2418] {strides = array<i32>} : memref<26624xi32, #tpu.memory_space<vmem>>, vector<16xi32>,
      %get3A_2420 = vector.shape_cast %get3A_2419 : vector<16xi32> to vector<16xi32>
      %ne3A_2421 = arith.constant 0 : i32
      %ne3A_2422 = vector.broadcast %ne3A_2421 : i32 to vector<16xi32>
      %ne3A_2423 = arith.cmpi ne, %get3A_2420, %ne3A_2422 : vector<16xi32>
      %jit3A_2424 = arith.constant 1.000000e+00 : f32
      %jit3A_2425 = arith.constant 0.000000e+00 : f32
      %broadcast_in_dim3A_2426 = vector.broadcast %jit3A_2424 : f32 to vector<16xf32>
      %broadcast_in_dim3A_2427 = vector.broadcast %jit3A_2425 : f32 to vector<16xf32>
      %select_n3A_2428 = arith.select %ne3A_2423, %broadcast_in_dim3A_2426, %broadcast_in_dim3A_2427 : vector<16xi1>, vector<16xf32>
      %add3A_2429 = arith.addf %add3A_2401, %select_n3A_2428 : vector<16xf32>
      %get3A_2430 = arith.constant 2 : i32
      %get3A_2431 = arith.index_cast %get3A_2430 : i32 to index
      %get3A_2432 = arith.constant 320 : index
      %get3A_2433 = tpu.vector_load %arg7[%get3A_2431, %get3A_2432] {strides = array<i32>} : memref<4x416xf32, #tpu.memory_space<vmem>>, vector<1x16xf32>,
      %get3A_2434 = vector.shape_cast %get3A_2433 : vector<1x16xf32> to vector<16xf32>
      %add3A_2435 = arith.addf %add3A_2379, %get3A_2434 : vector<16xf32>
      %get3A_2436 = arith.constant 2 : i32
      %get3A_2437 = arith.index_cast %get3A_2436 : i32 to index
      %get3A_2438 = arith.constant 320 : index
      %get3A_2439 = tpu.vector_load %arg8[%get3A_2437, %get3A_2438] {strides = array<i32>} : memref<4x416xf32, #tpu.memory_space<vmem>>, vector<1x16xf32>,
      %get3A_2440 = vector.shape_cast %get3A_2439 : vector<1x16xf32> to vector<16xf32>
      %add3A_2441 = arith.addf %add3A_2385, %get3A_2440 : vector<16xf32>
      %mul3A_2442 = arith.constant 416 : i32
      %mul3A_2443 = arith.muli %add3A_1809, %mul3A_2442 : i32
      %add3A_2444 = arith.constant 320 : i32
      %add3A_2445 = arith.addi %mul3A_2443, %add3A_2444 : i32
      %get3A_2446 = arith.index_cast %add3A_2445 : i32 to index
      %get3A_2447 = tpu.vector_load %arg6[%get3A_2446] {strides = array<i32>} : memref<26624xi32, #tpu.memory_space<vmem>>, vector<16xi32>,
      %get3A_2448 = vector.shape_cast %get3A_2447 : vector<16xi32> to vector<16xi32>
      %ne3A_2449 = arith.constant 0 : i32
      %ne3A_2450 = vector.broadcast %ne3A_2449 : i32 to vector<16xi32>
      %ne3A_2451 = arith.cmpi ne, %get3A_2448, %ne3A_2450 : vector<16xi32>
      %jit3A_2452 = arith.constant 1.000000e+00 : f32
      %jit3A_2453 = arith.constant 0.000000e+00 : f32
      %broadcast_in_dim3A_2454 = vector.broadcast %jit3A_2452 : f32 to vector<16xf32>
      %broadcast_in_dim3A_2455 = vector.broadcast %jit3A_2453 : f32 to vector<16xf32>
      %select_n3A_2456 = arith.select %ne3A_2451, %broadcast_in_dim3A_2454, %broadcast_in_dim3A_2455 : vector<16xi1>, vector<16xf32>
      %add3A_2457 = arith.addf %add3A_2429, %select_n3A_2456 : vector<16xf32>
      %get3A_2458 = arith.constant 2 : i32
      %get3A_2459 = arith.index_cast %get3A_2458 : i32 to index
      %get3A_2460 = arith.constant 336 : index
      %get3A_2461 = tpu.vector_load %arg7[%get3A_2459, %get3A_2460] {strides = array<i32>} : memref<4x416xf32, #tpu.memory_space<vmem>>, vector<1x16xf32>,
      %get3A_2462 = vector.shape_cast %get3A_2461 : vector<1x16xf32> to vector<16xf32>
      %add3A_2463 = arith.addf %add3A_2407, %get3A_2462 : vector<16xf32>
      %get3A_2464 = arith.constant 2 : i32
      %get3A_2465 = arith.index_cast %get3A_2464 : i32 to index
      %get3A_2466 = arith.constant 336 : index
      %get3A_2467 = tpu.vector_load %arg8[%get3A_2465, %get3A_2466] {strides = array<i32>} : memref<4x416xf32, #tpu.memory_space<vmem>>, vector<1x16xf32>,
      %get3A_2468 = vector.shape_cast %get3A_2467 : vector<1x16xf32> to vector<16xf32>
      %add3A_2469 = arith.addf %add3A_2413, %get3A_2468 : vector<16xf32>
      %mul3A_2470 = arith.constant 416 : i32
      %mul3A_2471 = arith.muli %add3A_1809, %mul3A_2470 : i32
      %add3A_2472 = arith.constant 336 : i32
      %add3A_2473 = arith.addi %mul3A_2471, %add3A_2472 : i32
      %get3A_2474 = arith.index_cast %add3A_2473 : i32 to index
      %get3A_2475 = tpu.vector_load %arg6[%get3A_2474] {strides = array<i32>} : memref<26624xi32, #tpu.memory_space<vmem>>, vector<16xi32>,
      %get3A_2476 = vector.shape_cast %get3A_2475 : vector<16xi32> to vector<16xi32>
      %ne3A_2477 = arith.constant 0 : i32
      %ne3A_2478 = vector.broadcast %ne3A_2477 : i32 to vector<16xi32>
      %ne3A_2479 = arith.cmpi ne, %get3A_2476, %ne3A_2478 : vector<16xi32>
      %jit3A_2480 = arith.constant 1.000000e+00 : f32
      %jit3A_2481 = arith.constant 0.000000e+00 : f32
      %broadcast_in_dim3A_2482 = vector.broadcast %jit3A_2480 : f32 to vector<16xf32>
      %broadcast_in_dim3A_2483 = vector.broadcast %jit3A_2481 : f32 to vector<16xf32>
      %select_n3A_2484 = arith.select %ne3A_2479, %broadcast_in_dim3A_2482, %broadcast_in_dim3A_2483 : vector<16xi1>, vector<16xf32>
      %add3A_2485 = arith.addf %add3A_2457, %select_n3A_2484 : vector<16xf32>
      %get3A_2486 = arith.constant 2 : i32
      %get3A_2487 = arith.index_cast %get3A_2486 : i32 to index
      %get3A_2488 = arith.constant 352 : index
      %get3A_2489 = tpu.vector_load %arg7[%get3A_2487, %get3A_2488] {strides = array<i32>} : memref<4x416xf32, #tpu.memory_space<vmem>>, vector<1x16xf32>,
      %get3A_2490 = vector.shape_cast %get3A_2489 : vector<1x16xf32> to vector<16xf32>
      %add3A_2491 = arith.addf %add3A_2435, %get3A_2490 : vector<16xf32>
      %get3A_2492 = arith.constant 2 : i32
      %get3A_2493 = arith.index_cast %get3A_2492 : i32 to index
      %get3A_2494 = arith.constant 352 : index
      %get3A_2495 = tpu.vector_load %arg8[%get3A_2493, %get3A_2494] {strides = array<i32>} : memref<4x416xf32, #tpu.memory_space<vmem>>, vector<1x16xf32>,
      %get3A_2496 = vector.shape_cast %get3A_2495 : vector<1x16xf32> to vector<16xf32>
      %add3A_2497 = arith.addf %add3A_2441, %get3A_2496 : vector<16xf32>
      %mul3A_2498 = arith.constant 416 : i32
      %mul3A_2499 = arith.muli %add3A_1809, %mul3A_2498 : i32
      %add3A_2500 = arith.constant 352 : i32
      %add3A_2501 = arith.addi %mul3A_2499, %add3A_2500 : i32
      %get3A_2502 = arith.index_cast %add3A_2501 : i32 to index
      %get3A_2503 = tpu.vector_load %arg6[%get3A_2502] {strides = array<i32>} : memref<26624xi32, #tpu.memory_space<vmem>>, vector<16xi32>,
      %get3A_2504 = vector.shape_cast %get3A_2503 : vector<16xi32> to vector<16xi32>
      %ne3A_2505 = arith.constant 0 : i32
      %ne3A_2506 = vector.broadcast %ne3A_2505 : i32 to vector<16xi32>
      %ne3A_2507 = arith.cmpi ne, %get3A_2504, %ne3A_2506 : vector<16xi32>
      %jit3A_2508 = arith.constant 1.000000e+00 : f32
      %jit3A_2509 = arith.constant 0.000000e+00 : f32
      %broadcast_in_dim3A_2510 = vector.broadcast %jit3A_2508 : f32 to vector<16xf32>
      %broadcast_in_dim3A_2511 = vector.broadcast %jit3A_2509 : f32 to vector<16xf32>
      %select_n3A_2512 = arith.select %ne3A_2507, %broadcast_in_dim3A_2510, %broadcast_in_dim3A_2511 : vector<16xi1>, vector<16xf32>
      %add3A_2513 = arith.addf %add3A_2485, %select_n3A_2512 : vector<16xf32>
      %get3A_2514 = arith.constant 2 : i32
      %get3A_2515 = arith.index_cast %get3A_2514 : i32 to index
      %get3A_2516 = arith.constant 368 : index
      %get3A_2517 = tpu.vector_load %arg7[%get3A_2515, %get3A_2516] {strides = array<i32>} : memref<4x416xf32, #tpu.memory_space<vmem>>, vector<1x16xf32>,
      %get3A_2518 = vector.shape_cast %get3A_2517 : vector<1x16xf32> to vector<16xf32>
      %add3A_2519 = arith.addf %add3A_2463, %get3A_2518 : vector<16xf32>
      %get3A_2520 = arith.constant 2 : i32
      %get3A_2521 = arith.index_cast %get3A_2520 : i32 to index
      %get3A_2522 = arith.constant 368 : index
      %get3A_2523 = tpu.vector_load %arg8[%get3A_2521, %get3A_2522] {strides = array<i32>} : memref<4x416xf32, #tpu.memory_space<vmem>>, vector<1x16xf32>,
      %get3A_2524 = vector.shape_cast %get3A_2523 : vector<1x16xf32> to vector<16xf32>
      %add3A_2525 = arith.addf %add3A_2469, %get3A_2524 : vector<16xf32>
      %mul3A_2526 = arith.constant 416 : i32
      %mul3A_2527 = arith.muli %add3A_1809, %mul3A_2526 : i32
      %add3A_2528 = arith.constant 368 : i32
      %add3A_2529 = arith.addi %mul3A_2527, %add3A_2528 : i32
      %get3A_2530 = arith.index_cast %add3A_2529 : i32 to index
      %get3A_2531 = tpu.vector_load %arg6[%get3A_2530] {strides = array<i32>} : memref<26624xi32, #tpu.memory_space<vmem>>, vector<16xi32>,
      %get3A_2532 = vector.shape_cast %get3A_2531 : vector<16xi32> to vector<16xi32>
      %ne3A_2533 = arith.constant 0 : i32
      %ne3A_2534 = vector.broadcast %ne3A_2533 : i32 to vector<16xi32>
      %ne3A_2535 = arith.cmpi ne, %get3A_2532, %ne3A_2534 : vector<16xi32>
      %jit3A_2536 = arith.constant 1.000000e+00 : f32
      %jit3A_2537 = arith.constant 0.000000e+00 : f32
      %broadcast_in_dim3A_2538 = vector.broadcast %jit3A_2536 : f32 to vector<16xf32>
      %broadcast_in_dim3A_2539 = vector.broadcast %jit3A_2537 : f32 to vector<16xf32>
      %select_n3A_2540 = arith.select %ne3A_2535, %broadcast_in_dim3A_2538, %broadcast_in_dim3A_2539 : vector<16xi1>, vector<16xf32>
      %add3A_2541 = arith.addf %add3A_2513, %select_n3A_2540 : vector<16xf32>
      %get3A_2542 = arith.constant 2 : i32
      %get3A_2543 = arith.index_cast %get3A_2542 : i32 to index
      %get3A_2544 = arith.constant 384 : index
      %get3A_2545 = tpu.vector_load %arg7[%get3A_2543, %get3A_2544] {strides = array<i32>} : memref<4x416xf32, #tpu.memory_space<vmem>>, vector<1x16xf32>,
      %get3A_2546 = vector.shape_cast %get3A_2545 : vector<1x16xf32> to vector<16xf32>
      %add3A_2547 = arith.addf %add3A_2491, %get3A_2546 : vector<16xf32>
      %get3A_2548 = arith.constant 2 : i32
      %get3A_2549 = arith.index_cast %get3A_2548 : i32 to index
      %get3A_2550 = arith.constant 384 : index
      %get3A_2551 = tpu.vector_load %arg8[%get3A_2549, %get3A_2550] {strides = array<i32>} : memref<4x416xf32, #tpu.memory_space<vmem>>, vector<1x16xf32>,
      %get3A_2552 = vector.shape_cast %get3A_2551 : vector<1x16xf32> to vector<16xf32>
      %add3A_2553 = arith.addf %add3A_2497, %get3A_2552 : vector<16xf32>
      %mul3A_2554 = arith.constant 416 : i32
      %mul3A_2555 = arith.muli %add3A_1809, %mul3A_2554 : i32
      %add3A_2556 = arith.constant 384 : i32
      %add3A_2557 = arith.addi %mul3A_2555, %add3A_2556 : i32
      %get3A_2558 = arith.index_cast %add3A_2557 : i32 to index
      %get3A_2559 = tpu.vector_load %arg6[%get3A_2558] {strides = array<i32>} : memref<26624xi32, #tpu.memory_space<vmem>>, vector<16xi32>,
      %get3A_2560 = vector.shape_cast %get3A_2559 : vector<16xi32> to vector<16xi32>
      %ne3A_2561 = arith.constant 0 : i32
      %ne3A_2562 = vector.broadcast %ne3A_2561 : i32 to vector<16xi32>
      %ne3A_2563 = arith.cmpi ne, %get3A_2560, %ne3A_2562 : vector<16xi32>
      %jit3A_2564 = arith.constant 1.000000e+00 : f32
      %jit3A_2565 = arith.constant 0.000000e+00 : f32
      %broadcast_in_dim3A_2566 = vector.broadcast %jit3A_2564 : f32 to vector<16xf32>
      %broadcast_in_dim3A_2567 = vector.broadcast %jit3A_2565 : f32 to vector<16xf32>
      %select_n3A_2568 = arith.select %ne3A_2563, %broadcast_in_dim3A_2566, %broadcast_in_dim3A_2567 : vector<16xi1>, vector<16xf32>
      %add3A_2569 = arith.addf %add3A_2541, %select_n3A_2568 : vector<16xf32>
      %get3A_2570 = arith.constant 2 : i32
      %get3A_2571 = arith.index_cast %get3A_2570 : i32 to index
      %get3A_2572 = arith.constant 400 : index
      %get3A_2573 = tpu.vector_load %arg7[%get3A_2571, %get3A_2572] {strides = array<i32>} : memref<4x416xf32, #tpu.memory_space<vmem>>, vector<1x16xf32>,
      %get3A_2574 = vector.shape_cast %get3A_2573 : vector<1x16xf32> to vector<16xf32>
      %add3A_2575 = arith.addf %add3A_2519, %get3A_2574 : vector<16xf32>
      %get3A_2576 = arith.constant 2 : i32
      %get3A_2577 = arith.index_cast %get3A_2576 : i32 to index
      %get3A_2578 = arith.constant 400 : index
      %get3A_2579 = tpu.vector_load %arg8[%get3A_2577, %get3A_2578] {strides = array<i32>} : memref<4x416xf32, #tpu.memory_space<vmem>>, vector<1x16xf32>,
      %get3A_2580 = vector.shape_cast %get3A_2579 : vector<1x16xf32> to vector<16xf32>
      %add3A_2581 = arith.addf %add3A_2525, %get3A_2580 : vector<16xf32>
      %mul3A_2582 = arith.constant 416 : i32
      %mul3A_2583 = arith.muli %add3A_1809, %mul3A_2582 : i32
      %add3A_2584 = arith.constant 400 : i32
      %add3A_2585 = arith.addi %mul3A_2583, %add3A_2584 : i32
      %get3A_2586 = arith.index_cast %add3A_2585 : i32 to index
      %get3A_2587 = tpu.vector_load %arg6[%get3A_2586] {strides = array<i32>} : memref<26624xi32, #tpu.memory_space<vmem>>, vector<16xi32>,
      %get3A_2588 = vector.shape_cast %get3A_2587 : vector<16xi32> to vector<16xi32>
      %ne3A_2589 = arith.constant 0 : i32
      %ne3A_2590 = vector.broadcast %ne3A_2589 : i32 to vector<16xi32>
      %ne3A_2591 = arith.cmpi ne, %get3A_2588, %ne3A_2590 : vector<16xi32>
      %jit3A_2592 = arith.constant 1.000000e+00 : f32
      %jit3A_2593 = arith.constant 0.000000e+00 : f32
      %broadcast_in_dim3A_2594 = vector.broadcast %jit3A_2592 : f32 to vector<16xf32>
      %broadcast_in_dim3A_2595 = vector.broadcast %jit3A_2593 : f32 to vector<16xf32>
      %select_n3A_2596 = arith.select %ne3A_2591, %broadcast_in_dim3A_2594, %broadcast_in_dim3A_2595 : vector<16xi1>, vector<16xf32>
      %add3A_2597 = arith.addf %add3A_2569, %select_n3A_2596 : vector<16xf32>
      %add3A_2598 = arith.addf %add3A_2575, %add3A_2547 : vector<16xf32>
      %swap3A_2599 = arith.index_cast %add3A_2231 : i32 to index
      %swap3A_2600 = arith.constant 0 : index
      %swap3A_2601 = tpu.vector_load %arg9[%swap3A_2599, %swap3A_2600] {strides = array<i32>} : memref<128x48xf32, #tpu.memory_space<vmem>>, vector<1x16xf32>,
      %swap3A_2602 = vector.shape_cast %swap3A_2601 : vector<1x16xf32> to vector<16xf32>
      %swap3A_2603 = vector.shape_cast %add3A_2598 : vector<16xf32> to vector<1x16xf32>
      tpu.vector_store %arg9[%swap3A_2599, %swap3A_2600], %swap3A_2603 {strides = array<i32>} : memref<128x48xf32, #tpu.memory_space<vmem>>, vector<1x16xf32>,
      %add3A_2604 = arith.addf %add3A_2581, %add3A_2553 : vector<16xf32>
      %swap3A_2605 = arith.index_cast %add3A_2231 : i32 to index
      %swap3A_2606 = arith.constant 16 : index
      %swap3A_2607 = tpu.vector_load %arg9[%swap3A_2605, %swap3A_2606] {strides = array<i32>} : memref<128x48xf32, #tpu.memory_space<vmem>>, vector<1x16xf32>,
      %swap3A_2608 = vector.shape_cast %swap3A_2607 : vector<1x16xf32> to vector<16xf32>
      %swap3A_2609 = vector.shape_cast %add3A_2604 : vector<16xf32> to vector<1x16xf32>
      tpu.vector_store %arg9[%swap3A_2605, %swap3A_2606], %swap3A_2609 {strides = array<i32>} : memref<128x48xf32, #tpu.memory_space<vmem>>, vector<1x16xf32>,
      %swap3A_2610 = arith.index_cast %add3A_2231 : i32 to index
      %swap3A_2611 = arith.constant 32 : index
      %swap3A_2612 = tpu.vector_load %arg9[%swap3A_2610, %swap3A_2611] {strides = array<i32>} : memref<128x48xf32, #tpu.memory_space<vmem>>, vector<1x16xf32>,
      %swap3A_2613 = vector.shape_cast %swap3A_2612 : vector<1x16xf32> to vector<16xf32>
      %swap3A_2614 = vector.shape_cast %add3A_2597 : vector<16xf32> to vector<1x16xf32>
      tpu.vector_store %arg9[%swap3A_2610, %swap3A_2611], %swap3A_2614 {strides = array<i32>} : memref<128x48xf32, #tpu.memory_space<vmem>>, vector<1x16xf32>,
      %add3A_2615 = arith.constant 3 : i32
      %add3A_2616 = arith.addi %add3A_204, %add3A_2615 : i32
      %add3A_2617 = arith.constant 4 : i32
      %add3A_2618 = arith.addi %add3A_2616, %add3A_2617 : i32
      %sub3A_2619 = arith.constant 1 : i32
      %sub3A_2620 = arith.subi %add3A_2618, %sub3A_2619 : i32
      %lt3A_2621 = arith.constant 64 : i32
      %lt3A_2622 = arith.cmpi slt, %sub3A_2620, %lt3A_2621 : i32
      %convert_element_type3A_2623 = arith.extui %lt3A_2622 : i1 to i32
      %cond3A_2624 = arith.constant 0 : i32
      %cond3A_2625 = arith.cmpi ne, %convert_element_type3A_2623, %cond3A_2624 : i32
      scf.if %cond3A_2625 {
        %add3A_3422 = arith.constant 4 : i32
        %add3A_3423 = arith.addi %add3A_2616, %add3A_3422 : i32
        %sub3A_3424 = arith.constant 1 : i32
        %sub3A_3425 = arith.subi %add3A_3423, %sub3A_3424 : i32
        %mul3A_3426 = arith.constant 416 : i32
        %mul3A_3427 = arith.muli %sub3A_3425, %mul3A_3426 : i32
        %add3A_3428 = arith.constant 0 : i32
        %add3A_3429 = arith.addi %mul3A_3427, %add3A_3428 : i32
        %dma_start3A_3430 = arith.constant 2 : i32
        %dma_start3A_3431 = arith.constant 0 : i32
        %dma_start3A_3432 = tpu.memref_slice %arg7[%dma_start3A_3430, %dma_start3A_3431] : memref<4x416xf32, #tpu.memory_space<vmem>> -> memref<1x128xf32, #tpu.memory_space<vmem>>
        %dma_start3A_3433 = tpu.memref_squeeze %dma_start3A_3432 : memref<1x128xf32, #tpu.memory_space<vmem>> -> memref<128xf32, #tpu.memory_space<vmem>>
        %dma_start3A_3434 = tpu.memref_slice %arg6[%add3A_3429] : memref<26624xi32, #tpu.memory_space<vmem>> -> memref<128xi32, #tpu.memory_space<vmem>>
        %dma_start3A_3435 = arith.constant 0 : i32
        %dma_start3A_3436 = tpu.memref_slice %arg3[%dma_start3A_3435] : memref<1015808xf32, #tpu.memory_space<hbm>> -> memref<1015808xf32, #tpu.memory_space<hbm>>
        tpu.enqueue_indirect_dma source(%dma_start3A_3436 : memref<1015808xf32, #tpu.memory_space<hbm>>) target(%dma_start3A_3433 : memref<128xf32, #tpu.memory_space<vmem>>) offsets(%dma_start3A_3434 : memref<128xi32, #tpu.memory_space<vmem>>) semaphore(%arg12 : memref<!tpu.dma_semaphore, #tpu.memory_space<semaphore_mem>>)
        %dma_start3A_3437 = arith.constant 2 : i32
        %dma_start3A_3438 = arith.constant 0 : i32
        %dma_start3A_3439 = tpu.memref_slice %arg8[%dma_start3A_3437, %dma_start3A_3438] : memref<4x416xf32, #tpu.memory_space<vmem>> -> memref<1x128xf32, #tpu.memory_space<vmem>>
        %dma_start3A_3440 = tpu.memref_squeeze %dma_start3A_3439 : memref<1x128xf32, #tpu.memory_space<vmem>> -> memref<128xf32, #tpu.memory_space<vmem>>
        %dma_start3A_3441 = tpu.memref_slice %arg6[%add3A_3429] : memref<26624xi32, #tpu.memory_space<vmem>> -> memref<128xi32, #tpu.memory_space<vmem>>
        %dma_start3A_3442 = arith.constant 0 : i32
        %dma_start3A_3443 = tpu.memref_slice %arg4[%dma_start3A_3442] : memref<1015808xf32, #tpu.memory_space<hbm>> -> memref<1015808xf32, #tpu.memory_space<hbm>>
        tpu.enqueue_indirect_dma source(%dma_start3A_3443 : memref<1015808xf32, #tpu.memory_space<hbm>>) target(%dma_start3A_3440 : memref<128xf32, #tpu.memory_space<vmem>>) offsets(%dma_start3A_3441 : memref<128xi32, #tpu.memory_space<vmem>>) semaphore(%arg12 : memref<!tpu.dma_semaphore, #tpu.memory_space<semaphore_mem>>)
        %add3A_3444 = arith.constant 128 : i32
        %add3A_3445 = arith.addi %mul3A_3427, %add3A_3444 : i32
        %dma_start3A_3446 = arith.constant 2 : i32
        %dma_start3A_3447 = arith.constant 128 : i32
        %dma_start3A_3448 = tpu.memref_slice %arg7[%dma_start3A_3446, %dma_start3A_3447] : memref<4x416xf32, #tpu.memory_space<vmem>> -> memref<1x128xf32, #tpu.memory_space<vmem>>
        %dma_start3A_3449 = tpu.memref_squeeze %dma_start3A_3448 : memref<1x128xf32, #tpu.memory_space<vmem>> -> memref<128xf32, #tpu.memory_space<vmem>>
        %dma_start3A_3450 = tpu.memref_slice %arg6[%add3A_3445] : memref<26624xi32, #tpu.memory_space<vmem>> -> memref<128xi32, #tpu.memory_space<vmem>>
        %dma_start3A_3451 = arith.constant 0 : i32
        %dma_start3A_3452 = tpu.memref_slice %arg3[%dma_start3A_3451] : memref<1015808xf32, #tpu.memory_space<hbm>> -> memref<1015808xf32, #tpu.memory_space<hbm>>
        tpu.enqueue_indirect_dma source(%dma_start3A_3452 : memref<1015808xf32, #tpu.memory_space<hbm>>) target(%dma_start3A_3449 : memref<128xf32, #tpu.memory_space<vmem>>) offsets(%dma_start3A_3450 : memref<128xi32, #tpu.memory_space<vmem>>) semaphore(%arg12 : memref<!tpu.dma_semaphore, #tpu.memory_space<semaphore_mem>>)
        %dma_start3A_3453 = arith.constant 2 : i32
        %dma_start3A_3454 = arith.constant 128 : i32
        %dma_start3A_3455 = tpu.memref_slice %arg8[%dma_start3A_3453, %dma_start3A_3454] : memref<4x416xf32, #tpu.memory_space<vmem>> -> memref<1x128xf32, #tpu.memory_space<vmem>>
        %dma_start3A_3456 = tpu.memref_squeeze %dma_start3A_3455 : memref<1x128xf32, #tpu.memory_space<vmem>> -> memref<128xf32, #tpu.memory_space<vmem>>
        %dma_start3A_3457 = tpu.memref_slice %arg6[%add3A_3445] : memref<26624xi32, #tpu.memory_space<vmem>> -> memref<128xi32, #tpu.memory_space<vmem>>
        %dma_start3A_3458 = arith.constant 0 : i32
        %dma_start3A_3459 = tpu.memref_slice %arg4[%dma_start3A_3458] : memref<1015808xf32, #tpu.memory_space<hbm>> -> memref<1015808xf32, #tpu.memory_space<hbm>>
        tpu.enqueue_indirect_dma source(%dma_start3A_3459 : memref<1015808xf32, #tpu.memory_space<hbm>>) target(%dma_start3A_3456 : memref<128xf32, #tpu.memory_space<vmem>>) offsets(%dma_start3A_3457 : memref<128xi32, #tpu.memory_space<vmem>>) semaphore(%arg12 : memref<!tpu.dma_semaphore, #tpu.memory_space<semaphore_mem>>)
        %add3A_3460 = arith.constant 256 : i32
        %add3A_3461 = arith.addi %mul3A_3427, %add3A_3460 : i32
        %dma_start3A_3462 = arith.constant 2 : i32
        %dma_start3A_3463 = arith.constant 256 : i32
        %dma_start3A_3464 = tpu.memref_slice %arg7[%dma_start3A_3462, %dma_start3A_3463] : memref<4x416xf32, #tpu.memory_space<vmem>> -> memref<1x128xf32, #tpu.memory_space<vmem>>
        %dma_start3A_3465 = tpu.memref_squeeze %dma_start3A_3464 : memref<1x128xf32, #tpu.memory_space<vmem>> -> memref<128xf32, #tpu.memory_space<vmem>>
        %dma_start3A_3466 = tpu.memref_slice %arg6[%add3A_3461] : memref<26624xi32, #tpu.memory_space<vmem>> -> memref<128xi32, #tpu.memory_space<vmem>>
        %dma_start3A_3467 = arith.constant 0 : i32
        %dma_start3A_3468 = tpu.memref_slice %arg3[%dma_start3A_3467] : memref<1015808xf32, #tpu.memory_space<hbm>> -> memref<1015808xf32, #tpu.memory_space<hbm>>
        tpu.enqueue_indirect_dma source(%dma_start3A_3468 : memref<1015808xf32, #tpu.memory_space<hbm>>) target(%dma_start3A_3465 : memref<128xf32, #tpu.memory_space<vmem>>) offsets(%dma_start3A_3466 : memref<128xi32, #tpu.memory_space<vmem>>) semaphore(%arg12 : memref<!tpu.dma_semaphore, #tpu.memory_space<semaphore_mem>>)
        %dma_start3A_3469 = arith.constant 2 : i32
        %dma_start3A_3470 = arith.constant 256 : i32
        %dma_start3A_3471 = tpu.memref_slice %arg8[%dma_start3A_3469, %dma_start3A_3470] : memref<4x416xf32, #tpu.memory_space<vmem>> -> memref<1x128xf32, #tpu.memory_space<vmem>>
        %dma_start3A_3472 = tpu.memref_squeeze %dma_start3A_3471 : memref<1x128xf32, #tpu.memory_space<vmem>> -> memref<128xf32, #tpu.memory_space<vmem>>
        %dma_start3A_3473 = tpu.memref_slice %arg6[%add3A_3461] : memref<26624xi32, #tpu.memory_space<vmem>> -> memref<128xi32, #tpu.memory_space<vmem>>
        %dma_start3A_3474 = arith.constant 0 : i32
        %dma_start3A_3475 = tpu.memref_slice %arg4[%dma_start3A_3474] : memref<1015808xf32, #tpu.memory_space<hbm>> -> memref<1015808xf32, #tpu.memory_space<hbm>>
        tpu.enqueue_indirect_dma source(%dma_start3A_3475 : memref<1015808xf32, #tpu.memory_space<hbm>>) target(%dma_start3A_3472 : memref<128xf32, #tpu.memory_space<vmem>>) offsets(%dma_start3A_3473 : memref<128xi32, #tpu.memory_space<vmem>>) semaphore(%arg12 : memref<!tpu.dma_semaphore, #tpu.memory_space<semaphore_mem>>)
        %add3A_3476 = arith.constant 384 : i32
        %add3A_3477 = arith.addi %mul3A_3427, %add3A_3476 : i32
        %dma_start3A_3478 = arith.constant 2 : i32
        %dma_start3A_3479 = arith.constant 384 : i32
        %dma_start3A_3480 = tpu.memref_slice %arg7[%dma_start3A_3478, %dma_start3A_3479] : memref<4x416xf32, #tpu.memory_space<vmem>> -> memref<1x32xf32, #tpu.memory_space<vmem>>
        %dma_start3A_3481 = tpu.memref_squeeze %dma_start3A_3480 : memref<1x32xf32, #tpu.memory_space<vmem>> -> memref<32xf32, #tpu.memory_space<vmem>>
        %dma_start3A_3482 = tpu.memref_slice %arg6[%add3A_3477] : memref<26624xi32, #tpu.memory_space<vmem>> -> memref<32xi32, #tpu.memory_space<vmem>>
        %dma_start3A_3483 = arith.constant 0 : i32
        %dma_start3A_3484 = tpu.memref_slice %arg3[%dma_start3A_3483] : memref<1015808xf32, #tpu.memory_space<hbm>> -> memref<1015808xf32, #tpu.memory_space<hbm>>
        tpu.enqueue_indirect_dma source(%dma_start3A_3484 : memref<1015808xf32, #tpu.memory_space<hbm>>) target(%dma_start3A_3481 : memref<32xf32, #tpu.memory_space<vmem>>) offsets(%dma_start3A_3482 : memref<32xi32, #tpu.memory_space<vmem>>) semaphore(%arg12 : memref<!tpu.dma_semaphore, #tpu.memory_space<semaphore_mem>>)
        %dma_start3A_3485 = arith.constant 2 : i32
        %dma_start3A_3486 = arith.constant 384 : i32
        %dma_start3A_3487 = tpu.memref_slice %arg8[%dma_start3A_3485, %dma_start3A_3486] : memref<4x416xf32, #tpu.memory_space<vmem>> -> memref<1x32xf32, #tpu.memory_space<vmem>>
        %dma_start3A_3488 = tpu.memref_squeeze %dma_start3A_3487 : memref<1x32xf32, #tpu.memory_space<vmem>> -> memref<32xf32, #tpu.memory_space<vmem>>
        %dma_start3A_3489 = tpu.memref_slice %arg6[%add3A_3477] : memref<26624xi32, #tpu.memory_space<vmem>> -> memref<32xi32, #tpu.memory_space<vmem>>
        %dma_start3A_3490 = arith.constant 0 : i32
        %dma_start3A_3491 = tpu.memref_slice %arg4[%dma_start3A_3490] : memref<1015808xf32, #tpu.memory_space<hbm>> -> memref<1015808xf32, #tpu.memory_space<hbm>>
        tpu.enqueue_indirect_dma source(%dma_start3A_3491 : memref<1015808xf32, #tpu.memory_space<hbm>>) target(%dma_start3A_3488 : memref<32xf32, #tpu.memory_space<vmem>>) offsets(%dma_start3A_3489 : memref<32xi32, #tpu.memory_space<vmem>>) semaphore(%arg12 : memref<!tpu.dma_semaphore, #tpu.memory_space<semaphore_mem>>)
      } else {
      }
      %dma_wait3A_2626 = arith.constant 3 : i32
      %dma_wait3A_2627 = arith.constant 0 : i32
      %dma_wait3A_2628 = tpu.memref_slice %arg7[%dma_wait3A_2626, %dma_wait3A_2627] : memref<4x416xf32, #tpu.memory_space<vmem>> -> memref<1x416xf32, #tpu.memory_space<vmem>>
      %dma_wait3A_2629 = tpu.memref_squeeze %dma_wait3A_2628 : memref<1x416xf32, #tpu.memory_space<vmem>> -> memref<416xf32, #tpu.memory_space<vmem>>
      %dma_wait3A_2630 = arith.constant 0 : i32
      %dma_wait3A_2631 = tpu.memref_slice %arg3[%dma_wait3A_2630] : memref<1015808xf32, #tpu.memory_space<hbm>> -> memref<416xf32, #tpu.memory_space<hbm>>
      %dma_wait3A_2632 = arith.constant 0 : i32
      %dma_wait3A_2633 = tpu.memref_slice %arg7[%dma_wait3A_2626, %dma_wait3A_2632] : memref<4x416xf32, #tpu.memory_space<vmem>> -> memref<1x416xf32, #tpu.memory_space<vmem>>
      %dma_wait3A_2634 = tpu.memref_squeeze %dma_wait3A_2633 : memref<1x416xf32, #tpu.memory_space<vmem>> -> memref<416xf32, #tpu.memory_space<vmem>>
      %dma_wait3A_2635 = arith.constant 0 : i32
      %dma_wait3A_2636 = tpu.memref_slice %arg3[%dma_wait3A_2635] : memref<1015808xf32, #tpu.memory_space<hbm>> -> memref<416xf32, #tpu.memory_space<hbm>>
      tpu.wait_dma2 semaphore(%arg13 : memref<!tpu.dma_semaphore, #tpu.memory_space<semaphore_mem>>) src(%dma_wait3A_2636 : memref<416xf32, #tpu.memory_space<hbm>>) dst(%dma_wait3A_2634 : memref<416xf32, #tpu.memory_space<vmem>>)
      %dma_wait3A_2637 = arith.constant 3 : i32
      %dma_wait3A_2638 = arith.constant 0 : i32
      %dma_wait3A_2639 = tpu.memref_slice %arg8[%dma_wait3A_2637, %dma_wait3A_2638] : memref<4x416xf32, #tpu.memory_space<vmem>> -> memref<1x416xf32, #tpu.memory_space<vmem>>
      %dma_wait3A_2640 = tpu.memref_squeeze %dma_wait3A_2639 : memref<1x416xf32, #tpu.memory_space<vmem>> -> memref<416xf32, #tpu.memory_space<vmem>>
      %dma_wait3A_2641 = arith.constant 0 : i32
      %dma_wait3A_2642 = tpu.memref_slice %arg4[%dma_wait3A_2641] : memref<1015808xf32, #tpu.memory_space<hbm>> -> memref<416xf32, #tpu.memory_space<hbm>>
      %dma_wait3A_2643 = arith.constant 0 : i32
      %dma_wait3A_2644 = tpu.memref_slice %arg8[%dma_wait3A_2637, %dma_wait3A_2643] : memref<4x416xf32, #tpu.memory_space<vmem>> -> memref<1x416xf32, #tpu.memory_space<vmem>>
      %dma_wait3A_2645 = tpu.memref_squeeze %dma_wait3A_2644 : memref<1x416xf32, #tpu.memory_space<vmem>> -> memref<416xf32, #tpu.memory_space<vmem>>
      %dma_wait3A_2646 = arith.constant 0 : i32
      %dma_wait3A_2647 = tpu.memref_slice %arg4[%dma_wait3A_2646] : memref<1015808xf32, #tpu.memory_space<hbm>> -> memref<416xf32, #tpu.memory_space<hbm>>
      tpu.wait_dma2 semaphore(%arg13 : memref<!tpu.dma_semaphore, #tpu.memory_space<semaphore_mem>>) src(%dma_wait3A_2647 : memref<416xf32, #tpu.memory_space<hbm>>) dst(%dma_wait3A_2645 : memref<416xf32, #tpu.memory_space<vmem>>)
      %mul3A_2648 = arith.constant 2 : i32
      %mul3A_2649 = arith.muli %add3A_2616, %mul3A_2648 : i32
      %add3A_2650 = arith.constant 0 : i32
      %add3A_2651 = arith.addi %mul3A_2649, %add3A_2650 : i32
      %broadcast_in_dim3A_2652 = arith.constant 0.000000e+00 : f32
      %broadcast_in_dim3A_2653 = vector.broadcast %broadcast_in_dim3A_2652 : f32 to vector<16xf32>
      %get3A_2654 = arith.constant 3 : i32
      %get3A_2655 = arith.index_cast %get3A_2654 : i32 to index
      %get3A_2656 = arith.constant 0 : index
      %get3A_2657 = tpu.vector_load %arg7[%get3A_2655, %get3A_2656] {strides = array<i32>} : memref<4x416xf32, #tpu.memory_space<vmem>>, vector<1x16xf32>,
      %get3A_2658 = vector.shape_cast %get3A_2657 : vector<1x16xf32> to vector<16xf32>
      %add3A_2659 = arith.addf %broadcast_in_dim3A_2653, %get3A_2658 : vector<16xf32>
      %get3A_2660 = arith.constant 3 : i32
      %get3A_2661 = arith.index_cast %get3A_2660 : i32 to index
      %get3A_2662 = arith.constant 0 : index
      %get3A_2663 = tpu.vector_load %arg8[%get3A_2661, %get3A_2662] {strides = array<i32>} : memref<4x416xf32, #tpu.memory_space<vmem>>, vector<1x16xf32>,
      %get3A_2664 = vector.shape_cast %get3A_2663 : vector<1x16xf32> to vector<16xf32>
      %add3A_2665 = arith.addf %broadcast_in_dim3A_2653, %get3A_2664 : vector<16xf32>
      %mul3A_2666 = arith.constant 416 : i32
      %mul3A_2667 = arith.muli %add3A_2616, %mul3A_2666 : i32
      %add3A_2668 = arith.constant 0 : i32
      %add3A_2669 = arith.addi %mul3A_2667, %add3A_2668 : i32
      %get3A_2670 = arith.index_cast %add3A_2669 : i32 to index
      %get3A_2671 = tpu.vector_load %arg6[%get3A_2670] {strides = array<i32>} : memref<26624xi32, #tpu.memory_space<vmem>>, vector<16xi32>,
      %get3A_2672 = vector.shape_cast %get3A_2671 : vector<16xi32> to vector<16xi32>
      %ne3A_2673 = arith.constant 0 : i32
      %ne3A_2674 = vector.broadcast %ne3A_2673 : i32 to vector<16xi32>
      %ne3A_2675 = arith.cmpi ne, %get3A_2672, %ne3A_2674 : vector<16xi32>
      %jit3A_2676 = arith.constant 1.000000e+00 : f32
      %jit3A_2677 = arith.constant 0.000000e+00 : f32
      %broadcast_in_dim3A_2678 = vector.broadcast %jit3A_2676 : f32 to vector<16xf32>
      %broadcast_in_dim3A_2679 = vector.broadcast %jit3A_2677 : f32 to vector<16xf32>
      %select_n3A_2680 = arith.select %ne3A_2675, %broadcast_in_dim3A_2678, %broadcast_in_dim3A_2679 : vector<16xi1>, vector<16xf32>
      %add3A_2681 = arith.addf %broadcast_in_dim3A_2653, %select_n3A_2680 : vector<16xf32>
      %get3A_2682 = arith.constant 3 : i32
      %get3A_2683 = arith.index_cast %get3A_2682 : i32 to index
      %get3A_2684 = arith.constant 16 : index
      %get3A_2685 = tpu.vector_load %arg7[%get3A_2683, %get3A_2684] {strides = array<i32>} : memref<4x416xf32, #tpu.memory_space<vmem>>, vector<1x16xf32>,
      %get3A_2686 = vector.shape_cast %get3A_2685 : vector<1x16xf32> to vector<16xf32>
      %add3A_2687 = arith.addf %broadcast_in_dim3A_2653, %get3A_2686 : vector<16xf32>
      %get3A_2688 = arith.constant 3 : i32
      %get3A_2689 = arith.index_cast %get3A_2688 : i32 to index
      %get3A_2690 = arith.constant 16 : index
      %get3A_2691 = tpu.vector_load %arg8[%get3A_2689, %get3A_2690] {strides = array<i32>} : memref<4x416xf32, #tpu.memory_space<vmem>>, vector<1x16xf32>,
      %get3A_2692 = vector.shape_cast %get3A_2691 : vector<1x16xf32> to vector<16xf32>
      %add3A_2693 = arith.addf %broadcast_in_dim3A_2653, %get3A_2692 : vector<16xf32>
      %mul3A_2694 = arith.constant 416 : i32
      %mul3A_2695 = arith.muli %add3A_2616, %mul3A_2694 : i32
      %add3A_2696 = arith.constant 16 : i32
      %add3A_2697 = arith.addi %mul3A_2695, %add3A_2696 : i32
      %get3A_2698 = arith.index_cast %add3A_2697 : i32 to index
      %get3A_2699 = tpu.vector_load %arg6[%get3A_2698] {strides = array<i32>} : memref<26624xi32, #tpu.memory_space<vmem>>, vector<16xi32>,
      %get3A_2700 = vector.shape_cast %get3A_2699 : vector<16xi32> to vector<16xi32>
      %ne3A_2701 = arith.constant 0 : i32
      %ne3A_2702 = vector.broadcast %ne3A_2701 : i32 to vector<16xi32>
      %ne3A_2703 = arith.cmpi ne, %get3A_2700, %ne3A_2702 : vector<16xi32>
      %jit3A_2704 = arith.constant 1.000000e+00 : f32
      %jit3A_2705 = arith.constant 0.000000e+00 : f32
      %broadcast_in_dim3A_2706 = vector.broadcast %jit3A_2704 : f32 to vector<16xf32>
      %broadcast_in_dim3A_2707 = vector.broadcast %jit3A_2705 : f32 to vector<16xf32>
      %select_n3A_2708 = arith.select %ne3A_2703, %broadcast_in_dim3A_2706, %broadcast_in_dim3A_2707 : vector<16xi1>, vector<16xf32>
      %add3A_2709 = arith.addf %add3A_2681, %select_n3A_2708 : vector<16xf32>
      %get3A_2710 = arith.constant 3 : i32
      %get3A_2711 = arith.index_cast %get3A_2710 : i32 to index
      %get3A_2712 = arith.constant 32 : index
      %get3A_2713 = tpu.vector_load %arg7[%get3A_2711, %get3A_2712] {strides = array<i32>} : memref<4x416xf32, #tpu.memory_space<vmem>>, vector<1x16xf32>,
      %get3A_2714 = vector.shape_cast %get3A_2713 : vector<1x16xf32> to vector<16xf32>
      %add3A_2715 = arith.addf %add3A_2659, %get3A_2714 : vector<16xf32>
      %get3A_2716 = arith.constant 3 : i32
      %get3A_2717 = arith.index_cast %get3A_2716 : i32 to index
      %get3A_2718 = arith.constant 32 : index
      %get3A_2719 = tpu.vector_load %arg8[%get3A_2717, %get3A_2718] {strides = array<i32>} : memref<4x416xf32, #tpu.memory_space<vmem>>, vector<1x16xf32>,
      %get3A_2720 = vector.shape_cast %get3A_2719 : vector<1x16xf32> to vector<16xf32>
      %add3A_2721 = arith.addf %add3A_2665, %get3A_2720 : vector<16xf32>
      %mul3A_2722 = arith.constant 416 : i32
      %mul3A_2723 = arith.muli %add3A_2616, %mul3A_2722 : i32
      %add3A_2724 = arith.constant 32 : i32
      %add3A_2725 = arith.addi %mul3A_2723, %add3A_2724 : i32
      %get3A_2726 = arith.index_cast %add3A_2725 : i32 to index
      %get3A_2727 = tpu.vector_load %arg6[%get3A_2726] {strides = array<i32>} : memref<26624xi32, #tpu.memory_space<vmem>>, vector<16xi32>,
      %get3A_2728 = vector.shape_cast %get3A_2727 : vector<16xi32> to vector<16xi32>
      %ne3A_2729 = arith.constant 0 : i32
      %ne3A_2730 = vector.broadcast %ne3A_2729 : i32 to vector<16xi32>
      %ne3A_2731 = arith.cmpi ne, %get3A_2728, %ne3A_2730 : vector<16xi32>
      %jit3A_2732 = arith.constant 1.000000e+00 : f32
      %jit3A_2733 = arith.constant 0.000000e+00 : f32
      %broadcast_in_dim3A_2734 = vector.broadcast %jit3A_2732 : f32 to vector<16xf32>
      %broadcast_in_dim3A_2735 = vector.broadcast %jit3A_2733 : f32 to vector<16xf32>
      %select_n3A_2736 = arith.select %ne3A_2731, %broadcast_in_dim3A_2734, %broadcast_in_dim3A_2735 : vector<16xi1>, vector<16xf32>
      %add3A_2737 = arith.addf %add3A_2709, %select_n3A_2736 : vector<16xf32>
      %get3A_2738 = arith.constant 3 : i32
      %get3A_2739 = arith.index_cast %get3A_2738 : i32 to index
      %get3A_2740 = arith.constant 48 : index
      %get3A_2741 = tpu.vector_load %arg7[%get3A_2739, %get3A_2740] {strides = array<i32>} : memref<4x416xf32, #tpu.memory_space<vmem>>, vector<1x16xf32>,
      %get3A_2742 = vector.shape_cast %get3A_2741 : vector<1x16xf32> to vector<16xf32>
      %add3A_2743 = arith.addf %add3A_2687, %get3A_2742 : vector<16xf32>
      %get3A_2744 = arith.constant 3 : i32
      %get3A_2745 = arith.index_cast %get3A_2744 : i32 to index
      %get3A_2746 = arith.constant 48 : index
      %get3A_2747 = tpu.vector_load %arg8[%get3A_2745, %get3A_2746] {strides = array<i32>} : memref<4x416xf32, #tpu.memory_space<vmem>>, vector<1x16xf32>,
      %get3A_2748 = vector.shape_cast %get3A_2747 : vector<1x16xf32> to vector<16xf32>
      %add3A_2749 = arith.addf %add3A_2693, %get3A_2748 : vector<16xf32>
      %mul3A_2750 = arith.constant 416 : i32
      %mul3A_2751 = arith.muli %add3A_2616, %mul3A_2750 : i32
      %add3A_2752 = arith.constant 48 : i32
      %add3A_2753 = arith.addi %mul3A_2751, %add3A_2752 : i32
      %get3A_2754 = arith.index_cast %add3A_2753 : i32 to index
      %get3A_2755 = tpu.vector_load %arg6[%get3A_2754] {strides = array<i32>} : memref<26624xi32, #tpu.memory_space<vmem>>, vector<16xi32>,
      %get3A_2756 = vector.shape_cast %get3A_2755 : vector<16xi32> to vector<16xi32>
      %ne3A_2757 = arith.constant 0 : i32
      %ne3A_2758 = vector.broadcast %ne3A_2757 : i32 to vector<16xi32>
      %ne3A_2759 = arith.cmpi ne, %get3A_2756, %ne3A_2758 : vector<16xi32>
      %jit3A_2760 = arith.constant 1.000000e+00 : f32
      %jit3A_2761 = arith.constant 0.000000e+00 : f32
      %broadcast_in_dim3A_2762 = vector.broadcast %jit3A_2760 : f32 to vector<16xf32>
      %broadcast_in_dim3A_2763 = vector.broadcast %jit3A_2761 : f32 to vector<16xf32>
      %select_n3A_2764 = arith.select %ne3A_2759, %broadcast_in_dim3A_2762, %broadcast_in_dim3A_2763 : vector<16xi1>, vector<16xf32>
      %add3A_2765 = arith.addf %add3A_2737, %select_n3A_2764 : vector<16xf32>
      %get3A_2766 = arith.constant 3 : i32
      %get3A_2767 = arith.index_cast %get3A_2766 : i32 to index
      %get3A_2768 = arith.constant 64 : index
      %get3A_2769 = tpu.vector_load %arg7[%get3A_2767, %get3A_2768] {strides = array<i32>} : memref<4x416xf32, #tpu.memory_space<vmem>>, vector<1x16xf32>,
      %get3A_2770 = vector.shape_cast %get3A_2769 : vector<1x16xf32> to vector<16xf32>
      %add3A_2771 = arith.addf %add3A_2715, %get3A_2770 : vector<16xf32>
      %get3A_2772 = arith.constant 3 : i32
      %get3A_2773 = arith.index_cast %get3A_2772 : i32 to index
      %get3A_2774 = arith.constant 64 : index
      %get3A_2775 = tpu.vector_load %arg8[%get3A_2773, %get3A_2774] {strides = array<i32>} : memref<4x416xf32, #tpu.memory_space<vmem>>, vector<1x16xf32>,
      %get3A_2776 = vector.shape_cast %get3A_2775 : vector<1x16xf32> to vector<16xf32>
      %add3A_2777 = arith.addf %add3A_2721, %get3A_2776 : vector<16xf32>
      %mul3A_2778 = arith.constant 416 : i32
      %mul3A_2779 = arith.muli %add3A_2616, %mul3A_2778 : i32
      %add3A_2780 = arith.constant 64 : i32
      %add3A_2781 = arith.addi %mul3A_2779, %add3A_2780 : i32
      %get3A_2782 = arith.index_cast %add3A_2781 : i32 to index
      %get3A_2783 = tpu.vector_load %arg6[%get3A_2782] {strides = array<i32>} : memref<26624xi32, #tpu.memory_space<vmem>>, vector<16xi32>,
      %get3A_2784 = vector.shape_cast %get3A_2783 : vector<16xi32> to vector<16xi32>
      %ne3A_2785 = arith.constant 0 : i32
      %ne3A_2786 = vector.broadcast %ne3A_2785 : i32 to vector<16xi32>
      %ne3A_2787 = arith.cmpi ne, %get3A_2784, %ne3A_2786 : vector<16xi32>
      %jit3A_2788 = arith.constant 1.000000e+00 : f32
      %jit3A_2789 = arith.constant 0.000000e+00 : f32
      %broadcast_in_dim3A_2790 = vector.broadcast %jit3A_2788 : f32 to vector<16xf32>
      %broadcast_in_dim3A_2791 = vector.broadcast %jit3A_2789 : f32 to vector<16xf32>
      %select_n3A_2792 = arith.select %ne3A_2787, %broadcast_in_dim3A_2790, %broadcast_in_dim3A_2791 : vector<16xi1>, vector<16xf32>
      %add3A_2793 = arith.addf %add3A_2765, %select_n3A_2792 : vector<16xf32>
      %get3A_2794 = arith.constant 3 : i32
      %get3A_2795 = arith.index_cast %get3A_2794 : i32 to index
      %get3A_2796 = arith.constant 80 : index
      %get3A_2797 = tpu.vector_load %arg7[%get3A_2795, %get3A_2796] {strides = array<i32>} : memref<4x416xf32, #tpu.memory_space<vmem>>, vector<1x16xf32>,
      %get3A_2798 = vector.shape_cast %get3A_2797 : vector<1x16xf32> to vector<16xf32>
      %add3A_2799 = arith.addf %add3A_2743, %get3A_2798 : vector<16xf32>
      %get3A_2800 = arith.constant 3 : i32
      %get3A_2801 = arith.index_cast %get3A_2800 : i32 to index
      %get3A_2802 = arith.constant 80 : index
      %get3A_2803 = tpu.vector_load %arg8[%get3A_2801, %get3A_2802] {strides = array<i32>} : memref<4x416xf32, #tpu.memory_space<vmem>>, vector<1x16xf32>,
      %get3A_2804 = vector.shape_cast %get3A_2803 : vector<1x16xf32> to vector<16xf32>
      %add3A_2805 = arith.addf %add3A_2749, %get3A_2804 : vector<16xf32>
      %mul3A_2806 = arith.constant 416 : i32
      %mul3A_2807 = arith.muli %add3A_2616, %mul3A_2806 : i32
      %add3A_2808 = arith.constant 80 : i32
      %add3A_2809 = arith.addi %mul3A_2807, %add3A_2808 : i32
      %get3A_2810 = arith.index_cast %add3A_2809 : i32 to index
      %get3A_2811 = tpu.vector_load %arg6[%get3A_2810] {strides = array<i32>} : memref<26624xi32, #tpu.memory_space<vmem>>, vector<16xi32>,
      %get3A_2812 = vector.shape_cast %get3A_2811 : vector<16xi32> to vector<16xi32>
      %ne3A_2813 = arith.constant 0 : i32
      %ne3A_2814 = vector.broadcast %ne3A_2813 : i32 to vector<16xi32>
      %ne3A_2815 = arith.cmpi ne, %get3A_2812, %ne3A_2814 : vector<16xi32>
      %jit3A_2816 = arith.constant 1.000000e+00 : f32
      %jit3A_2817 = arith.constant 0.000000e+00 : f32
      %broadcast_in_dim3A_2818 = vector.broadcast %jit3A_2816 : f32 to vector<16xf32>
      %broadcast_in_dim3A_2819 = vector.broadcast %jit3A_2817 : f32 to vector<16xf32>
      %select_n3A_2820 = arith.select %ne3A_2815, %broadcast_in_dim3A_2818, %broadcast_in_dim3A_2819 : vector<16xi1>, vector<16xf32>
      %add3A_2821 = arith.addf %add3A_2793, %select_n3A_2820 : vector<16xf32>
      %get3A_2822 = arith.constant 3 : i32
      %get3A_2823 = arith.index_cast %get3A_2822 : i32 to index
      %get3A_2824 = arith.constant 96 : index
      %get3A_2825 = tpu.vector_load %arg7[%get3A_2823, %get3A_2824] {strides = array<i32>} : memref<4x416xf32, #tpu.memory_space<vmem>>, vector<1x16xf32>,
      %get3A_2826 = vector.shape_cast %get3A_2825 : vector<1x16xf32> to vector<16xf32>
      %add3A_2827 = arith.addf %add3A_2771, %get3A_2826 : vector<16xf32>
      %get3A_2828 = arith.constant 3 : i32
      %get3A_2829 = arith.index_cast %get3A_2828 : i32 to index
      %get3A_2830 = arith.constant 96 : index
      %get3A_2831 = tpu.vector_load %arg8[%get3A_2829, %get3A_2830] {strides = array<i32>} : memref<4x416xf32, #tpu.memory_space<vmem>>, vector<1x16xf32>,
      %get3A_2832 = vector.shape_cast %get3A_2831 : vector<1x16xf32> to vector<16xf32>
      %add3A_2833 = arith.addf %add3A_2777, %get3A_2832 : vector<16xf32>
      %mul3A_2834 = arith.constant 416 : i32
      %mul3A_2835 = arith.muli %add3A_2616, %mul3A_2834 : i32
      %add3A_2836 = arith.constant 96 : i32
      %add3A_2837 = arith.addi %mul3A_2835, %add3A_2836 : i32
      %get3A_2838 = arith.index_cast %add3A_2837 : i32 to index
      %get3A_2839 = tpu.vector_load %arg6[%get3A_2838] {strides = array<i32>} : memref<26624xi32, #tpu.memory_space<vmem>>, vector<16xi32>,
      %get3A_2840 = vector.shape_cast %get3A_2839 : vector<16xi32> to vector<16xi32>
      %ne3A_2841 = arith.constant 0 : i32
      %ne3A_2842 = vector.broadcast %ne3A_2841 : i32 to vector<16xi32>
      %ne3A_2843 = arith.cmpi ne, %get3A_2840, %ne3A_2842 : vector<16xi32>
      %jit3A_2844 = arith.constant 1.000000e+00 : f32
      %jit3A_2845 = arith.constant 0.000000e+00 : f32
      %broadcast_in_dim3A_2846 = vector.broadcast %jit3A_2844 : f32 to vector<16xf32>
      %broadcast_in_dim3A_2847 = vector.broadcast %jit3A_2845 : f32 to vector<16xf32>
      %select_n3A_2848 = arith.select %ne3A_2843, %broadcast_in_dim3A_2846, %broadcast_in_dim3A_2847 : vector<16xi1>, vector<16xf32>
      %add3A_2849 = arith.addf %add3A_2821, %select_n3A_2848 : vector<16xf32>
      %get3A_2850 = arith.constant 3 : i32
      %get3A_2851 = arith.index_cast %get3A_2850 : i32 to index
      %get3A_2852 = arith.constant 112 : index
      %get3A_2853 = tpu.vector_load %arg7[%get3A_2851, %get3A_2852] {strides = array<i32>} : memref<4x416xf32, #tpu.memory_space<vmem>>, vector<1x16xf32>,
      %get3A_2854 = vector.shape_cast %get3A_2853 : vector<1x16xf32> to vector<16xf32>
      %add3A_2855 = arith.addf %add3A_2799, %get3A_2854 : vector<16xf32>
      %get3A_2856 = arith.constant 3 : i32
      %get3A_2857 = arith.index_cast %get3A_2856 : i32 to index
      %get3A_2858 = arith.constant 112 : index
      %get3A_2859 = tpu.vector_load %arg8[%get3A_2857, %get3A_2858] {strides = array<i32>} : memref<4x416xf32, #tpu.memory_space<vmem>>, vector<1x16xf32>,
      %get3A_2860 = vector.shape_cast %get3A_2859 : vector<1x16xf32> to vector<16xf32>
      %add3A_2861 = arith.addf %add3A_2805, %get3A_2860 : vector<16xf32>
      %mul3A_2862 = arith.constant 416 : i32
      %mul3A_2863 = arith.muli %add3A_2616, %mul3A_2862 : i32
      %add3A_2864 = arith.constant 112 : i32
      %add3A_2865 = arith.addi %mul3A_2863, %add3A_2864 : i32
      %get3A_2866 = arith.index_cast %add3A_2865 : i32 to index
      %get3A_2867 = tpu.vector_load %arg6[%get3A_2866] {strides = array<i32>} : memref<26624xi32, #tpu.memory_space<vmem>>, vector<16xi32>,
      %get3A_2868 = vector.shape_cast %get3A_2867 : vector<16xi32> to vector<16xi32>
      %ne3A_2869 = arith.constant 0 : i32
      %ne3A_2870 = vector.broadcast %ne3A_2869 : i32 to vector<16xi32>
      %ne3A_2871 = arith.cmpi ne, %get3A_2868, %ne3A_2870 : vector<16xi32>
      %jit3A_2872 = arith.constant 1.000000e+00 : f32
      %jit3A_2873 = arith.constant 0.000000e+00 : f32
      %broadcast_in_dim3A_2874 = vector.broadcast %jit3A_2872 : f32 to vector<16xf32>
      %broadcast_in_dim3A_2875 = vector.broadcast %jit3A_2873 : f32 to vector<16xf32>
      %select_n3A_2876 = arith.select %ne3A_2871, %broadcast_in_dim3A_2874, %broadcast_in_dim3A_2875 : vector<16xi1>, vector<16xf32>
      %add3A_2877 = arith.addf %add3A_2849, %select_n3A_2876 : vector<16xf32>
      %get3A_2878 = arith.constant 3 : i32
      %get3A_2879 = arith.index_cast %get3A_2878 : i32 to index
      %get3A_2880 = arith.constant 128 : index
      %get3A_2881 = tpu.vector_load %arg7[%get3A_2879, %get3A_2880] {strides = array<i32>} : memref<4x416xf32, #tpu.memory_space<vmem>>, vector<1x16xf32>,
      %get3A_2882 = vector.shape_cast %get3A_2881 : vector<1x16xf32> to vector<16xf32>
      %add3A_2883 = arith.addf %add3A_2827, %get3A_2882 : vector<16xf32>
      %get3A_2884 = arith.constant 3 : i32
      %get3A_2885 = arith.index_cast %get3A_2884 : i32 to index
      %get3A_2886 = arith.constant 128 : index
      %get3A_2887 = tpu.vector_load %arg8[%get3A_2885, %get3A_2886] {strides = array<i32>} : memref<4x416xf32, #tpu.memory_space<vmem>>, vector<1x16xf32>,
      %get3A_2888 = vector.shape_cast %get3A_2887 : vector<1x16xf32> to vector<16xf32>
      %add3A_2889 = arith.addf %add3A_2833, %get3A_2888 : vector<16xf32>
      %mul3A_2890 = arith.constant 416 : i32
      %mul3A_2891 = arith.muli %add3A_2616, %mul3A_2890 : i32
      %add3A_2892 = arith.constant 128 : i32
      %add3A_2893 = arith.addi %mul3A_2891, %add3A_2892 : i32
      %get3A_2894 = arith.index_cast %add3A_2893 : i32 to index
      %get3A_2895 = tpu.vector_load %arg6[%get3A_2894] {strides = array<i32>} : memref<26624xi32, #tpu.memory_space<vmem>>, vector<16xi32>,
      %get3A_2896 = vector.shape_cast %get3A_2895 : vector<16xi32> to vector<16xi32>
      %ne3A_2897 = arith.constant 0 : i32
      %ne3A_2898 = vector.broadcast %ne3A_2897 : i32 to vector<16xi32>
      %ne3A_2899 = arith.cmpi ne, %get3A_2896, %ne3A_2898 : vector<16xi32>
      %jit3A_2900 = arith.constant 1.000000e+00 : f32
      %jit3A_2901 = arith.constant 0.000000e+00 : f32
      %broadcast_in_dim3A_2902 = vector.broadcast %jit3A_2900 : f32 to vector<16xf32>
      %broadcast_in_dim3A_2903 = vector.broadcast %jit3A_2901 : f32 to vector<16xf32>
      %select_n3A_2904 = arith.select %ne3A_2899, %broadcast_in_dim3A_2902, %broadcast_in_dim3A_2903 : vector<16xi1>, vector<16xf32>
      %add3A_2905 = arith.addf %add3A_2877, %select_n3A_2904 : vector<16xf32>
      %get3A_2906 = arith.constant 3 : i32
      %get3A_2907 = arith.index_cast %get3A_2906 : i32 to index
      %get3A_2908 = arith.constant 144 : index
      %get3A_2909 = tpu.vector_load %arg7[%get3A_2907, %get3A_2908] {strides = array<i32>} : memref<4x416xf32, #tpu.memory_space<vmem>>, vector<1x16xf32>,
      %get3A_2910 = vector.shape_cast %get3A_2909 : vector<1x16xf32> to vector<16xf32>
      %add3A_2911 = arith.addf %add3A_2855, %get3A_2910 : vector<16xf32>
      %get3A_2912 = arith.constant 3 : i32
      %get3A_2913 = arith.index_cast %get3A_2912 : i32 to index
      %get3A_2914 = arith.constant 144 : index
      %get3A_2915 = tpu.vector_load %arg8[%get3A_2913, %get3A_2914] {strides = array<i32>} : memref<4x416xf32, #tpu.memory_space<vmem>>, vector<1x16xf32>,
      %get3A_2916 = vector.shape_cast %get3A_2915 : vector<1x16xf32> to vector<16xf32>
      %add3A_2917 = arith.addf %add3A_2861, %get3A_2916 : vector<16xf32>
      %mul3A_2918 = arith.constant 416 : i32
      %mul3A_2919 = arith.muli %add3A_2616, %mul3A_2918 : i32
      %add3A_2920 = arith.constant 144 : i32
      %add3A_2921 = arith.addi %mul3A_2919, %add3A_2920 : i32
      %get3A_2922 = arith.index_cast %add3A_2921 : i32 to index
      %get3A_2923 = tpu.vector_load %arg6[%get3A_2922] {strides = array<i32>} : memref<26624xi32, #tpu.memory_space<vmem>>, vector<16xi32>,
      %get3A_2924 = vector.shape_cast %get3A_2923 : vector<16xi32> to vector<16xi32>
      %ne3A_2925 = arith.constant 0 : i32
      %ne3A_2926 = vector.broadcast %ne3A_2925 : i32 to vector<16xi32>
      %ne3A_2927 = arith.cmpi ne, %get3A_2924, %ne3A_2926 : vector<16xi32>
      %jit3A_2928 = arith.constant 1.000000e+00 : f32
      %jit3A_2929 = arith.constant 0.000000e+00 : f32
      %broadcast_in_dim3A_2930 = vector.broadcast %jit3A_2928 : f32 to vector<16xf32>
      %broadcast_in_dim3A_2931 = vector.broadcast %jit3A_2929 : f32 to vector<16xf32>
      %select_n3A_2932 = arith.select %ne3A_2927, %broadcast_in_dim3A_2930, %broadcast_in_dim3A_2931 : vector<16xi1>, vector<16xf32>
      %add3A_2933 = arith.addf %add3A_2905, %select_n3A_2932 : vector<16xf32>
      %get3A_2934 = arith.constant 3 : i32
      %get3A_2935 = arith.index_cast %get3A_2934 : i32 to index
      %get3A_2936 = arith.constant 160 : index
      %get3A_2937 = tpu.vector_load %arg7[%get3A_2935, %get3A_2936] {strides = array<i32>} : memref<4x416xf32, #tpu.memory_space<vmem>>, vector<1x16xf32>,
      %get3A_2938 = vector.shape_cast %get3A_2937 : vector<1x16xf32> to vector<16xf32>
      %add3A_2939 = arith.addf %add3A_2883, %get3A_2938 : vector<16xf32>
      %get3A_2940 = arith.constant 3 : i32
      %get3A_2941 = arith.index_cast %get3A_2940 : i32 to index
      %get3A_2942 = arith.constant 160 : index
      %get3A_2943 = tpu.vector_load %arg8[%get3A_2941, %get3A_2942] {strides = array<i32>} : memref<4x416xf32, #tpu.memory_space<vmem>>, vector<1x16xf32>,
      %get3A_2944 = vector.shape_cast %get3A_2943 : vector<1x16xf32> to vector<16xf32>
      %add3A_2945 = arith.addf %add3A_2889, %get3A_2944 : vector<16xf32>
      %mul3A_2946 = arith.constant 416 : i32
      %mul3A_2947 = arith.muli %add3A_2616, %mul3A_2946 : i32
      %add3A_2948 = arith.constant 160 : i32
      %add3A_2949 = arith.addi %mul3A_2947, %add3A_2948 : i32
      %get3A_2950 = arith.index_cast %add3A_2949 : i32 to index
      %get3A_2951 = tpu.vector_load %arg6[%get3A_2950] {strides = array<i32>} : memref<26624xi32, #tpu.memory_space<vmem>>, vector<16xi32>,
      %get3A_2952 = vector.shape_cast %get3A_2951 : vector<16xi32> to vector<16xi32>
      %ne3A_2953 = arith.constant 0 : i32
      %ne3A_2954 = vector.broadcast %ne3A_2953 : i32 to vector<16xi32>
      %ne3A_2955 = arith.cmpi ne, %get3A_2952, %ne3A_2954 : vector<16xi32>
      %jit3A_2956 = arith.constant 1.000000e+00 : f32
      %jit3A_2957 = arith.constant 0.000000e+00 : f32
      %broadcast_in_dim3A_2958 = vector.broadcast %jit3A_2956 : f32 to vector<16xf32>
      %broadcast_in_dim3A_2959 = vector.broadcast %jit3A_2957 : f32 to vector<16xf32>
      %select_n3A_2960 = arith.select %ne3A_2955, %broadcast_in_dim3A_2958, %broadcast_in_dim3A_2959 : vector<16xi1>, vector<16xf32>
      %add3A_2961 = arith.addf %add3A_2933, %select_n3A_2960 : vector<16xf32>
      %get3A_2962 = arith.constant 3 : i32
      %get3A_2963 = arith.index_cast %get3A_2962 : i32 to index
      %get3A_2964 = arith.constant 176 : index
      %get3A_2965 = tpu.vector_load %arg7[%get3A_2963, %get3A_2964] {strides = array<i32>} : memref<4x416xf32, #tpu.memory_space<vmem>>, vector<1x16xf32>,
      %get3A_2966 = vector.shape_cast %get3A_2965 : vector<1x16xf32> to vector<16xf32>
      %add3A_2967 = arith.addf %add3A_2911, %get3A_2966 : vector<16xf32>
      %get3A_2968 = arith.constant 3 : i32
      %get3A_2969 = arith.index_cast %get3A_2968 : i32 to index
      %get3A_2970 = arith.constant 176 : index
      %get3A_2971 = tpu.vector_load %arg8[%get3A_2969, %get3A_2970] {strides = array<i32>} : memref<4x416xf32, #tpu.memory_space<vmem>>, vector<1x16xf32>,
      %get3A_2972 = vector.shape_cast %get3A_2971 : vector<1x16xf32> to vector<16xf32>
      %add3A_2973 = arith.addf %add3A_2917, %get3A_2972 : vector<16xf32>
      %mul3A_2974 = arith.constant 416 : i32
      %mul3A_2975 = arith.muli %add3A_2616, %mul3A_2974 : i32
      %add3A_2976 = arith.constant 176 : i32
      %add3A_2977 = arith.addi %mul3A_2975, %add3A_2976 : i32
      %get3A_2978 = arith.index_cast %add3A_2977 : i32 to index
      %get3A_2979 = tpu.vector_load %arg6[%get3A_2978] {strides = array<i32>} : memref<26624xi32, #tpu.memory_space<vmem>>, vector<16xi32>,
      %get3A_2980 = vector.shape_cast %get3A_2979 : vector<16xi32> to vector<16xi32>
      %ne3A_2981 = arith.constant 0 : i32
      %ne3A_2982 = vector.broadcast %ne3A_2981 : i32 to vector<16xi32>
      %ne3A_2983 = arith.cmpi ne, %get3A_2980, %ne3A_2982 : vector<16xi32>
      %jit3A_2984 = arith.constant 1.000000e+00 : f32
      %jit3A_2985 = arith.constant 0.000000e+00 : f32
      %broadcast_in_dim3A_2986 = vector.broadcast %jit3A_2984 : f32 to vector<16xf32>
      %broadcast_in_dim3A_2987 = vector.broadcast %jit3A_2985 : f32 to vector<16xf32>
      %select_n3A_2988 = arith.select %ne3A_2983, %broadcast_in_dim3A_2986, %broadcast_in_dim3A_2987 : vector<16xi1>, vector<16xf32>
      %add3A_2989 = arith.addf %add3A_2961, %select_n3A_2988 : vector<16xf32>
      %get3A_2990 = arith.constant 3 : i32
      %get3A_2991 = arith.index_cast %get3A_2990 : i32 to index
      %get3A_2992 = arith.constant 192 : index
      %get3A_2993 = tpu.vector_load %arg7[%get3A_2991, %get3A_2992] {strides = array<i32>} : memref<4x416xf32, #tpu.memory_space<vmem>>, vector<1x16xf32>,
      %get3A_2994 = vector.shape_cast %get3A_2993 : vector<1x16xf32> to vector<16xf32>
      %add3A_2995 = arith.addf %add3A_2939, %get3A_2994 : vector<16xf32>
      %get3A_2996 = arith.constant 3 : i32
      %get3A_2997 = arith.index_cast %get3A_2996 : i32 to index
      %get3A_2998 = arith.constant 192 : index
      %get3A_2999 = tpu.vector_load %arg8[%get3A_2997, %get3A_2998] {strides = array<i32>} : memref<4x416xf32, #tpu.memory_space<vmem>>, vector<1x16xf32>,
      %get3A_3000 = vector.shape_cast %get3A_2999 : vector<1x16xf32> to vector<16xf32>
      %add3A_3001 = arith.addf %add3A_2945, %get3A_3000 : vector<16xf32>
      %mul3A_3002 = arith.constant 416 : i32
      %mul3A_3003 = arith.muli %add3A_2616, %mul3A_3002 : i32
      %add3A_3004 = arith.constant 192 : i32
      %add3A_3005 = arith.addi %mul3A_3003, %add3A_3004 : i32
      %get3A_3006 = arith.index_cast %add3A_3005 : i32 to index
      %get3A_3007 = tpu.vector_load %arg6[%get3A_3006] {strides = array<i32>} : memref<26624xi32, #tpu.memory_space<vmem>>, vector<16xi32>,
      %get3A_3008 = vector.shape_cast %get3A_3007 : vector<16xi32> to vector<16xi32>
      %ne3A_3009 = arith.constant 0 : i32
      %ne3A_3010 = vector.broadcast %ne3A_3009 : i32 to vector<16xi32>
      %ne3A_3011 = arith.cmpi ne, %get3A_3008, %ne3A_3010 : vector<16xi32>
      %jit3A_3012 = arith.constant 1.000000e+00 : f32
      %jit3A_3013 = arith.constant 0.000000e+00 : f32
      %broadcast_in_dim3A_3014 = vector.broadcast %jit3A_3012 : f32 to vector<16xf32>
      %broadcast_in_dim3A_3015 = vector.broadcast %jit3A_3013 : f32 to vector<16xf32>
      %select_n3A_3016 = arith.select %ne3A_3011, %broadcast_in_dim3A_3014, %broadcast_in_dim3A_3015 : vector<16xi1>, vector<16xf32>
      %add3A_3017 = arith.addf %add3A_2989, %select_n3A_3016 : vector<16xf32>
      %add3A_3018 = arith.addf %add3A_2995, %add3A_2967 : vector<16xf32>
      %swap3A_3019 = arith.index_cast %add3A_2651 : i32 to index
      %swap3A_3020 = arith.constant 0 : index
      %swap3A_3021 = tpu.vector_load %arg9[%swap3A_3019, %swap3A_3020] {strides = array<i32>} : memref<128x48xf32, #tpu.memory_space<vmem>>, vector<1x16xf32>,
      %swap3A_3022 = vector.shape_cast %swap3A_3021 : vector<1x16xf32> to vector<16xf32>
      %swap3A_3023 = vector.shape_cast %add3A_3018 : vector<16xf32> to vector<1x16xf32>
      tpu.vector_store %arg9[%swap3A_3019, %swap3A_3020], %swap3A_3023 {strides = array<i32>} : memref<128x48xf32, #tpu.memory_space<vmem>>, vector<1x16xf32>,
      %add3A_3024 = arith.addf %add3A_3001, %add3A_2973 : vector<16xf32>
      %swap3A_3025 = arith.index_cast %add3A_2651 : i32 to index
      %swap3A_3026 = arith.constant 16 : index
      %swap3A_3027 = tpu.vector_load %arg9[%swap3A_3025, %swap3A_3026] {strides = array<i32>} : memref<128x48xf32, #tpu.memory_space<vmem>>, vector<1x16xf32>,
      %swap3A_3028 = vector.shape_cast %swap3A_3027 : vector<1x16xf32> to vector<16xf32>
      %swap3A_3029 = vector.shape_cast %add3A_3024 : vector<16xf32> to vector<1x16xf32>
      tpu.vector_store %arg9[%swap3A_3025, %swap3A_3026], %swap3A_3029 {strides = array<i32>} : memref<128x48xf32, #tpu.memory_space<vmem>>, vector<1x16xf32>,
      %swap3A_3030 = arith.index_cast %add3A_2651 : i32 to index
      %swap3A_3031 = arith.constant 32 : index
      %swap3A_3032 = tpu.vector_load %arg9[%swap3A_3030, %swap3A_3031] {strides = array<i32>} : memref<128x48xf32, #tpu.memory_space<vmem>>, vector<1x16xf32>,
      %swap3A_3033 = vector.shape_cast %swap3A_3032 : vector<1x16xf32> to vector<16xf32>
      %swap3A_3034 = vector.shape_cast %add3A_3017 : vector<16xf32> to vector<1x16xf32>
      tpu.vector_store %arg9[%swap3A_3030, %swap3A_3031], %swap3A_3034 {strides = array<i32>} : memref<128x48xf32, #tpu.memory_space<vmem>>, vector<1x16xf32>,
      %mul3A_3035 = arith.constant 2 : i32
      %mul3A_3036 = arith.muli %add3A_2616, %mul3A_3035 : i32
      %add3A_3037 = arith.constant 1 : i32
      %add3A_3038 = arith.addi %mul3A_3036, %add3A_3037 : i32
      %broadcast_in_dim3A_3039 = arith.constant 0.000000e+00 : f32
      %broadcast_in_dim3A_3040 = vector.broadcast %broadcast_in_dim3A_3039 : f32 to vector<16xf32>
      %get3A_3041 = arith.constant 3 : i32
      %get3A_3042 = arith.index_cast %get3A_3041 : i32 to index
      %get3A_3043 = arith.constant 208 : index
      %get3A_3044 = tpu.vector_load %arg7[%get3A_3042, %get3A_3043] {strides = array<i32>} : memref<4x416xf32, #tpu.memory_space<vmem>>, vector<1x16xf32>,
      %get3A_3045 = vector.shape_cast %get3A_3044 : vector<1x16xf32> to vector<16xf32>
      %add3A_3046 = arith.addf %broadcast_in_dim3A_3040, %get3A_3045 : vector<16xf32>
      %get3A_3047 = arith.constant 3 : i32
      %get3A_3048 = arith.index_cast %get3A_3047 : i32 to index
      %get3A_3049 = arith.constant 208 : index
      %get3A_3050 = tpu.vector_load %arg8[%get3A_3048, %get3A_3049] {strides = array<i32>} : memref<4x416xf32, #tpu.memory_space<vmem>>, vector<1x16xf32>,
      %get3A_3051 = vector.shape_cast %get3A_3050 : vector<1x16xf32> to vector<16xf32>
      %add3A_3052 = arith.addf %broadcast_in_dim3A_3040, %get3A_3051 : vector<16xf32>
      %mul3A_3053 = arith.constant 416 : i32
      %mul3A_3054 = arith.muli %add3A_2616, %mul3A_3053 : i32
      %add3A_3055 = arith.constant 208 : i32
      %add3A_3056 = arith.addi %mul3A_3054, %add3A_3055 : i32
      %get3A_3057 = arith.index_cast %add3A_3056 : i32 to index
      %get3A_3058 = tpu.vector_load %arg6[%get3A_3057] {strides = array<i32>} : memref<26624xi32, #tpu.memory_space<vmem>>, vector<16xi32>,
      %get3A_3059 = vector.shape_cast %get3A_3058 : vector<16xi32> to vector<16xi32>
      %ne3A_3060 = arith.constant 0 : i32
      %ne3A_3061 = vector.broadcast %ne3A_3060 : i32 to vector<16xi32>
      %ne3A_3062 = arith.cmpi ne, %get3A_3059, %ne3A_3061 : vector<16xi32>
      %jit3A_3063 = arith.constant 1.000000e+00 : f32
      %jit3A_3064 = arith.constant 0.000000e+00 : f32
      %broadcast_in_dim3A_3065 = vector.broadcast %jit3A_3063 : f32 to vector<16xf32>
      %broadcast_in_dim3A_3066 = vector.broadcast %jit3A_3064 : f32 to vector<16xf32>
      %select_n3A_3067 = arith.select %ne3A_3062, %broadcast_in_dim3A_3065, %broadcast_in_dim3A_3066 : vector<16xi1>, vector<16xf32>
      %add3A_3068 = arith.addf %broadcast_in_dim3A_3040, %select_n3A_3067 : vector<16xf32>
      %get3A_3069 = arith.constant 3 : i32
      %get3A_3070 = arith.index_cast %get3A_3069 : i32 to index
      %get3A_3071 = arith.constant 224 : index
      %get3A_3072 = tpu.vector_load %arg7[%get3A_3070, %get3A_3071] {strides = array<i32>} : memref<4x416xf32, #tpu.memory_space<vmem>>, vector<1x16xf32>,
      %get3A_3073 = vector.shape_cast %get3A_3072 : vector<1x16xf32> to vector<16xf32>
      %add3A_3074 = arith.addf %broadcast_in_dim3A_3040, %get3A_3073 : vector<16xf32>
      %get3A_3075 = arith.constant 3 : i32
      %get3A_3076 = arith.index_cast %get3A_3075 : i32 to index
      %get3A_3077 = arith.constant 224 : index
      %get3A_3078 = tpu.vector_load %arg8[%get3A_3076, %get3A_3077] {strides = array<i32>} : memref<4x416xf32, #tpu.memory_space<vmem>>, vector<1x16xf32>,
      %get3A_3079 = vector.shape_cast %get3A_3078 : vector<1x16xf32> to vector<16xf32>
      %add3A_3080 = arith.addf %broadcast_in_dim3A_3040, %get3A_3079 : vector<16xf32>
      %mul3A_3081 = arith.constant 416 : i32
      %mul3A_3082 = arith.muli %add3A_2616, %mul3A_3081 : i32
      %add3A_3083 = arith.constant 224 : i32
      %add3A_3084 = arith.addi %mul3A_3082, %add3A_3083 : i32
      %get3A_3085 = arith.index_cast %add3A_3084 : i32 to index
      %get3A_3086 = tpu.vector_load %arg6[%get3A_3085] {strides = array<i32>} : memref<26624xi32, #tpu.memory_space<vmem>>, vector<16xi32>,
      %get3A_3087 = vector.shape_cast %get3A_3086 : vector<16xi32> to vector<16xi32>
      %ne3A_3088 = arith.constant 0 : i32
      %ne3A_3089 = vector.broadcast %ne3A_3088 : i32 to vector<16xi32>
      %ne3A_3090 = arith.cmpi ne, %get3A_3087, %ne3A_3089 : vector<16xi32>
      %jit3A_3091 = arith.constant 1.000000e+00 : f32
      %jit3A_3092 = arith.constant 0.000000e+00 : f32
      %broadcast_in_dim3A_3093 = vector.broadcast %jit3A_3091 : f32 to vector<16xf32>
      %broadcast_in_dim3A_3094 = vector.broadcast %jit3A_3092 : f32 to vector<16xf32>
      %select_n3A_3095 = arith.select %ne3A_3090, %broadcast_in_dim3A_3093, %broadcast_in_dim3A_3094 : vector<16xi1>, vector<16xf32>
      %add3A_3096 = arith.addf %add3A_3068, %select_n3A_3095 : vector<16xf32>
      %get3A_3097 = arith.constant 3 : i32
      %get3A_3098 = arith.index_cast %get3A_3097 : i32 to index
      %get3A_3099 = arith.constant 240 : index
      %get3A_3100 = tpu.vector_load %arg7[%get3A_3098, %get3A_3099] {strides = array<i32>} : memref<4x416xf32, #tpu.memory_space<vmem>>, vector<1x16xf32>,
      %get3A_3101 = vector.shape_cast %get3A_3100 : vector<1x16xf32> to vector<16xf32>
      %add3A_3102 = arith.addf %add3A_3046, %get3A_3101 : vector<16xf32>
      %get3A_3103 = arith.constant 3 : i32
      %get3A_3104 = arith.index_cast %get3A_3103 : i32 to index
      %get3A_3105 = arith.constant 240 : index
      %get3A_3106 = tpu.vector_load %arg8[%get3A_3104, %get3A_3105] {strides = array<i32>} : memref<4x416xf32, #tpu.memory_space<vmem>>, vector<1x16xf32>,
      %get3A_3107 = vector.shape_cast %get3A_3106 : vector<1x16xf32> to vector<16xf32>
      %add3A_3108 = arith.addf %add3A_3052, %get3A_3107 : vector<16xf32>
      %mul3A_3109 = arith.constant 416 : i32
      %mul3A_3110 = arith.muli %add3A_2616, %mul3A_3109 : i32
      %add3A_3111 = arith.constant 240 : i32
      %add3A_3112 = arith.addi %mul3A_3110, %add3A_3111 : i32
      %get3A_3113 = arith.index_cast %add3A_3112 : i32 to index
      %get3A_3114 = tpu.vector_load %arg6[%get3A_3113] {strides = array<i32>} : memref<26624xi32, #tpu.memory_space<vmem>>, vector<16xi32>,
      %get3A_3115 = vector.shape_cast %get3A_3114 : vector<16xi32> to vector<16xi32>
      %ne3A_3116 = arith.constant 0 : i32
      %ne3A_3117 = vector.broadcast %ne3A_3116 : i32 to vector<16xi32>
      %ne3A_3118 = arith.cmpi ne, %get3A_3115, %ne3A_3117 : vector<16xi32>
      %jit3A_3119 = arith.constant 1.000000e+00 : f32
      %jit3A_3120 = arith.constant 0.000000e+00 : f32
      %broadcast_in_dim3A_3121 = vector.broadcast %jit3A_3119 : f32 to vector<16xf32>
      %broadcast_in_dim3A_3122 = vector.broadcast %jit3A_3120 : f32 to vector<16xf32>
      %select_n3A_3123 = arith.select %ne3A_3118, %broadcast_in_dim3A_3121, %broadcast_in_dim3A_3122 : vector<16xi1>, vector<16xf32>
      %add3A_3124 = arith.addf %add3A_3096, %select_n3A_3123 : vector<16xf32>
      %get3A_3125 = arith.constant 3 : i32
      %get3A_3126 = arith.index_cast %get3A_3125 : i32 to index
      %get3A_3127 = arith.constant 256 : index
      %get3A_3128 = tpu.vector_load %arg7[%get3A_3126, %get3A_3127] {strides = array<i32>} : memref<4x416xf32, #tpu.memory_space<vmem>>, vector<1x16xf32>,
      %get3A_3129 = vector.shape_cast %get3A_3128 : vector<1x16xf32> to vector<16xf32>
      %add3A_3130 = arith.addf %add3A_3074, %get3A_3129 : vector<16xf32>
      %get3A_3131 = arith.constant 3 : i32
      %get3A_3132 = arith.index_cast %get3A_3131 : i32 to index
      %get3A_3133 = arith.constant 256 : index
      %get3A_3134 = tpu.vector_load %arg8[%get3A_3132, %get3A_3133] {strides = array<i32>} : memref<4x416xf32, #tpu.memory_space<vmem>>, vector<1x16xf32>,
      %get3A_3135 = vector.shape_cast %get3A_3134 : vector<1x16xf32> to vector<16xf32>
      %add3A_3136 = arith.addf %add3A_3080, %get3A_3135 : vector<16xf32>
      %mul3A_3137 = arith.constant 416 : i32
      %mul3A_3138 = arith.muli %add3A_2616, %mul3A_3137 : i32
      %add3A_3139 = arith.constant 256 : i32
      %add3A_3140 = arith.addi %mul3A_3138, %add3A_3139 : i32
      %get3A_3141 = arith.index_cast %add3A_3140 : i32 to index
      %get3A_3142 = tpu.vector_load %arg6[%get3A_3141] {strides = array<i32>} : memref<26624xi32, #tpu.memory_space<vmem>>, vector<16xi32>,
      %get3A_3143 = vector.shape_cast %get3A_3142 : vector<16xi32> to vector<16xi32>
      %ne3A_3144 = arith.constant 0 : i32
      %ne3A_3145 = vector.broadcast %ne3A_3144 : i32 to vector<16xi32>
      %ne3A_3146 = arith.cmpi ne, %get3A_3143, %ne3A_3145 : vector<16xi32>
      %jit3A_3147 = arith.constant 1.000000e+00 : f32
      %jit3A_3148 = arith.constant 0.000000e+00 : f32
      %broadcast_in_dim3A_3149 = vector.broadcast %jit3A_3147 : f32 to vector<16xf32>
      %broadcast_in_dim3A_3150 = vector.broadcast %jit3A_3148 : f32 to vector<16xf32>
      %select_n3A_3151 = arith.select %ne3A_3146, %broadcast_in_dim3A_3149, %broadcast_in_dim3A_3150 : vector<16xi1>, vector<16xf32>
      %add3A_3152 = arith.addf %add3A_3124, %select_n3A_3151 : vector<16xf32>
      %get3A_3153 = arith.constant 3 : i32
      %get3A_3154 = arith.index_cast %get3A_3153 : i32 to index
      %get3A_3155 = arith.constant 272 : index
      %get3A_3156 = tpu.vector_load %arg7[%get3A_3154, %get3A_3155] {strides = array<i32>} : memref<4x416xf32, #tpu.memory_space<vmem>>, vector<1x16xf32>,
      %get3A_3157 = vector.shape_cast %get3A_3156 : vector<1x16xf32> to vector<16xf32>
      %add3A_3158 = arith.addf %add3A_3102, %get3A_3157 : vector<16xf32>
      %get3A_3159 = arith.constant 3 : i32
      %get3A_3160 = arith.index_cast %get3A_3159 : i32 to index
      %get3A_3161 = arith.constant 272 : index
      %get3A_3162 = tpu.vector_load %arg8[%get3A_3160, %get3A_3161] {strides = array<i32>} : memref<4x416xf32, #tpu.memory_space<vmem>>, vector<1x16xf32>,
      %get3A_3163 = vector.shape_cast %get3A_3162 : vector<1x16xf32> to vector<16xf32>
      %add3A_3164 = arith.addf %add3A_3108, %get3A_3163 : vector<16xf32>
      %mul3A_3165 = arith.constant 416 : i32
      %mul3A_3166 = arith.muli %add3A_2616, %mul3A_3165 : i32
      %add3A_3167 = arith.constant 272 : i32
      %add3A_3168 = arith.addi %mul3A_3166, %add3A_3167 : i32
      %get3A_3169 = arith.index_cast %add3A_3168 : i32 to index
      %get3A_3170 = tpu.vector_load %arg6[%get3A_3169] {strides = array<i32>} : memref<26624xi32, #tpu.memory_space<vmem>>, vector<16xi32>,
      %get3A_3171 = vector.shape_cast %get3A_3170 : vector<16xi32> to vector<16xi32>
      %ne3A_3172 = arith.constant 0 : i32
      %ne3A_3173 = vector.broadcast %ne3A_3172 : i32 to vector<16xi32>
      %ne3A_3174 = arith.cmpi ne, %get3A_3171, %ne3A_3173 : vector<16xi32>
      %jit3A_3175 = arith.constant 1.000000e+00 : f32
      %jit3A_3176 = arith.constant 0.000000e+00 : f32
      %broadcast_in_dim3A_3177 = vector.broadcast %jit3A_3175 : f32 to vector<16xf32>
      %broadcast_in_dim3A_3178 = vector.broadcast %jit3A_3176 : f32 to vector<16xf32>
      %select_n3A_3179 = arith.select %ne3A_3174, %broadcast_in_dim3A_3177, %broadcast_in_dim3A_3178 : vector<16xi1>, vector<16xf32>
      %add3A_3180 = arith.addf %add3A_3152, %select_n3A_3179 : vector<16xf32>
      %get3A_3181 = arith.constant 3 : i32
      %get3A_3182 = arith.index_cast %get3A_3181 : i32 to index
      %get3A_3183 = arith.constant 288 : index
      %get3A_3184 = tpu.vector_load %arg7[%get3A_3182, %get3A_3183] {strides = array<i32>} : memref<4x416xf32, #tpu.memory_space<vmem>>, vector<1x16xf32>,
      %get3A_3185 = vector.shape_cast %get3A_3184 : vector<1x16xf32> to vector<16xf32>
      %add3A_3186 = arith.addf %add3A_3130, %get3A_3185 : vector<16xf32>
      %get3A_3187 = arith.constant 3 : i32
      %get3A_3188 = arith.index_cast %get3A_3187 : i32 to index
      %get3A_3189 = arith.constant 288 : index
      %get3A_3190 = tpu.vector_load %arg8[%get3A_3188, %get3A_3189] {strides = array<i32>} : memref<4x416xf32, #tpu.memory_space<vmem>>, vector<1x16xf32>,
      %get3A_3191 = vector.shape_cast %get3A_3190 : vector<1x16xf32> to vector<16xf32>
      %add3A_3192 = arith.addf %add3A_3136, %get3A_3191 : vector<16xf32>
      %mul3A_3193 = arith.constant 416 : i32
      %mul3A_3194 = arith.muli %add3A_2616, %mul3A_3193 : i32
      %add3A_3195 = arith.constant 288 : i32
      %add3A_3196 = arith.addi %mul3A_3194, %add3A_3195 : i32
      %get3A_3197 = arith.index_cast %add3A_3196 : i32 to index
      %get3A_3198 = tpu.vector_load %arg6[%get3A_3197] {strides = array<i32>} : memref<26624xi32, #tpu.memory_space<vmem>>, vector<16xi32>,
      %get3A_3199 = vector.shape_cast %get3A_3198 : vector<16xi32> to vector<16xi32>
      %ne3A_3200 = arith.constant 0 : i32
      %ne3A_3201 = vector.broadcast %ne3A_3200 : i32 to vector<16xi32>
      %ne3A_3202 = arith.cmpi ne, %get3A_3199, %ne3A_3201 : vector<16xi32>
      %jit3A_3203 = arith.constant 1.000000e+00 : f32
      %jit3A_3204 = arith.constant 0.000000e+00 : f32
      %broadcast_in_dim3A_3205 = vector.broadcast %jit3A_3203 : f32 to vector<16xf32>
      %broadcast_in_dim3A_3206 = vector.broadcast %jit3A_3204 : f32 to vector<16xf32>
      %select_n3A_3207 = arith.select %ne3A_3202, %broadcast_in_dim3A_3205, %broadcast_in_dim3A_3206 : vector<16xi1>, vector<16xf32>
      %add3A_3208 = arith.addf %add3A_3180, %select_n3A_3207 : vector<16xf32>
      %get3A_3209 = arith.constant 3 : i32
      %get3A_3210 = arith.index_cast %get3A_3209 : i32 to index
      %get3A_3211 = arith.constant 304 : index
      %get3A_3212 = tpu.vector_load %arg7[%get3A_3210, %get3A_3211] {strides = array<i32>} : memref<4x416xf32, #tpu.memory_space<vmem>>, vector<1x16xf32>,
      %get3A_3213 = vector.shape_cast %get3A_3212 : vector<1x16xf32> to vector<16xf32>
      %add3A_3214 = arith.addf %add3A_3158, %get3A_3213 : vector<16xf32>
      %get3A_3215 = arith.constant 3 : i32
      %get3A_3216 = arith.index_cast %get3A_3215 : i32 to index
      %get3A_3217 = arith.constant 304 : index
      %get3A_3218 = tpu.vector_load %arg8[%get3A_3216, %get3A_3217] {strides = array<i32>} : memref<4x416xf32, #tpu.memory_space<vmem>>, vector<1x16xf32>,
      %get3A_3219 = vector.shape_cast %get3A_3218 : vector<1x16xf32> to vector<16xf32>
      %add3A_3220 = arith.addf %add3A_3164, %get3A_3219 : vector<16xf32>
      %mul3A_3221 = arith.constant 416 : i32
      %mul3A_3222 = arith.muli %add3A_2616, %mul3A_3221 : i32
      %add3A_3223 = arith.constant 304 : i32
      %add3A_3224 = arith.addi %mul3A_3222, %add3A_3223 : i32
      %get3A_3225 = arith.index_cast %add3A_3224 : i32 to index
      %get3A_3226 = tpu.vector_load %arg6[%get3A_3225] {strides = array<i32>} : memref<26624xi32, #tpu.memory_space<vmem>>, vector<16xi32>,
      %get3A_3227 = vector.shape_cast %get3A_3226 : vector<16xi32> to vector<16xi32>
      %ne3A_3228 = arith.constant 0 : i32
      %ne3A_3229 = vector.broadcast %ne3A_3228 : i32 to vector<16xi32>
      %ne3A_3230 = arith.cmpi ne, %get3A_3227, %ne3A_3229 : vector<16xi32>
      %jit3A_3231 = arith.constant 1.000000e+00 : f32
      %jit3A_3232 = arith.constant 0.000000e+00 : f32
      %broadcast_in_dim3A_3233 = vector.broadcast %jit3A_3231 : f32 to vector<16xf32>
      %broadcast_in_dim3A_3234 = vector.broadcast %jit3A_3232 : f32 to vector<16xf32>
      %select_n3A_3235 = arith.select %ne3A_3230, %broadcast_in_dim3A_3233, %broadcast_in_dim3A_3234 : vector<16xi1>, vector<16xf32>
      %add3A_3236 = arith.addf %add3A_3208, %select_n3A_3235 : vector<16xf32>
      %get3A_3237 = arith.constant 3 : i32
      %get3A_3238 = arith.index_cast %get3A_3237 : i32 to index
      %get3A_3239 = arith.constant 320 : index
      %get3A_3240 = tpu.vector_load %arg7[%get3A_3238, %get3A_3239] {strides = array<i32>} : memref<4x416xf32, #tpu.memory_space<vmem>>, vector<1x16xf32>,
      %get3A_3241 = vector.shape_cast %get3A_3240 : vector<1x16xf32> to vector<16xf32>
      %add3A_3242 = arith.addf %add3A_3186, %get3A_3241 : vector<16xf32>
      %get3A_3243 = arith.constant 3 : i32
      %get3A_3244 = arith.index_cast %get3A_3243 : i32 to index
      %get3A_3245 = arith.constant 320 : index
      %get3A_3246 = tpu.vector_load %arg8[%get3A_3244, %get3A_3245] {strides = array<i32>} : memref<4x416xf32, #tpu.memory_space<vmem>>, vector<1x16xf32>,
      %get3A_3247 = vector.shape_cast %get3A_3246 : vector<1x16xf32> to vector<16xf32>
      %add3A_3248 = arith.addf %add3A_3192, %get3A_3247 : vector<16xf32>
      %mul3A_3249 = arith.constant 416 : i32
      %mul3A_3250 = arith.muli %add3A_2616, %mul3A_3249 : i32
      %add3A_3251 = arith.constant 320 : i32
      %add3A_3252 = arith.addi %mul3A_3250, %add3A_3251 : i32
      %get3A_3253 = arith.index_cast %add3A_3252 : i32 to index
      %get3A_3254 = tpu.vector_load %arg6[%get3A_3253] {strides = array<i32>} : memref<26624xi32, #tpu.memory_space<vmem>>, vector<16xi32>,
      %get3A_3255 = vector.shape_cast %get3A_3254 : vector<16xi32> to vector<16xi32>
      %ne3A_3256 = arith.constant 0 : i32
      %ne3A_3257 = vector.broadcast %ne3A_3256 : i32 to vector<16xi32>
      %ne3A_3258 = arith.cmpi ne, %get3A_3255, %ne3A_3257 : vector<16xi32>
      %jit3A_3259 = arith.constant 1.000000e+00 : f32
      %jit3A_3260 = arith.constant 0.000000e+00 : f32
      %broadcast_in_dim3A_3261 = vector.broadcast %jit3A_3259 : f32 to vector<16xf32>
      %broadcast_in_dim3A_3262 = vector.broadcast %jit3A_3260 : f32 to vector<16xf32>
      %select_n3A_3263 = arith.select %ne3A_3258, %broadcast_in_dim3A_3261, %broadcast_in_dim3A_3262 : vector<16xi1>, vector<16xf32>
      %add3A_3264 = arith.addf %add3A_3236, %select_n3A_3263 : vector<16xf32>
      %get3A_3265 = arith.constant 3 : i32
      %get3A_3266 = arith.index_cast %get3A_3265 : i32 to index
      %get3A_3267 = arith.constant 336 : index
      %get3A_3268 = tpu.vector_load %arg7[%get3A_3266, %get3A_3267] {strides = array<i32>} : memref<4x416xf32, #tpu.memory_space<vmem>>, vector<1x16xf32>,
      %get3A_3269 = vector.shape_cast %get3A_3268 : vector<1x16xf32> to vector<16xf32>
      %add3A_3270 = arith.addf %add3A_3214, %get3A_3269 : vector<16xf32>
      %get3A_3271 = arith.constant 3 : i32
      %get3A_3272 = arith.index_cast %get3A_3271 : i32 to index
      %get3A_3273 = arith.constant 336 : index
      %get3A_3274 = tpu.vector_load %arg8[%get3A_3272, %get3A_3273] {strides = array<i32>} : memref<4x416xf32, #tpu.memory_space<vmem>>, vector<1x16xf32>,
      %get3A_3275 = vector.shape_cast %get3A_3274 : vector<1x16xf32> to vector<16xf32>
      %add3A_3276 = arith.addf %add3A_3220, %get3A_3275 : vector<16xf32>
      %mul3A_3277 = arith.constant 416 : i32
      %mul3A_3278 = arith.muli %add3A_2616, %mul3A_3277 : i32
      %add3A_3279 = arith.constant 336 : i32
      %add3A_3280 = arith.addi %mul3A_3278, %add3A_3279 : i32
      %get3A_3281 = arith.index_cast %add3A_3280 : i32 to index
      %get3A_3282 = tpu.vector_load %arg6[%get3A_3281] {strides = array<i32>} : memref<26624xi32, #tpu.memory_space<vmem>>, vector<16xi32>,
      %get3A_3283 = vector.shape_cast %get3A_3282 : vector<16xi32> to vector<16xi32>
      %ne3A_3284 = arith.constant 0 : i32
      %ne3A_3285 = vector.broadcast %ne3A_3284 : i32 to vector<16xi32>
      %ne3A_3286 = arith.cmpi ne, %get3A_3283, %ne3A_3285 : vector<16xi32>
      %jit3A_3287 = arith.constant 1.000000e+00 : f32
      %jit3A_3288 = arith.constant 0.000000e+00 : f32
      %broadcast_in_dim3A_3289 = vector.broadcast %jit3A_3287 : f32 to vector<16xf32>
      %broadcast_in_dim3A_3290 = vector.broadcast %jit3A_3288 : f32 to vector<16xf32>
      %select_n3A_3291 = arith.select %ne3A_3286, %broadcast_in_dim3A_3289, %broadcast_in_dim3A_3290 : vector<16xi1>, vector<16xf32>
      %add3A_3292 = arith.addf %add3A_3264, %select_n3A_3291 : vector<16xf32>
      %get3A_3293 = arith.constant 3 : i32
      %get3A_3294 = arith.index_cast %get3A_3293 : i32 to index
      %get3A_3295 = arith.constant 352 : index
      %get3A_3296 = tpu.vector_load %arg7[%get3A_3294, %get3A_3295] {strides = array<i32>} : memref<4x416xf32, #tpu.memory_space<vmem>>, vector<1x16xf32>,
      %get3A_3297 = vector.shape_cast %get3A_3296 : vector<1x16xf32> to vector<16xf32>
      %add3A_3298 = arith.addf %add3A_3242, %get3A_3297 : vector<16xf32>
      %get3A_3299 = arith.constant 3 : i32
      %get3A_3300 = arith.index_cast %get3A_3299 : i32 to index
      %get3A_3301 = arith.constant 352 : index
      %get3A_3302 = tpu.vector_load %arg8[%get3A_3300, %get3A_3301] {strides = array<i32>} : memref<4x416xf32, #tpu.memory_space<vmem>>, vector<1x16xf32>,
      %get3A_3303 = vector.shape_cast %get3A_3302 : vector<1x16xf32> to vector<16xf32>
      %add3A_3304 = arith.addf %add3A_3248, %get3A_3303 : vector<16xf32>
      %mul3A_3305 = arith.constant 416 : i32
      %mul3A_3306 = arith.muli %add3A_2616, %mul3A_3305 : i32
      %add3A_3307 = arith.constant 352 : i32
      %add3A_3308 = arith.addi %mul3A_3306, %add3A_3307 : i32
      %get3A_3309 = arith.index_cast %add3A_3308 : i32 to index
      %get3A_3310 = tpu.vector_load %arg6[%get3A_3309] {strides = array<i32>} : memref<26624xi32, #tpu.memory_space<vmem>>, vector<16xi32>,
      %get3A_3311 = vector.shape_cast %get3A_3310 : vector<16xi32> to vector<16xi32>
      %ne3A_3312 = arith.constant 0 : i32
      %ne3A_3313 = vector.broadcast %ne3A_3312 : i32 to vector<16xi32>
      %ne3A_3314 = arith.cmpi ne, %get3A_3311, %ne3A_3313 : vector<16xi32>
      %jit3A_3315 = arith.constant 1.000000e+00 : f32
      %jit3A_3316 = arith.constant 0.000000e+00 : f32
      %broadcast_in_dim3A_3317 = vector.broadcast %jit3A_3315 : f32 to vector<16xf32>
      %broadcast_in_dim3A_3318 = vector.broadcast %jit3A_3316 : f32 to vector<16xf32>
      %select_n3A_3319 = arith.select %ne3A_3314, %broadcast_in_dim3A_3317, %broadcast_in_dim3A_3318 : vector<16xi1>, vector<16xf32>
      %add3A_3320 = arith.addf %add3A_3292, %select_n3A_3319 : vector<16xf32>
      %get3A_3321 = arith.constant 3 : i32
      %get3A_3322 = arith.index_cast %get3A_3321 : i32 to index
      %get3A_3323 = arith.constant 368 : index
      %get3A_3324 = tpu.vector_load %arg7[%get3A_3322, %get3A_3323] {strides = array<i32>} : memref<4x416xf32, #tpu.memory_space<vmem>>, vector<1x16xf32>,
      %get3A_3325 = vector.shape_cast %get3A_3324 : vector<1x16xf32> to vector<16xf32>
      %add3A_3326 = arith.addf %add3A_3270, %get3A_3325 : vector<16xf32>
      %get3A_3327 = arith.constant 3 : i32
      %get3A_3328 = arith.index_cast %get3A_3327 : i32 to index
      %get3A_3329 = arith.constant 368 : index
      %get3A_3330 = tpu.vector_load %arg8[%get3A_3328, %get3A_3329] {strides = array<i32>} : memref<4x416xf32, #tpu.memory_space<vmem>>, vector<1x16xf32>,
      %get3A_3331 = vector.shape_cast %get3A_3330 : vector<1x16xf32> to vector<16xf32>
      %add3A_3332 = arith.addf %add3A_3276, %get3A_3331 : vector<16xf32>
      %mul3A_3333 = arith.constant 416 : i32
      %mul3A_3334 = arith.muli %add3A_2616, %mul3A_3333 : i32
      %add3A_3335 = arith.constant 368 : i32
      %add3A_3336 = arith.addi %mul3A_3334, %add3A_3335 : i32
      %get3A_3337 = arith.index_cast %add3A_3336 : i32 to index
      %get3A_3338 = tpu.vector_load %arg6[%get3A_3337] {strides = array<i32>} : memref<26624xi32, #tpu.memory_space<vmem>>, vector<16xi32>,
      %get3A_3339 = vector.shape_cast %get3A_3338 : vector<16xi32> to vector<16xi32>
      %ne3A_3340 = arith.constant 0 : i32
      %ne3A_3341 = vector.broadcast %ne3A_3340 : i32 to vector<16xi32>
      %ne3A_3342 = arith.cmpi ne, %get3A_3339, %ne3A_3341 : vector<16xi32>
      %jit3A_3343 = arith.constant 1.000000e+00 : f32
      %jit3A_3344 = arith.constant 0.000000e+00 : f32
      %broadcast_in_dim3A_3345 = vector.broadcast %jit3A_3343 : f32 to vector<16xf32>
      %broadcast_in_dim3A_3346 = vector.broadcast %jit3A_3344 : f32 to vector<16xf32>
      %select_n3A_3347 = arith.select %ne3A_3342, %broadcast_in_dim3A_3345, %broadcast_in_dim3A_3346 : vector<16xi1>, vector<16xf32>
      %add3A_3348 = arith.addf %add3A_3320, %select_n3A_3347 : vector<16xf32>
      %get3A_3349 = arith.constant 3 : i32
      %get3A_3350 = arith.index_cast %get3A_3349 : i32 to index
      %get3A_3351 = arith.constant 384 : index
      %get3A_3352 = tpu.vector_load %arg7[%get3A_3350, %get3A_3351] {strides = array<i32>} : memref<4x416xf32, #tpu.memory_space<vmem>>, vector<1x16xf32>,
      %get3A_3353 = vector.shape_cast %get3A_3352 : vector<1x16xf32> to vector<16xf32>
      %add3A_3354 = arith.addf %add3A_3298, %get3A_3353 : vector<16xf32>
      %get3A_3355 = arith.constant 3 : i32
      %get3A_3356 = arith.index_cast %get3A_3355 : i32 to index
      %get3A_3357 = arith.constant 384 : index
      %get3A_3358 = tpu.vector_load %arg8[%get3A_3356, %get3A_3357] {strides = array<i32>} : memref<4x416xf32, #tpu.memory_space<vmem>>, vector<1x16xf32>,
      %get3A_3359 = vector.shape_cast %get3A_3358 : vector<1x16xf32> to vector<16xf32>
      %add3A_3360 = arith.addf %add3A_3304, %get3A_3359 : vector<16xf32>
      %mul3A_3361 = arith.constant 416 : i32
      %mul3A_3362 = arith.muli %add3A_2616, %mul3A_3361 : i32
      %add3A_3363 = arith.constant 384 : i32
      %add3A_3364 = arith.addi %mul3A_3362, %add3A_3363 : i32
      %get3A_3365 = arith.index_cast %add3A_3364 : i32 to index
      %get3A_3366 = tpu.vector_load %arg6[%get3A_3365] {strides = array<i32>} : memref<26624xi32, #tpu.memory_space<vmem>>, vector<16xi32>,
      %get3A_3367 = vector.shape_cast %get3A_3366 : vector<16xi32> to vector<16xi32>
      %ne3A_3368 = arith.constant 0 : i32
      %ne3A_3369 = vector.broadcast %ne3A_3368 : i32 to vector<16xi32>
      %ne3A_3370 = arith.cmpi ne, %get3A_3367, %ne3A_3369 : vector<16xi32>
      %jit3A_3371 = arith.constant 1.000000e+00 : f32
      %jit3A_3372 = arith.constant 0.000000e+00 : f32
      %broadcast_in_dim3A_3373 = vector.broadcast %jit3A_3371 : f32 to vector<16xf32>
      %broadcast_in_dim3A_3374 = vector.broadcast %jit3A_3372 : f32 to vector<16xf32>
      %select_n3A_3375 = arith.select %ne3A_3370, %broadcast_in_dim3A_3373, %broadcast_in_dim3A_3374 : vector<16xi1>, vector<16xf32>
      %add3A_3376 = arith.addf %add3A_3348, %select_n3A_3375 : vector<16xf32>
      %get3A_3377 = arith.constant 3 : i32
      %get3A_3378 = arith.index_cast %get3A_3377 : i32 to index
      %get3A_3379 = arith.constant 400 : index
      %get3A_3380 = tpu.vector_load %arg7[%get3A_3378, %get3A_3379] {strides = array<i32>} : memref<4x416xf32, #tpu.memory_space<vmem>>, vector<1x16xf32>,
      %get3A_3381 = vector.shape_cast %get3A_3380 : vector<1x16xf32> to vector<16xf32>
      %add3A_3382 = arith.addf %add3A_3326, %get3A_3381 : vector<16xf32>
      %get3A_3383 = arith.constant 3 : i32
      %get3A_3384 = arith.index_cast %get3A_3383 : i32 to index
      %get3A_3385 = arith.constant 400 : index
      %get3A_3386 = tpu.vector_load %arg8[%get3A_3384, %get3A_3385] {strides = array<i32>} : memref<4x416xf32, #tpu.memory_space<vmem>>, vector<1x16xf32>,
      %get3A_3387 = vector.shape_cast %get3A_3386 : vector<1x16xf32> to vector<16xf32>
      %add3A_3388 = arith.addf %add3A_3332, %get3A_3387 : vector<16xf32>
      %mul3A_3389 = arith.constant 416 : i32
      %mul3A_3390 = arith.muli %add3A_2616, %mul3A_3389 : i32
      %add3A_3391 = arith.constant 400 : i32
      %add3A_3392 = arith.addi %mul3A_3390, %add3A_3391 : i32
      %get3A_3393 = arith.index_cast %add3A_3392 : i32 to index
      %get3A_3394 = tpu.vector_load %arg6[%get3A_3393] {strides = array<i32>} : memref<26624xi32, #tpu.memory_space<vmem>>, vector<16xi32>,
      %get3A_3395 = vector.shape_cast %get3A_3394 : vector<16xi32> to vector<16xi32>
      %ne3A_3396 = arith.constant 0 : i32
      %ne3A_3397 = vector.broadcast %ne3A_3396 : i32 to vector<16xi32>
      %ne3A_3398 = arith.cmpi ne, %get3A_3395, %ne3A_3397 : vector<16xi32>
      %jit3A_3399 = arith.constant 1.000000e+00 : f32
      %jit3A_3400 = arith.constant 0.000000e+00 : f32
      %broadcast_in_dim3A_3401 = vector.broadcast %jit3A_3399 : f32 to vector<16xf32>
      %broadcast_in_dim3A_3402 = vector.broadcast %jit3A_3400 : f32 to vector<16xf32>
      %select_n3A_3403 = arith.select %ne3A_3398, %broadcast_in_dim3A_3401, %broadcast_in_dim3A_3402 : vector<16xi1>, vector<16xf32>
      %add3A_3404 = arith.addf %add3A_3376, %select_n3A_3403 : vector<16xf32>
      %add3A_3405 = arith.addf %add3A_3382, %add3A_3354 : vector<16xf32>
      %swap3A_3406 = arith.index_cast %add3A_3038 : i32 to index
      %swap3A_3407 = arith.constant 0 : index
      %swap3A_3408 = tpu.vector_load %arg9[%swap3A_3406, %swap3A_3407] {strides = array<i32>} : memref<128x48xf32, #tpu.memory_space<vmem>>, vector<1x16xf32>,
      %swap3A_3409 = vector.shape_cast %swap3A_3408 : vector<1x16xf32> to vector<16xf32>
      %swap3A_3410 = vector.shape_cast %add3A_3405 : vector<16xf32> to vector<1x16xf32>
      tpu.vector_store %arg9[%swap3A_3406, %swap3A_3407], %swap3A_3410 {strides = array<i32>} : memref<128x48xf32, #tpu.memory_space<vmem>>, vector<1x16xf32>,
      %add3A_3411 = arith.addf %add3A_3388, %add3A_3360 : vector<16xf32>
      %swap3A_3412 = arith.index_cast %add3A_3038 : i32 to index
      %swap3A_3413 = arith.constant 16 : index
      %swap3A_3414 = tpu.vector_load %arg9[%swap3A_3412, %swap3A_3413] {strides = array<i32>} : memref<128x48xf32, #tpu.memory_space<vmem>>, vector<1x16xf32>,
      %swap3A_3415 = vector.shape_cast %swap3A_3414 : vector<1x16xf32> to vector<16xf32>
      %swap3A_3416 = vector.shape_cast %add3A_3411 : vector<16xf32> to vector<1x16xf32>
      tpu.vector_store %arg9[%swap3A_3412, %swap3A_3413], %swap3A_3416 {strides = array<i32>} : memref<128x48xf32, #tpu.memory_space<vmem>>, vector<1x16xf32>,
      %swap3A_3417 = arith.index_cast %add3A_3038 : i32 to index
      %swap3A_3418 = arith.constant 32 : index
      %swap3A_3419 = tpu.vector_load %arg9[%swap3A_3417, %swap3A_3418] {strides = array<i32>} : memref<128x48xf32, #tpu.memory_space<vmem>>, vector<1x16xf32>,
      %swap3A_3420 = vector.shape_cast %swap3A_3419 : vector<1x16xf32> to vector<16xf32>
      %swap3A_3421 = vector.shape_cast %add3A_3404 : vector<16xf32> to vector<1x16xf32>
      tpu.vector_store %arg9[%swap3A_3417, %swap3A_3418], %swap3A_3421 {strides = array<i32>} : memref<128x48xf32, #tpu.memory_space<vmem>>, vector<1x16xf32>,
    }
    %scan3A_199 = arith.constant 16 : i32
    "tpu.region"() ({
      %run_scoped3A = tpu.sem_alloc : memref<!tpu.dma_semaphore, #tpu.memory_space<semaphore_mem>>
      %dma_start3A_200 = arith.constant 0 : i32
      %dma_start3A_201 = tpu.memref_slice %arg5[%mul3A_2, %dma_start3A_200] : memref<4096x48xf32, #tpu.memory_space<hbm>> -> memref<128x48xf32, #tpu.memory_space<hbm>>
      %dma_start3A_202 = arith.constant 0 : i32
      %dma_start3A_203 = tpu.memref_slice %arg5[%mul3A_2, %dma_start3A_202] : memref<4096x48xf32, #tpu.memory_space<hbm>> -> memref<128x48xf32, #tpu.memory_space<hbm>>
      tpu.enqueue_dma source(%arg9 : memref<128x48xf32, #tpu.memory_space<vmem>>) target(%dma_start3A_203 : memref<128x48xf32, #tpu.memory_space<hbm>>) target_semaphore(%run_scoped3A : memref<!tpu.dma_semaphore, #tpu.memory_space<semaphore_mem>>)
      %dma_wait3A = arith.constant 0 : i32
      %dma_wait3A_204 = tpu.memref_slice %arg5[%mul3A_2, %dma_wait3A] : memref<4096x48xf32, #tpu.memory_space<hbm>> -> memref<128x48xf32, #tpu.memory_space<hbm>>
      %dma_wait3A_205 = arith.constant 0 : i32
      %dma_wait3A_206 = tpu.memref_slice %arg5[%mul3A_2, %dma_wait3A_205] : memref<4096x48xf32, #tpu.memory_space<hbm>> -> memref<128x48xf32, #tpu.memory_space<hbm>>
      tpu.wait_dma2 semaphore(%run_scoped3A : memref<!tpu.dma_semaphore, #tpu.memory_space<semaphore_mem>>) src(%arg9 : memref<128x48xf32, #tpu.memory_space<vmem>>) dst(%dma_wait3A_206 : memref<128x48xf32, #tpu.memory_space<hbm>>)
      tpu.yield
    }) : () -> ()
    return
  }
}

module attributes {stable_mosaic.version = 14 : i64} {
  func.func @_tc_project(%arg0: i32, %arg1: memref<32768x64xf32, #tpu.memory_space<vmem>>, %arg2: memref<2x64xf32, #tpu.memory_space<vmem>>, %arg3: memref<2x32768xf32, #tpu.memory_space<vmem>>) attributes {dimension_semantics = [#tpu.dimension_semantics<arbitrary>], iteration_bounds = array<i64: 31>, scalar_prefetch = 0 : i64, scratch_operands = 0 : i64, tpu.core_type = #tpu.core_type<tc>, window_params = [{transform_indices = @transform_0, window_bounds = array<i64: 32768, 64>}, {pipeline_mode = #tpu.pipeline_mode<synchronous>, transform_indices = @transform_1, window_bounds = array<i64: 2, 64>}, {transform_indices = @transform_2, window_bounds = array<i64: 2, 32768>}]} {
    %get3A = arith.constant 0 : index
    %get3A_0 = arith.constant 0 : index
    %get3A_1 = vector.load %arg1[%get3A, %get3A_0] : memref<32768x64xf32, #tpu.memory_space<vmem>>, vector<32768x64xf32>
    %get3A_2 = arith.constant 0 : index
    %get3A_3 = arith.constant 0 : index
    %get3A_4 = vector.load %arg2[%get3A_2, %get3A_3] : memref<2x64xf32, #tpu.memory_space<vmem>>, vector<2x64xf32>
    %dot_general3A = arith.constant dense<0.000000e+00> : vector<2x32768xf32>
    %dot_general3A_5 = tpu.matmul %get3A_4, %get3A_1, %dot_general3A {dimension_numbers = #tpu.dot_dimension_numbers<[1], [1], [0], [0], [0, 0, 1, 0], [], []>, transpose_lhs_hint = false} : vector<2x64xf32>, vector<32768x64xf32>, vector<2x32768xf32> -> vector<2x32768xf32>
    %swap3A = arith.constant 0 : index
    %swap3A_6 = arith.constant 0 : index
    %swap3A_7 = vector.load %arg3[%swap3A, %swap3A_6] : memref<2x32768xf32, #tpu.memory_space<vmem>>, vector<2x32768xf32>
    tpu.vector_store %arg3[%swap3A, %swap3A_6], %dot_general3A_5 {strides = array<i32>} : memref<2x32768xf32, #tpu.memory_space<vmem>>, vector<2x32768xf32>,
    return
  }
  func.func @transform_0(%arg0: i32) -> (i32, i32) {
    %c0_i32 = arith.constant 0 : i32
    %c0_i32_0 = arith.constant 0 : i32
    return %arg0, %c0_i32 : i32, i32
  }
  func.func @transform_1(%arg0: i32) -> (i32, i32) {
    %c0_i32 = arith.constant 0 : i32
    %c0_i32_0 = arith.constant 0 : i32
    %c0_i32_1 = arith.constant 0 : i32
    return %c0_i32, %c0_i32_0 : i32, i32
  }
  func.func @transform_2(%arg0: i32) -> (i32, i32) {
    %c0_i32 = arith.constant 0 : i32
    %c0_i32_0 = arith.constant 0 : i32
    return %c0_i32, %arg0 : i32, i32
  }
}

module attributes {stable_mosaic.version = 14 : i64} {
  func.func @_tc_head(%arg0: memref<4096x48xf32, #tpu.memory_space<vmem>>, %arg1: memref<1x2xf32, #tpu.memory_space<vmem>>, %arg2: memref<4096x2xf32, #tpu.memory_space<vmem>>) attributes {dimension_semantics = [], scalar_prefetch = 0 : i64, scratch_operands = 0 : i64, tpu.core_type = #tpu.core_type<tc>} {
    %get3A = arith.constant 0 : index
    %get3A_0 = arith.constant 0 : index
    %get3A_1 = vector.load %arg0[%get3A, %get3A_0] : memref<4096x48xf32, #tpu.memory_space<vmem>>, vector<4096x48xf32>
    %slice3A = vector.extract_strided_slice %get3A_1 {offsets = [0, 0], sizes = [4096, 16], strides = [1, 1]} : vector<4096x48xf32> to vector<4096x16xf32>
    %reduce_sum3A = arith.constant dense<0.000000e+00> : vector<4096xf32>
    %reduce_sum3A_2 = vector.multi_reduction <add>, %slice3A, %reduce_sum3A [1] : vector<4096x16xf32> to vector<4096xf32>
    %broadcast_in_dim3A = vector.shape_cast %reduce_sum3A_2 : vector<4096xf32> to vector<4096x1xf32>
    %slice3A_3 = vector.extract_strided_slice %get3A_1 {offsets = [0, 16], sizes = [4096, 16], strides = [1, 1]} : vector<4096x48xf32> to vector<4096x16xf32>
    %reduce_sum3A_4 = arith.constant dense<0.000000e+00> : vector<4096xf32>
    %reduce_sum3A_5 = vector.multi_reduction <add>, %slice3A_3, %reduce_sum3A_4 [1] : vector<4096x16xf32> to vector<4096xf32>
    %broadcast_in_dim3A_6 = vector.shape_cast %reduce_sum3A_5 : vector<4096xf32> to vector<4096x1xf32>
    %slice3A_7 = vector.extract_strided_slice %get3A_1 {offsets = [0, 32], sizes = [4096, 16], strides = [1, 1]} : vector<4096x48xf32> to vector<4096x16xf32>
    %reduce_sum3A_8 = arith.constant dense<0.000000e+00> : vector<4096xf32>
    %reduce_sum3A_9 = vector.multi_reduction <add>, %slice3A_7, %reduce_sum3A_8 [1] : vector<4096x16xf32> to vector<4096xf32>
    %broadcast_in_dim3A_10 = vector.shape_cast %reduce_sum3A_9 : vector<4096xf32> to vector<4096x1xf32>
    %concatenate3A = tpu.concatenate %broadcast_in_dim3A, %broadcast_in_dim3A_6 in 1 : vector<4096x1xf32>, vector<4096x1xf32> -> vector<4096x2xf32>
    %add3A = arith.constant 9.99999993E-9 : f32
    %add3A_11 = vector.broadcast %add3A : f32 to vector<4096x1xf32>
    %add3A_12 = arith.addf %broadcast_in_dim3A_10, %add3A_11 : vector<4096x1xf32>
    %div3A = vector.broadcast %add3A_12 : vector<4096x1xf32> to vector<4096x2xf32>
    %div3A_13 = arith.divf %concatenate3A, %div3A : vector<4096x2xf32>
    %get3A_14 = arith.constant 0 : index
    %get3A_15 = arith.constant 0 : index
    %get3A_16 = vector.load %arg1[%get3A_14, %get3A_15] : memref<1x2xf32, #tpu.memory_space<vmem>>, vector<1x2xf32>
    %add3A_17 = vector.broadcast %get3A_16 : vector<1x2xf32> to vector<4096x2xf32>
    %add3A_18 = arith.addf %div3A_13, %add3A_17 : vector<4096x2xf32>
    %swap3A = arith.constant 0 : index
    %swap3A_19 = arith.constant 0 : index
    %swap3A_20 = vector.load %arg2[%swap3A, %swap3A_19] : memref<4096x2xf32, #tpu.memory_space<vmem>>, vector<4096x2xf32>
    tpu.vector_store %arg2[%swap3A, %swap3A_19], %add3A_18 {strides = array<i32>} : memref<4096x2xf32, #tpu.memory_space<vmem>>, vector<4096x2xf32>,
    return
  }
}

</mosaic_0001>

<sc_bundles>
// kernel: kernel.5.cloned.1.call-start
scs
__scs_entry_jumppad:
0x0: {  	(pc) =	sbr.rel $0x88, $3  }
0x1: {  	(tag) =	ssettag $0x0;
	lr =	simm.s32 $0x1  }
0x2: {  	[smem:$0x3F9D] =	sst lr;
	_ =	strace $0xD0000000  }
0x3: {  	_ = 	snop  }
0x4: {  	_ = 	snop  }
0x5: {  	_ = 	snop  }
0x6: {  	_ = 	snop  }
0x7: {  	_ = 	snop  }
__scs_overlays_trampoline_lowered:
0x8: {  	[smem:$0x3FAC] =	sst s0  }
0x9: {  	[smem:$0x3FAD] =	sst s1  }
0xa: {  	[smem:$0x3FAE] =	sst s2  }
0xb: {  	[smem:$0x3FAF] =	sst s3  }
0xc: {  	[smem:$0x3FB0] =	sst s4  }
0xd: {  	[smem:$0x3FB1] =	sst s5  }
0xe: {  	[smem:$0x3FB2] =	sst s6  }
0xf: {  	[smem:$0x3FB3] =	sst s7  }
0x10: {  	[smem:$0x3FB4] =	sst s8  }
0x11: {  	[smem:$0x3FB5] =	sst s9;
	s0 =	simm.s32 @!p0 $0x0  }
0x12: {  	s1 =	sld [smem:$0x3F9B];
	s0 =	simm.s32 @p0 $0x1  }
0x13: {  	[smem:$0x3FB6] =	sst s0;
	s0 =	simm.s32 @!p1 $0x0  }
0x14: {  	s2 =	sld [smem:$0x3F9A];
	s0 =	simm.s32 @p1 $0x1  }
0x15: {  	[smem:$0x3FB7] =	sst s0;
	s0 =	simm.s32 @!p2 $0x0  }
0x16: {  	s3 =	sld [smem:$0x3FDB];
	s0 =	simm.s32 @p2 $0x1  }
0x17: {  	s4 =	simm.s32 $0x1BF5;
	[smem:$0x3FB9] =	sst s0  }
0x18: {  	s0 =	sld [smem:$0x3F9C];
	_ =	swait.ge [sflag:s4], $0x0  }
0x19: {  	s7 =	sld [smem:$0x3F9D]  }
0x1a: {  	s8 =	sadd.s32 $0xFFFFE003, lr  }
0x1b: {  	s9 =	sadd.s32 $0xFFFFFEF7, lr;
	s5 =	simm.s32 $0xFFFFFFFF;
	p2 =	slt.u32 s8, $0xFFFFF086  }
0x1c: {  	p1 =	slt.u32 s9, $0xF7A;
	s5 =	simm.s32 @!p2 $0x0  }
0x1d: {  	s5 =	simm.s32 @p1 $0x1;
	p0 =	seq.s32 s7, s2  }
0x1e: {  	s7 =	smul.u32 @!p0 $0xF7A, s2;
	p2 =	seq.s32 @!p0 s5, $0x0  }
0x1f: {  	s9 =	smul.u32 $0xF7A, s1;
	s8 =	simm.s32 @!p0 $0x1BF5;
	p2 =	por !p2, p0  }
0x20: {  	[sflag:s8] =	ssyncset.s32 @!p0 $0xFFFFF086;
	s6 =	sadd.s32 @!p0 s3, s7;
	s7 =	simm.s32 @!p0 $0x108  }
0x21: {  	s3 =	sadd.s32 s3, s9;
	s6 =	sadd.s32 @!p0 $0x88, s6;
	s7 =	simm.s32 @p2 $0x1082  }
0x22: {  	[simem:s7], [sflag:s8] =	dma.local @!p0 [hbm:s6], $0xF7A  }
0x23: {  	s9 =	sor.u32 $0xD0000000, s2;
	s6 =	simm.s32 $0x108;
	_ =	swait.ge @!p0 [sflag:s8], $0x0  }
0x24: {  	s3 =	sadd.s32 $0x88, s3;
	s6 =	simm.s32 @!p1 $0x1082;
	[sflag:s4] =	ssyncset.s32 $0xFFFFF086  }
0x25: {  	[simem:s6], [sflag:s4] =	dma.local [hbm:s3], $0xF7A  }
0x26: {  	[smem:$0x3F9D] =	sst s1;
	(tag) =	ssettag s2;
	_ =	strace s9  }
0x27: {  	s1 =	sld [smem:$0x3FAD]  }
0x28: {  	s2 =	sld [smem:$0x3FAE]  }
0x29: {  	s4 =	sld [smem:$0x3FB0]  }
0x2a: {  	p0 =	seq.s32 s5, $0x0;
	s5 =	sld [smem:$0x3FB1]  }
0x2b: {  	s6 =	sld [smem:$0x3FB2]  }
0x2c: {  	s7 =	sld [smem:$0x3FB3]  }
0x2d: {  	s3 =	simm.s32 $0x108;
	s8 =	sld [smem:$0x3FB4]  }
0x2e: {  	s3 =	simm.s32 @!p0 $0x1082;
	s9 =	sld [smem:$0x3FB5]  }
0x2f: {  	lr =	sadd.s32 s0, s3;
	s0 =	sld [smem:$0x3FAC]  }
0x30: {  	s3 =	sld [smem:$0x3FAF]  }
0x31: {  	[smem:$0x3FB8] =	sst s10  }
0x32: {  	s10 =	sld [smem:$0x3FB6];
	_ =	sdelay $0x3  }
0x33: {  	p0 =	seq.s32 s10, $0x1;
	s10 =	sld [smem:$0x3FB8];
	_ =	sdelay $0x3  }
0x34: {  	[smem:$0x3FB8] =	sst s10  }
0x35: {  	s10 =	sld [smem:$0x3FB7];
	_ =	sdelay $0x3  }
0x36: {  	p1 =	seq.s32 s10, $0x1;
	s10 =	sld [smem:$0x3FB8];
	_ =	sdelay $0x3  }
0x37: {  	[smem:$0x3FB8] =	sst s10  }
0x38: {  	s10 =	sld [smem:$0x3FB9]  }
0x39: {  	_ = 	snop;
	(pc) =	sbr.ind lr, $3  }
0x3a: {  	_ = 	snop  }
0x3b: {  	_ = 	snop  }
0x3c: {  	p2 =	seq.s32 s10, $0x1;
	s10 =	sld [smem:$0x3FB8]  }
0x3d: {  	_ =	shalt  }
0x3e: {  	_ =	shalt  }
0x3f: {  	_ =	shalt  }
0x40: {  	_ =	shalt  }
0x41: {  	_ =	shalt  }
0x42: {  	_ =	shalt  }
0x43: {  	_ =	shalt  }
0x44: {  	_ =	shalt  }
0x45: {  	_ =	shalt  }
0x46: {  	_ =	shalt  }
0x47: {  	_ =	shalt  }
0x48: {  	_ =	shalt  }
0x49: {  	_ =	shalt  }
0x4a: {  	_ =	shalt  }
0x4b: {  	_ =	shalt  }
0x4c: {  	_ =	shalt  }
0x4d: {  	_ =	shalt  }
0x4e: {  	_ =	shalt  }
0x4f: {  	_ =	shalt  }
0x50: {  	_ =	shalt  }
0x51: {  	_ =	shalt  }
0x52: {  	_ =	shalt  }
0x53: {  	_ =	shalt  }
0x54: {  	_ =	shalt  }
0x55: {  	_ =	shalt  }
0x56: {  	_ =	shalt  }
0x57: {  	_ =	shalt  }
0x58: {  	_ =	shalt  }
0x59: {  	_ =	shalt  }
0x5a: {  	_ =	shalt  }
0x5b: {  	_ =	shalt  }
0x5c: {  	_ =	shalt  }
0x5d: {  	_ =	shalt  }
0x5e: {  	_ =	shalt  }
0x5f: {  	_ =	shalt  }
0x60: {  	_ =	shalt  }
0x61: {  	_ =	shalt  }
0x62: {  	_ =	shalt  }
0x63: {  	_ =	shalt  }
0x64: {  	_ =	shalt  }
0x65: {  	_ =	shalt  }
0x66: {  	_ =	shalt  }
0x67: {  	_ =	shalt  }
0x68: {  	_ =	shalt  }
0x69: {  	_ =	shalt  }
0x6a: {  	_ =	shalt  }
0x6b: {  	_ =	shalt  }
0x6c: {  	_ =	shalt  }
0x6d: {  	_ =	shalt  }
0x6e: {  	_ =	shalt  }
0x6f: {  	_ =	shalt  }
0x70: {  	_ =	shalt  }
0x71: {  	_ =	shalt  }
0x72: {  	_ =	shalt  }
0x73: {  	_ =	shalt  }
0x74: {  	_ =	shalt  }
0x75: {  	_ =	shalt  }
0x76: {  	_ =	shalt  }
0x77: {  	_ =	shalt  }
0x78: {  	_ =	shalt  }
0x79: {  	_ =	shalt  }
0x7a: {  	_ =	shalt  }
0x7b: {  	_ =	shalt  }
0x7c: {  	_ =	shalt  }
0x7d: {  	_ =	shalt  }
0x7e: {  	_ =	shalt  }
0x7f: {  	_ =	shalt  }
0x80: {  	_ =	shalt  }
0x81: {  	_ =	shalt  }
0x82: {  	_ =	shalt  }
0x83: {  	_ =	shalt  }
0x84: {  	_ =	shalt  }
0x85: {  	_ =	shalt  }
0x86: {  	_ =	shalt  }
0x87: {  	_ =	shalt  }
.Lfunc_end0:
.L_simem_size_0:
called_computation_lowered:
.L_overlay_start_0:
0x88: {  	s2 =	sld [smem:$0x3FD9]  }
0x89: {  	s3 =	sld [smem:$0x3FFE];
	_ =	sdelay $0x1  }
0x8a: {  	s1 =	srdreg.scid  }
0x8b: {  	s0 =	sand.u32 $0x1, s1  }
0x8c: {  	s16 =	sshll.u32 s0, $0xA;
	s2 =	sadd.s32 s3, s2  }
0x8d: {  	s2 =	sadd.s32 s2, s16  }
0x8e: {  	[smem:$0x3FC4] =	sst s2  }
0x8f: {  	_ = 	snop  }
0x90: {  	(tm) =	ssettm $0x1  }
0x91: {  	s17 =	sld [smem:$0x3FFB];
	_ =	sdelay $0x3  }
0x92: {  	_ =	strace s17  }
0x93: {  	s2 =	sld [smem:$0x3FFC];
	_ =	sdelay $0x3  }
0x94: {  	_ =	strace s2  }
0x95: {  	s2 =	sld [smem:$0x3FFD];
	_ =	sdelay $0x3  }
0x96: {  	_ =	strace s2  }
0x97: {  	_ =	strace $0x8FFFFFFF  }
0x98: {  	s18 =	sld [smem:$0x3FDB];
	_ =	sdelay $0x1  }
0x99: {  	s19 =	simm.s32 $_scs_section_size  }
0x9a: {  	s4 =	simm.s32 $_size__tile_overlayer_lowered;
	s5 =	simm.s32 $_tile_overlayer_lowered  }
0x9b: {  	s22 =	simm.s32 $0x1BFF;
	s21 =	sshll.u32 s5, $0x1;
	s2 =	sadd.s32 s19, s18  }
0x9c: {  	s6 =	simm.s32 $0x0;
	s20 =	sshll.u32 s4, $0x1;
	s4 =	sadd.s32 s21, s2  }
0x9d: {  	[timem:s6], [sflag:s22] =	dma.local [hbm:s4], s20  }
0x9e: {  	_ =	swait.ge [sflag:s22], s20  }
0x9f: {  	s3 =	ssub.s32 $0x0, s20;
	[sflag:s22] =	ssyncset.done $0x0  }
0xa0: {  	[sflag:s22] =	ssyncadd.s32 s3;
	_ =	sdelay $0x1  }
0xa1: {  	s23 =	simm.s32 $0x1B8B  }
0xa2: {  	_ =	swait.ge [sflag:s23], $0x1  }
0xa3: {  	[sflag:s23] =	ssyncset.done $0x0  }
0xa4: {  	s25 =	simm.s32 $0x1B8E;
	s24 =	sld [smem:$0x3FFE];
	[sflag:s23] =	ssyncadd.s32 $0xFFFFFFFF  }
0xa5: {  	s26 =	simm.s32 $execute0_lowered;
	[smem:$0x3FD2] =	sst s25  }
0xa6: {  	s4 =	sshll.u32 s26, $0x1;
	_ =	strace $0x80000046;
	[dreg:$0x1] =	wrdreg $0xFFFFFFFF  }
0xa7: {  	s28 =	simm.s32 $_size_execute0_lowered;
	s2 =	sadd.s32 s2, s4;
	[dreg:$0x0] =	wrdreg $0x0  }
0xa8: {  	s4 =	sshll.u32 s28, $0x1;
	[dreg:$0x2] =	wrdreg s2  }
0xa9: {  	[dreg:$0x3] =	wrdreg s4  }
0xaa: {  	[dreg:$0x4] =	wrdreg $0xC0  }
0xab: {  	_ =	task [dreg:s6], $0x5FFFF  }
0xac: {  	[dreg:$0x1] =	wrdreg $0xFFFFFFFF  }
0xad: {  	[dreg:$0x0] =	wrdreg $0x60  }
0xae: {  	[dreg:$0x2] =	wrdreg s24  }
0xaf: {  	[dreg:$0x3] =	wrdreg $0x9  }
0xb0: {  	_ =	task.clear_ibuf [dreg:s6], $0x4FFFF;
	_ =	strace $0x90000046  }
0xb1: {  	s29 =	simm.s32 $0x9;
	_ =	strace $0x80000048  }
0xb2: {  	_ =	swait.ge [sflag:s29], $0x1  }
0xb3: {  	[sflag:s29] =	ssyncadd.s32 $0xFFFFFFFF  }
0xb4: {  	_ =	strace $0x90000048  }
0xb5: {  	_ =	sfence  }
0xb6: {  	s30 =	sld [smem:$0x0];
	_ =	sdelay $0x2  }
0xb7: {  	s31 =	sshll.u32 s1, $0xD;
	s1 =	sshrl.u32 s1, $0x2  }
0xb8: {  	s3 =	sand.u32 $0x4000, s31;
	s1 =	sadd.s32 s1, s30  }
0xb9: {  	s0 =	sor.u32 s3, s0;
	s1 =	sshll.u32 s1, $0x11  }
0xba: {  	s0 =	sor.u32 s1, s0  }
0xbb: {  	s0 =	sadd.s32 $0x8F2B, s0  }
0xbc: {  	[sflag:s0] =	ssyncadd.remote.s32 $0x1  }
0xbd: {  	_ =	sfence.sel $0xFFFF  }
0xbe: {  	[dreg:$0x0] =	wrdreg $0xFFFFFFFF;
	(pc) =	sbr.abs _section_cstart, $3  }
0xbf: {  	[dreg:$0x1] =	wrdreg $0xFFFFFFFF  }
0xc0: {  	_ =	task.clear_ibuf [dreg:s6], $0x2FFFF;
	_ =	strace $0x9FFFFFFF  }
0xc1: {  	(tm) =	ssettm $0x7FFFFFFF  }
tec
execute0_lowered:
.L_overlay_start_1:
0x0: {  	(tag) =	ssettag $0x1  }
0x1: {  	s0 =	srdreg.scid  }
0x2: {  	s2 =	stileid.u32;
	s1 =	rddreg [dreg:$0x0]  }
0x3: {  	s8 =	simm.s32 $0x5;
	s9 =	simm.s32 $0x80;
	s17 =	simm.s32 $0x20  }
0x4: {  	s19 =	simm.s32 $0x6CE0;
	s20 =	simm.s32 $0x7360;
	s21 =	simm.s32 $0x6D60  }
0x5: {  	s22 =	simm.s32 $0x73E0;
	s23 =	simm.s32 $0x6DE0;
	s24 =	simm.s32 $0x7460  }
0x6: {  	s25 =	simm.s32 $0x6E60;
	s3 =	sshll.u32 s2, $0x1;
	s2 =	simm.s32 $0x0  }
0x7: {  	s26 =	simm.s32 $0x74E0;
	s28 =	simm.s32 $0x2A0;
	[smem:$0x7FF] =	sst s2  }
0x8: {  	s31 =	simm.s32 $0x320;
	_ =	strace $0x80000047;
	[dreg:$0x2] =	wrdreg s19  }
0x9: {  	s10 =	simm.s32 $0x340;
	s13 =	simm.s32 $0x3C0;
	[dreg:$0x3] =	wrdreg s20  }
0xa: {  	s29 =	simm.s32 $0x1;
	s0 =	sand.u32 $0x1, s0;
	[dreg:$0x4] =	wrdreg s21  }
0xb: {  	s30 =	simm.s32 $0x2;
	s3 =	sor.u32 s0, s3;
	[dreg:$0x5] =	wrdreg s22  }
0xc: {  	s12 =	simm.s32 $0x0;
	s4 =	smul.u32 $0xD00, s3;
	[dreg:$0x6] =	wrdreg s23  }
0xd: {  	s0 =	ssub.s32 $0x2, s0;
	s5 =	smul.u32 $0x300, s3;
	[dreg:$0x7] =	wrdreg s24  }
0xe: {  	s3 =	sadd.s32 $0x1FC00, s1;
	s18 =	sshrl.u32 s0, $0x1;
	[dreg:$0x8] =	wrdreg s25  }
0xf: {  	s21 =	simm.s32 $0x1A0;
	s24 =	simm.s32 $0x220;
	[dreg:$0x9] =	wrdreg s26  }
0x10: {  	s19 =	simm.s32 $0x440;
	s23 =	simm.s32 $0x4C0;
	s0 =	ssub.s32 s0, s18  }
0x11: {  	s18 =	simm.s32 $0x180;
	s6 =	sadd.s32 s4, s1;
	s4 =	sadd.s32 $0xC00, s1  }
0x12: {  	s1 =	sadd.s32 s5, s1;
	s7 =	smax.u32 s0, $0x1;
	s0 =	simm.s32 $0x4  }
0x13: {  	v0 =	vimm.f32 $1.000000000e+00;
	s5 =	sadd.s32 $0x3EC00, s6;
	s6 =	sadd.s32 $0x58C00, s1;
	s1 =	simm.s32 $0x3  }
.LBB2_1:
0x14: {  	[tilespmem:s2], [sflag:$0x5] =	stream.linear.gather [hbm4b:s5+s2], $0x6800, $0x38;
	[tilespmem:$0x8D00] =	vst v63  }
0x15: {  	_ =	swait.ge [sflag:s8], $0x6800  }
0x16: {  	[sflag:s8] =	ssyncset.done $0x0  }
0x17: {  	s11 =	simm.s32 $0x6800;
	[sflag:s8] =	ssyncadd.s32 $0xFFFF9800  }
0x18: {  	[tilespmem:s11], [sflag:$0x1] =	stream.indirect.gather [hbm4b:s3+s9], $0x1, s2, s9, $0xb8;
	[tilespmem:$0x8D00] =	vst v63  }
0x19: {  	s25 =	simm.s32 $0x6E80  }
0x1a: {  	[tilespmem:s25], [sflag:$0x1] =	stream.indirect.gather [hbm4b:s4+s9], $0x1, s2, s9, $0xb8;
	[tilespmem:$0x8D00] =	vst v63  }
0x1b: {  	s26 =	simm.s32 $0x6880  }
0x1c: {  	[tilespmem:s26], [sflag:$0x1] =	stream.indirect.gather [hbm4b:s3+s9], $0x1, s9, s9, $0xb8;
	[tilespmem:$0x8D00] =	vst v63  }
0x1d: {  	s14 =	simm.s32 $0x6F00  }
0x1e: {  	[tilespmem:s14], [sflag:$0x1] =	stream.indirect.gather [hbm4b:s4+s9], $0x1, s9, s9, $0xb8;
	[tilespmem:$0x8D00] =	vst v63  }
0x1f: {  	s15 =	simm.s32 $0x100;
	s14 =	simm.s32 $0x6900  }
0x20: {  	[tilespmem:s14], [sflag:$0x1] =	stream.indirect.gather [hbm4b:s3+s9], $0x1, s15, s9, $0xb8;
	[tilespmem:$0x8D00] =	vst v63  }
0x21: {  	s16 =	simm.s32 $0x6F80  }
0x22: {  	[tilespmem:s16], [sflag:$0x1] =	stream.indirect.gather [hbm4b:s4+s9], $0x1, s15, s9, $0xb8;
	[tilespmem:$0x8D00] =	vst v63  }
0x23: {  	s20 =	simm.s32 $0x6980  }
0x24: {  	[tilespmem:s20], [sflag:$0x1] =	stream.indirect.gather [hbm4b:s3+s17], $0x1, s18, s17, $0xb8;
	[tilespmem:$0x8D00] =	vst v63  }
0x25: {  	s22 =	simm.s32 $0x7000  }
0x26: {  	[tilespmem:s22], [sflag:$0x1] =	stream.indirect.gather [hbm4b:s4+s17], $0x1, s18, s17, $0xb8;
	[tilespmem:$0x8D00] =	vst v63  }
0x27: {  	s25 =	simm.s32 $0x69A0  }
0x28: {  	[tilespmem:s25], [sflag:$0x2] =	stream.indirect.gather [hbm4b:s3+s9], $0x1, s21, s9, $0xb8;
	[tilespmem:$0x8D00] =	vst v63  }
0x29: {  	s26 =	simm.s32 $0x7020  }
0x2a: {  	[tilespmem:s26], [sflag:$0x2] =	stream.indirect.gather [hbm4b:s4+s9], $0x1, s21, s9, $0xb8;
	[tilespmem:$0x8D00] =	vst v63  }
0x2b: {  	s14 =	simm.s32 $0x6A20  }
0x2c: {  	[tilespmem:s14], [sflag:$0x2] =	stream.indirect.gather [hbm4b:s3+s9], $0x1, s24, s9, $0xb8;
	[tilespmem:$0x8D00] =	vst v63  }
0x2d: {  	s15 =	simm.s32 $0x70A0  }
0x2e: {  	[tilespmem:s15], [sflag:$0x2] =	stream.indirect.gather [hbm4b:s4+s9], $0x1, s24, s9, $0xb8;
	[tilespmem:$0x8D00] =	vst v63  }
0x2f: {  	s16 =	simm.s32 $0x6AA0  }
0x30: {  	[tilespmem:s16], [sflag:$0x2] =	stream.indirect.gather [hbm4b:s3+s9], $0x1, s28, s9, $0xb8;
	[tilespmem:$0x8D00] =	vst v63  }
0x31: {  	s20 =	simm.s32 $0x7120  }
0x32: {  	[tilespmem:s20], [sflag:$0x2] =	stream.indirect.gather [hbm4b:s4+s9], $0x1, s28, s9, $0xb8;
	[tilespmem:$0x8D00] =	vst v63  }
0x33: {  	s22 =	simm.s32 $0x6B20  }
0x34: {  	[tilespmem:s22], [sflag:$0x2] =	stream.indirect.gather [hbm4b:s3+s17], $0x1, s31, s17, $0xb8;
	[tilespmem:$0x8D00] =	vst v63  }
0x35: {  	s25 =	simm.s32 $0x71A0  }
0x36: {  	[tilespmem:s25], [sflag:$0x2] =	stream.indirect.gather [hbm4b:s4+s17], $0x1, s31, s17, $0xb8;
	[tilespmem:$0x8D00] =	vst v63  }
0x37: {  	s26 =	simm.s32 $0x6B40  }
0x38: {  	[tilespmem:s26], [sflag:$0x3] =	stream.indirect.gather [hbm4b:s3+s9], $0x1, s10, s9, $0xb8;
	[tilespmem:$0x8D00] =	vst v63  }
0x39: {  	s14 =	simm.s32 $0x71C0  }
0x3a: {  	[tilespmem:s14], [sflag:$0x3] =	stream.indirect.gather [hbm4b:s4+s9], $0x1, s10, s9, $0xb8;
	[tilespmem:$0x8D00] =	vst v63  }
0x3b: {  	s15 =	simm.s32 $0x6BC0  }
0x3c: {  	[tilespmem:s15], [sflag:$0x3] =	stream.indirect.gather [hbm4b:s3+s9], $0x1, s13, s9, $0xb8;
	[tilespmem:$0x8D00] =	vst v63  }
0x3d: {  	s16 =	simm.s32 $0x7240  }
0x3e: {  	[tilespmem:s16], [sflag:$0x3] =	stream.indirect.gather [hbm4b:s4+s9], $0x1, s13, s9, $0xb8;
	[tilespmem:$0x8D00] =	vst v63  }
0x3f: {  	s20 =	simm.s32 $0x6C40  }
0x40: {  	[tilespmem:s20], [sflag:$0x3] =	stream.indirect.gather [hbm4b:s3+s9], $0x1, s19, s9, $0xb8;
	[tilespmem:$0x8D00] =	vst v63  }
0x41: {  	s22 =	simm.s32 $0x72C0  }
0x42: {  	[tilespmem:s22], [sflag:$0x3] =	stream.indirect.gather [hbm4b:s4+s9], $0x1, s19, s9, $0xb8;
	[tilespmem:$0x8D00] =	vst v63  }
0x43: {  	s25 =	simm.s32 $0x6CC0  }
0x44: {  	[tilespmem:s25], [sflag:$0x3] =	stream.indirect.gather [hbm4b:s3+s17], $0x1, s23, s17, $0xb8;
	[tilespmem:$0x8D00] =	vst v63  }
0x45: {  	s26 =	simm.s32 $0x7340;
	s15 =	simm.s32 $0x75C0;
	s16 =	simm.s32 $0x0  }
0x46: {  	[tilespmem:s26], [sflag:$0x3] =	stream.indirect.gather [hbm4b:s4+s17], $0x1, s23, s17, $0xb8;
	[tilespmem:$0x8D00] =	vst v63  }
.LBB2_2:
0x47: {  	s20 =	sshra.s32 s16, $0x2  }
0x48: {  	s22 =	rddreg [dreg:$0x2];
	s25 =	sadd.s32 $0x4E0, s20  }
0x49: {  	[tilespmem:s22], [sflag:$0x4] =	stream.indirect.gather [hbm4b:s3+s9], $0x1, s25, s9, $0xb8;
	[tilespmem:$0x8D00] =	vst v63  }
0x4a: {  	s26 =	rddreg [dreg:$0x3]  }
0x4b: {  	[tilespmem:s26], [sflag:$0x4] =	stream.indirect.gather [hbm4b:s4+s9], $0x1, s25, s9, $0xb8;
	[tilespmem:$0x8D00] =	vst v63  }
0x4c: {  	s11 =	sadd.s32 $0x560, s20;
	s22 =	rddreg [dreg:$0x4]  }
0x4d: {  	[tilespmem:s22], [sflag:$0x4] =	stream.indirect.gather [hbm4b:s3+s9], $0x1, s11, s9, $0xb8;
	[tilespmem:$0x8D00] =	vst v63  }
0x4e: {  	s14 =	rddreg [dreg:$0x5]  }
0x4f: {  	[tilespmem:s14], [sflag:$0x4] =	stream.indirect.gather [hbm4b:s4+s9], $0x1, s11, s9, $0xb8;
	[tilespmem:$0x8D00] =	vst v63  }
0x50: {  	s22 =	rddreg [dreg:$0x6];
	s11 =	sadd.s32 $0x5E0, s20  }
0x51: {  	[tilespmem:s22], [sflag:$0x4] =	stream.indirect.gather [hbm4b:s3+s9], $0x1, s11, s9, $0xb8;
	[tilespmem:$0x8D00] =	vst v63  }
0x52: {  	s14 =	rddreg [dreg:$0x7]  }
0x53: {  	[tilespmem:s14], [sflag:$0x4] =	stream.indirect.gather [hbm4b:s4+s9], $0x1, s11, s9, $0xb8;
	[tilespmem:$0x8D00] =	vst v63  }
0x54: {  	s22 =	rddreg [dreg:$0x8];
	s11 =	sadd.s32 $0x660, s20  }
0x55: {  	[tilespmem:s22], [sflag:$0x4] =	stream.indirect.gather [hbm4b:s3+s17], $0x1, s11, s17, $0xb8;
	[tilespmem:$0x8D00] =	vst v63  }
0x56: {  	s14 =	rddreg [dreg:$0x9]  }
0x57: {  	[tilespmem:s14], [sflag:$0x4] =	stream.indirect.gather [hbm4b:s4+s17], $0x1, s11, s17, $0xb8;
	[tilespmem:$0x8D00] =	vst v63  }
0x58: {  	_ =	swait.ge [sflag:s29], $0x1A0  }
0x59: {  	[sflag:s29] =	ssyncset.done $0x0  }
0x5a: {  	[sflag:s29] =	ssyncadd.s32 $0xFFFFFE60  }
0x5b: {  	_ =	swait.ge [sflag:s29], $0x1A0  }
0x5c: {  	[sflag:s29] =	ssyncset.done $0x0  }
0x5d: {  	[sflag:s29] =	ssyncadd.s32 $0xFFFFFE60  }
0x5e: {  	v1 =	vld [tilespmem:$0x6800]  }
0x5f: {  	v2 =	vld [tilespmem:$0x6E80]  }
0x60: {  	v3 =	vld [tilespmem:s20+$0x0]  }
0x61: {  	v4 =	vld [tilespmem:$0x6810]  }
0x62: {  	v5 =	vld [tilespmem:$0x6E90]  }
0x63: {  	v6 =	vld [tilespmem:s20+$0x10]  }
0x64: {  	v7 =	vld [tilespmem:$0x6820]  }
0x65: {  	v8 =	vld [tilespmem:$0x6EA0]  }
0x66: {  	v9 =	vld [tilespmem:s20+$0x20]  }
0x67: {  	v10 =	vld [tilespmem:$0x6830]  }
0x68: {  	v11 =	vld [tilespmem:$0x6EB0]  }
0x69: {  	v12 =	vld [tilespmem:s20+$0x30]  }
0x6a: {  	v13 =	vld [tilespmem:$0x6840]  }
0x6b: {  	v14 =	vld [tilespmem:$0x6EC0]  }
0x6c: {  	v15 =	vld [tilespmem:s20+$0x40]  }
0x6d: {  	v16 =	vld [tilespmem:$0x6850]  }
0x6e: {  	v17 =	vld [tilespmem:$0x6ED0]  }
0x6f: {  	v18 =	vld [tilespmem:s20+$0x50]  }
0x70: {  	v19 =	vld [tilespmem:$0x6860]  }
0x71: {  	v20 =	vld [tilespmem:$0x6EE0]  }
0x72: {  	v22 =	vld [tilespmem:$0x6870]  }
0x73: {  	v58 =	vld [tilespmem:$0x6EF0];
	vm0 =	veq.s32 v3, $0x0;
	vm1 =	veq.s32 v6, $0x0  }
0x74: {  	v23 =	vld [tilespmem:s20+$0x70];
	v57 =	vsel vm0, $0x0, v0;
	v21 =	vsel vm1, $0x0, v0  }
0x75: {  	v60 =	vld [tilespmem:$0x6880];
	vm10 =	veq.s32 v9, $0x0;
	v6 =	vadd.f32 v21, v57  }
0x76: {  	v24 =	vld [tilespmem:$0x6F00];
	v59 =	vsel vm10, $0x0, v0  }
0x77: {  	v62 =	vld [tilespmem:s20+$0x80];
	vm11 =	veq.s32 v12, $0x0;
	v6 =	vadd.f32 v59, v6  }
0x78: {  	v3 =	vld [tilespmem:s20+$0x60];
	v1 =	vadd.f32 $0.0e+00, v1;
	v2 =	vadd.f32 $0.0e+00, v2;
	v61 =	vsel vm11, $0x0, v0  }
0x79: {  	v25 =	vld [tilespmem:$0x6890];
	vm12 =	veq.s32 v15, $0x0;
	v4 =	vadd.f32 $0.0e+00, v4;
	v6 =	vadd.f32 v61, v6  }
0x7a: {  	v26 =	vld [tilespmem:$0x6F10];
	v5 =	vadd.f32 $0.0e+00, v5;
	v63 =	vsel vm12, $0x0, v0;
	v1 =	vadd.f32 v7, v1  }
0x7b: {  	v28 =	vld [tilespmem:s20+$0x90];
	vm13 =	veq.s32 v18, $0x0;
	v2 =	vadd.f32 v8, v2;
	v6 =	vadd.f32 v63, v6  }
0x7c: {  	v30 =	vld [tilespmem:$0x6F20];
	v27 =	vsel vm13, $0x0, v0;
	v4 =	vadd.f32 v10, v4;
	v5 =	vadd.f32 v11, v5  }
0x7d: {  	v31 =	vld [tilespmem:s20+$0xA0];
	v1 =	vadd.f32 v13, v1;
	vm14 =	veq.s32 v3, $0x0;
	v6 =	vadd.f32 v27, v6  }
0x7e: {  	v33 =	vld [tilespmem:$0x68B0];
	v2 =	vadd.f32 v14, v2;
	v4 =	vadd.f32 v16, v4;
	v29 =	vsel vm14, $0x0, v0  }
0x7f: {  	v34 =	vld [tilespmem:$0x6F30];
	vm15 =	veq.s32 v23, $0x0;
	v5 =	vadd.f32 v17, v5;
	v6 =	vadd.f32 v29, v6  }
0x80: {  	v32 =	vsel vm15, $0x0, v0;
	v3 =	vld [tilespmem:$0x68A0];
	v1 =	vadd.f32 v19, v1;
	v2 =	vadd.f32 v20, v2  }
0x81: {  	v36 =	vld [tilespmem:s20+$0xB0];
	vm4 =	veq.s32 v62, $0x0;
	v4 =	vadd.f32 v22, v4;
	v6 =	vadd.f32 v32, v6  }
0x82: {  	v37 =	vld [tilespmem:$0x68C0];
	v35 =	vsel vm4, $0x0, v0;
	v5 =	vadd.f32 v58, v5;
	v1 =	vadd.f32 v60, v1  }
0x83: {  	v39 =	vld [tilespmem:$0x6F40];
	vm5 =	veq.s32 v28, $0x0;
	v2 =	vadd.f32 v24, v2;
	v6 =	vadd.f32 v35, v6  }
0x84: {  	v40 =	vld [tilespmem:s20+$0xC0];
	v38 =	vsel vm5, $0x0, v0;
	v4 =	vadd.f32 v25, v4;
	v5 =	vadd.f32 v26, v5  }
0x85: {  	vm6 =	veq.s32 v31, $0x0;
	v1 =	vadd.f32 v3, v1;
	v6 =	vadd.f32 v38, v6  }
0x86: {  	v3 =	vsel vm6, $0x0, v0;
	v2 =	vadd.f32 v30, v2;
	v4 =	vadd.f32 v33, v4  }
0x87: {  	vm7 =	veq.s32 v36, $0x0;
	v1 =	vadd.f32 v37, v1;
	v3 =	vadd.f32 v3, v6  }
0x88: {  	v41 =	vsel vm7, $0x0, v0;
	v5 =	vadd.f32 v34, v5;
	v2 =	vadd.f32 v39, v2  }
0x89: {  	vm8 =	veq.s32 v40, $0x0;
	v1 =	vadd.f32 v1, v4;
	v3 =	vadd.f32 v41, v3  }
0x8a: {  	v42 =	vsel vm8, $0x0, v0;
	v2 =	vadd.f32 v2, v5  }
0x8b: {  	[tilespmem:s15+$0xFFFFFF40] =	vst v1;
	v3 =	vadd.f32 v42, v3  }
0x8c: {  	[tilespmem:s15+$0xFFFFFF50] =	vst v2  }
0x8d: {  	[tilespmem:s15+$0xFFFFFF60] =	vst v3  }
0x8e: {  	v1 =	vld [tilespmem:$0x68D0]  }
0x8f: {  	v2 =	vld [tilespmem:$0x6F50]  }
0x90: {  	v3 =	vld [tilespmem:s20+$0xD0]  }
0x91: {  	v43 =	vld [tilespmem:$0x68E0]  }
0x92: {  	v44 =	vld [tilespmem:$0x6F60]  }
0x93: {  	v45 =	vld [tilespmem:s20+$0xE0]  }
0x94: {  	v46 =	vld [tilespmem:$0x68F0]  }
0x95: {  	v47 =	vld [tilespmem:$0x6F70]  }
0x96: {  	v48 =	vld [tilespmem:s20+$0xF0]  }
0x97: {  	v49 =	vld [tilespmem:$0x6900]  }
0x98: {  	v50 =	vld [tilespmem:$0x6F80]  }
0x99: {  	v51 =	vld [tilespmem:s20+$0x100]  }
0x9a: {  	v52 =	vld [tilespmem:$0x6910]  }
0x9b: {  	v53 =	vld [tilespmem:$0x6F90]  }
0x9c: {  	v54 =	vld [tilespmem:s20+$0x110]  }
0x9d: {  	v55 =	vld [tilespmem:$0x6920]  }
0x9e: {  	v56 =	vld [tilespmem:$0x6FA0]  }
0x9f: {  	v57 =	vld [tilespmem:s20+$0x120]  }
0xa0: {  	v58 =	vld [tilespmem:$0x6930]  }
0xa1: {  	v59 =	vld [tilespmem:$0x6FB0]  }
0xa2: {  	v62 =	vld [tilespmem:$0x6940]  }
0xa3: {  	v63 =	vld [tilespmem:$0x6FC0];
	vm9 =	veq.s32 v3, $0x0;
	vm10 =	veq.s32 v45, $0x0  }
0xa4: {  	v29 =	vld [tilespmem:s20+$0x140];
	v60 =	vsel vm9, $0x0, v0;
	v61 =	vsel vm10, $0x0, v0  }
0xa5: {  	v30 =	vld [tilespmem:$0x6950];
	vm11 =	veq.s32 v48, $0x0;
	v6 =	vadd.f32 v61, v60  }
0xa6: {  	v32 =	vld [tilespmem:$0x6FD0];
	v28 =	vsel vm11, $0x0, v0  }
0xa7: {  	v33 =	vld [tilespmem:s20+$0x150];
	vm12 =	veq.s32 v51, $0x0;
	v6 =	vadd.f32 v28, v6  }
0xa8: {  	v3 =	vld [tilespmem:s20+$0x130];
	v1 =	vadd.f32 $0.0e+00, v1;
	v2 =	vadd.f32 $0.0e+00, v2;
	v31 =	vsel vm12, $0x0, v0  }
0xa9: {  	v35 =	vld [tilespmem:$0x6960];
	vm13 =	veq.s32 v54, $0x0;
	v4 =	vadd.f32 $0.0e+00, v43;
	v6 =	vadd.f32 v31, v6  }
0xaa: {  	v36 =	vld [tilespmem:$0x6FE0];
	v5 =	vadd.f32 $0.0e+00, v44;
	v34 =	vsel vm13, $0x0, v0;
	v1 =	vadd.f32 v46, v1  }
0xab: {  	v38 =	vld [tilespmem:s20+$0x160];
	vm14 =	veq.s32 v57, $0x0;
	v2 =	vadd.f32 v47, v2;
	v6 =	vadd.f32 v34, v6  }
0xac: {  	v40 =	vld [tilespmem:$0x6FF0];
	v37 =	vsel vm14, $0x0, v0;
	v4 =	vadd.f32 v49, v4;
	v5 =	vadd.f32 v50, v5  }
0xad: {  	v41 =	vld [tilespmem:s20+$0x170];
	v1 =	vadd.f32 v52, v1;
	vm15 =	veq.s32 v3, $0x0;
	v6 =	vadd.f32 v37, v6  }
0xae: {  	v43 =	vld [tilespmem:$0x6980];
	v2 =	vadd.f32 v53, v2;
	v4 =	vadd.f32 v55, v4;
	v39 =	vsel vm15, $0x0, v0  }
0xaf: {  	vm4 =	veq.s32 v29, $0x0;
	v44 =	vld [tilespmem:$0x7000];
	v5 =	vadd.f32 v56, v5;
	v6 =	vadd.f32 v39, v6  }
0xb0: {  	v42 =	vsel vm4, $0x0, v0;
	v3 =	vld [tilespmem:$0x6970];
	v1 =	vadd.f32 v58, v1;
	v2 =	vadd.f32 v59, v2  }
0xb1: {  	vm5 =	veq.s32 v33, $0x0;
	v46 =	vld [tilespmem:s20+$0x180];
	v4 =	vadd.f32 v62, v4;
	v6 =	vadd.f32 v42, v6  }
0xb2: {  	v45 =	vsel vm5, $0x0, v0;
	v47 =	vld [tilespmem:$0x6990];
	v5 =	vadd.f32 v63, v5;
	v1 =	vadd.f32 v30, v1  }
0xb3: {  	vm6 =	veq.s32 v38, $0x0;
	v49 =	vld [tilespmem:$0x7010];
	v2 =	vadd.f32 v32, v2;
	v6 =	vadd.f32 v45, v6  }
0xb4: {  	v48 =	vsel vm6, $0x0, v0;
	v50 =	vld [tilespmem:s20+$0x190];
	v4 =	vadd.f32 v35, v4;
	v5 =	vadd.f32 v36, v5  }
0xb5: {  	vm7 =	veq.s32 v41, $0x0;
	v1 =	vadd.f32 v3, v1;
	v6 =	vadd.f32 v48, v6  }
0xb6: {  	v3 =	vsel vm7, $0x0, v0;
	v2 =	vadd.f32 v40, v2;
	v4 =	vadd.f32 v43, v4  }
0xb7: {  	vm8 =	veq.s32 v46, $0x0;
	v1 =	vadd.f32 v47, v1;
	v3 =	vadd.f32 v3, v6  }
0xb8: {  	v51 =	vsel vm8, $0x0, v0;
	v5 =	vadd.f32 v44, v5;
	v2 =	vadd.f32 v49, v2  }
0xb9: {  	vm9 =	veq.s32 v50, $0x0;
	v1 =	vadd.f32 v1, v4;
	v3 =	vadd.f32 v51, v3  }
0xba: {  	v52 =	vsel vm9, $0x0, v0;
	v2 =	vadd.f32 v2, v5  }
0xbb: {  	p0 =	seq.s32 s16, $0x18600;
	[tilespmem:s15+$0xFFFFFF70] =	vst v1;
	v3 =	vadd.f32 v52, v3  }
0xbc: {  	s22 =	sshra.s32 @!p0 s16, $0x2;
	[tilespmem:s15+$0xFFFFFF80] =	vst v2  }
0xbd: {  	s25 =	simm.s32 @!p0 $0x80;
	s26 =	sadd.s32 @!p0 $0x680, s22;
	s11 =	simm.s32 @!p0 $0x6800;
	[tilespmem:s15+$0xFFFFFF90] =	vst v3  }
0xbe: {  	[tilespmem:s11], [sflag:$0x1] =	stream.indirect.gather @!p0 [hbm4b:s3+s25], $0x1, s26, s25, $0xb8;
	[tilespmem:$0x8D00] =	vst v63  }
0xbf: {  	s11 =	simm.s32 @!p0 $0x6E80  }
0xc0: {  	[tilespmem:s11], [sflag:$0x1] =	stream.indirect.gather @!p0 [hbm4b:s4+s25], $0x1, s26, s25, $0xb8;
	[tilespmem:$0x8D00] =	vst v63  }
0xc1: {  	s11 =	sadd.s32 @!p0 $0x700, s22;
	s26 =	simm.s32 @!p0 $0x6880  }
0xc2: {  	[tilespmem:s26], [sflag:$0x1] =	stream.indirect.gather @!p0 [hbm4b:s3+s25], $0x1, s11, s25, $0xb8;
	[tilespmem:$0x8D00] =	vst v63  }
0xc3: {  	s26 =	simm.s32 @!p0 $0x6F00  }
0xc4: {  	[tilespmem:s26], [sflag:$0x1] =	stream.indirect.gather @!p0 [hbm4b:s4+s25], $0x1, s11, s25, $0xb8;
	[tilespmem:$0x8D00] =	vst v63  }
0xc5: {  	s11 =	sadd.s32 @!p0 $0x780, s22;
	s26 =	simm.s32 @!p0 $0x6900  }
0xc6: {  	[tilespmem:s26], [sflag:$0x1] =	stream.indirect.gather @!p0 [hbm4b:s3+s25], $0x1, s11, s25, $0xb8;
	[tilespmem:$0x8D00] =	vst v63  }
0xc7: {  	s26 =	simm.s32 @!p0 $0x6F80  }
0xc8: {  	[tilespmem:s26], [sflag:$0x1] =	stream.indirect.gather @!p0 [hbm4b:s4+s25], $0x1, s11, s25, $0xb8;
	[tilespmem:$0x8D00] =	vst v63  }
0xc9: {  	s14 =	simm.s32 @!p0 $0x6980;
	s11 =	sadd.s32 @!p0 $0x800, s22;
	s26 =	simm.s32 @!p0 $0x20  }
0xca: {  	[tilespmem:s14], [sflag:$0x1] =	stream.indirect.gather @!p0 [hbm4b:s3+s26], $0x1, s11, s26, $0xb8;
	[tilespmem:$0x8D00] =	vst v63  }
0xcb: {  	s14 =	simm.s32 @!p0 $0x7000  }
0xcc: {  	[tilespmem:s14], [sflag:$0x1] =	stream.indirect.gather @!p0 [hbm4b:s4+s26], $0x1, s11, s26, $0xb8;
	[tilespmem:$0x8D00] =	vst v63  }
0xcd: {  	_ =	swait.ge [sflag:s30], $0x1A0  }
0xce: {  	[sflag:s30] =	ssyncset.done $0x0  }
0xcf: {  	[sflag:s30] =	ssyncadd.s32 $0xFFFFFE60  }
0xd0: {  	_ =	swait.ge [sflag:s30], $0x1A0  }
0xd1: {  	[sflag:s30] =	ssyncset.done $0x0  }
0xd2: {  	[sflag:s30] =	ssyncadd.s32 $0xFFFFFE60  }
0xd3: {  	v1 =	vld [tilespmem:$0x69A0]  }
0xd4: {  	v2 =	vld [tilespmem:$0x7020]  }
0xd5: {  	v3 =	vld [tilespmem:s20+$0x1A0]  }
0xd6: {  	v53 =	vld [tilespmem:$0x69B0]  }
0xd7: {  	v54 =	vld [tilespmem:$0x7030]  }
0xd8: {  	v55 =	vld [tilespmem:s20+$0x1B0]  }
0xd9: {  	v56 =	vld [tilespmem:$0x69C0]  }
0xda: {  	v57 =	vld [tilespmem:$0x7040]  }
0xdb: {  	v58 =	vld [tilespmem:s20+$0x1C0]  }
0xdc: {  	v59 =	vld [tilespmem:$0x69D0]  }
0xdd: {  	v60 =	vld [tilespmem:$0x7050]  }
0xde: {  	v61 =	vld [tilespmem:s20+$0x1D0]  }
0xdf: {  	v62 =	vld [tilespmem:$0x69E0]  }
0xe0: {  	v63 =	vld [tilespmem:$0x7060]  }
0xe1: {  	v28 =	vld [tilespmem:s20+$0x1E0]  }
0xe2: {  	v29 =	vld [tilespmem:$0x69F0]  }
0xe3: {  	v30 =	vld [tilespmem:$0x7070]  }
0xe4: {  	v31 =	vld [tilespmem:s20+$0x1F0]  }
0xe5: {  	v32 =	vld [tilespmem:$0x6A00]  }
0xe6: {  	v33 =	vld [tilespmem:$0x7080]  }
0xe7: {  	v36 =	vld [tilespmem:$0x6A10]  }
0xe8: {  	v37 =	vld [tilespmem:$0x7090];
	vm10 =	veq.s32 v3, $0x0;
	vm11 =	veq.s32 v55, $0x0  }
0xe9: {  	v39 =	vld [tilespmem:s20+$0x210];
	v34 =	vsel vm10, $0x0, v0;
	v35 =	vsel vm11, $0x0, v0  }
0xea: {  	v40 =	vld [tilespmem:$0x6A20];
	vm12 =	veq.s32 v58, $0x0;
	v6 =	vadd.f32 v35, v34  }
0xeb: {  	v42 =	vld [tilespmem:$0x70A0];
	v38 =	vsel vm12, $0x0, v0  }
0xec: {  	v43 =	vld [tilespmem:s20+$0x220];
	vm13 =	veq.s32 v61, $0x0;
	v6 =	vadd.f32 v38, v6  }
0xed: {  	v3 =	vld [tilespmem:s20+$0x200];
	v1 =	vadd.f32 $0.0e+00, v1;
	v2 =	vadd.f32 $0.0e+00, v2;
	v41 =	vsel vm13, $0x0, v0  }
0xee: {  	v45 =	vld [tilespmem:$0x6A30];
	vm14 =	veq.s32 v28, $0x0;
	v4 =	vadd.f32 $0.0e+00, v53;
	v6 =	vadd.f32 v41, v6  }
0xef: {  	v46 =	vld [tilespmem:$0x70B0];
	v5 =	vadd.f32 $0.0e+00, v54;
	v44 =	vsel vm14, $0x0, v0;
	v1 =	vadd.f32 v56, v1  }
0xf0: {  	v48 =	vld [tilespmem:s20+$0x230];
	vm15 =	veq.s32 v31, $0x0;
	v2 =	vadd.f32 v57, v2;
	v6 =	vadd.f32 v44, v6  }
0xf1: {  	v50 =	vld [tilespmem:$0x70C0];
	v47 =	vsel vm15, $0x0, v0;
	v4 =	vadd.f32 v59, v4;
	v5 =	vadd.f32 v60, v5  }
0xf2: {  	v51 =	vld [tilespmem:s20+$0x240];
	v1 =	vadd.f32 v62, v1;
	vm4 =	veq.s32 v3, $0x0;
	v6 =	vadd.f32 v47, v6  }
0xf3: {  	v53 =	vld [tilespmem:$0x6A50];
	v2 =	vadd.f32 v63, v2;
	v4 =	vadd.f32 v29, v4;
	v49 =	vsel vm4, $0x0, v0  }
0xf4: {  	vm5 =	veq.s32 v39, $0x0;
	v54 =	vld [tilespmem:$0x70D0];
	v5 =	vadd.f32 v30, v5;
	v6 =	vadd.f32 v49, v6  }
0xf5: {  	v52 =	vsel vm5, $0x0, v0;
	v3 =	vld [tilespmem:$0x6A40];
	v1 =	vadd.f32 v32, v1;
	v2 =	vadd.f32 v33, v2  }
0xf6: {  	vm6 =	veq.s32 v43, $0x0;
	v56 =	vld [tilespmem:s20+$0x250];
	v4 =	vadd.f32 v36, v4;
	v6 =	vadd.f32 v52, v6  }
0xf7: {  	v55 =	vsel vm6, $0x0, v0;
	v57 =	vld [tilespmem:$0x6A60];
	v5 =	vadd.f32 v37, v5;
	v1 =	vadd.f32 v40, v1  }
0xf8: {  	vm7 =	veq.s32 v48, $0x0;
	v59 =	vld [tilespmem:$0x70E0];
	v2 =	vadd.f32 v42, v2;
	v6 =	vadd.f32 v55, v6  }
0xf9: {  	v58 =	vsel vm7, $0x0, v0;
	v60 =	vld [tilespmem:s20+$0x260];
	v4 =	vadd.f32 v45, v4;
	v5 =	vadd.f32 v46, v5  }
0xfa: {  	vm8 =	veq.s32 v51, $0x0;
	v1 =	vadd.f32 v3, v1;
	v6 =	vadd.f32 v58, v6  }
0xfb: {  	v3 =	vsel vm8, $0x0, v0;
	v2 =	vadd.f32 v50, v2;
	v4 =	vadd.f32 v53, v4  }
0xfc: {  	vm9 =	veq.s32 v56, $0x0;
	v1 =	vadd.f32 v57, v1;
	v3 =	vadd.f32 v3, v6  }
0xfd: {  	v61 =	vsel vm9, $0x0, v0;
	v5 =	vadd.f32 v54, v5;
	v2 =	vadd.f32 v59, v2  }
0xfe: {  	vm10 =	veq.s32 v60, $0x0;
	v1 =	vadd.f32 v1, v4;
	v3 =	vadd.f32 v61, v3  }
0xff: {  	v62 =	vsel vm10, $0x0, v0;
	v2 =	vadd.f32 v2, v5  }
0x100: {  	[tilespmem:s15+$0xFFFFFFA0] =	vst v1;
	v3 =	vadd.f32 v62, v3  }
0x101: {  	[tilespmem:s15+$0xFFFFFFB0] =	vst v2  }
0x102: {  	[tilespmem:s15+$0xFFFFFFC0] =	vst v3  }
0x103: {  	v1 =	vld [tilespmem:$0x6A70]  }
0x104: {  	v2 =	vld [tilespmem:$0x70F0]  }
0x105: {  	v3 =	vld [tilespmem:s20+$0x270]  }
0x106: {  	v63 =	vld [tilespmem:$0x6A80]  }
0x107: {  	v28 =	vld [tilespmem:$0x7100]  }
0x108: {  	v29 =	vld [tilespmem:s20+$0x280]  }
0x109: {  	v30 =	vld [tilespmem:$0x6A90]  }
0x10a: {  	v31 =	vld [tilespmem:$0x7110]  }
0x10b: {  	v32 =	vld [tilespmem:s20+$0x290]  }
0x10c: {  	v33 =	vld [tilespmem:$0x6AA0]  }
0x10d: {  	v34 =	vld [tilespmem:$0x7120]  }
0x10e: {  	v35 =	vld [tilespmem:s20+$0x2A0]  }
0x10f: {  	v36 =	vld [tilespmem:$0x6AB0]  }
0x110: {  	v37 =	vld [tilespmem:$0x7130]  }
0x111: {  	v38 =	vld [tilespmem:s20+$0x2B0]  }
0x112: {  	v39 =	vld [tilespmem:$0x6AC0]  }
0x113: {  	v40 =	vld [tilespmem:$0x7140]  }
0x114: {  	v41 =	vld [tilespmem:s20+$0x2C0]  }
0x115: {  	v42 =	vld [tilespmem:$0x6AD0]  }
0x116: {  	v43 =	vld [tilespmem:$0x7150]  }
0x117: {  	v46 =	vld [tilespmem:$0x6AE0]  }
0x118: {  	v47 =	vld [tilespmem:$0x7160];
	vm11 =	veq.s32 v3, $0x0;
	vm12 =	veq.s32 v29, $0x0  }
0x119: {  	v49 =	vld [tilespmem:s20+$0x2E0];
	v44 =	vsel vm11, $0x0, v0;
	v45 =	vsel vm12, $0x0, v0  }
0x11a: {  	v50 =	vld [tilespmem:$0x6AF0];
	vm13 =	veq.s32 v32, $0x0;
	v6 =	vadd.f32 v45, v44  }
0x11b: {  	v52 =	vld [tilespmem:$0x7170];
	v48 =	vsel vm13, $0x0, v0  }
0x11c: {  	v53 =	vld [tilespmem:s20+$0x2F0];
	vm14 =	veq.s32 v35, $0x0;
	v6 =	vadd.f32 v48, v6  }
0x11d: {  	v3 =	vld [tilespmem:s20+$0x2D0];
	v1 =	vadd.f32 $0.0e+00, v1;
	v2 =	vadd.f32 $0.0e+00, v2;
	v51 =	vsel vm14, $0x0, v0  }
0x11e: {  	v55 =	vld [tilespmem:$0x6B00];
	vm15 =	veq.s32 v38, $0x0;
	v4 =	vadd.f32 $0.0e+00, v63;
	v6 =	vadd.f32 v51, v6  }
0x11f: {  	v56 =	vld [tilespmem:$0x7180];
	v5 =	vadd.f32 $0.0e+00, v28;
	v54 =	vsel vm15, $0x0, v0;
	v1 =	vadd.f32 v30, v1  }
0x120: {  	v58 =	vld [tilespmem:s20+$0x300];
	vm4 =	veq.s32 v41, $0x0;
	v2 =	vadd.f32 v31, v2;
	v6 =	vadd.f32 v54, v6  }
0x121: {  	v60 =	vld [tilespmem:$0x7190];
	v57 =	vsel vm4, $0x0, v0;
	v4 =	vadd.f32 v33, v4;
	v5 =	vadd.f32 v34, v5  }
0x122: {  	v61 =	vld [tilespmem:s20+$0x310];
	v1 =	vadd.f32 v36, v1;
	vm5 =	veq.s32 v3, $0x0;
	v6 =	vadd.f32 v57, v6  }
0x123: {  	v19 =	vld [tilespmem:$0x71A0];
	v2 =	vadd.f32 v37, v2;
	v4 =	vadd.f32 v39, v4;
	v59 =	vsel vm5, $0x0, v0  }
0x124: {  	v22 =	vld [tilespmem:s20+$0x320];
	vm6 =	veq.s32 v49, $0x0;
	v5 =	vadd.f32 v40, v5;
	v6 =	vadd.f32 v59, v6  }
0x125: {  	v62 =	vsel vm6, $0x0, v0;
	v3 =	vld [tilespmem:$0x6B10];
	v1 =	vadd.f32 v42, v1;
	v2 =	vadd.f32 v43, v2  }
0x126: {  	v63 =	vld [tilespmem:$0x6B20];
	vm7 =	veq.s32 v53, $0x0;
	v4 =	vadd.f32 v46, v4;
	v6 =	vadd.f32 v62, v6  }
0x127: {  	v23 =	vld [tilespmem:$0x6B30];
	v20 =	vsel vm7, $0x0, v0;
	v5 =	vadd.f32 v47, v5;
	v1 =	vadd.f32 v50, v1  }
0x128: {  	v26 =	vld [tilespmem:$0x71B0];
	vm8 =	veq.s32 v58, $0x0;
	v2 =	vadd.f32 v52, v2;
	v6 =	vadd.f32 v20, v6  }
0x129: {  	v27 =	vld [tilespmem:s20+$0x330];
	v25 =	vsel vm8, $0x0, v0;
	v4 =	vadd.f32 v55, v4;
	v5 =	vadd.f32 v56, v5  }
0x12a: {  	vm9 =	veq.s32 v61, $0x0;
	v1 =	vadd.f32 v3, v1;
	v6 =	vadd.f32 v25, v6  }
0x12b: {  	v3 =	vsel vm9, $0x0, v0;
	v2 =	vadd.f32 v60, v2;
	v4 =	vadd.f32 v63, v4  }
0x12c: {  	vm10 =	veq.s32 v22, $0x0;
	v1 =	vadd.f32 v23, v1;
	v3 =	vadd.f32 v3, v6  }
0x12d: {  	v28 =	vsel vm10, $0x0, v0;
	v5 =	vadd.f32 v19, v5;
	v2 =	vadd.f32 v26, v2  }
0x12e: {  	vm11 =	veq.s32 v27, $0x0;
	v1 =	vadd.f32 v1, v4;
	v3 =	vadd.f32 v28, v3  }
0x12f: {  	v29 =	vsel vm11, $0x0, v0;
	v2 =	vadd.f32 v2, v5  }
0x130: {  	[tilespmem:s15+$0xFFFFFFD0] =	vst v1;
	v3 =	vadd.f32 v29, v3  }
0x131: {  	[tilespmem:s15+$0xFFFFFFE0] =	vst v2  }
0x132: {  	s11 =	sadd.s32 @!p0 $0x820, s22;
	s14 =	simm.s32 @!p0 $0x69A0;
	[tilespmem:s15+$0xFFFFFFF0] =	vst v3  }
0x133: {  	[tilespmem:s14], [sflag:$0x2] =	stream.indirect.gather @!p0 [hbm4b:s3+s25], $0x1, s11, s25, $0xb8;
	[tilespmem:$0x8D00] =	vst v63  }
0x134: {  	s14 =	simm.s32 @!p0 $0x7020  }
0x135: {  	[tilespmem:s14], [sflag:$0x2] =	stream.indirect.gather @!p0 [hbm4b:s4+s25], $0x1, s11, s25, $0xb8;
	[tilespmem:$0x8D00] =	vst v63  }
0x136: {  	s11 =	sadd.s32 @!p0 $0x8A0, s22;
	s14 =	simm.s32 @!p0 $0x6A20  }
0x137: {  	[tilespmem:s14], [sflag:$0x2] =	stream.indirect.gather @!p0 [hbm4b:s3+s25], $0x1, s11, s25, $0xb8;
	[tilespmem:$0x8D00] =	vst v63  }
0x138: {  	s14 =	simm.s32 @!p0 $0x70A0  }
0x139: {  	[tilespmem:s14], [sflag:$0x2] =	stream.indirect.gather @!p0 [hbm4b:s4+s25], $0x1, s11, s25, $0xb8;
	[tilespmem:$0x8D00] =	vst v63  }
0x13a: {  	s11 =	sadd.s32 @!p0 $0x920, s22;
	s14 =	simm.s32 @!p0 $0x6AA0  }
0x13b: {  	[tilespmem:s14], [sflag:$0x2] =	stream.indirect.gather @!p0 [hbm4b:s3+s25], $0x1, s11, s25, $0xb8;
	[tilespmem:$0x8D00] =	vst v63  }
0x13c: {  	s14 =	simm.s32 @!p0 $0x7120  }
0x13d: {  	[tilespmem:s14], [sflag:$0x2] =	stream.indirect.gather @!p0 [hbm4b:s4+s25], $0x1, s11, s25, $0xb8;
	[tilespmem:$0x8D00] =	vst v63  }
0x13e: {  	s11 =	sadd.s32 @!p0 $0x9A0, s22;
	s14 =	simm.s32 @!p0 $0x6B20  }
0x13f: {  	[tilespmem:s14], [sflag:$0x2] =	stream.indirect.gather @!p0 [hbm4b:s3+s26], $0x1, s11, s26, $0xb8;
	[tilespmem:$0x8D00] =	vst v63  }
0x140: {  	s14 =	simm.s32 @!p0 $0x71A0  }
0x141: {  	[tilespmem:s14], [sflag:$0x2] =	stream.indirect.gather @!p0 [hbm4b:s4+s26], $0x1, s11, s26, $0xb8;
	[tilespmem:$0x8D00] =	vst v63  }
0x142: {  	_ =	swait.ge [sflag:s1], $0x1A0  }
0x143: {  	[sflag:s1] =	ssyncset.done $0x0  }
0x144: {  	[sflag:s1] =	ssyncadd.s32 $0xFFFFFE60  }
0x145: {  	_ =	swait.ge [sflag:s1], $0x1A0  }
0x146: {  	[sflag:s1] =	ssyncset.done $0x0  }
0x147: {  	[sflag:s1] =	ssyncadd.s32 $0xFFFFFE60  }
0x148: {  	v1 =	vld [tilespmem:$0x6B40]  }
0x149: {  	v2 =	vld [tilespmem:$0x71C0]  }
0x14a: {  	v3 =	vld [tilespmem:s20+$0x340]  }
0x14b: {  	v30 =	vld [tilespmem:$0x6B50]  }
0x14c: {  	v31 =	vld [tilespmem:$0x71D0]  }
0x14d: {  	v32 =	vld [tilespmem:s20+$0x350]  }
0x14e: {  	v33 =	vld [tilespmem:$0x6B60]  }
0x14f: {  	v34 =	vld [tilespmem:$0x71E0]  }
0x150: {  	v35 =	vld [tilespmem:s20+$0x360]  }
0x151: {  	v36 =	vld [tilespmem:$0x6B70]  }
0x152: {  	v37 =	vld [tilespmem:$0x71F0]  }
0x153: {  	v38 =	vld [tilespmem:s20+$0x370]  }
0x154: {  	v39 =	vld [tilespmem:$0x6B80]  }
0x155: {  	v40 =	vld [tilespmem:$0x7200]  }
0x156: {  	v41 =	vld [tilespmem:s20+$0x380]  }
0x157: {  	v42 =	vld [tilespmem:$0x6B90]  }
0x158: {  	v43 =	vld [tilespmem:$0x7210]  }
0x159: {  	v44 =	vld [tilespmem:s20+$0x390]  }
0x15a: {  	v45 =	vld [tilespmem:$0x6BA0]  }
0x15b: {  	v46 =	vld [tilespmem:$0x7220]  }
0x15c: {  	v49 =	vld [tilespmem:$0x6BB0]  }
0x15d: {  	v50 =	vld [tilespmem:$0x7230];
	vm12 =	veq.s32 v3, $0x0;
	vm13 =	veq.s32 v32, $0x0  }
0x15e: {  	v52 =	vld [tilespmem:s20+$0x3B0];
	v47 =	vsel vm12, $0x0, v0;
	v48 =	vsel vm13, $0x0, v0  }
0x15f: {  	v53 =	vld [tilespmem:$0x6BC0];
	vm14 =	veq.s32 v35, $0x0;
	v6 =	vadd.f32 v48, v47  }
0x160: {  	v55 =	vld [tilespmem:$0x7240];
	v51 =	vsel vm14, $0x0, v0  }
0x161: {  	v56 =	vld [tilespmem:s20+$0x3C0];
	vm15 =	veq.s32 v38, $0x0;
	v6 =	vadd.f32 v51, v6  }
0x162: {  	v3 =	vld [tilespmem:s20+$0x3A0];
	v1 =	vadd.f32 $0.0e+00, v1;
	v2 =	vadd.f32 $0.0e+00, v2;
	v54 =	vsel vm15, $0x0, v0  }
0x163: {  	v58 =	vld [tilespmem:$0x6BD0];
	vm4 =	veq.s32 v41, $0x0;
	v4 =	vadd.f32 $0.0e+00, v30;
	v6 =	vadd.f32 v54, v6  }
0x164: {  	v59 =	vld [tilespmem:$0x7250];
	v5 =	vadd.f32 $0.0e+00, v31;
	v57 =	vsel vm4, $0x0, v0;
	v1 =	vadd.f32 v33, v1  }
0x165: {  	v61 =	vld [tilespmem:s20+$0x3D0];
	vm5 =	veq.s32 v44, $0x0;
	v2 =	vadd.f32 v34, v2;
	v6 =	vadd.f32 v57, v6  }
0x166: {  	v63 =	vld [tilespmem:$0x7260];
	v60 =	vsel vm5, $0x0, v0;
	v4 =	vadd.f32 v36, v4;
	v5 =	vadd.f32 v37, v5  }
0x167: {  	v25 =	vld [tilespmem:s20+$0x3E0];
	v1 =	vadd.f32 v39, v1;
	vm6 =	veq.s32 v3, $0x0;
	v6 =	vadd.f32 v60, v6  }
0x168: {  	v27 =	vld [tilespmem:$0x6BF0];
	v2 =	vadd.f32 v40, v2;
	v4 =	vadd.f32 v42, v4;
	v62 =	vsel vm6, $0x0, v0  }
0x169: {  	v28 =	vld [tilespmem:$0x7270];
	vm7 =	veq.s32 v52, $0x0;
	v5 =	vadd.f32 v43, v5;
	v6 =	vadd.f32 v62, v6  }
0x16a: {  	v26 =	vsel vm7, $0x0, v0;
	v3 =	vld [tilespmem:$0x6BE0];
	v1 =	vadd.f32 v45, v1;
	v2 =	vadd.f32 v46, v2  }
0x16b: {  	vm8 =	veq.s32 v56, $0x0;
	v30 =	vld [tilespmem:s20+$0x3F0];
	v4 =	vadd.f32 v49, v4;
	v6 =	vadd.f32 v26, v6  }
0x16c: {  	v31 =	vld [tilespmem:$0x6C00];
	v29 =	vsel vm8, $0x0, v0;
	v5 =	vadd.f32 v50, v5;
	v1 =	vadd.f32 v53, v1  }
0x16d: {  	vm9 =	veq.s32 v61, $0x0;
	v33 =	vld [tilespmem:$0x7280];
	v2 =	vadd.f32 v55, v2;
	v6 =	vadd.f32 v29, v6  }
0x16e: {  	v32 =	vsel vm9, $0x0, v0;
	v34 =	vld [tilespmem:s20+$0x400];
	v4 =	vadd.f32 v58, v4;
	v5 =	vadd.f32 v59, v5  }
0x16f: {  	vm10 =	veq.s32 v25, $0x0;
	v1 =	vadd.f32 v3, v1;
	v6 =	vadd.f32 v32, v6  }
0x170: {  	v3 =	vsel vm10, $0x0, v0;
	v2 =	vadd.f32 v63, v2;
	v4 =	vadd.f32 v27, v4  }
0x171: {  	vm11 =	veq.s32 v30, $0x0;
	v1 =	vadd.f32 v31, v1;
	v3 =	vadd.f32 v3, v6  }
0x172: {  	v35 =	vsel vm11, $0x0, v0;
	v5 =	vadd.f32 v28, v5;
	v2 =	vadd.f32 v33, v2  }
0x173: {  	vm12 =	veq.s32 v34, $0x0;
	v1 =	vadd.f32 v1, v4;
	v3 =	vadd.f32 v35, v3  }
0x174: {  	v36 =	vsel vm12, $0x0, v0;
	v2 =	vadd.f32 v2, v5  }
0x175: {  	[tilespmem:s15+$0x0] =	vst v1;
	v3 =	vadd.f32 v36, v3  }
0x176: {  	[tilespmem:s15+$0x10] =	vst v2  }
0x177: {  	[tilespmem:s15+$0x20] =	vst v3  }
0x178: {  	v1 =	vld [tilespmem:$0x6C10]  }
0x179: {  	v2 =	vld [tilespmem:$0x7290]  }
0x17a: {  	v3 =	vld [tilespmem:s20+$0x410]  }
0x17b: {  	v37 =	vld [tilespmem:$0x6C20]  }
0x17c: {  	v38 =	vld [tilespmem:$0x72A0]  }
0x17d: {  	v39 =	vld [tilespmem:s20+$0x420]  }
0x17e: {  	v40 =	vld [tilespmem:$0x6C30]  }
0x17f: {  	v41 =	vld [tilespmem:$0x72B0]  }
0x180: {  	v42 =	vld [tilespmem:s20+$0x430]  }
0x181: {  	v43 =	vld [tilespmem:$0x6C40]  }
0x182: {  	v44 =	vld [tilespmem:$0x72C0]  }
0x183: {  	v45 =	vld [tilespmem:s20+$0x440]  }
0x184: {  	v46 =	vld [tilespmem:$0x6C50]  }
0x185: {  	v47 =	vld [tilespmem:$0x72D0]  }
0x186: {  	v48 =	vld [tilespmem:s20+$0x450]  }
0x187: {  	v49 =	vld [tilespmem:$0x6C60]  }
0x188: {  	v50 =	vld [tilespmem:$0x72E0]  }
0x189: {  	v51 =	vld [tilespmem:s20+$0x460]  }
0x18a: {  	v52 =	vld [tilespmem:$0x6C70]  }
0x18b: {  	v53 =	vld [tilespmem:$0x72F0]  }
0x18c: {  	v56 =	vld [tilespmem:$0x6C80]  }
0x18d: {  	v57 =	vld [tilespmem:$0x7300];
	vm13 =	veq.s32 v3, $0x0;
	vm14 =	veq.s32 v39, $0x0  }
0x18e: {  	v59 =	vld [tilespmem:s20+$0x480];
	v54 =	vsel vm13, $0x0, v0;
	v55 =	vsel vm14, $0x0, v0  }
0x18f: {  	v60 =	vld [tilespmem:$0x6C90];
	vm15 =	veq.s32 v42, $0x0;
	v6 =	vadd.f32 v55, v54  }
0x190: {  	v62 =	vld [tilespmem:$0x7310];
	v58 =	vsel vm15, $0x0, v0  }
0x191: {  	v63 =	vld [tilespmem:s20+$0x490];
	vm4 =	veq.s32 v45, $0x0;
	v6 =	vadd.f32 v58, v6  }
0x192: {  	v3 =	vld [tilespmem:s20+$0x470];
	v1 =	vadd.f32 $0.0e+00, v1;
	v2 =	vadd.f32 $0.0e+00, v2;
	v61 =	vsel vm4, $0x0, v0  }
0x193: {  	v26 =	vld [tilespmem:$0x6CA0];
	vm5 =	veq.s32 v48, $0x0;
	v4 =	vadd.f32 $0.0e+00, v37;
	v6 =	vadd.f32 v61, v6  }
0x194: {  	v27 =	vld [tilespmem:$0x7320];
	v5 =	vadd.f32 $0.0e+00, v38;
	v25 =	vsel vm5, $0x0, v0;
	v1 =	vadd.f32 v40, v1  }
0x195: {  	v29 =	vld [tilespmem:s20+$0x4A0];
	vm6 =	veq.s32 v51, $0x0;
	v2 =	vadd.f32 v41, v2;
	v6 =	vadd.f32 v25, v6  }
0x196: {  	v31 =	vld [tilespmem:$0x7330];
	v28 =	vsel vm6, $0x0, v0;
	v4 =	vadd.f32 v43, v4;
	v5 =	vadd.f32 v44, v5  }
0x197: {  	v32 =	vld [tilespmem:s20+$0x4B0];
	v1 =	vadd.f32 v46, v1;
	vm7 =	veq.s32 v3, $0x0;
	v6 =	vadd.f32 v28, v6  }
0x198: {  	v34 =	vld [tilespmem:$0x6CC0];
	v2 =	vadd.f32 v47, v2;
	v4 =	vadd.f32 v49, v4;
	v30 =	vsel vm7, $0x0, v0  }
0x199: {  	v35 =	vld [tilespmem:$0x7340];
	vm8 =	veq.s32 v59, $0x0;
	v5 =	vadd.f32 v50, v5;
	v6 =	vadd.f32 v30, v6  }
0x19a: {  	v33 =	vsel vm8, $0x0, v0;
	v3 =	vld [tilespmem:$0x6CB0];
	v1 =	vadd.f32 v52, v1;
	v2 =	vadd.f32 v53, v2  }
0x19b: {  	vm9 =	veq.s32 v63, $0x0;
	v37 =	vld [tilespmem:s20+$0x4C0];
	v4 =	vadd.f32 v56, v4;
	v6 =	vadd.f32 v33, v6  }
0x19c: {  	v38 =	vld [tilespmem:$0x6CD0];
	v36 =	vsel vm9, $0x0, v0;
	v5 =	vadd.f32 v57, v5;
	v1 =	vadd.f32 v60, v1  }
0x19d: {  	vm10 =	veq.s32 v29, $0x0;
	v40 =	vld [tilespmem:$0x7350];
	v2 =	vadd.f32 v62, v2;
	v6 =	vadd.f32 v36, v6  }
0x19e: {  	v39 =	vsel vm10, $0x0, v0;
	v41 =	vld [tilespmem:s20+$0x4D0];
	v4 =	vadd.f32 v26, v4;
	v5 =	vadd.f32 v27, v5  }
0x19f: {  	vm11 =	veq.s32 v32, $0x0;
	v1 =	vadd.f32 v3, v1;
	v6 =	vadd.f32 v39, v6  }
0x1a0: {  	v3 =	vsel vm11, $0x0, v0;
	v2 =	vadd.f32 v31, v2;
	v4 =	vadd.f32 v34, v4  }
0x1a1: {  	vm12 =	veq.s32 v37, $0x0;
	v1 =	vadd.f32 v38, v1;
	v3 =	vadd.f32 v3, v6  }
0x1a2: {  	v42 =	vsel vm12, $0x0, v0;
	v5 =	vadd.f32 v35, v5;
	v2 =	vadd.f32 v40, v2  }
0x1a3: {  	vm13 =	veq.s32 v41, $0x0;
	v1 =	vadd.f32 v1, v4;
	v3 =	vadd.f32 v42, v3  }
0x1a4: {  	v43 =	vsel vm13, $0x0, v0;
	v2 =	vadd.f32 v2, v5  }
0x1a5: {  	[tilespmem:s15+$0x30] =	vst v1;
	v3 =	vadd.f32 v43, v3  }
0x1a6: {  	[tilespmem:s15+$0x40] =	vst v2  }
0x1a7: {  	s11 =	sadd.s32 @!p0 $0x9C0, s22;
	s14 =	simm.s32 @!p0 $0x6B40;
	[tilespmem:s15+$0x50] =	vst v3  }
0x1a8: {  	[tilespmem:s14], [sflag:$0x3] =	stream.indirect.gather @!p0 [hbm4b:s3+s25], $0x1, s11, s25, $0xb8;
	[tilespmem:$0x8D00] =	vst v63  }
0x1a9: {  	s14 =	simm.s32 @!p0 $0x71C0  }
0x1aa: {  	[tilespmem:s14], [sflag:$0x3] =	stream.indirect.gather @!p0 [hbm4b:s4+s25], $0x1, s11, s25, $0xb8;
	[tilespmem:$0x8D00] =	vst v63  }
0x1ab: {  	s11 =	sadd.s32 @!p0 $0xA40, s22;
	s14 =	simm.s32 @!p0 $0x6BC0  }
0x1ac: {  	[tilespmem:s14], [sflag:$0x3] =	stream.indirect.gather @!p0 [hbm4b:s3+s25], $0x1, s11, s25, $0xb8;
	[tilespmem:$0x8D00] =	vst v63  }
0x1ad: {  	s14 =	simm.s32 @!p0 $0x7240  }
0x1ae: {  	[tilespmem:s14], [sflag:$0x3] =	stream.indirect.gather @!p0 [hbm4b:s4+s25], $0x1, s11, s25, $0xb8;
	[tilespmem:$0x8D00] =	vst v63  }
0x1af: {  	s11 =	sadd.s32 @!p0 $0xAC0, s22;
	s14 =	simm.s32 @!p0 $0x6C40  }
0x1b0: {  	[tilespmem:s14], [sflag:$0x3] =	stream.indirect.gather @!p0 [hbm4b:s3+s25], $0x1, s11, s25, $0xb8;
	[tilespmem:$0x8D00] =	vst v63  }
0x1b1: {  	s14 =	simm.s32 @!p0 $0x72C0  }
0x1b2: {  	[tilespmem:s14], [sflag:$0x3] =	stream.indirect.gather @!p0 [hbm4b:s4+s25], $0x1, s11, s25, $0xb8;
	[tilespmem:$0x8D00] =	vst v63  }
0x1b3: {  	s11 =	sadd.s32 @!p0 $0xB40, s22;
	s14 =	simm.s32 @!p0 $0x6CC0  }
0x1b4: {  	[tilespmem:s14], [sflag:$0x3] =	stream.indirect.gather @!p0 [hbm4b:s3+s26], $0x1, s11, s26, $0xb8;
	[tilespmem:$0x8D00] =	vst v63  }
0x1b5: {  	s14 =	simm.s32 @!p0 $0x7340  }
0x1b6: {  	[tilespmem:s14], [sflag:$0x3] =	stream.indirect.gather @!p0 [hbm4b:s4+s26], $0x1, s11, s26, $0xb8;
	[tilespmem:$0x8D00] =	vst v63  }
0x1b7: {  	_ =	swait.ge [sflag:s0], $0x1A0  }
0x1b8: {  	[sflag:s0] =	ssyncset.done $0x0  }
0x1b9: {  	[sflag:s0] =	ssyncadd.s32 $0xFFFFFE60  }
0x1ba: {  	_ =	swait.ge [sflag:s0], $0x1A0  }
0x1bb: {  	[sflag:s0] =	ssyncset.done $0x0  }
0x1bc: {  	[sflag:s0] =	ssyncadd.s32 $0xFFFFFE60  }
0x1bd: {  	v1 =	vld [tilespmem:$0x6CE0]  }
0x1be: {  	v2 =	vld [tilespmem:$0x7360]  }
0x1bf: {  	v3 =	vld [tilespmem:s20+$0x4E0]  }
0x1c0: {  	v44 =	vld [tilespmem:$0x6CF0]  }
0x1c1: {  	v45 =	vld [tilespmem:$0x7370]  }
0x1c2: {  	v46 =	vld [tilespmem:s20+$0x4F0]  }
0x1c3: {  	v47 =	vld [tilespmem:$0x6D00]  }
0x1c4: {  	v48 =	vld [tilespmem:$0x7380]  }
0x1c5: {  	v49 =	vld [tilespmem:s20+$0x500]  }
0x1c6: {  	v50 =	vld [tilespmem:$0x6D10]  }
0x1c7: {  	v51 =	vld [tilespmem:$0x7390]  }
0x1c8: {  	v52 =	vld [tilespmem:s20+$0x510]  }
0x1c9: {  	v53 =	vld [tilespmem:$0x6D20]  }
0x1ca: {  	v54 =	vld [tilespmem:$0x73A0]  }
0x1cb: {  	v55 =	vld [tilespmem:s20+$0x520]  }
0x1cc: {  	v56 =	vld [tilespmem:$0x6D30]  }
0x1cd: {  	v57 =	vld [tilespmem:$0x73B0]  }
0x1ce: {  	v58 =	vld [tilespmem:s20+$0x530]  }
0x1cf: {  	v59 =	vld [tilespmem:$0x6D40]  }
0x1d0: {  	v60 =	vld [tilespmem:$0x73C0]  }
0x1d1: {  	v63 =	vld [tilespmem:$0x6D50]  }
0x1d2: {  	v28 =	vld [tilespmem:$0x73D0];
	vm14 =	veq.s32 v3, $0x0;
	vm15 =	veq.s32 v46, $0x0  }
0x1d3: {  	v30 =	vld [tilespmem:s20+$0x550];
	v61 =	vsel vm14, $0x0, v0;
	v62 =	vsel vm15, $0x0, v0  }
0x1d4: {  	v31 =	vld [tilespmem:$0x6D60];
	vm4 =	veq.s32 v49, $0x0;
	v6 =	vadd.f32 v62, v61  }
0x1d5: {  	v33 =	vld [tilespmem:$0x73E0];
	v29 =	vsel vm4, $0x0, v0  }
0x1d6: {  	v34 =	vld [tilespmem:s20+$0x560];
	vm5 =	veq.s32 v52, $0x0;
	v6 =	vadd.f32 v29, v6  }
0x1d7: {  	v3 =	vld [tilespmem:s20+$0x540];
	v1 =	vadd.f32 $0.0e+00, v1;
	v2 =	vadd.f32 $0.0e+00, v2;
	v32 =	vsel vm5, $0x0, v0  }
0x1d8: {  	v36 =	vld [tilespmem:$0x6D70];
	vm6 =	veq.s32 v55, $0x0;
	v4 =	vadd.f32 $0.0e+00, v44;
	v6 =	vadd.f32 v32, v6  }
0x1d9: {  	v37 =	vld [tilespmem:$0x73F0];
	v5 =	vadd.f32 $0.0e+00, v45;
	v35 =	vsel vm6, $0x0, v0;
	v1 =	vadd.f32 v47, v1  }
0x1da: {  	v39 =	vld [tilespmem:s20+$0x570];
	vm7 =	veq.s32 v58, $0x0;
	v2 =	vadd.f32 v48, v2;
	v6 =	vadd.f32 v35, v6  }
0x1db: {  	v41 =	vld [tilespmem:$0x7400];
	v38 =	vsel vm7, $0x0, v0;
	v4 =	vadd.f32 v50, v4;
	v5 =	vadd.f32 v51, v5  }
0x1dc: {  	v42 =	vld [tilespmem:s20+$0x580];
	v1 =	vadd.f32 v53, v1;
	vm8 =	veq.s32 v3, $0x0;
	v6 =	vadd.f32 v38, v6  }
0x1dd: {  	v44 =	vld [tilespmem:$0x6D90];
	v2 =	vadd.f32 v54, v2;
	v4 =	vadd.f32 v56, v4;
	v40 =	vsel vm8, $0x0, v0  }
0x1de: {  	vm9 =	veq.s32 v30, $0x0;
	v45 =	vld [tilespmem:$0x7410];
	v5 =	vadd.f32 v57, v5;
	v6 =	vadd.f32 v40, v6  }
0x1df: {  	v43 =	vsel vm9, $0x0, v0;
	v3 =	vld [tilespmem:$0x6D80];
	v1 =	vadd.f32 v59, v1;
	v2 =	vadd.f32 v60, v2  }
0x1e0: {  	vm10 =	veq.s32 v34, $0x0;
	v47 =	vld [tilespmem:s20+$0x590];
	v4 =	vadd.f32 v63, v4;
	v6 =	vadd.f32 v43, v6  }
0x1e1: {  	v46 =	vsel vm10, $0x0, v0;
	v48 =	vld [tilespmem:$0x6DA0];
	v5 =	vadd.f32 v28, v5;
	v1 =	vadd.f32 v31, v1  }
0x1e2: {  	vm11 =	veq.s32 v39, $0x0;
	v50 =	vld [tilespmem:$0x7420];
	v2 =	vadd.f32 v33, v2;
	v6 =	vadd.f32 v46, v6  }
0x1e3: {  	v49 =	vsel vm11, $0x0, v0;
	v51 =	vld [tilespmem:s20+$0x5A0];
	v4 =	vadd.f32 v36, v4;
	v5 =	vadd.f32 v37, v5  }
0x1e4: {  	vm12 =	veq.s32 v42, $0x0;
	v1 =	vadd.f32 v3, v1;
	v6 =	vadd.f32 v49, v6  }
0x1e5: {  	v3 =	vsel vm12, $0x0, v0;
	v2 =	vadd.f32 v41, v2;
	v4 =	vadd.f32 v44, v4  }
0x1e6: {  	vm13 =	veq.s32 v47, $0x0;
	v1 =	vadd.f32 v48, v1;
	v3 =	vadd.f32 v3, v6  }
0x1e7: {  	v52 =	vsel vm13, $0x0, v0;
	v5 =	vadd.f32 v45, v5;
	v2 =	vadd.f32 v50, v2  }
0x1e8: {  	vm14 =	veq.s32 v51, $0x0;
	v1 =	vadd.f32 v1, v4;
	v3 =	vadd.f32 v52, v3  }
0x1e9: {  	v53 =	vsel vm14, $0x0, v0;
	v2 =	vadd.f32 v2, v5  }
0x1ea: {  	[tilespmem:s15+$0x60] =	vst v1;
	v3 =	vadd.f32 v53, v3  }
0x1eb: {  	[tilespmem:s15+$0x70] =	vst v2  }
0x1ec: {  	[tilespmem:s15+$0x80] =	vst v3  }
0x1ed: {  	v1 =	vld [tilespmem:$0x6DB0]  }
0x1ee: {  	v2 =	vld [tilespmem:$0x7430]  }
0x1ef: {  	v3 =	vld [tilespmem:s20+$0x5B0]  }
0x1f0: {  	v54 =	vld [tilespmem:$0x6DC0]  }
0x1f1: {  	v55 =	vld [tilespmem:$0x7440]  }
0x1f2: {  	v56 =	vld [tilespmem:s20+$0x5C0]  }
0x1f3: {  	v57 =	vld [tilespmem:$0x6DD0]  }
0x1f4: {  	v58 =	vld [tilespmem:$0x7450]  }
0x1f5: {  	v59 =	vld [tilespmem:s20+$0x5D0]  }
0x1f6: {  	v60 =	vld [tilespmem:$0x6DE0]  }
0x1f7: {  	v61 =	vld [tilespmem:$0x7460]  }
0x1f8: {  	v62 =	vld [tilespmem:s20+$0x5E0]  }
0x1f9: {  	v63 =	vld [tilespmem:$0x6DF0]  }
0x1fa: {  	v28 =	vld [tilespmem:$0x7470]  }
0x1fb: {  	v29 =	vld [tilespmem:s20+$0x5F0]  }
0x1fc: {  	v30 =	vld [tilespmem:$0x6E00]  }
0x1fd: {  	v31 =	vld [tilespmem:$0x7480]  }
0x1fe: {  	v32 =	vld [tilespmem:s20+$0x600]  }
0x1ff: {  	v33 =	vld [tilespmem:$0x6E10]  }
0x200: {  	v34 =	vld [tilespmem:$0x7490]  }
0x201: {  	v37 =	vld [tilespmem:$0x6E20]  }
0x202: {  	v38 =	vld [tilespmem:$0x74A0];
	vm15 =	veq.s32 v3, $0x0;
	vm4 =	veq.s32 v56, $0x0  }
0x203: {  	v40 =	vld [tilespmem:s20+$0x620];
	v35 =	vsel vm15, $0x0, v0;
	v36 =	vsel vm4, $0x0, v0  }
0x204: {  	v41 =	vld [tilespmem:$0x6E30];
	vm5 =	veq.s32 v59, $0x0;
	v6 =	vadd.f32 v36, v35  }
0x205: {  	v43 =	vld [tilespmem:$0x74B0];
	v39 =	vsel vm5, $0x0, v0  }
0x206: {  	v44 =	vld [tilespmem:s20+$0x630];
	vm6 =	veq.s32 v62, $0x0;
	v6 =	vadd.f32 v39, v6  }
0x207: {  	v3 =	vld [tilespmem:s20+$0x610];
	v1 =	vadd.f32 $0.0e+00, v1;
	v2 =	vadd.f32 $0.0e+00, v2;
	v42 =	vsel vm6, $0x0, v0  }
0x208: {  	v46 =	vld [tilespmem:$0x6E40];
	vm7 =	veq.s32 v29, $0x0;
	v4 =	vadd.f32 $0.0e+00, v54;
	v6 =	vadd.f32 v42, v6  }
0x209: {  	v47 =	vld [tilespmem:$0x74C0];
	v5 =	vadd.f32 $0.0e+00, v55;
	v45 =	vsel vm7, $0x0, v0;
	v1 =	vadd.f32 v57, v1  }
0x20a: {  	v49 =	vld [tilespmem:s20+$0x640];
	vm8 =	veq.s32 v32, $0x0;
	v2 =	vadd.f32 v58, v2;
	v6 =	vadd.f32 v45, v6  }
0x20b: {  	v51 =	vld [tilespmem:$0x74D0];
	v48 =	vsel vm8, $0x0, v0;
	v4 =	vadd.f32 v60, v4;
	v5 =	vadd.f32 v61, v5  }
0x20c: {  	v52 =	vld [tilespmem:s20+$0x650];
	v1 =	vadd.f32 v63, v1;
	vm9 =	veq.s32 v3, $0x0;
	v6 =	vadd.f32 v48, v6  }
0x20d: {  	v54 =	vld [tilespmem:$0x6E60];
	v2 =	vadd.f32 v28, v2;
	v4 =	vadd.f32 v30, v4;
	v50 =	vsel vm9, $0x0, v0  }
0x20e: {  	vm10 =	veq.s32 v40, $0x0;
	v55 =	vld [tilespmem:$0x74E0];
	v5 =	vadd.f32 v31, v5;
	v6 =	vadd.f32 v50, v6  }
0x20f: {  	v53 =	vsel vm10, $0x0, v0;
	v3 =	vld [tilespmem:$0x6E50];
	v1 =	vadd.f32 v33, v1;
	v2 =	vadd.f32 v34, v2  }
0x210: {  	vm11 =	veq.s32 v44, $0x0;
	v57 =	vld [tilespmem:s20+$0x660];
	v4 =	vadd.f32 v37, v4;
	v6 =	vadd.f32 v53, v6  }
0x211: {  	v56 =	vsel vm11, $0x0, v0;
	v58 =	vld [tilespmem:$0x6E70];
	v5 =	vadd.f32 v38, v5;
	v1 =	vadd.f32 v41, v1  }
0x212: {  	vm12 =	veq.s32 v49, $0x0;
	v60 =	vld [tilespmem:$0x74F0];
	v2 =	vadd.f32 v43, v2;
	v6 =	vadd.f32 v56, v6  }
0x213: {  	v59 =	vsel vm12, $0x0, v0;
	v61 =	vld [tilespmem:s20+$0x670];
	v4 =	vadd.f32 v46, v4;
	v5 =	vadd.f32 v47, v5  }
0x214: {  	vm13 =	veq.s32 v52, $0x0;
	v1 =	vadd.f32 v3, v1;
	v6 =	vadd.f32 v59, v6  }
0x215: {  	v3 =	vsel vm13, $0x0, v0;
	v2 =	vadd.f32 v51, v2;
	v4 =	vadd.f32 v54, v4  }
0x216: {  	s16 =	sadd.s32 $0x1A00, s16;
	vm14 =	veq.s32 v57, $0x0;
	v1 =	vadd.f32 v58, v1;
	v3 =	vadd.f32 v3, v6  }
0x217: {  	p0 =	sne.s32 s16, $0x1A000;
	v62 =	vsel vm14, $0x0, v0;
	v5 =	vadd.f32 v55, v5;
	v2 =	vadd.f32 v60, v2  }
.Ltmp0:
0x218: {  	vm15 =	veq.s32 v61, $0x0;
	v1 =	vadd.f32 v1, v4;
	v3 =	vadd.f32 v62, v3;
	(pc) =	sbr.rel @p0 .LBB2_2-.Ltmp0, $4  }
0x219: {  	v63 =	vsel vm15, $0x0, v0;
	v2 =	vadd.f32 v2, v5  }
0x21a: {  	[tilespmem:s15+$0x90] =	vst v1;
	v3 =	vadd.f32 v63, v3  }
0x21b: {  	[tilespmem:s15+$0xA0] =	vst v2  }
0x21c: {  	[tilespmem:s15+$0xB0] =	vst v3;
	s15 =	sadd.s32 $0x180, s15  }
0x21d: {  	s12 =	sadd.s32 $0x1, s12  }
0x21e: {  	p0 =	sne.s32 s12, s7  }
.Ltmp1:
0x21f: {  	s11 =	simm.s32 $0x7500;
	(pc) =	sbr.rel @p0 .LBB2_1-.Ltmp1, $4  }
0x220: {  	[hbm4b:s6+s2] =	stream.linear.scatter [tilespmem:s11], [sflag:$0x5], $0x1800, $0x38;
	[tilespmem:$0x8D00] =	vst v63  }
0x221: {  	_ =	swait.ge [sflag:s8], $0x1800  }
0x222: {  	[sflag:s8] =	ssyncset.done $0x0  }
0x223: {  	[sflag:s8] =	ssyncadd.s32 $0xFFFFE800  }
0x224: {  	_ =	sfence.sel $0x180000  }
0x225: {  	[bflag:$0x0] =	sbarrier.arrive $0xFFFF  }
0x226: {  	_ =	strace $0x90000047  }
0x227: {  	s0 =	stileid.u32;
	[bflag:$0x2] =	sbarrier.arrive $0xFFFF  }
0x228: {  	p0 =	sne.s32 s0, $0x0;
	s0 =	rddreg [dreg:$0x1]  }
0x229: {  	s0 =	sadd.s32 @!p0 $0x100000, s0  }
0x22a: {  	[sflag:s0] =	ssyncadd.tile.s32 @!p0 $0x1;
	_ =	shalt  }
.Lfunc_end2:
_tile_overlayer_lowered:
.L_overlay_start_2:
0x22b: {  	(tag) =	ssettag $0x2  }
0x22c: {  	s0 =	rddreg [dreg:$0x0];
	s2 =	stileid.u32  }
0x22d: {  	s1 =	rddreg [dreg:$0x1];
	p0 =	sne.s32 s2, $0x0  }
0x22e: {  	s3 =	rddreg [dreg:$0x2];
	[bflag:$0x3] =	sbarrier.arrive $0xFFFF;
	s2 =	simm.s32 @!p0 $0x1C05  }
0x22f: {  	[timem:s3], [sflag:s2] =	dma.local @!p0 [hbm:s0], s1  }
0x230: {  	s0 =	simm.s32 @!p0 $0x5  }
0x231: {  	_ =	swait.ge @!p0 [sflag:s0], s1  }
0x232: {  	s1 =	ssub.s32 @!p0 $0x0, s1;
	[sflag:s0] =	ssyncset.done @!p0 $0x0  }
0x233: {  	[sflag:s0] =	ssyncadd.s32 @!p0 s1  }
0x234: {  	[bflag:$0x3] =	sbarrier.arrive $0xFFFF  }
0x235: {  	_ =	shalt  }

</sc_bundles>
